<compile_context>
chip_gen: v7x
topology: tpu7x:2x2x1
jax: 0.10.2.dev20260603
libtpu: 0.0.44.dev20260713+nightly
codegen_flags: <defaults>
</compile_context>

<pallas_src>
import jax
import jax.numpy as jnp
from jax import lax
from jax.experimental import pallas as pl
from jax.experimental.pallas import tpu as pltpu
from jax.experimental.pallas import tpu_sc as plsc

_N = 10000
_E = 320000
_D = 128
_H = 8
_C = 16

_NC = 2
_NS = 16
_NW = _NC * _NS
_EPT = _E // _NW
_B = 40
_NBLK = _EPT // _B
_NP = 10240
_RPT = _NP // _NS


def _proj_body(x_ref, wl_ref, bl_ref, wr_ref, br_ref, xl_ref, xr_ref):
    x = x_ref[...]
    dn = (((1,), (1,)), ((), ()))
    xl_ref[...] = lax.dot_general(x, wl_ref[...], dn,
                                  preferred_element_type=jnp.float32) + bl_ref[...]
    xr_ref[...] = lax.dot_general(x, wr_ref[...], dn,
                                  preferred_element_type=jnp.float32) + br_ref[...]


def _project(x, wl, bl, wr, br):
    bn = 1000
    grid = _N // bn
    return pl.pallas_call(
        _proj_body,
        grid=(grid,),
        in_specs=[
            pl.BlockSpec((bn, _D), lambda i: (i, 0)),
            pl.BlockSpec((_D, _D), lambda i: (0, 0)),
            pl.BlockSpec((1, _D), lambda i: (0, 0)),
            pl.BlockSpec((_D, _D), lambda i: (0, 0)),
            pl.BlockSpec((1, _D), lambda i: (0, 0)),
        ],
        out_specs=[
            pl.BlockSpec((bn, _D), lambda i: (i, 0)),
            pl.BlockSpec((bn, _D), lambda i: (i, 0)),
        ],
        out_shape=[
            jax.ShapeDtypeStruct((_N, _D), jnp.float32),
            jax.ShapeDtypeStruct((_N, _D), jnp.float32),
        ],
    )(x, wl, bl, wr, br)


def _sc_edge_body(xl_hbm, xr_hbm, ei_hbm, attb_hbm, zacc_hbm, zden_hbm,
                  acc_out, den_out,
                  src_i, dst_i, dst_s, xl_r, xr_r, msg_v, den_v, att_v,
                  acc_sh, den_sh, s_idx, s_gat, s_sct, s_dst):
    cid = lax.axis_index("c")
    sid = lax.axis_index("s")
    wid = sid * _NC + cid
    tbase = wid * _EPT

    lane = lax.iota(jnp.int32, 16)
    last = jnp.full((16,), 15, jnp.int32)
    att_rows = [None] * _H

    def start_idx(p, blk):
        base = tbase + blk * _B
        pltpu.make_async_copy(ei_hbm.at[pl.ds(base, _B)], src_i[p], s_idx[p]).start()
        pltpu.make_async_copy(ei_hbm.at[pl.ds(_E + base, _B)], dst_i[p], s_idx[p]).start()

    def wait_idx(p):
        pltpu.make_async_copy(ei_hbm.at[pl.ds(0, _B)], src_i[p], s_idx[p]).wait()
        pltpu.make_async_copy(ei_hbm.at[pl.ds(0, _B)], dst_i[p], s_idx[p]).wait()

    def start_gather(p):
        pltpu.make_async_copy(xl_hbm.at[src_i[p]], xl_r[p], s_gat[p]).start()
        pltpu.make_async_copy(xr_hbm.at[dst_i[p]], xr_r[p], s_gat[p]).start()

    def wait_gather(p):
        pltpu.make_async_copy(xl_hbm.at[src_i[p]], xl_r[p], s_gat[p]).wait()
        pltpu.make_async_copy(xr_hbm.at[dst_i[p]], xr_r[p], s_gat[p]).wait()

    def start_dsts(p, blk):
        base = _E + tbase + blk * _B
        pltpu.make_async_copy(ei_hbm.at[pl.ds(base, _B)], dst_s[p], s_dst[p]).start()

    def wait_dsts(p):
        pltpu.make_async_copy(ei_hbm.at[pl.ds(0, _B)], dst_s[p], s_dst[p]).wait()

    def start_scatter(p):
        pltpu.async_copy(msg_v[p], acc_sh.at[dst_s[p]], s_sct[p], add=True)
        pltpu.async_copy(den_v[p], den_sh.at[dst_s[p]], s_sct[p], add=True)

    def wait_scatter(p):
        pltpu.make_async_copy(msg_v[p], acc_sh.at[pl.ds(0, _B)], s_sct[p]).wait()
        pltpu.make_async_copy(den_v[p], den_sh.at[pl.ds(0, _B)], s_sct[p]).wait()

    def compute(p):
        xl_b, xr_b, msg_b, den_b = xl_r[p], xr_r[p], msg_v[p], den_v[p]

        @plsc.parallel_loop(0, _B, 1, unroll=2)
        def edge_body(i):
            ws = []
            avs = []
            den_row = jnp.zeros((16,), jnp.float32)
            for h in range(_H):
                a = xl_b[i, pl.ds(h * _C, _C)]
                b = xr_b[i, pl.ds(h * _C, _C)]
                s = a + b
                e = jnp.where(s > 0, s, 0.2 * s)
                cs = plsc.cumsum(e * att_rows[h])
                logit = cs.at[last].get(mode="promise_in_bounds")
                w = jnp.exp(logit)
                ws.append(w)
                avs.append(a)
                den_row = jnp.where(lane == h, w, den_row)
            den_b[i, :] = den_row
            for h in range(_H):
                msg_b[i, pl.ds(h * _C, _C)] = ws[h] * avs[h]

    start_idx(0, 0)
    start_idx(1, 1)

    pltpu.sync_copy(attb_hbm, att_v)
    for h in range(_H):
        att_rows[h] = att_v[h, :]
    rows0 = pl.ds(sid * _RPT, _RPT)
    pltpu.sync_copy(zacc_hbm.at[rows0], acc_sh.at[rows0])
    pltpu.sync_copy(zden_hbm.at[rows0], den_sh.at[rows0])

    wait_idx(0)
    start_gather(0)
    plsc.subcore_barrier()

    def head_step(p, blk):
        wait_idx(1 - p)
        start_gather(1 - p)
        wait_gather(p)
        start_idx(p, blk + 2)
        start_dsts(p, blk)
        compute(p)
        wait_dsts(p)
        start_scatter(p)

    head_step(0, 0)
    head_step(1, 1)

    def steady_step(p, blk):
        wait_idx(1 - p)
        start_gather(1 - p)
        wait_scatter(p)
        start_dsts(p, blk)
        wait_gather(p)
        start_idx(p, blk + 2)
        compute(p)
        wait_dsts(p)
        start_scatter(p)

    def super_body(j, _):
        steady_step(0, 2 * j)
        steady_step(1, 2 * j + 1)
        return ()

    lax.fori_loop(1, _NBLK // 2 - 1, super_body, ())

    wait_idx(1)
    start_gather(1)
    wait_gather(0)
    wait_scatter(0)
    start_dsts(0, _NBLK - 2)
    compute(0)
    wait_dsts(0)
    start_scatter(0)

    wait_gather(1)
    wait_scatter(1)
    start_dsts(1, _NBLK - 1)
    compute(1)
    wait_dsts(1)
    start_scatter(1)

    wait_scatter(0)
    wait_scatter(1)

    plsc.subcore_barrier()

    pltpu.sync_copy(acc_sh.at[rows0], acc_out.at[cid, rows0])
    pltpu.sync_copy(den_sh.at[rows0], den_out.at[cid, rows0])


def _sc_edge(xl, xr, ei_flat, attb, zacc, zden):
    mesh = plsc.VectorSubcoreMesh(core_axis_name="c", subcore_axis_name="s")
    f = pl.kernel(
        _sc_edge_body,
        out_type=(
            jax.ShapeDtypeStruct((_NC, _NP, _D), jnp.float32),
            jax.ShapeDtypeStruct((_NC, _NP, 16), jnp.float32),
        ),
        mesh=mesh,
        compiler_params=pltpu.CompilerParams(needs_layout_passes=False, use_tc_tiling_on_sc=False),
        scratch_types=[
            [pltpu.VMEM((_B,), jnp.int32)] * 2,
            [pltpu.VMEM((_B,), jnp.int32)] * 2,
            [pltpu.VMEM((_B,), jnp.int32)] * 2,
            [pltpu.VMEM((_B, _D), jnp.float32)] * 2,
            [pltpu.VMEM((_B, _D), jnp.float32)] * 2,
            [pltpu.VMEM((_B, _D), jnp.float32)] * 2,
            [pltpu.VMEM((_B, 16), jnp.float32)] * 2,
            pltpu.VMEM((_H, _C), jnp.float32),
            pltpu.VMEM_SHARED((_NP, _D), jnp.float32),
            pltpu.VMEM_SHARED((_NP, 16), jnp.float32),
            [pltpu.SemaphoreType.DMA] * 2,
            [pltpu.SemaphoreType.DMA] * 2,
            [pltpu.SemaphoreType.DMA] * 2,
            [pltpu.SemaphoreType.DMA] * 2,
        ],
    )
    return f(xl, xr, ei_flat, attb, zacc, zden)


def _fin_body(acc_ref, den_ref, x_ref, bias_ref, o_ref):
    agg = acc_ref[0] + acc_ref[1]
    den = den_ref[0] + den_ref[1]
    row_id = lax.broadcasted_iota(jnp.int32, (16, _D), 0)
    col_id = lax.broadcasted_iota(jnp.int32, (16, _D), 1)
    k = (col_id // _C == row_id).astype(jnp.float32)
    den_exp = jnp.dot(den, k, preferred_element_type=jnp.float32)
    z = agg / (den_exp + 1e-16) + bias_ref[...] + x_ref[...]
    o_ref[...] = 0.5 * z * (1.0 + lax.erf(z * 0.7071067811865476))


def _finalize(acc, den, x, bias):
    bn = 1000
    grid = _N // bn
    return pl.pallas_call(
        _fin_body,
        grid=(grid,),
        in_specs=[
            pl.BlockSpec((_NC, bn, _D), lambda i: (0, i, 0)),
            pl.BlockSpec((_NC, bn, 16), lambda i: (0, i, 0)),
            pl.BlockSpec((bn, _D), lambda i: (i, 0)),
            pl.BlockSpec((1, _D), lambda i: (0, 0)),
        ],
        out_specs=pl.BlockSpec((bn, _D), lambda i: (i, 0)),
        out_shape=jax.ShapeDtypeStruct((_N, _D), jnp.float32),
    )(acc, den, x, bias)


@jax.jit
def kernel(x, edge_index, Wl, bl, Wr, br, att, bias):
    xl, xr = _project(x, Wl, bl.reshape(1, _D), Wr, br.reshape(1, _D))
    ei_flat = edge_index.astype(jnp.int32).reshape(2 * _E)
    zacc = jnp.zeros((_NP, _D), jnp.float32)
    zden = jnp.zeros((_NP, 16), jnp.float32)
    acc, den = _sc_edge(xl, xr, ei_flat, att, zacc, zden)
    return _finalize(acc, den, x, bias.reshape(1, _D))

# --- scband reference (transcript-rebuilt; emitter-appended) ---
"""Pipeline reference for scband-residual-gatv2-layer-12549894439331 (READ-ONLY COPY).

The authoritative reference and input builder live on the scoring server;
editing this copy changes nothing except your own understanding.
"""

import jax, jax.numpy as jnp
import numpy as np

N = 10000
E = 320000
D = 128
H = 8
C = 16


def setup_inputs(seed: int = 0) -> dict:
    key = jax.random.key(seed)
    ks = jax.random.split(key, 8)
    x = jax.random.normal(ks[0], (N, D), dtype=jnp.float32)
    edge_index = jax.random.randint(ks[1], (2, E), 0, N)
    s = 1.0 / np.sqrt(D)
    Wl = jax.random.normal(ks[2], (H * C, D), dtype=jnp.float32) * s
    bl = jnp.zeros((H * C,), dtype=jnp.float32)
    Wr = jax.random.normal(ks[3], (H * C, D), dtype=jnp.float32) * s
    br = jnp.zeros((H * C,), dtype=jnp.float32)
    att = jax.random.normal(ks[4], (H, C), dtype=jnp.float32) * (1.0 / np.sqrt(C))
    bias = jnp.zeros((H * C,), dtype=jnp.float32)
    return {"x": x, "edge_index": edge_index, "Wl": Wl, "bl": bl, "Wr": Wr, "br": br, "att": att, "bias": bias}


def reference(x, edge_index, Wl, bl, Wr, br, att, bias):
    # GATv2Conv (PyG semantics, add_self_loops=False, concat=True, dropout off in eval)
    src = edge_index[0]
    dst = edge_index[1]
    xl = (x @ Wl.T + bl).reshape(N, H, C)  # lin_l -> source features
    xr = (x @ Wr.T + br).reshape(N, H, C)  # lin_r -> target features
    e = xl[src] + xr[dst]                  # [E, H, C]
    e = jnp.where(e > 0, e, 0.2 * e)       # leaky_relu(negative_slope=0.2)
    alpha = jnp.sum(e * att[None, :, :], axis=-1)  # [E, H]
    # segment softmax over destination nodes
    amax = jax.ops.segment_max(alpha, dst, num_segments=N)
    amax = jnp.where(jnp.isfinite(amax), amax, 0.0)
    ex = jnp.exp(alpha - amax[dst])
    denom = jax.ops.segment_sum(ex, dst, num_segments=N)
    alpha = ex / (denom[dst] + 1e-16)
    msg = xl[src] * alpha[:, :, None]      # [E, H, C]
    agg = jax.ops.segment_sum(msg, dst, num_segments=N)  # [N, H, C]
    x_gat = agg.reshape(N, H * C) + bias
    # residual: in_channels == heads*out_channels -> Identity projection
    x_res = x
    return jax.nn.gelu(x_gat + x_res, approximate=False)

if __name__ == "__main__":
    import jax
    _d = setup_inputs()
    print(jax.jit(kernel)(*tuple(_d.values())))

</pallas_src>

<mosaic_0001>
#map = affine_map<(d0, d1) -> (0, 0)>
#map1 = affine_map<(d0, d1) -> (0)>
#map2 = affine_map<(d0, d1) -> (0, 0, 0)>
module attributes {stable_mosaic.version = 14 : i64} {
  func.func @_sc_edge_body(%arg0: i32, %arg1: i32, %arg2: memref<10000x128xf32, #tpu.memory_space<hbm>>, %arg3: memref<10000x128xf32, #tpu.memory_space<hbm>>, %arg4: memref<640000xi32, #tpu.memory_space<hbm>>, %arg5: memref<8x16xf32, #tpu.memory_space<hbm>>, %arg6: memref<10240x128xf32, #tpu.memory_space<hbm>>, %arg7: memref<10240x16xf32, #tpu.memory_space<hbm>>, %arg8: memref<2x10240x128xf32, #tpu.memory_space<hbm>>, %arg9: memref<2x10240x16xf32, #tpu.memory_space<hbm>>, %arg10: memref<40xi32, #tpu.memory_space<vmem>>, %arg11: memref<40xi32, #tpu.memory_space<vmem>>, %arg12: memref<40xi32, #tpu.memory_space<vmem>>, %arg13: memref<40xi32, #tpu.memory_space<vmem>>, %arg14: memref<40xi32, #tpu.memory_space<vmem>>, %arg15: memref<40xi32, #tpu.memory_space<vmem>>, %arg16: memref<40x128xf32, #tpu.memory_space<vmem>>, %arg17: memref<40x128xf32, #tpu.memory_space<vmem>>, %arg18: memref<40x128xf32, #tpu.memory_space<vmem>>, %arg19: memref<40x128xf32, #tpu.memory_space<vmem>>, %arg20: memref<40x128xf32, #tpu.memory_space<vmem>>, %arg21: memref<40x128xf32, #tpu.memory_space<vmem>>, %arg22: memref<40x16xf32, #tpu.memory_space<vmem>>, %arg23: memref<40x16xf32, #tpu.memory_space<vmem>>, %arg24: memref<8x16xf32, #tpu.memory_space<vmem>>, %arg25: memref<10240x128xf32, #tpu.memory_space<vmem_shared>>, %arg26: memref<10240x16xf32, #tpu.memory_space<vmem_shared>>, %arg27: memref<!tpu.dma_semaphore, #tpu.memory_space<semaphore_mem>>, %arg28: memref<!tpu.dma_semaphore, #tpu.memory_space<semaphore_mem>>, %arg29: memref<!tpu.dma_semaphore, #tpu.memory_space<semaphore_mem>>, %arg30: memref<!tpu.dma_semaphore, #tpu.memory_space<semaphore_mem>>, %arg31: memref<!tpu.dma_semaphore, #tpu.memory_space<semaphore_mem>>, %arg32: memref<!tpu.dma_semaphore, #tpu.memory_space<semaphore_mem>>, %arg33: memref<!tpu.dma_semaphore, #tpu.memory_space<semaphore_mem>>, %arg34: memref<!tpu.dma_semaphore, #tpu.memory_space<semaphore_mem>>) attributes {dimension_semantics = [#tpu.dimension_semantics<core_parallel>, #tpu.dimension_semantics<subcore_parallel>], iteration_bounds = array<i64: 2, 16>, scalar_prefetch = 0 : i64, scratch_operands = 25 : i64, tpu.core_type = #tpu.core_type<sc_vector_subcore>, window_params = [{transform_indices = #map}, {transform_indices = #map}, {transform_indices = #map1}, {transform_indices = #map}, {transform_indices = #map}, {transform_indices = #map}, {transform_indices = #map2}, {transform_indices = #map2}]} {
    %mul3A = arith.constant 2 : i32
    %mul3A_0 = arith.muli %arg1, %mul3A : i32
    %add3A = arith.addi %mul3A_0, %arg0 : i32
    %mul3A_1 = arith.constant 10000 : i32
    %mul3A_2 = arith.muli %add3A, %mul3A_1 : i32
    %iota3A = tpu.iota {dimensions = array<i32: 0>} : vector<16xi32>
    %broadcast_in_dim3A = arith.constant 15 : i32
    %broadcast_in_dim3A_3 = vector.broadcast %broadcast_in_dim3A : i32 to vector<16xi32>
    %add3A_4 = arith.constant 0 : i32
    %add3A_5 = arith.addi %mul3A_2, %add3A_4 : i32
    %dma_start3A = tpu.memref_slice %arg4[%add3A_5] : memref<640000xi32, #tpu.memory_space<hbm>> -> memref<40xi32, #tpu.memory_space<hbm>>
    %dma_start3A_6 = tpu.memref_slice %arg4[%add3A_5] : memref<640000xi32, #tpu.memory_space<hbm>> -> memref<40xi32, #tpu.memory_space<hbm>>
    tpu.enqueue_dma source(%dma_start3A_6 : memref<40xi32, #tpu.memory_space<hbm>>) target(%arg10 : memref<40xi32, #tpu.memory_space<vmem>>) target_semaphore(%arg27 : memref<!tpu.dma_semaphore, #tpu.memory_space<semaphore_mem>>)
    %add3A_7 = arith.constant 320000 : i32
    %add3A_8 = arith.addi %add3A_7, %add3A_5 : i32
    %dma_start3A_9 = tpu.memref_slice %arg4[%add3A_8] : memref<640000xi32, #tpu.memory_space<hbm>> -> memref<40xi32, #tpu.memory_space<hbm>>
    %dma_start3A_10 = tpu.memref_slice %arg4[%add3A_8] : memref<640000xi32, #tpu.memory_space<hbm>> -> memref<40xi32, #tpu.memory_space<hbm>>
    tpu.enqueue_dma source(%dma_start3A_10 : memref<40xi32, #tpu.memory_space<hbm>>) target(%arg12 : memref<40xi32, #tpu.memory_space<vmem>>) target_semaphore(%arg27 : memref<!tpu.dma_semaphore, #tpu.memory_space<semaphore_mem>>)
    %add3A_11 = arith.constant 40 : i32
    %add3A_12 = arith.addi %mul3A_2, %add3A_11 : i32
    %dma_start3A_13 = tpu.memref_slice %arg4[%add3A_12] : memref<640000xi32, #tpu.memory_space<hbm>> -> memref<40xi32, #tpu.memory_space<hbm>>
    %dma_start3A_14 = tpu.memref_slice %arg4[%add3A_12] : memref<640000xi32, #tpu.memory_space<hbm>> -> memref<40xi32, #tpu.memory_space<hbm>>
    tpu.enqueue_dma source(%dma_start3A_14 : memref<40xi32, #tpu.memory_space<hbm>>) target(%arg11 : memref<40xi32, #tpu.memory_space<vmem>>) target_semaphore(%arg28 : memref<!tpu.dma_semaphore, #tpu.memory_space<semaphore_mem>>)
    %add3A_15 = arith.constant 320000 : i32
    %add3A_16 = arith.addi %add3A_15, %add3A_12 : i32
    %dma_start3A_17 = tpu.memref_slice %arg4[%add3A_16] : memref<640000xi32, #tpu.memory_space<hbm>> -> memref<40xi32, #tpu.memory_space<hbm>>
    %dma_start3A_18 = tpu.memref_slice %arg4[%add3A_16] : memref<640000xi32, #tpu.memory_space<hbm>> -> memref<40xi32, #tpu.memory_space<hbm>>
    tpu.enqueue_dma source(%dma_start3A_18 : memref<40xi32, #tpu.memory_space<hbm>>) target(%arg13 : memref<40xi32, #tpu.memory_space<vmem>>) target_semaphore(%arg28 : memref<!tpu.dma_semaphore, #tpu.memory_space<semaphore_mem>>)
    "tpu.region"() ({
      %run_scoped3A = tpu.sem_alloc : memref<!tpu.dma_semaphore, #tpu.memory_space<semaphore_mem>>
      tpu.enqueue_dma source(%arg5 : memref<8x16xf32, #tpu.memory_space<hbm>>) target(%arg24 : memref<8x16xf32, #tpu.memory_space<vmem>>) target_semaphore(%run_scoped3A : memref<!tpu.dma_semaphore, #tpu.memory_space<semaphore_mem>>)
      tpu.wait_dma2 semaphore(%run_scoped3A : memref<!tpu.dma_semaphore, #tpu.memory_space<semaphore_mem>>) src(%arg5 : memref<8x16xf32, #tpu.memory_space<hbm>>) dst(%arg24 : memref<8x16xf32, #tpu.memory_space<vmem>>)
      tpu.yield
    }) : () -> ()
    %get3A = arith.constant 0 : i32
    %get3A_19 = arith.index_cast %get3A : i32 to index
    %get3A_20 = arith.constant 0 : index
    %get3A_21 = tpu.vector_load %arg24[%get3A_19, %get3A_20] {strides = array<i32>} : memref<8x16xf32, #tpu.memory_space<vmem>>, vector<16xf32>,
    %get3A_22 = arith.constant 1 : i32
    %get3A_23 = arith.index_cast %get3A_22 : i32 to index
    %get3A_24 = arith.constant 0 : index
    %get3A_25 = tpu.vector_load %arg24[%get3A_23, %get3A_24] {strides = array<i32>} : memref<8x16xf32, #tpu.memory_space<vmem>>, vector<16xf32>,
    %get3A_26 = arith.constant 2 : i32
    %get3A_27 = arith.index_cast %get3A_26 : i32 to index
    %get3A_28 = arith.constant 0 : index
    %get3A_29 = tpu.vector_load %arg24[%get3A_27, %get3A_28] {strides = array<i32>} : memref<8x16xf32, #tpu.memory_space<vmem>>, vector<16xf32>,
    %get3A_30 = arith.constant 3 : i32
    %get3A_31 = arith.index_cast %get3A_30 : i32 to index
    %get3A_32 = arith.constant 0 : index
    %get3A_33 = tpu.vector_load %arg24[%get3A_31, %get3A_32] {strides = array<i32>} : memref<8x16xf32, #tpu.memory_space<vmem>>, vector<16xf32>,
    %get3A_34 = arith.constant 4 : i32
    %get3A_35 = arith.index_cast %get3A_34 : i32 to index
    %get3A_36 = arith.constant 0 : index
    %get3A_37 = tpu.vector_load %arg24[%get3A_35, %get3A_36] {strides = array<i32>} : memref<8x16xf32, #tpu.memory_space<vmem>>, vector<16xf32>,
    %get3A_38 = arith.constant 5 : i32
    %get3A_39 = arith.index_cast %get3A_38 : i32 to index
    %get3A_40 = arith.constant 0 : index
    %get3A_41 = tpu.vector_load %arg24[%get3A_39, %get3A_40] {strides = array<i32>} : memref<8x16xf32, #tpu.memory_space<vmem>>, vector<16xf32>,
    %get3A_42 = arith.constant 6 : i32
    %get3A_43 = arith.index_cast %get3A_42 : i32 to index
    %get3A_44 = arith.constant 0 : index
    %get3A_45 = tpu.vector_load %arg24[%get3A_43, %get3A_44] {strides = array<i32>} : memref<8x16xf32, #tpu.memory_space<vmem>>, vector<16xf32>,
    %get3A_46 = arith.constant 7 : i32
    %get3A_47 = arith.index_cast %get3A_46 : i32 to index
    %get3A_48 = arith.constant 0 : index
    %get3A_49 = tpu.vector_load %arg24[%get3A_47, %get3A_48] {strides = array<i32>} : memref<8x16xf32, #tpu.memory_space<vmem>>, vector<16xf32>,
    %mul3A_50 = arith.constant 640 : i32
    %mul3A_51 = arith.muli %arg1, %mul3A_50 : i32
    "tpu.region"() ({
      %run_scoped3A = tpu.sem_alloc : memref<!tpu.dma_semaphore, #tpu.memory_space<semaphore_mem>>
      %dma_start3A_275 = arith.constant 0 : i32
      %dma_start3A_276 = tpu.memref_slice %arg25[%mul3A_51, %dma_start3A_275] : memref<10240x128xf32, #tpu.memory_space<vmem_shared>> -> memref<640x128xf32, #tpu.memory_space<vmem_shared>>
      %dma_start3A_277 = arith.constant 0 : i32
      %dma_start3A_278 = tpu.memref_slice %arg6[%mul3A_51, %dma_start3A_277] : memref<10240x128xf32, #tpu.memory_space<hbm>> -> memref<640x128xf32, #tpu.memory_space<hbm>>
      tpu.enqueue_dma source(%dma_start3A_278 : memref<640x128xf32, #tpu.memory_space<hbm>>) target(%dma_start3A_276 : memref<640x128xf32, #tpu.memory_space<vmem_shared>>) target_semaphore(%run_scoped3A : memref<!tpu.dma_semaphore, #tpu.memory_space<semaphore_mem>>)
      %dma_wait3A_279 = arith.constant 0 : i32
      %dma_wait3A_280 = tpu.memref_slice %arg25[%mul3A_51, %dma_wait3A_279] : memref<10240x128xf32, #tpu.memory_space<vmem_shared>> -> memref<640x128xf32, #tpu.memory_space<vmem_shared>>
      %dma_wait3A_281 = arith.constant 0 : i32
      %dma_wait3A_282 = tpu.memref_slice %arg6[%mul3A_51, %dma_wait3A_281] : memref<10240x128xf32, #tpu.memory_space<hbm>> -> memref<640x128xf32, #tpu.memory_space<hbm>>
      tpu.wait_dma2 semaphore(%run_scoped3A : memref<!tpu.dma_semaphore, #tpu.memory_space<semaphore_mem>>) src(%dma_wait3A_282 : memref<640x128xf32, #tpu.memory_space<hbm>>) dst(%dma_wait3A_280 : memref<640x128xf32, #tpu.memory_space<vmem_shared>>)
      tpu.yield
    }) : () -> ()
    "tpu.region"() ({
      %run_scoped3A = tpu.sem_alloc : memref<!tpu.dma_semaphore, #tpu.memory_space<semaphore_mem>>
      %dma_start3A_275 = arith.constant 0 : i32
      %dma_start3A_276 = tpu.memref_slice %arg26[%mul3A_51, %dma_start3A_275] : memref<10240x16xf32, #tpu.memory_space<vmem_shared>> -> memref<640x16xf32, #tpu.memory_space<vmem_shared>>
      %dma_start3A_277 = arith.constant 0 : i32
      %dma_start3A_278 = tpu.memref_slice %arg7[%mul3A_51, %dma_start3A_277] : memref<10240x16xf32, #tpu.memory_space<hbm>> -> memref<640x16xf32, #tpu.memory_space<hbm>>
      tpu.enqueue_dma source(%dma_start3A_278 : memref<640x16xf32, #tpu.memory_space<hbm>>) target(%dma_start3A_276 : memref<640x16xf32, #tpu.memory_space<vmem_shared>>) target_semaphore(%run_scoped3A : memref<!tpu.dma_semaphore, #tpu.memory_space<semaphore_mem>>)
      %dma_wait3A_279 = arith.constant 0 : i32
      %dma_wait3A_280 = tpu.memref_slice %arg26[%mul3A_51, %dma_wait3A_279] : memref<10240x16xf32, #tpu.memory_space<vmem_shared>> -> memref<640x16xf32, #tpu.memory_space<vmem_shared>>
      %dma_wait3A_281 = arith.constant 0 : i32
      %dma_wait3A_282 = tpu.memref_slice %arg7[%mul3A_51, %dma_wait3A_281] : memref<10240x16xf32, #tpu.memory_space<hbm>> -> memref<640x16xf32, #tpu.memory_space<hbm>>
      tpu.wait_dma2 semaphore(%run_scoped3A : memref<!tpu.dma_semaphore, #tpu.memory_space<semaphore_mem>>) src(%dma_wait3A_282 : memref<640x16xf32, #tpu.memory_space<hbm>>) dst(%dma_wait3A_280 : memref<640x16xf32, #tpu.memory_space<vmem_shared>>)
      tpu.yield
    }) : () -> ()
    %dma_wait3A = arith.constant 0 : i32
    %dma_wait3A_52 = tpu.memref_slice %arg4[%dma_wait3A] : memref<640000xi32, #tpu.memory_space<hbm>> -> memref<40xi32, #tpu.memory_space<hbm>>
    %dma_wait3A_53 = arith.constant 0 : i32
    %dma_wait3A_54 = tpu.memref_slice %arg4[%dma_wait3A_53] : memref<640000xi32, #tpu.memory_space<hbm>> -> memref<40xi32, #tpu.memory_space<hbm>>
    tpu.wait_dma2 semaphore(%arg27 : memref<!tpu.dma_semaphore, #tpu.memory_space<semaphore_mem>>) src(%dma_wait3A_54 : memref<40xi32, #tpu.memory_space<hbm>>) dst(%arg10 : memref<40xi32, #tpu.memory_space<vmem>>)
    %dma_wait3A_55 = arith.constant 0 : i32
    %dma_wait3A_56 = tpu.memref_slice %arg4[%dma_wait3A_55] : memref<640000xi32, #tpu.memory_space<hbm>> -> memref<40xi32, #tpu.memory_space<hbm>>
    %dma_wait3A_57 = arith.constant 0 : i32
    %dma_wait3A_58 = tpu.memref_slice %arg4[%dma_wait3A_57] : memref<640000xi32, #tpu.memory_space<hbm>> -> memref<40xi32, #tpu.memory_space<hbm>>
    tpu.wait_dma2 semaphore(%arg27 : memref<!tpu.dma_semaphore, #tpu.memory_space<semaphore_mem>>) src(%dma_wait3A_58 : memref<40xi32, #tpu.memory_space<hbm>>) dst(%arg12 : memref<40xi32, #tpu.memory_space<vmem>>)
    %dma_start3A_59 = arith.constant 0 : i32
    %dma_start3A_60 = arith.constant 0 : i32
    %dma_start3A_61 = tpu.memref_slice %arg2[%dma_start3A_59, %dma_start3A_60] : memref<10000x128xf32, #tpu.memory_space<hbm>> -> memref<10000x128xf32, #tpu.memory_space<hbm>>
    tpu.enqueue_indirect_dma source(%dma_start3A_61 : memref<10000x128xf32, #tpu.memory_space<hbm>>) target(%arg16 : memref<40x128xf32, #tpu.memory_space<vmem>>) offsets(%arg10 : memref<40xi32, #tpu.memory_space<vmem>>) semaphore(%arg29 : memref<!tpu.dma_semaphore, #tpu.memory_space<semaphore_mem>>)
    %dma_start3A_62 = arith.constant 0 : i32
    %dma_start3A_63 = arith.constant 0 : i32
    %dma_start3A_64 = tpu.memref_slice %arg3[%dma_start3A_62, %dma_start3A_63] : memref<10000x128xf32, #tpu.memory_space<hbm>> -> memref<10000x128xf32, #tpu.memory_space<hbm>>
    tpu.enqueue_indirect_dma source(%dma_start3A_64 : memref<10000x128xf32, #tpu.memory_space<hbm>>) target(%arg18 : memref<40x128xf32, #tpu.memory_space<vmem>>) offsets(%arg12 : memref<40xi32, #tpu.memory_space<vmem>>) semaphore(%arg29 : memref<!tpu.dma_semaphore, #tpu.memory_space<semaphore_mem>>)
    %barrier3A = arith.constant 0 : index
    tpu.barrier barrier_id(%barrier3A)
    %dma_wait3A_65 = arith.constant 0 : i32
    %dma_wait3A_66 = tpu.memref_slice %arg4[%dma_wait3A_65] : memref<640000xi32, #tpu.memory_space<hbm>> -> memref<40xi32, #tpu.memory_space<hbm>>
    %dma_wait3A_67 = arith.constant 0 : i32
    %dma_wait3A_68 = tpu.memref_slice %arg4[%dma_wait3A_67] : memref<640000xi32, #tpu.memory_space<hbm>> -> memref<40xi32, #tpu.memory_space<hbm>>
    tpu.wait_dma2 semaphore(%arg28 : memref<!tpu.dma_semaphore, #tpu.memory_space<semaphore_mem>>) src(%dma_wait3A_68 : memref<40xi32, #tpu.memory_space<hbm>>) dst(%arg11 : memref<40xi32, #tpu.memory_space<vmem>>)
    %dma_wait3A_69 = arith.constant 0 : i32
    %dma_wait3A_70 = tpu.memref_slice %arg4[%dma_wait3A_69] : memref<640000xi32, #tpu.memory_space<hbm>> -> memref<40xi32, #tpu.memory_space<hbm>>
    %dma_wait3A_71 = arith.constant 0 : i32
    %dma_wait3A_72 = tpu.memref_slice %arg4[%dma_wait3A_71] : memref<640000xi32, #tpu.memory_space<hbm>> -> memref<40xi32, #tpu.memory_space<hbm>>
    tpu.wait_dma2 semaphore(%arg28 : memref<!tpu.dma_semaphore, #tpu.memory_space<semaphore_mem>>) src(%dma_wait3A_72 : memref<40xi32, #tpu.memory_space<hbm>>) dst(%arg13 : memref<40xi32, #tpu.memory_space<vmem>>)
    %dma_start3A_73 = arith.constant 0 : i32
    %dma_start3A_74 = arith.constant 0 : i32
    %dma_start3A_75 = tpu.memref_slice %arg2[%dma_start3A_73, %dma_start3A_74] : memref<10000x128xf32, #tpu.memory_space<hbm>> -> memref<10000x128xf32, #tpu.memory_space<hbm>>
    tpu.enqueue_indirect_dma source(%dma_start3A_75 : memref<10000x128xf32, #tpu.memory_space<hbm>>) target(%arg17 : memref<40x128xf32, #tpu.memory_space<vmem>>) offsets(%arg11 : memref<40xi32, #tpu.memory_space<vmem>>) semaphore(%arg30 : memref<!tpu.dma_semaphore, #tpu.memory_space<semaphore_mem>>)
    %dma_start3A_76 = arith.constant 0 : i32
    %dma_start3A_77 = arith.constant 0 : i32
    %dma_start3A_78 = tpu.memref_slice %arg3[%dma_start3A_76, %dma_start3A_77] : memref<10000x128xf32, #tpu.memory_space<hbm>> -> memref<10000x128xf32, #tpu.memory_space<hbm>>
    tpu.enqueue_indirect_dma source(%dma_start3A_78 : memref<10000x128xf32, #tpu.memory_space<hbm>>) target(%arg19 : memref<40x128xf32, #tpu.memory_space<vmem>>) offsets(%arg13 : memref<40xi32, #tpu.memory_space<vmem>>) semaphore(%arg30 : memref<!tpu.dma_semaphore, #tpu.memory_space<semaphore_mem>>)
    %dma_wait3A_79 = arith.constant 0 : i32
    %dma_wait3A_80 = arith.constant 0 : i32
    %dma_wait3A_81 = tpu.memref_slice %arg2[%dma_wait3A_79, %dma_wait3A_80] : memref<10000x128xf32, #tpu.memory_space<hbm>> -> memref<10000x128xf32, #tpu.memory_space<hbm>>
    tpu.wait_indirect_dma semaphore(%arg29 : memref<!tpu.dma_semaphore, #tpu.memory_space<semaphore_mem>>) src(%dma_wait3A_81 : memref<10000x128xf32, #tpu.memory_space<hbm>>) dst(%arg16 : memref<40x128xf32, #tpu.memory_space<vmem>>)
    %dma_wait3A_82 = arith.constant 0 : i32
    %dma_wait3A_83 = arith.constant 0 : i32
    %dma_wait3A_84 = tpu.memref_slice %arg3[%dma_wait3A_82, %dma_wait3A_83] : memref<10000x128xf32, #tpu.memory_space<hbm>> -> memref<10000x128xf32, #tpu.memory_space<hbm>>
    tpu.wait_indirect_dma semaphore(%arg29 : memref<!tpu.dma_semaphore, #tpu.memory_space<semaphore_mem>>) src(%dma_wait3A_84 : memref<10000x128xf32, #tpu.memory_space<hbm>>) dst(%arg18 : memref<40x128xf32, #tpu.memory_space<vmem>>)
    %add3A_85 = arith.constant 80 : i32
    %add3A_86 = arith.addi %mul3A_2, %add3A_85 : i32
    %dma_start3A_87 = tpu.memref_slice %arg4[%add3A_86] : memref<640000xi32, #tpu.memory_space<hbm>> -> memref<40xi32, #tpu.memory_space<hbm>>
    %dma_start3A_88 = tpu.memref_slice %arg4[%add3A_86] : memref<640000xi32, #tpu.memory_space<hbm>> -> memref<40xi32, #tpu.memory_space<hbm>>
    tpu.enqueue_dma source(%dma_start3A_88 : memref<40xi32, #tpu.memory_space<hbm>>) target(%arg10 : memref<40xi32, #tpu.memory_space<vmem>>) target_semaphore(%arg27 : memref<!tpu.dma_semaphore, #tpu.memory_space<semaphore_mem>>)
    %add3A_89 = arith.constant 320000 : i32
    %add3A_90 = arith.addi %add3A_89, %add3A_86 : i32
    %dma_start3A_91 = tpu.memref_slice %arg4[%add3A_90] : memref<640000xi32, #tpu.memory_space<hbm>> -> memref<40xi32, #tpu.memory_space<hbm>>
    %dma_start3A_92 = tpu.memref_slice %arg4[%add3A_90] : memref<640000xi32, #tpu.memory_space<hbm>> -> memref<40xi32, #tpu.memory_space<hbm>>
    tpu.enqueue_dma source(%dma_start3A_92 : memref<40xi32, #tpu.memory_space<hbm>>) target(%arg12 : memref<40xi32, #tpu.memory_space<vmem>>) target_semaphore(%arg27 : memref<!tpu.dma_semaphore, #tpu.memory_space<semaphore_mem>>)
    %add3A_93 = arith.constant 320000 : i32
    %add3A_94 = arith.addi %add3A_93, %mul3A_2 : i32
    %add3A_95 = arith.constant 0 : i32
    %add3A_96 = arith.addi %add3A_94, %add3A_95 : i32
    %dma_start3A_97 = tpu.memref_slice %arg4[%add3A_96] : memref<640000xi32, #tpu.memory_space<hbm>> -> memref<40xi32, #tpu.memory_space<hbm>>
    %dma_start3A_98 = tpu.memref_slice %arg4[%add3A_96] : memref<640000xi32, #tpu.memory_space<hbm>> -> memref<40xi32, #tpu.memory_space<hbm>>
    tpu.enqueue_dma source(%dma_start3A_98 : memref<40xi32, #tpu.memory_space<hbm>>) target(%arg14 : memref<40xi32, #tpu.memory_space<vmem>>) target_semaphore(%arg33 : memref<!tpu.dma_semaphore, #tpu.memory_space<semaphore_mem>>)
    %parallel_loop3A = arith.constant 0 : i32
    %parallel_loop3A_99 = arith.constant 40 : i32
    %parallel_loop3A_100 = arith.constant 1 : i32
    scf.for %parallel_loop3A_275 = %parallel_loop3A to %parallel_loop3A_99 step %parallel_loop3A_100  : i32 {
      %parallel_loop3A_276 = arith.constant 0.000000e+00 : f32
      %parallel_loop3A_277 = vector.broadcast %parallel_loop3A_276 : f32 to vector<16xf32>
      %parallel_loop3A_278 = arith.index_cast %parallel_loop3A_275 : i32 to index
      %parallel_loop3A_279 = arith.constant 0 : index
      %parallel_loop3A_280 = tpu.vector_load %arg16[%parallel_loop3A_278, %parallel_loop3A_279] {strides = array<i32>} : memref<40x128xf32, #tpu.memory_space<vmem>>, vector<16xf32>,
      %parallel_loop3A_281 = arith.index_cast %parallel_loop3A_275 : i32 to index
      %parallel_loop3A_282 = arith.constant 0 : index
      %parallel_loop3A_283 = tpu.vector_load %arg18[%parallel_loop3A_281, %parallel_loop3A_282] {strides = array<i32>} : memref<40x128xf32, #tpu.memory_space<vmem>>, vector<16xf32>,
      %parallel_loop3A_284 = arith.addf %parallel_loop3A_280, %parallel_loop3A_283 : vector<16xf32>
      %parallel_loop3A_285 = arith.constant 0.000000e+00 : f32
      %parallel_loop3A_286 = vector.broadcast %parallel_loop3A_285 : f32 to vector<16xf32>
      %parallel_loop3A_287 = arith.cmpf ogt, %parallel_loop3A_284, %parallel_loop3A_286 : vector<16xf32>
      %parallel_loop3A_288 = arith.constant 2.000000e-01 : f32
      %parallel_loop3A_289 = vector.broadcast %parallel_loop3A_288 : f32 to vector<16xf32>
      %parallel_loop3A_290 = arith.mulf %parallel_loop3A_289, %parallel_loop3A_284 : vector<16xf32>
      %parallel_loop3A_291 = arith.select %parallel_loop3A_287, %parallel_loop3A_284, %parallel_loop3A_290 : vector<16xi1>, vector<16xf32>
      %parallel_loop3A_292 = arith.mulf %parallel_loop3A_291, %get3A_21 : vector<16xf32>
      %parallel_loop3A_293 = arith.constant true
      %parallel_loop3A_294 = vector.broadcast %parallel_loop3A_293 : i1 to vector<16xi1>
      %parallel_loop3A_295 = tpu.scan <sum>, %parallel_loop3A_292 masked %parallel_loop3A_294 : vector<16xf32>, vector<16xi1> -> vector<16xf32>
      %parallel_loop3A_296 = arith.constant 0 : i32
      %parallel_loop3A_297 = vector.broadcast %parallel_loop3A_296 : i32 to vector<16xi32>
      %parallel_loop3A_298 = arith.cmpi slt, %broadcast_in_dim3A_3, %parallel_loop3A_297 : vector<16xi32>
      %parallel_loop3A_299 = arith.constant 16 : i32
      %parallel_loop3A_300 = vector.broadcast %parallel_loop3A_299 : i32 to vector<16xi32>
      %parallel_loop3A_301 = arith.addi %broadcast_in_dim3A_3, %parallel_loop3A_300 : vector<16xi32>
      %parallel_loop3A_302 = arith.select %parallel_loop3A_298, %parallel_loop3A_301, %broadcast_in_dim3A_3 : vector<16xi1>, vector<16xi32>
      %parallel_loop3A_303 = vector.shape_cast %parallel_loop3A_302 : vector<16xi32> to vector<16x1xi32>
      %parallel_loop3A_304 = vector.shape_cast %parallel_loop3A_303 : vector<16x1xi32> to vector<16xi32>
      %parallel_loop3A_305 = tpu.dynamic_gather %parallel_loop3A_295[%parallel_loop3A_304] in [0] : vector<16xf32>, vector<16xi32> -> vector<16xf32>
      %parallel_loop3A_306 = math.exp %parallel_loop3A_305 : vector<16xf32>
      %parallel_loop3A_307 = arith.constant 0 : i32
      %parallel_loop3A_308 = vector.broadcast %parallel_loop3A_307 : i32 to vector<16xi32>
      %parallel_loop3A_309 = arith.cmpi eq, %iota3A, %parallel_loop3A_308 : vector<16xi32>
      %parallel_loop3A_310 = arith.select %parallel_loop3A_309, %parallel_loop3A_306, %parallel_loop3A_277 : vector<16xi1>, vector<16xf32>
      %parallel_loop3A_311 = arith.index_cast %parallel_loop3A_275 : i32 to index
      %parallel_loop3A_312 = arith.constant 16 : index
      %parallel_loop3A_313 = tpu.vector_load %arg16[%parallel_loop3A_311, %parallel_loop3A_312] {strides = array<i32>} : memref<40x128xf32, #tpu.memory_space<vmem>>, vector<16xf32>,
      %parallel_loop3A_314 = arith.index_cast %parallel_loop3A_275 : i32 to index
      %parallel_loop3A_315 = arith.constant 16 : index
      %parallel_loop3A_316 = tpu.vector_load %arg18[%parallel_loop3A_314, %parallel_loop3A_315] {strides = array<i32>} : memref<40x128xf32, #tpu.memory_space<vmem>>, vector<16xf32>,
      %parallel_loop3A_317 = arith.addf %parallel_loop3A_313, %parallel_loop3A_316 : vector<16xf32>
      %parallel_loop3A_318 = arith.constant 0.000000e+00 : f32
      %parallel_loop3A_319 = vector.broadcast %parallel_loop3A_318 : f32 to vector<16xf32>
      %parallel_loop3A_320 = arith.cmpf ogt, %parallel_loop3A_317, %parallel_loop3A_319 : vector<16xf32>
      %parallel_loop3A_321 = arith.constant 2.000000e-01 : f32
      %parallel_loop3A_322 = vector.broadcast %parallel_loop3A_321 : f32 to vector<16xf32>
      %parallel_loop3A_323 = arith.mulf %parallel_loop3A_322, %parallel_loop3A_317 : vector<16xf32>
      %parallel_loop3A_324 = arith.select %parallel_loop3A_320, %parallel_loop3A_317, %parallel_loop3A_323 : vector<16xi1>, vector<16xf32>
      %parallel_loop3A_325 = arith.mulf %parallel_loop3A_324, %get3A_25 : vector<16xf32>
      %parallel_loop3A_326 = arith.constant true
      %parallel_loop3A_327 = vector.broadcast %parallel_loop3A_326 : i1 to vector<16xi1>
      %parallel_loop3A_328 = tpu.scan <sum>, %parallel_loop3A_325 masked %parallel_loop3A_327 : vector<16xf32>, vector<16xi1> -> vector<16xf32>
      %parallel_loop3A_329 = arith.constant 0 : i32
      %parallel_loop3A_330 = vector.broadcast %parallel_loop3A_329 : i32 to vector<16xi32>
      %parallel_loop3A_331 = arith.cmpi slt, %broadcast_in_dim3A_3, %parallel_loop3A_330 : vector<16xi32>
      %parallel_loop3A_332 = arith.constant 16 : i32
      %parallel_loop3A_333 = vector.broadcast %parallel_loop3A_332 : i32 to vector<16xi32>
      %parallel_loop3A_334 = arith.addi %broadcast_in_dim3A_3, %parallel_loop3A_333 : vector<16xi32>
      %parallel_loop3A_335 = arith.select %parallel_loop3A_331, %parallel_loop3A_334, %broadcast_in_dim3A_3 : vector<16xi1>, vector<16xi32>
      %parallel_loop3A_336 = vector.shape_cast %parallel_loop3A_335 : vector<16xi32> to vector<16x1xi32>
      %parallel_loop3A_337 = vector.shape_cast %parallel_loop3A_336 : vector<16x1xi32> to vector<16xi32>
      %parallel_loop3A_338 = tpu.dynamic_gather %parallel_loop3A_328[%parallel_loop3A_337] in [0] : vector<16xf32>, vector<16xi32> -> vector<16xf32>
      %parallel_loop3A_339 = math.exp %parallel_loop3A_338 : vector<16xf32>
      %parallel_loop3A_340 = arith.constant 1 : i32
      %parallel_loop3A_341 = vector.broadcast %parallel_loop3A_340 : i32 to vector<16xi32>
      %parallel_loop3A_342 = arith.cmpi eq, %iota3A, %parallel_loop3A_341 : vector<16xi32>
      %parallel_loop3A_343 = arith.select %parallel_loop3A_342, %parallel_loop3A_339, %parallel_loop3A_310 : vector<16xi1>, vector<16xf32>
      %parallel_loop3A_344 = arith.index_cast %parallel_loop3A_275 : i32 to index
      %parallel_loop3A_345 = arith.constant 32 : index
      %parallel_loop3A_346 = tpu.vector_load %arg16[%parallel_loop3A_344, %parallel_loop3A_345] {strides = array<i32>} : memref<40x128xf32, #tpu.memory_space<vmem>>, vector<16xf32>,
      %parallel_loop3A_347 = arith.index_cast %parallel_loop3A_275 : i32 to index
      %parallel_loop3A_348 = arith.constant 32 : index
      %parallel_loop3A_349 = tpu.vector_load %arg18[%parallel_loop3A_347, %parallel_loop3A_348] {strides = array<i32>} : memref<40x128xf32, #tpu.memory_space<vmem>>, vector<16xf32>,
      %parallel_loop3A_350 = arith.addf %parallel_loop3A_346, %parallel_loop3A_349 : vector<16xf32>
      %parallel_loop3A_351 = arith.constant 0.000000e+00 : f32
      %parallel_loop3A_352 = vector.broadcast %parallel_loop3A_351 : f32 to vector<16xf32>
      %parallel_loop3A_353 = arith.cmpf ogt, %parallel_loop3A_350, %parallel_loop3A_352 : vector<16xf32>
      %parallel_loop3A_354 = arith.constant 2.000000e-01 : f32
      %parallel_loop3A_355 = vector.broadcast %parallel_loop3A_354 : f32 to vector<16xf32>
      %parallel_loop3A_356 = arith.mulf %parallel_loop3A_355, %parallel_loop3A_350 : vector<16xf32>
      %parallel_loop3A_357 = arith.select %parallel_loop3A_353, %parallel_loop3A_350, %parallel_loop3A_356 : vector<16xi1>, vector<16xf32>
      %parallel_loop3A_358 = arith.mulf %parallel_loop3A_357, %get3A_29 : vector<16xf32>
      %parallel_loop3A_359 = arith.constant true
      %parallel_loop3A_360 = vector.broadcast %parallel_loop3A_359 : i1 to vector<16xi1>
      %parallel_loop3A_361 = tpu.scan <sum>, %parallel_loop3A_358 masked %parallel_loop3A_360 : vector<16xf32>, vector<16xi1> -> vector<16xf32>
      %parallel_loop3A_362 = arith.constant 0 : i32
      %parallel_loop3A_363 = vector.broadcast %parallel_loop3A_362 : i32 to vector<16xi32>
      %parallel_loop3A_364 = arith.cmpi slt, %broadcast_in_dim3A_3, %parallel_loop3A_363 : vector<16xi32>
      %parallel_loop3A_365 = arith.constant 16 : i32
      %parallel_loop3A_366 = vector.broadcast %parallel_loop3A_365 : i32 to vector<16xi32>
      %parallel_loop3A_367 = arith.addi %broadcast_in_dim3A_3, %parallel_loop3A_366 : vector<16xi32>
      %parallel_loop3A_368 = arith.select %parallel_loop3A_364, %parallel_loop3A_367, %broadcast_in_dim3A_3 : vector<16xi1>, vector<16xi32>
      %parallel_loop3A_369 = vector.shape_cast %parallel_loop3A_368 : vector<16xi32> to vector<16x1xi32>
      %parallel_loop3A_370 = vector.shape_cast %parallel_loop3A_369 : vector<16x1xi32> to vector<16xi32>
      %parallel_loop3A_371 = tpu.dynamic_gather %parallel_loop3A_361[%parallel_loop3A_370] in [0] : vector<16xf32>, vector<16xi32> -> vector<16xf32>
      %parallel_loop3A_372 = math.exp %parallel_loop3A_371 : vector<16xf32>
      %parallel_loop3A_373 = arith.constant 2 : i32
      %parallel_loop3A_374 = vector.broadcast %parallel_loop3A_373 : i32 to vector<16xi32>
      %parallel_loop3A_375 = arith.cmpi eq, %iota3A, %parallel_loop3A_374 : vector<16xi32>
      %parallel_loop3A_376 = arith.select %parallel_loop3A_375, %parallel_loop3A_372, %parallel_loop3A_343 : vector<16xi1>, vector<16xf32>
      %parallel_loop3A_377 = arith.index_cast %parallel_loop3A_275 : i32 to index
      %parallel_loop3A_378 = arith.constant 48 : index
      %parallel_loop3A_379 = tpu.vector_load %arg16[%parallel_loop3A_377, %parallel_loop3A_378] {strides = array<i32>} : memref<40x128xf32, #tpu.memory_space<vmem>>, vector<16xf32>,
      %parallel_loop3A_380 = arith.index_cast %parallel_loop3A_275 : i32 to index
      %parallel_loop3A_381 = arith.constant 48 : index
      %parallel_loop3A_382 = tpu.vector_load %arg18[%parallel_loop3A_380, %parallel_loop3A_381] {strides = array<i32>} : memref<40x128xf32, #tpu.memory_space<vmem>>, vector<16xf32>,
      %parallel_loop3A_383 = arith.addf %parallel_loop3A_379, %parallel_loop3A_382 : vector<16xf32>
      %parallel_loop3A_384 = arith.constant 0.000000e+00 : f32
      %parallel_loop3A_385 = vector.broadcast %parallel_loop3A_384 : f32 to vector<16xf32>
      %parallel_loop3A_386 = arith.cmpf ogt, %parallel_loop3A_383, %parallel_loop3A_385 : vector<16xf32>
      %parallel_loop3A_387 = arith.constant 2.000000e-01 : f32
      %parallel_loop3A_388 = vector.broadcast %parallel_loop3A_387 : f32 to vector<16xf32>
      %parallel_loop3A_389 = arith.mulf %parallel_loop3A_388, %parallel_loop3A_383 : vector<16xf32>
      %parallel_loop3A_390 = arith.select %parallel_loop3A_386, %parallel_loop3A_383, %parallel_loop3A_389 : vector<16xi1>, vector<16xf32>
      %parallel_loop3A_391 = arith.mulf %parallel_loop3A_390, %get3A_33 : vector<16xf32>
      %parallel_loop3A_392 = arith.constant true
      %parallel_loop3A_393 = vector.broadcast %parallel_loop3A_392 : i1 to vector<16xi1>
      %parallel_loop3A_394 = tpu.scan <sum>, %parallel_loop3A_391 masked %parallel_loop3A_393 : vector<16xf32>, vector<16xi1> -> vector<16xf32>
      %parallel_loop3A_395 = arith.constant 0 : i32
      %parallel_loop3A_396 = vector.broadcast %parallel_loop3A_395 : i32 to vector<16xi32>
      %parallel_loop3A_397 = arith.cmpi slt, %broadcast_in_dim3A_3, %parallel_loop3A_396 : vector<16xi32>
      %parallel_loop3A_398 = arith.constant 16 : i32
      %parallel_loop3A_399 = vector.broadcast %parallel_loop3A_398 : i32 to vector<16xi32>
      %parallel_loop3A_400 = arith.addi %broadcast_in_dim3A_3, %parallel_loop3A_399 : vector<16xi32>
      %parallel_loop3A_401 = arith.select %parallel_loop3A_397, %parallel_loop3A_400, %broadcast_in_dim3A_3 : vector<16xi1>, vector<16xi32>
      %parallel_loop3A_402 = vector.shape_cast %parallel_loop3A_401 : vector<16xi32> to vector<16x1xi32>
      %parallel_loop3A_403 = vector.shape_cast %parallel_loop3A_402 : vector<16x1xi32> to vector<16xi32>
      %parallel_loop3A_404 = tpu.dynamic_gather %parallel_loop3A_394[%parallel_loop3A_403] in [0] : vector<16xf32>, vector<16xi32> -> vector<16xf32>
      %parallel_loop3A_405 = math.exp %parallel_loop3A_404 : vector<16xf32>
      %parallel_loop3A_406 = arith.constant 3 : i32
      %parallel_loop3A_407 = vector.broadcast %parallel_loop3A_406 : i32 to vector<16xi32>
      %parallel_loop3A_408 = arith.cmpi eq, %iota3A, %parallel_loop3A_407 : vector<16xi32>
      %parallel_loop3A_409 = arith.select %parallel_loop3A_408, %parallel_loop3A_405, %parallel_loop3A_376 : vector<16xi1>, vector<16xf32>
      %parallel_loop3A_410 = arith.index_cast %parallel_loop3A_275 : i32 to index
      %parallel_loop3A_411 = arith.constant 64 : index
      %parallel_loop3A_412 = tpu.vector_load %arg16[%parallel_loop3A_410, %parallel_loop3A_411] {strides = array<i32>} : memref<40x128xf32, #tpu.memory_space<vmem>>, vector<16xf32>,
      %parallel_loop3A_413 = arith.index_cast %parallel_loop3A_275 : i32 to index
      %parallel_loop3A_414 = arith.constant 64 : index
      %parallel_loop3A_415 = tpu.vector_load %arg18[%parallel_loop3A_413, %parallel_loop3A_414] {strides = array<i32>} : memref<40x128xf32, #tpu.memory_space<vmem>>, vector<16xf32>,
      %parallel_loop3A_416 = arith.addf %parallel_loop3A_412, %parallel_loop3A_415 : vector<16xf32>
      %parallel_loop3A_417 = arith.constant 0.000000e+00 : f32
      %parallel_loop3A_418 = vector.broadcast %parallel_loop3A_417 : f32 to vector<16xf32>
      %parallel_loop3A_419 = arith.cmpf ogt, %parallel_loop3A_416, %parallel_loop3A_418 : vector<16xf32>
      %parallel_loop3A_420 = arith.constant 2.000000e-01 : f32
      %parallel_loop3A_421 = vector.broadcast %parallel_loop3A_420 : f32 to vector<16xf32>
      %parallel_loop3A_422 = arith.mulf %parallel_loop3A_421, %parallel_loop3A_416 : vector<16xf32>
      %parallel_loop3A_423 = arith.select %parallel_loop3A_419, %parallel_loop3A_416, %parallel_loop3A_422 : vector<16xi1>, vector<16xf32>
      %parallel_loop3A_424 = arith.mulf %parallel_loop3A_423, %get3A_37 : vector<16xf32>
      %parallel_loop3A_425 = arith.constant true
      %parallel_loop3A_426 = vector.broadcast %parallel_loop3A_425 : i1 to vector<16xi1>
      %parallel_loop3A_427 = tpu.scan <sum>, %parallel_loop3A_424 masked %parallel_loop3A_426 : vector<16xf32>, vector<16xi1> -> vector<16xf32>
      %parallel_loop3A_428 = arith.constant 0 : i32
      %parallel_loop3A_429 = vector.broadcast %parallel_loop3A_428 : i32 to vector<16xi32>
      %parallel_loop3A_430 = arith.cmpi slt, %broadcast_in_dim3A_3, %parallel_loop3A_429 : vector<16xi32>
      %parallel_loop3A_431 = arith.constant 16 : i32
      %parallel_loop3A_432 = vector.broadcast %parallel_loop3A_431 : i32 to vector<16xi32>
      %parallel_loop3A_433 = arith.addi %broadcast_in_dim3A_3, %parallel_loop3A_432 : vector<16xi32>
      %parallel_loop3A_434 = arith.select %parallel_loop3A_430, %parallel_loop3A_433, %broadcast_in_dim3A_3 : vector<16xi1>, vector<16xi32>
      %parallel_loop3A_435 = vector.shape_cast %parallel_loop3A_434 : vector<16xi32> to vector<16x1xi32>
      %parallel_loop3A_436 = vector.shape_cast %parallel_loop3A_435 : vector<16x1xi32> to vector<16xi32>
      %parallel_loop3A_437 = tpu.dynamic_gather %parallel_loop3A_427[%parallel_loop3A_436] in [0] : vector<16xf32>, vector<16xi32> -> vector<16xf32>
      %parallel_loop3A_438 = math.exp %parallel_loop3A_437 : vector<16xf32>
      %parallel_loop3A_439 = arith.constant 4 : i32
      %parallel_loop3A_440 = vector.broadcast %parallel_loop3A_439 : i32 to vector<16xi32>
      %parallel_loop3A_441 = arith.cmpi eq, %iota3A, %parallel_loop3A_440 : vector<16xi32>
      %parallel_loop3A_442 = arith.select %parallel_loop3A_441, %parallel_loop3A_438, %parallel_loop3A_409 : vector<16xi1>, vector<16xf32>
      %parallel_loop3A_443 = arith.index_cast %parallel_loop3A_275 : i32 to index
      %parallel_loop3A_444 = arith.constant 80 : index
      %parallel_loop3A_445 = tpu.vector_load %arg16[%parallel_loop3A_443, %parallel_loop3A_444] {strides = array<i32>} : memref<40x128xf32, #tpu.memory_space<vmem>>, vector<16xf32>,
      %parallel_loop3A_446 = arith.index_cast %parallel_loop3A_275 : i32 to index
      %parallel_loop3A_447 = arith.constant 80 : index
      %parallel_loop3A_448 = tpu.vector_load %arg18[%parallel_loop3A_446, %parallel_loop3A_447] {strides = array<i32>} : memref<40x128xf32, #tpu.memory_space<vmem>>, vector<16xf32>,
      %parallel_loop3A_449 = arith.addf %parallel_loop3A_445, %parallel_loop3A_448 : vector<16xf32>
      %parallel_loop3A_450 = arith.constant 0.000000e+00 : f32
      %parallel_loop3A_451 = vector.broadcast %parallel_loop3A_450 : f32 to vector<16xf32>
      %parallel_loop3A_452 = arith.cmpf ogt, %parallel_loop3A_449, %parallel_loop3A_451 : vector<16xf32>
      %parallel_loop3A_453 = arith.constant 2.000000e-01 : f32
      %parallel_loop3A_454 = vector.broadcast %parallel_loop3A_453 : f32 to vector<16xf32>
      %parallel_loop3A_455 = arith.mulf %parallel_loop3A_454, %parallel_loop3A_449 : vector<16xf32>
      %parallel_loop3A_456 = arith.select %parallel_loop3A_452, %parallel_loop3A_449, %parallel_loop3A_455 : vector<16xi1>, vector<16xf32>
      %parallel_loop3A_457 = arith.mulf %parallel_loop3A_456, %get3A_41 : vector<16xf32>
      %parallel_loop3A_458 = arith.constant true
      %parallel_loop3A_459 = vector.broadcast %parallel_loop3A_458 : i1 to vector<16xi1>
      %parallel_loop3A_460 = tpu.scan <sum>, %parallel_loop3A_457 masked %parallel_loop3A_459 : vector<16xf32>, vector<16xi1> -> vector<16xf32>
      %parallel_loop3A_461 = arith.constant 0 : i32
      %parallel_loop3A_462 = vector.broadcast %parallel_loop3A_461 : i32 to vector<16xi32>
      %parallel_loop3A_463 = arith.cmpi slt, %broadcast_in_dim3A_3, %parallel_loop3A_462 : vector<16xi32>
      %parallel_loop3A_464 = arith.constant 16 : i32
      %parallel_loop3A_465 = vector.broadcast %parallel_loop3A_464 : i32 to vector<16xi32>
      %parallel_loop3A_466 = arith.addi %broadcast_in_dim3A_3, %parallel_loop3A_465 : vector<16xi32>
      %parallel_loop3A_467 = arith.select %parallel_loop3A_463, %parallel_loop3A_466, %broadcast_in_dim3A_3 : vector<16xi1>, vector<16xi32>
      %parallel_loop3A_468 = vector.shape_cast %parallel_loop3A_467 : vector<16xi32> to vector<16x1xi32>
      %parallel_loop3A_469 = vector.shape_cast %parallel_loop3A_468 : vector<16x1xi32> to vector<16xi32>
      %parallel_loop3A_470 = tpu.dynamic_gather %parallel_loop3A_460[%parallel_loop3A_469] in [0] : vector<16xf32>, vector<16xi32> -> vector<16xf32>
      %parallel_loop3A_471 = math.exp %parallel_loop3A_470 : vector<16xf32>
      %parallel_loop3A_472 = arith.constant 5 : i32
      %parallel_loop3A_473 = vector.broadcast %parallel_loop3A_472 : i32 to vector<16xi32>
      %parallel_loop3A_474 = arith.cmpi eq, %iota3A, %parallel_loop3A_473 : vector<16xi32>
      %parallel_loop3A_475 = arith.select %parallel_loop3A_474, %parallel_loop3A_471, %parallel_loop3A_442 : vector<16xi1>, vector<16xf32>
      %parallel_loop3A_476 = arith.index_cast %parallel_loop3A_275 : i32 to index
      %parallel_loop3A_477 = arith.constant 96 : index
      %parallel_loop3A_478 = tpu.vector_load %arg16[%parallel_loop3A_476, %parallel_loop3A_477] {strides = array<i32>} : memref<40x128xf32, #tpu.memory_space<vmem>>, vector<16xf32>,
      %parallel_loop3A_479 = arith.index_cast %parallel_loop3A_275 : i32 to index
      %parallel_loop3A_480 = arith.constant 96 : index
      %parallel_loop3A_481 = tpu.vector_load %arg18[%parallel_loop3A_479, %parallel_loop3A_480] {strides = array<i32>} : memref<40x128xf32, #tpu.memory_space<vmem>>, vector<16xf32>,
      %parallel_loop3A_482 = arith.addf %parallel_loop3A_478, %parallel_loop3A_481 : vector<16xf32>
      %parallel_loop3A_483 = arith.constant 0.000000e+00 : f32
      %parallel_loop3A_484 = vector.broadcast %parallel_loop3A_483 : f32 to vector<16xf32>
      %parallel_loop3A_485 = arith.cmpf ogt, %parallel_loop3A_482, %parallel_loop3A_484 : vector<16xf32>
      %parallel_loop3A_486 = arith.constant 2.000000e-01 : f32
      %parallel_loop3A_487 = vector.broadcast %parallel_loop3A_486 : f32 to vector<16xf32>
      %parallel_loop3A_488 = arith.mulf %parallel_loop3A_487, %parallel_loop3A_482 : vector<16xf32>
      %parallel_loop3A_489 = arith.select %parallel_loop3A_485, %parallel_loop3A_482, %parallel_loop3A_488 : vector<16xi1>, vector<16xf32>
      %parallel_loop3A_490 = arith.mulf %parallel_loop3A_489, %get3A_45 : vector<16xf32>
      %parallel_loop3A_491 = arith.constant true
      %parallel_loop3A_492 = vector.broadcast %parallel_loop3A_491 : i1 to vector<16xi1>
      %parallel_loop3A_493 = tpu.scan <sum>, %parallel_loop3A_490 masked %parallel_loop3A_492 : vector<16xf32>, vector<16xi1> -> vector<16xf32>
      %parallel_loop3A_494 = arith.constant 0 : i32
      %parallel_loop3A_495 = vector.broadcast %parallel_loop3A_494 : i32 to vector<16xi32>
      %parallel_loop3A_496 = arith.cmpi slt, %broadcast_in_dim3A_3, %parallel_loop3A_495 : vector<16xi32>
      %parallel_loop3A_497 = arith.constant 16 : i32
      %parallel_loop3A_498 = vector.broadcast %parallel_loop3A_497 : i32 to vector<16xi32>
      %parallel_loop3A_499 = arith.addi %broadcast_in_dim3A_3, %parallel_loop3A_498 : vector<16xi32>
      %parallel_loop3A_500 = arith.select %parallel_loop3A_496, %parallel_loop3A_499, %broadcast_in_dim3A_3 : vector<16xi1>, vector<16xi32>
      %parallel_loop3A_501 = vector.shape_cast %parallel_loop3A_500 : vector<16xi32> to vector<16x1xi32>
      %parallel_loop3A_502 = vector.shape_cast %parallel_loop3A_501 : vector<16x1xi32> to vector<16xi32>
      %parallel_loop3A_503 = tpu.dynamic_gather %parallel_loop3A_493[%parallel_loop3A_502] in [0] : vector<16xf32>, vector<16xi32> -> vector<16xf32>
      %parallel_loop3A_504 = math.exp %parallel_loop3A_503 : vector<16xf32>
      %parallel_loop3A_505 = arith.constant 6 : i32
      %parallel_loop3A_506 = vector.broadcast %parallel_loop3A_505 : i32 to vector<16xi32>
      %parallel_loop3A_507 = arith.cmpi eq, %iota3A, %parallel_loop3A_506 : vector<16xi32>
      %parallel_loop3A_508 = arith.select %parallel_loop3A_507, %parallel_loop3A_504, %parallel_loop3A_475 : vector<16xi1>, vector<16xf32>
      %parallel_loop3A_509 = arith.index_cast %parallel_loop3A_275 : i32 to index
      %parallel_loop3A_510 = arith.constant 112 : index
      %parallel_loop3A_511 = tpu.vector_load %arg16[%parallel_loop3A_509, %parallel_loop3A_510] {strides = array<i32>} : memref<40x128xf32, #tpu.memory_space<vmem>>, vector<16xf32>,
      %parallel_loop3A_512 = arith.index_cast %parallel_loop3A_275 : i32 to index
      %parallel_loop3A_513 = arith.constant 112 : index
      %parallel_loop3A_514 = tpu.vector_load %arg18[%parallel_loop3A_512, %parallel_loop3A_513] {strides = array<i32>} : memref<40x128xf32, #tpu.memory_space<vmem>>, vector<16xf32>,
      %parallel_loop3A_515 = arith.addf %parallel_loop3A_511, %parallel_loop3A_514 : vector<16xf32>
      %parallel_loop3A_516 = arith.constant 0.000000e+00 : f32
      %parallel_loop3A_517 = vector.broadcast %parallel_loop3A_516 : f32 to vector<16xf32>
      %parallel_loop3A_518 = arith.cmpf ogt, %parallel_loop3A_515, %parallel_loop3A_517 : vector<16xf32>
      %parallel_loop3A_519 = arith.constant 2.000000e-01 : f32
      %parallel_loop3A_520 = vector.broadcast %parallel_loop3A_519 : f32 to vector<16xf32>
      %parallel_loop3A_521 = arith.mulf %parallel_loop3A_520, %parallel_loop3A_515 : vector<16xf32>
      %parallel_loop3A_522 = arith.select %parallel_loop3A_518, %parallel_loop3A_515, %parallel_loop3A_521 : vector<16xi1>, vector<16xf32>
      %parallel_loop3A_523 = arith.mulf %parallel_loop3A_522, %get3A_49 : vector<16xf32>
      %parallel_loop3A_524 = arith.constant true
      %parallel_loop3A_525 = vector.broadcast %parallel_loop3A_524 : i1 to vector<16xi1>
      %parallel_loop3A_526 = tpu.scan <sum>, %parallel_loop3A_523 masked %parallel_loop3A_525 : vector<16xf32>, vector<16xi1> -> vector<16xf32>
      %parallel_loop3A_527 = arith.constant 0 : i32
      %parallel_loop3A_528 = vector.broadcast %parallel_loop3A_527 : i32 to vector<16xi32>
      %parallel_loop3A_529 = arith.cmpi slt, %broadcast_in_dim3A_3, %parallel_loop3A_528 : vector<16xi32>
      %parallel_loop3A_530 = arith.constant 16 : i32
      %parallel_loop3A_531 = vector.broadcast %parallel_loop3A_530 : i32 to vector<16xi32>
      %parallel_loop3A_532 = arith.addi %broadcast_in_dim3A_3, %parallel_loop3A_531 : vector<16xi32>
      %parallel_loop3A_533 = arith.select %parallel_loop3A_529, %parallel_loop3A_532, %broadcast_in_dim3A_3 : vector<16xi1>, vector<16xi32>
      %parallel_loop3A_534 = vector.shape_cast %parallel_loop3A_533 : vector<16xi32> to vector<16x1xi32>
      %parallel_loop3A_535 = vector.shape_cast %parallel_loop3A_534 : vector<16x1xi32> to vector<16xi32>
      %parallel_loop3A_536 = tpu.dynamic_gather %parallel_loop3A_526[%parallel_loop3A_535] in [0] : vector<16xf32>, vector<16xi32> -> vector<16xf32>
      %parallel_loop3A_537 = math.exp %parallel_loop3A_536 : vector<16xf32>
      %parallel_loop3A_538 = arith.constant 7 : i32
      %parallel_loop3A_539 = vector.broadcast %parallel_loop3A_538 : i32 to vector<16xi32>
      %parallel_loop3A_540 = arith.cmpi eq, %iota3A, %parallel_loop3A_539 : vector<16xi32>
      %parallel_loop3A_541 = arith.select %parallel_loop3A_540, %parallel_loop3A_537, %parallel_loop3A_508 : vector<16xi1>, vector<16xf32>
      %parallel_loop3A_542 = arith.index_cast %parallel_loop3A_275 : i32 to index
      %parallel_loop3A_543 = arith.constant 0 : index
      %parallel_loop3A_544 = tpu.vector_load %arg22[%parallel_loop3A_542, %parallel_loop3A_543] {strides = array<i32>} : memref<40x16xf32, #tpu.memory_space<vmem>>, vector<16xf32>,
      tpu.vector_store %arg22[%parallel_loop3A_542, %parallel_loop3A_543], %parallel_loop3A_541 {strides = array<i32>} : memref<40x16xf32, #tpu.memory_space<vmem>>, vector<16xf32>,
      %parallel_loop3A_545 = arith.mulf %parallel_loop3A_306, %parallel_loop3A_280 : vector<16xf32>
      %parallel_loop3A_546 = arith.index_cast %parallel_loop3A_275 : i32 to index
      %parallel_loop3A_547 = arith.constant 0 : index
      %parallel_loop3A_548 = tpu.vector_load %arg20[%parallel_loop3A_546, %parallel_loop3A_547] {strides = array<i32>} : memref<40x128xf32, #tpu.memory_space<vmem>>, vector<16xf32>,
      tpu.vector_store %arg20[%parallel_loop3A_546, %parallel_loop3A_547], %parallel_loop3A_545 {strides = array<i32>} : memref<40x128xf32, #tpu.memory_space<vmem>>, vector<16xf32>,
      %parallel_loop3A_549 = arith.mulf %parallel_loop3A_339, %parallel_loop3A_313 : vector<16xf32>
      %parallel_loop3A_550 = arith.index_cast %parallel_loop3A_275 : i32 to index
      %parallel_loop3A_551 = arith.constant 16 : index
      %parallel_loop3A_552 = tpu.vector_load %arg20[%parallel_loop3A_550, %parallel_loop3A_551] {strides = array<i32>} : memref<40x128xf32, #tpu.memory_space<vmem>>, vector<16xf32>,
      tpu.vector_store %arg20[%parallel_loop3A_550, %parallel_loop3A_551], %parallel_loop3A_549 {strides = array<i32>} : memref<40x128xf32, #tpu.memory_space<vmem>>, vector<16xf32>,
      %parallel_loop3A_553 = arith.mulf %parallel_loop3A_372, %parallel_loop3A_346 : vector<16xf32>
      %parallel_loop3A_554 = arith.index_cast %parallel_loop3A_275 : i32 to index
      %parallel_loop3A_555 = arith.constant 32 : index
      %parallel_loop3A_556 = tpu.vector_load %arg20[%parallel_loop3A_554, %parallel_loop3A_555] {strides = array<i32>} : memref<40x128xf32, #tpu.memory_space<vmem>>, vector<16xf32>,
      tpu.vector_store %arg20[%parallel_loop3A_554, %parallel_loop3A_555], %parallel_loop3A_553 {strides = array<i32>} : memref<40x128xf32, #tpu.memory_space<vmem>>, vector<16xf32>,
      %parallel_loop3A_557 = arith.mulf %parallel_loop3A_405, %parallel_loop3A_379 : vector<16xf32>
      %parallel_loop3A_558 = arith.index_cast %parallel_loop3A_275 : i32 to index
      %parallel_loop3A_559 = arith.constant 48 : index
      %parallel_loop3A_560 = tpu.vector_load %arg20[%parallel_loop3A_558, %parallel_loop3A_559] {strides = array<i32>} : memref<40x128xf32, #tpu.memory_space<vmem>>, vector<16xf32>,
      tpu.vector_store %arg20[%parallel_loop3A_558, %parallel_loop3A_559], %parallel_loop3A_557 {strides = array<i32>} : memref<40x128xf32, #tpu.memory_space<vmem>>, vector<16xf32>,
      %parallel_loop3A_561 = arith.mulf %parallel_loop3A_438, %parallel_loop3A_412 : vector<16xf32>
      %parallel_loop3A_562 = arith.index_cast %parallel_loop3A_275 : i32 to index
      %parallel_loop3A_563 = arith.constant 64 : index
      %parallel_loop3A_564 = tpu.vector_load %arg20[%parallel_loop3A_562, %parallel_loop3A_563] {strides = array<i32>} : memref<40x128xf32, #tpu.memory_space<vmem>>, vector<16xf32>,
      tpu.vector_store %arg20[%parallel_loop3A_562, %parallel_loop3A_563], %parallel_loop3A_561 {strides = array<i32>} : memref<40x128xf32, #tpu.memory_space<vmem>>, vector<16xf32>,
      %parallel_loop3A_565 = arith.mulf %parallel_loop3A_471, %parallel_loop3A_445 : vector<16xf32>
      %parallel_loop3A_566 = arith.index_cast %parallel_loop3A_275 : i32 to index
      %parallel_loop3A_567 = arith.constant 80 : index
      %parallel_loop3A_568 = tpu.vector_load %arg20[%parallel_loop3A_566, %parallel_loop3A_567] {strides = array<i32>} : memref<40x128xf32, #tpu.memory_space<vmem>>, vector<16xf32>,
      tpu.vector_store %arg20[%parallel_loop3A_566, %parallel_loop3A_567], %parallel_loop3A_565 {strides = array<i32>} : memref<40x128xf32, #tpu.memory_space<vmem>>, vector<16xf32>,
      %parallel_loop3A_569 = arith.mulf %parallel_loop3A_504, %parallel_loop3A_478 : vector<16xf32>
      %parallel_loop3A_570 = arith.index_cast %parallel_loop3A_275 : i32 to index
      %parallel_loop3A_571 = arith.constant 96 : index
      %parallel_loop3A_572 = tpu.vector_load %arg20[%parallel_loop3A_570, %parallel_loop3A_571] {strides = array<i32>} : memref<40x128xf32, #tpu.memory_space<vmem>>, vector<16xf32>,
      tpu.vector_store %arg20[%parallel_loop3A_570, %parallel_loop3A_571], %parallel_loop3A_569 {strides = array<i32>} : memref<40x128xf32, #tpu.memory_space<vmem>>, vector<16xf32>,
      %parallel_loop3A_573 = arith.mulf %parallel_loop3A_537, %parallel_loop3A_511 : vector<16xf32>
      %parallel_loop3A_574 = arith.index_cast %parallel_loop3A_275 : i32 to index
      %parallel_loop3A_575 = arith.constant 112 : index
      %parallel_loop3A_576 = tpu.vector_load %arg20[%parallel_loop3A_574, %parallel_loop3A_575] {strides = array<i32>} : memref<40x128xf32, #tpu.memory_space<vmem>>, vector<16xf32>,
      tpu.vector_store %arg20[%parallel_loop3A_574, %parallel_loop3A_575], %parallel_loop3A_573 {strides = array<i32>} : memref<40x128xf32, #tpu.memory_space<vmem>>, vector<16xf32>,
    } {sc.loop_unroll_factor = 2 : i64, sc.parallel_access}
    %dma_wait3A_101 = arith.constant 0 : i32
    %dma_wait3A_102 = tpu.memref_slice %arg4[%dma_wait3A_101] : memref<640000xi32, #tpu.memory_space<hbm>> -> memref<40xi32, #tpu.memory_space<hbm>>
    %dma_wait3A_103 = arith.constant 0 : i32
    %dma_wait3A_104 = tpu.memref_slice %arg4[%dma_wait3A_103] : memref<640000xi32, #tpu.memory_space<hbm>> -> memref<40xi32, #tpu.memory_space<hbm>>
    tpu.wait_dma2 semaphore(%arg33 : memref<!tpu.dma_semaphore, #tpu.memory_space<semaphore_mem>>) src(%dma_wait3A_104 : memref<40xi32, #tpu.memory_space<hbm>>) dst(%arg14 : memref<40xi32, #tpu.memory_space<vmem>>)
    %dma_start3A_105 = arith.constant 0 : i32
    %dma_start3A_106 = arith.constant 0 : i32
    %dma_start3A_107 = tpu.memref_slice %arg25[%dma_start3A_105, %dma_start3A_106] : memref<10240x128xf32, #tpu.memory_space<vmem_shared>> -> memref<10240x128xf32, #tpu.memory_space<vmem_shared>>
    tpu.enqueue_indirect_dma source(%arg20 : memref<40x128xf32, #tpu.memory_space<vmem>>) target(%dma_start3A_107 : memref<10240x128xf32, #tpu.memory_space<vmem_shared>>) offsets(%arg14 : memref<40xi32, #tpu.memory_space<vmem>>) semaphore(%arg31 : memref<!tpu.dma_semaphore, #tpu.memory_space<semaphore_mem>>) {add = true}
    %dma_start3A_108 = arith.constant 0 : i32
    %dma_start3A_109 = arith.constant 0 : i32
    %dma_start3A_110 = tpu.memref_slice %arg26[%dma_start3A_108, %dma_start3A_109] : memref<10240x16xf32, #tpu.memory_space<vmem_shared>> -> memref<10240x16xf32, #tpu.memory_space<vmem_shared>>
    tpu.enqueue_indirect_dma source(%arg22 : memref<40x16xf32, #tpu.memory_space<vmem>>) target(%dma_start3A_110 : memref<10240x16xf32, #tpu.memory_space<vmem_shared>>) offsets(%arg14 : memref<40xi32, #tpu.memory_space<vmem>>) semaphore(%arg31 : memref<!tpu.dma_semaphore, #tpu.memory_space<semaphore_mem>>) {add = true}
    %dma_wait3A_111 = arith.constant 0 : i32
    %dma_wait3A_112 = tpu.memref_slice %arg4[%dma_wait3A_111] : memref<640000xi32, #tpu.memory_space<hbm>> -> memref<40xi32, #tpu.memory_space<hbm>>
    %dma_wait3A_113 = arith.constant 0 : i32
    %dma_wait3A_114 = tpu.memref_slice %arg4[%dma_wait3A_113] : memref<640000xi32, #tpu.memory_space<hbm>> -> memref<40xi32, #tpu.memory_space<hbm>>
    tpu.wait_dma2 semaphore(%arg27 : memref<!tpu.dma_semaphore, #tpu.memory_space<semaphore_mem>>) src(%dma_wait3A_114 : memref<40xi32, #tpu.memory_space<hbm>>) dst(%arg10 : memref<40xi32, #tpu.memory_space<vmem>>)
    %dma_wait3A_115 = arith.constant 0 : i32
    %dma_wait3A_116 = tpu.memref_slice %arg4[%dma_wait3A_115] : memref<640000xi32, #tpu.memory_space<hbm>> -> memref<40xi32, #tpu.memory_space<hbm>>
    %dma_wait3A_117 = arith.constant 0 : i32
    %dma_wait3A_118 = tpu.memref_slice %arg4[%dma_wait3A_117] : memref<640000xi32, #tpu.memory_space<hbm>> -> memref<40xi32, #tpu.memory_space<hbm>>
    tpu.wait_dma2 semaphore(%arg27 : memref<!tpu.dma_semaphore, #tpu.memory_space<semaphore_mem>>) src(%dma_wait3A_118 : memref<40xi32, #tpu.memory_space<hbm>>) dst(%arg12 : memref<40xi32, #tpu.memory_space<vmem>>)
    %dma_start3A_119 = arith.constant 0 : i32
    %dma_start3A_120 = arith.constant 0 : i32
    %dma_start3A_121 = tpu.memref_slice %arg2[%dma_start3A_119, %dma_start3A_120] : memref<10000x128xf32, #tpu.memory_space<hbm>> -> memref<10000x128xf32, #tpu.memory_space<hbm>>
    tpu.enqueue_indirect_dma source(%dma_start3A_121 : memref<10000x128xf32, #tpu.memory_space<hbm>>) target(%arg16 : memref<40x128xf32, #tpu.memory_space<vmem>>) offsets(%arg10 : memref<40xi32, #tpu.memory_space<vmem>>) semaphore(%arg29 : memref<!tpu.dma_semaphore, #tpu.memory_space<semaphore_mem>>)
    %dma_start3A_122 = arith.constant 0 : i32
    %dma_start3A_123 = arith.constant 0 : i32
    %dma_start3A_124 = tpu.memref_slice %arg3[%dma_start3A_122, %dma_start3A_123] : memref<10000x128xf32, #tpu.memory_space<hbm>> -> memref<10000x128xf32, #tpu.memory_space<hbm>>
    tpu.enqueue_indirect_dma source(%dma_start3A_124 : memref<10000x128xf32, #tpu.memory_space<hbm>>) target(%arg18 : memref<40x128xf32, #tpu.memory_space<vmem>>) offsets(%arg12 : memref<40xi32, #tpu.memory_space<vmem>>) semaphore(%arg29 : memref<!tpu.dma_semaphore, #tpu.memory_space<semaphore_mem>>)
    %dma_wait3A_125 = arith.constant 0 : i32
    %dma_wait3A_126 = arith.constant 0 : i32
    %dma_wait3A_127 = tpu.memref_slice %arg2[%dma_wait3A_125, %dma_wait3A_126] : memref<10000x128xf32, #tpu.memory_space<hbm>> -> memref<10000x128xf32, #tpu.memory_space<hbm>>
    tpu.wait_indirect_dma semaphore(%arg30 : memref<!tpu.dma_semaphore, #tpu.memory_space<semaphore_mem>>) src(%dma_wait3A_127 : memref<10000x128xf32, #tpu.memory_space<hbm>>) dst(%arg17 : memref<40x128xf32, #tpu.memory_space<vmem>>)
    %dma_wait3A_128 = arith.constant 0 : i32
    %dma_wait3A_129 = arith.constant 0 : i32
    %dma_wait3A_130 = tpu.memref_slice %arg3[%dma_wait3A_128, %dma_wait3A_129] : memref<10000x128xf32, #tpu.memory_space<hbm>> -> memref<10000x128xf32, #tpu.memory_space<hbm>>
    tpu.wait_indirect_dma semaphore(%arg30 : memref<!tpu.dma_semaphore, #tpu.memory_space<semaphore_mem>>) src(%dma_wait3A_130 : memref<10000x128xf32, #tpu.memory_space<hbm>>) dst(%arg19 : memref<40x128xf32, #tpu.memory_space<vmem>>)
    %add3A_131 = arith.constant 120 : i32
    %add3A_132 = arith.addi %mul3A_2, %add3A_131 : i32
    %dma_start3A_133 = tpu.memref_slice %arg4[%add3A_132] : memref<640000xi32, #tpu.memory_space<hbm>> -> memref<40xi32, #tpu.memory_space<hbm>>
    %dma_start3A_134 = tpu.memref_slice %arg4[%add3A_132] : memref<640000xi32, #tpu.memory_space<hbm>> -> memref<40xi32, #tpu.memory_space<hbm>>
    tpu.enqueue_dma source(%dma_start3A_134 : memref<40xi32, #tpu.memory_space<hbm>>) target(%arg11 : memref<40xi32, #tpu.memory_space<vmem>>) target_semaphore(%arg28 : memref<!tpu.dma_semaphore, #tpu.memory_space<semaphore_mem>>)
    %add3A_135 = arith.constant 320000 : i32
    %add3A_136 = arith.addi %add3A_135, %add3A_132 : i32
    %dma_start3A_137 = tpu.memref_slice %arg4[%add3A_136] : memref<640000xi32, #tpu.memory_space<hbm>> -> memref<40xi32, #tpu.memory_space<hbm>>
    %dma_start3A_138 = tpu.memref_slice %arg4[%add3A_136] : memref<640000xi32, #tpu.memory_space<hbm>> -> memref<40xi32, #tpu.memory_space<hbm>>
    tpu.enqueue_dma source(%dma_start3A_138 : memref<40xi32, #tpu.memory_space<hbm>>) target(%arg13 : memref<40xi32, #tpu.memory_space<vmem>>) target_semaphore(%arg28 : memref<!tpu.dma_semaphore, #tpu.memory_space<semaphore_mem>>)
    %add3A_139 = arith.constant 320000 : i32
    %add3A_140 = arith.addi %add3A_139, %mul3A_2 : i32
    %add3A_141 = arith.constant 40 : i32
    %add3A_142 = arith.addi %add3A_140, %add3A_141 : i32
    %dma_start3A_143 = tpu.memref_slice %arg4[%add3A_142] : memref<640000xi32, #tpu.memory_space<hbm>> -> memref<40xi32, #tpu.memory_space<hbm>>
    %dma_start3A_144 = tpu.memref_slice %arg4[%add3A_142] : memref<640000xi32, #tpu.memory_space<hbm>> -> memref<40xi32, #tpu.memory_space<hbm>>
    tpu.enqueue_dma source(%dma_start3A_144 : memref<40xi32, #tpu.memory_space<hbm>>) target(%arg15 : memref<40xi32, #tpu.memory_space<vmem>>) target_semaphore(%arg34 : memref<!tpu.dma_semaphore, #tpu.memory_space<semaphore_mem>>)
    %parallel_loop3A_145 = arith.constant 0 : i32
    %parallel_loop3A_146 = arith.constant 40 : i32
    %parallel_loop3A_147 = arith.constant 1 : i32
    scf.for %parallel_loop3A_275 = %parallel_loop3A_145 to %parallel_loop3A_146 step %parallel_loop3A_147  : i32 {
      %parallel_loop3A_276 = arith.constant 0.000000e+00 : f32
      %parallel_loop3A_277 = vector.broadcast %parallel_loop3A_276 : f32 to vector<16xf32>
      %parallel_loop3A_278 = arith.index_cast %parallel_loop3A_275 : i32 to index
      %parallel_loop3A_279 = arith.constant 0 : index
      %parallel_loop3A_280 = tpu.vector_load %arg17[%parallel_loop3A_278, %parallel_loop3A_279] {strides = array<i32>} : memref<40x128xf32, #tpu.memory_space<vmem>>, vector<16xf32>,
      %parallel_loop3A_281 = arith.index_cast %parallel_loop3A_275 : i32 to index
      %parallel_loop3A_282 = arith.constant 0 : index
      %parallel_loop3A_283 = tpu.vector_load %arg19[%parallel_loop3A_281, %parallel_loop3A_282] {strides = array<i32>} : memref<40x128xf32, #tpu.memory_space<vmem>>, vector<16xf32>,
      %parallel_loop3A_284 = arith.addf %parallel_loop3A_280, %parallel_loop3A_283 : vector<16xf32>
      %parallel_loop3A_285 = arith.constant 0.000000e+00 : f32
      %parallel_loop3A_286 = vector.broadcast %parallel_loop3A_285 : f32 to vector<16xf32>
      %parallel_loop3A_287 = arith.cmpf ogt, %parallel_loop3A_284, %parallel_loop3A_286 : vector<16xf32>
      %parallel_loop3A_288 = arith.constant 2.000000e-01 : f32
      %parallel_loop3A_289 = vector.broadcast %parallel_loop3A_288 : f32 to vector<16xf32>
      %parallel_loop3A_290 = arith.mulf %parallel_loop3A_289, %parallel_loop3A_284 : vector<16xf32>
      %parallel_loop3A_291 = arith.select %parallel_loop3A_287, %parallel_loop3A_284, %parallel_loop3A_290 : vector<16xi1>, vector<16xf32>
      %parallel_loop3A_292 = arith.mulf %parallel_loop3A_291, %get3A_21 : vector<16xf32>
      %parallel_loop3A_293 = arith.constant true
      %parallel_loop3A_294 = vector.broadcast %parallel_loop3A_293 : i1 to vector<16xi1>
      %parallel_loop3A_295 = tpu.scan <sum>, %parallel_loop3A_292 masked %parallel_loop3A_294 : vector<16xf32>, vector<16xi1> -> vector<16xf32>
      %parallel_loop3A_296 = arith.constant 0 : i32
      %parallel_loop3A_297 = vector.broadcast %parallel_loop3A_296 : i32 to vector<16xi32>
      %parallel_loop3A_298 = arith.cmpi slt, %broadcast_in_dim3A_3, %parallel_loop3A_297 : vector<16xi32>
      %parallel_loop3A_299 = arith.constant 16 : i32
      %parallel_loop3A_300 = vector.broadcast %parallel_loop3A_299 : i32 to vector<16xi32>
      %parallel_loop3A_301 = arith.addi %broadcast_in_dim3A_3, %parallel_loop3A_300 : vector<16xi32>
      %parallel_loop3A_302 = arith.select %parallel_loop3A_298, %parallel_loop3A_301, %broadcast_in_dim3A_3 : vector<16xi1>, vector<16xi32>
      %parallel_loop3A_303 = vector.shape_cast %parallel_loop3A_302 : vector<16xi32> to vector<16x1xi32>
      %parallel_loop3A_304 = vector.shape_cast %parallel_loop3A_303 : vector<16x1xi32> to vector<16xi32>
      %parallel_loop3A_305 = tpu.dynamic_gather %parallel_loop3A_295[%parallel_loop3A_304] in [0] : vector<16xf32>, vector<16xi32> -> vector<16xf32>
      %parallel_loop3A_306 = math.exp %parallel_loop3A_305 : vector<16xf32>
      %parallel_loop3A_307 = arith.constant 0 : i32
      %parallel_loop3A_308 = vector.broadcast %parallel_loop3A_307 : i32 to vector<16xi32>
      %parallel_loop3A_309 = arith.cmpi eq, %iota3A, %parallel_loop3A_308 : vector<16xi32>
      %parallel_loop3A_310 = arith.select %parallel_loop3A_309, %parallel_loop3A_306, %parallel_loop3A_277 : vector<16xi1>, vector<16xf32>
      %parallel_loop3A_311 = arith.index_cast %parallel_loop3A_275 : i32 to index
      %parallel_loop3A_312 = arith.constant 16 : index
      %parallel_loop3A_313 = tpu.vector_load %arg17[%parallel_loop3A_311, %parallel_loop3A_312] {strides = array<i32>} : memref<40x128xf32, #tpu.memory_space<vmem>>, vector<16xf32>,
      %parallel_loop3A_314 = arith.index_cast %parallel_loop3A_275 : i32 to index
      %parallel_loop3A_315 = arith.constant 16 : index
      %parallel_loop3A_316 = tpu.vector_load %arg19[%parallel_loop3A_314, %parallel_loop3A_315] {strides = array<i32>} : memref<40x128xf32, #tpu.memory_space<vmem>>, vector<16xf32>,
      %parallel_loop3A_317 = arith.addf %parallel_loop3A_313, %parallel_loop3A_316 : vector<16xf32>
      %parallel_loop3A_318 = arith.constant 0.000000e+00 : f32
      %parallel_loop3A_319 = vector.broadcast %parallel_loop3A_318 : f32 to vector<16xf32>
      %parallel_loop3A_320 = arith.cmpf ogt, %parallel_loop3A_317, %parallel_loop3A_319 : vector<16xf32>
      %parallel_loop3A_321 = arith.constant 2.000000e-01 : f32
      %parallel_loop3A_322 = vector.broadcast %parallel_loop3A_321 : f32 to vector<16xf32>
      %parallel_loop3A_323 = arith.mulf %parallel_loop3A_322, %parallel_loop3A_317 : vector<16xf32>
      %parallel_loop3A_324 = arith.select %parallel_loop3A_320, %parallel_loop3A_317, %parallel_loop3A_323 : vector<16xi1>, vector<16xf32>
      %parallel_loop3A_325 = arith.mulf %parallel_loop3A_324, %get3A_25 : vector<16xf32>
      %parallel_loop3A_326 = arith.constant true
      %parallel_loop3A_327 = vector.broadcast %parallel_loop3A_326 : i1 to vector<16xi1>
      %parallel_loop3A_328 = tpu.scan <sum>, %parallel_loop3A_325 masked %parallel_loop3A_327 : vector<16xf32>, vector<16xi1> -> vector<16xf32>
      %parallel_loop3A_329 = arith.constant 0 : i32
      %parallel_loop3A_330 = vector.broadcast %parallel_loop3A_329 : i32 to vector<16xi32>
      %parallel_loop3A_331 = arith.cmpi slt, %broadcast_in_dim3A_3, %parallel_loop3A_330 : vector<16xi32>
      %parallel_loop3A_332 = arith.constant 16 : i32
      %parallel_loop3A_333 = vector.broadcast %parallel_loop3A_332 : i32 to vector<16xi32>
      %parallel_loop3A_334 = arith.addi %broadcast_in_dim3A_3, %parallel_loop3A_333 : vector<16xi32>
      %parallel_loop3A_335 = arith.select %parallel_loop3A_331, %parallel_loop3A_334, %broadcast_in_dim3A_3 : vector<16xi1>, vector<16xi32>
      %parallel_loop3A_336 = vector.shape_cast %parallel_loop3A_335 : vector<16xi32> to vector<16x1xi32>
      %parallel_loop3A_337 = vector.shape_cast %parallel_loop3A_336 : vector<16x1xi32> to vector<16xi32>
      %parallel_loop3A_338 = tpu.dynamic_gather %parallel_loop3A_328[%parallel_loop3A_337] in [0] : vector<16xf32>, vector<16xi32> -> vector<16xf32>
      %parallel_loop3A_339 = math.exp %parallel_loop3A_338 : vector<16xf32>
      %parallel_loop3A_340 = arith.constant 1 : i32
      %parallel_loop3A_341 = vector.broadcast %parallel_loop3A_340 : i32 to vector<16xi32>
      %parallel_loop3A_342 = arith.cmpi eq, %iota3A, %parallel_loop3A_341 : vector<16xi32>
      %parallel_loop3A_343 = arith.select %parallel_loop3A_342, %parallel_loop3A_339, %parallel_loop3A_310 : vector<16xi1>, vector<16xf32>
      %parallel_loop3A_344 = arith.index_cast %parallel_loop3A_275 : i32 to index
      %parallel_loop3A_345 = arith.constant 32 : index
      %parallel_loop3A_346 = tpu.vector_load %arg17[%parallel_loop3A_344, %parallel_loop3A_345] {strides = array<i32>} : memref<40x128xf32, #tpu.memory_space<vmem>>, vector<16xf32>,
      %parallel_loop3A_347 = arith.index_cast %parallel_loop3A_275 : i32 to index
      %parallel_loop3A_348 = arith.constant 32 : index
      %parallel_loop3A_349 = tpu.vector_load %arg19[%parallel_loop3A_347, %parallel_loop3A_348] {strides = array<i32>} : memref<40x128xf32, #tpu.memory_space<vmem>>, vector<16xf32>,
      %parallel_loop3A_350 = arith.addf %parallel_loop3A_346, %parallel_loop3A_349 : vector<16xf32>
      %parallel_loop3A_351 = arith.constant 0.000000e+00 : f32
      %parallel_loop3A_352 = vector.broadcast %parallel_loop3A_351 : f32 to vector<16xf32>
      %parallel_loop3A_353 = arith.cmpf ogt, %parallel_loop3A_350, %parallel_loop3A_352 : vector<16xf32>
      %parallel_loop3A_354 = arith.constant 2.000000e-01 : f32
      %parallel_loop3A_355 = vector.broadcast %parallel_loop3A_354 : f32 to vector<16xf32>
      %parallel_loop3A_356 = arith.mulf %parallel_loop3A_355, %parallel_loop3A_350 : vector<16xf32>
      %parallel_loop3A_357 = arith.select %parallel_loop3A_353, %parallel_loop3A_350, %parallel_loop3A_356 : vector<16xi1>, vector<16xf32>
      %parallel_loop3A_358 = arith.mulf %parallel_loop3A_357, %get3A_29 : vector<16xf32>
      %parallel_loop3A_359 = arith.constant true
      %parallel_loop3A_360 = vector.broadcast %parallel_loop3A_359 : i1 to vector<16xi1>
      %parallel_loop3A_361 = tpu.scan <sum>, %parallel_loop3A_358 masked %parallel_loop3A_360 : vector<16xf32>, vector<16xi1> -> vector<16xf32>
      %parallel_loop3A_362 = arith.constant 0 : i32
      %parallel_loop3A_363 = vector.broadcast %parallel_loop3A_362 : i32 to vector<16xi32>
      %parallel_loop3A_364 = arith.cmpi slt, %broadcast_in_dim3A_3, %parallel_loop3A_363 : vector<16xi32>
      %parallel_loop3A_365 = arith.constant 16 : i32
      %parallel_loop3A_366 = vector.broadcast %parallel_loop3A_365 : i32 to vector<16xi32>
      %parallel_loop3A_367 = arith.addi %broadcast_in_dim3A_3, %parallel_loop3A_366 : vector<16xi32>
      %parallel_loop3A_368 = arith.select %parallel_loop3A_364, %parallel_loop3A_367, %broadcast_in_dim3A_3 : vector<16xi1>, vector<16xi32>
      %parallel_loop3A_369 = vector.shape_cast %parallel_loop3A_368 : vector<16xi32> to vector<16x1xi32>
      %parallel_loop3A_370 = vector.shape_cast %parallel_loop3A_369 : vector<16x1xi32> to vector<16xi32>
      %parallel_loop3A_371 = tpu.dynamic_gather %parallel_loop3A_361[%parallel_loop3A_370] in [0] : vector<16xf32>, vector<16xi32> -> vector<16xf32>
      %parallel_loop3A_372 = math.exp %parallel_loop3A_371 : vector<16xf32>
      %parallel_loop3A_373 = arith.constant 2 : i32
      %parallel_loop3A_374 = vector.broadcast %parallel_loop3A_373 : i32 to vector<16xi32>
      %parallel_loop3A_375 = arith.cmpi eq, %iota3A, %parallel_loop3A_374 : vector<16xi32>
      %parallel_loop3A_376 = arith.select %parallel_loop3A_375, %parallel_loop3A_372, %parallel_loop3A_343 : vector<16xi1>, vector<16xf32>
      %parallel_loop3A_377 = arith.index_cast %parallel_loop3A_275 : i32 to index
      %parallel_loop3A_378 = arith.constant 48 : index
      %parallel_loop3A_379 = tpu.vector_load %arg17[%parallel_loop3A_377, %parallel_loop3A_378] {strides = array<i32>} : memref<40x128xf32, #tpu.memory_space<vmem>>, vector<16xf32>,
      %parallel_loop3A_380 = arith.index_cast %parallel_loop3A_275 : i32 to index
      %parallel_loop3A_381 = arith.constant 48 : index
      %parallel_loop3A_382 = tpu.vector_load %arg19[%parallel_loop3A_380, %parallel_loop3A_381] {strides = array<i32>} : memref<40x128xf32, #tpu.memory_space<vmem>>, vector<16xf32>,
      %parallel_loop3A_383 = arith.addf %parallel_loop3A_379, %parallel_loop3A_382 : vector<16xf32>
      %parallel_loop3A_384 = arith.constant 0.000000e+00 : f32
      %parallel_loop3A_385 = vector.broadcast %parallel_loop3A_384 : f32 to vector<16xf32>
      %parallel_loop3A_386 = arith.cmpf ogt, %parallel_loop3A_383, %parallel_loop3A_385 : vector<16xf32>
      %parallel_loop3A_387 = arith.constant 2.000000e-01 : f32
      %parallel_loop3A_388 = vector.broadcast %parallel_loop3A_387 : f32 to vector<16xf32>
      %parallel_loop3A_389 = arith.mulf %parallel_loop3A_388, %parallel_loop3A_383 : vector<16xf32>
      %parallel_loop3A_390 = arith.select %parallel_loop3A_386, %parallel_loop3A_383, %parallel_loop3A_389 : vector<16xi1>, vector<16xf32>
      %parallel_loop3A_391 = arith.mulf %parallel_loop3A_390, %get3A_33 : vector<16xf32>
      %parallel_loop3A_392 = arith.constant true
      %parallel_loop3A_393 = vector.broadcast %parallel_loop3A_392 : i1 to vector<16xi1>
      %parallel_loop3A_394 = tpu.scan <sum>, %parallel_loop3A_391 masked %parallel_loop3A_393 : vector<16xf32>, vector<16xi1> -> vector<16xf32>
      %parallel_loop3A_395 = arith.constant 0 : i32
      %parallel_loop3A_396 = vector.broadcast %parallel_loop3A_395 : i32 to vector<16xi32>
      %parallel_loop3A_397 = arith.cmpi slt, %broadcast_in_dim3A_3, %parallel_loop3A_396 : vector<16xi32>
      %parallel_loop3A_398 = arith.constant 16 : i32
      %parallel_loop3A_399 = vector.broadcast %parallel_loop3A_398 : i32 to vector<16xi32>
      %parallel_loop3A_400 = arith.addi %broadcast_in_dim3A_3, %parallel_loop3A_399 : vector<16xi32>
      %parallel_loop3A_401 = arith.select %parallel_loop3A_397, %parallel_loop3A_400, %broadcast_in_dim3A_3 : vector<16xi1>, vector<16xi32>
      %parallel_loop3A_402 = vector.shape_cast %parallel_loop3A_401 : vector<16xi32> to vector<16x1xi32>
      %parallel_loop3A_403 = vector.shape_cast %parallel_loop3A_402 : vector<16x1xi32> to vector<16xi32>
      %parallel_loop3A_404 = tpu.dynamic_gather %parallel_loop3A_394[%parallel_loop3A_403] in [0] : vector<16xf32>, vector<16xi32> -> vector<16xf32>
      %parallel_loop3A_405 = math.exp %parallel_loop3A_404 : vector<16xf32>
      %parallel_loop3A_406 = arith.constant 3 : i32
      %parallel_loop3A_407 = vector.broadcast %parallel_loop3A_406 : i32 to vector<16xi32>
      %parallel_loop3A_408 = arith.cmpi eq, %iota3A, %parallel_loop3A_407 : vector<16xi32>
      %parallel_loop3A_409 = arith.select %parallel_loop3A_408, %parallel_loop3A_405, %parallel_loop3A_376 : vector<16xi1>, vector<16xf32>
      %parallel_loop3A_410 = arith.index_cast %parallel_loop3A_275 : i32 to index
      %parallel_loop3A_411 = arith.constant 64 : index
      %parallel_loop3A_412 = tpu.vector_load %arg17[%parallel_loop3A_410, %parallel_loop3A_411] {strides = array<i32>} : memref<40x128xf32, #tpu.memory_space<vmem>>, vector<16xf32>,
      %parallel_loop3A_413 = arith.index_cast %parallel_loop3A_275 : i32 to index
      %parallel_loop3A_414 = arith.constant 64 : index
      %parallel_loop3A_415 = tpu.vector_load %arg19[%parallel_loop3A_413, %parallel_loop3A_414] {strides = array<i32>} : memref<40x128xf32, #tpu.memory_space<vmem>>, vector<16xf32>,
      %parallel_loop3A_416 = arith.addf %parallel_loop3A_412, %parallel_loop3A_415 : vector<16xf32>
      %parallel_loop3A_417 = arith.constant 0.000000e+00 : f32
      %parallel_loop3A_418 = vector.broadcast %parallel_loop3A_417 : f32 to vector<16xf32>
      %parallel_loop3A_419 = arith.cmpf ogt, %parallel_loop3A_416, %parallel_loop3A_418 : vector<16xf32>
      %parallel_loop3A_420 = arith.constant 2.000000e-01 : f32
      %parallel_loop3A_421 = vector.broadcast %parallel_loop3A_420 : f32 to vector<16xf32>
      %parallel_loop3A_422 = arith.mulf %parallel_loop3A_421, %parallel_loop3A_416 : vector<16xf32>
      %parallel_loop3A_423 = arith.select %parallel_loop3A_419, %parallel_loop3A_416, %parallel_loop3A_422 : vector<16xi1>, vector<16xf32>
      %parallel_loop3A_424 = arith.mulf %parallel_loop3A_423, %get3A_37 : vector<16xf32>
      %parallel_loop3A_425 = arith.constant true
      %parallel_loop3A_426 = vector.broadcast %parallel_loop3A_425 : i1 to vector<16xi1>
      %parallel_loop3A_427 = tpu.scan <sum>, %parallel_loop3A_424 masked %parallel_loop3A_426 : vector<16xf32>, vector<16xi1> -> vector<16xf32>
      %parallel_loop3A_428 = arith.constant 0 : i32
      %parallel_loop3A_429 = vector.broadcast %parallel_loop3A_428 : i32 to vector<16xi32>
      %parallel_loop3A_430 = arith.cmpi slt, %broadcast_in_dim3A_3, %parallel_loop3A_429 : vector<16xi32>
      %parallel_loop3A_431 = arith.constant 16 : i32
      %parallel_loop3A_432 = vector.broadcast %parallel_loop3A_431 : i32 to vector<16xi32>
      %parallel_loop3A_433 = arith.addi %broadcast_in_dim3A_3, %parallel_loop3A_432 : vector<16xi32>
      %parallel_loop3A_434 = arith.select %parallel_loop3A_430, %parallel_loop3A_433, %broadcast_in_dim3A_3 : vector<16xi1>, vector<16xi32>
      %parallel_loop3A_435 = vector.shape_cast %parallel_loop3A_434 : vector<16xi32> to vector<16x1xi32>
      %parallel_loop3A_436 = vector.shape_cast %parallel_loop3A_435 : vector<16x1xi32> to vector<16xi32>
      %parallel_loop3A_437 = tpu.dynamic_gather %parallel_loop3A_427[%parallel_loop3A_436] in [0] : vector<16xf32>, vector<16xi32> -> vector<16xf32>
      %parallel_loop3A_438 = math.exp %parallel_loop3A_437 : vector<16xf32>
      %parallel_loop3A_439 = arith.constant 4 : i32
      %parallel_loop3A_440 = vector.broadcast %parallel_loop3A_439 : i32 to vector<16xi32>
      %parallel_loop3A_441 = arith.cmpi eq, %iota3A, %parallel_loop3A_440 : vector<16xi32>
      %parallel_loop3A_442 = arith.select %parallel_loop3A_441, %parallel_loop3A_438, %parallel_loop3A_409 : vector<16xi1>, vector<16xf32>
      %parallel_loop3A_443 = arith.index_cast %parallel_loop3A_275 : i32 to index
      %parallel_loop3A_444 = arith.constant 80 : index
      %parallel_loop3A_445 = tpu.vector_load %arg17[%parallel_loop3A_443, %parallel_loop3A_444] {strides = array<i32>} : memref<40x128xf32, #tpu.memory_space<vmem>>, vector<16xf32>,
      %parallel_loop3A_446 = arith.index_cast %parallel_loop3A_275 : i32 to index
      %parallel_loop3A_447 = arith.constant 80 : index
      %parallel_loop3A_448 = tpu.vector_load %arg19[%parallel_loop3A_446, %parallel_loop3A_447] {strides = array<i32>} : memref<40x128xf32, #tpu.memory_space<vmem>>, vector<16xf32>,
      %parallel_loop3A_449 = arith.addf %parallel_loop3A_445, %parallel_loop3A_448 : vector<16xf32>
      %parallel_loop3A_450 = arith.constant 0.000000e+00 : f32
      %parallel_loop3A_451 = vector.broadcast %parallel_loop3A_450 : f32 to vector<16xf32>
      %parallel_loop3A_452 = arith.cmpf ogt, %parallel_loop3A_449, %parallel_loop3A_451 : vector<16xf32>
      %parallel_loop3A_453 = arith.constant 2.000000e-01 : f32
      %parallel_loop3A_454 = vector.broadcast %parallel_loop3A_453 : f32 to vector<16xf32>
      %parallel_loop3A_455 = arith.mulf %parallel_loop3A_454, %parallel_loop3A_449 : vector<16xf32>
      %parallel_loop3A_456 = arith.select %parallel_loop3A_452, %parallel_loop3A_449, %parallel_loop3A_455 : vector<16xi1>, vector<16xf32>
      %parallel_loop3A_457 = arith.mulf %parallel_loop3A_456, %get3A_41 : vector<16xf32>
      %parallel_loop3A_458 = arith.constant true
      %parallel_loop3A_459 = vector.broadcast %parallel_loop3A_458 : i1 to vector<16xi1>
      %parallel_loop3A_460 = tpu.scan <sum>, %parallel_loop3A_457 masked %parallel_loop3A_459 : vector<16xf32>, vector<16xi1> -> vector<16xf32>
      %parallel_loop3A_461 = arith.constant 0 : i32
      %parallel_loop3A_462 = vector.broadcast %parallel_loop3A_461 : i32 to vector<16xi32>
      %parallel_loop3A_463 = arith.cmpi slt, %broadcast_in_dim3A_3, %parallel_loop3A_462 : vector<16xi32>
      %parallel_loop3A_464 = arith.constant 16 : i32
      %parallel_loop3A_465 = vector.broadcast %parallel_loop3A_464 : i32 to vector<16xi32>
      %parallel_loop3A_466 = arith.addi %broadcast_in_dim3A_3, %parallel_loop3A_465 : vector<16xi32>
      %parallel_loop3A_467 = arith.select %parallel_loop3A_463, %parallel_loop3A_466, %broadcast_in_dim3A_3 : vector<16xi1>, vector<16xi32>
      %parallel_loop3A_468 = vector.shape_cast %parallel_loop3A_467 : vector<16xi32> to vector<16x1xi32>
      %parallel_loop3A_469 = vector.shape_cast %parallel_loop3A_468 : vector<16x1xi32> to vector<16xi32>
      %parallel_loop3A_470 = tpu.dynamic_gather %parallel_loop3A_460[%parallel_loop3A_469] in [0] : vector<16xf32>, vector<16xi32> -> vector<16xf32>
      %parallel_loop3A_471 = math.exp %parallel_loop3A_470 : vector<16xf32>
      %parallel_loop3A_472 = arith.constant 5 : i32
      %parallel_loop3A_473 = vector.broadcast %parallel_loop3A_472 : i32 to vector<16xi32>
      %parallel_loop3A_474 = arith.cmpi eq, %iota3A, %parallel_loop3A_473 : vector<16xi32>
      %parallel_loop3A_475 = arith.select %parallel_loop3A_474, %parallel_loop3A_471, %parallel_loop3A_442 : vector<16xi1>, vector<16xf32>
      %parallel_loop3A_476 = arith.index_cast %parallel_loop3A_275 : i32 to index
      %parallel_loop3A_477 = arith.constant 96 : index
      %parallel_loop3A_478 = tpu.vector_load %arg17[%parallel_loop3A_476, %parallel_loop3A_477] {strides = array<i32>} : memref<40x128xf32, #tpu.memory_space<vmem>>, vector<16xf32>,
      %parallel_loop3A_479 = arith.index_cast %parallel_loop3A_275 : i32 to index
      %parallel_loop3A_480 = arith.constant 96 : index
      %parallel_loop3A_481 = tpu.vector_load %arg19[%parallel_loop3A_479, %parallel_loop3A_480] {strides = array<i32>} : memref<40x128xf32, #tpu.memory_space<vmem>>, vector<16xf32>,
      %parallel_loop3A_482 = arith.addf %parallel_loop3A_478, %parallel_loop3A_481 : vector<16xf32>
      %parallel_loop3A_483 = arith.constant 0.000000e+00 : f32
      %parallel_loop3A_484 = vector.broadcast %parallel_loop3A_483 : f32 to vector<16xf32>
      %parallel_loop3A_485 = arith.cmpf ogt, %parallel_loop3A_482, %parallel_loop3A_484 : vector<16xf32>
      %parallel_loop3A_486 = arith.constant 2.000000e-01 : f32
      %parallel_loop3A_487 = vector.broadcast %parallel_loop3A_486 : f32 to vector<16xf32>
      %parallel_loop3A_488 = arith.mulf %parallel_loop3A_487, %parallel_loop3A_482 : vector<16xf32>
      %parallel_loop3A_489 = arith.select %parallel_loop3A_485, %parallel_loop3A_482, %parallel_loop3A_488 : vector<16xi1>, vector<16xf32>
      %parallel_loop3A_490 = arith.mulf %parallel_loop3A_489, %get3A_45 : vector<16xf32>
      %parallel_loop3A_491 = arith.constant true
      %parallel_loop3A_492 = vector.broadcast %parallel_loop3A_491 : i1 to vector<16xi1>
      %parallel_loop3A_493 = tpu.scan <sum>, %parallel_loop3A_490 masked %parallel_loop3A_492 : vector<16xf32>, vector<16xi1> -> vector<16xf32>
      %parallel_loop3A_494 = arith.constant 0 : i32
      %parallel_loop3A_495 = vector.broadcast %parallel_loop3A_494 : i32 to vector<16xi32>
      %parallel_loop3A_496 = arith.cmpi slt, %broadcast_in_dim3A_3, %parallel_loop3A_495 : vector<16xi32>
      %parallel_loop3A_497 = arith.constant 16 : i32
      %parallel_loop3A_498 = vector.broadcast %parallel_loop3A_497 : i32 to vector<16xi32>
      %parallel_loop3A_499 = arith.addi %broadcast_in_dim3A_3, %parallel_loop3A_498 : vector<16xi32>
      %parallel_loop3A_500 = arith.select %parallel_loop3A_496, %parallel_loop3A_499, %broadcast_in_dim3A_3 : vector<16xi1>, vector<16xi32>
      %parallel_loop3A_501 = vector.shape_cast %parallel_loop3A_500 : vector<16xi32> to vector<16x1xi32>
      %parallel_loop3A_502 = vector.shape_cast %parallel_loop3A_501 : vector<16x1xi32> to vector<16xi32>
      %parallel_loop3A_503 = tpu.dynamic_gather %parallel_loop3A_493[%parallel_loop3A_502] in [0] : vector<16xf32>, vector<16xi32> -> vector<16xf32>
      %parallel_loop3A_504 = math.exp %parallel_loop3A_503 : vector<16xf32>
      %parallel_loop3A_505 = arith.constant 6 : i32
      %parallel_loop3A_506 = vector.broadcast %parallel_loop3A_505 : i32 to vector<16xi32>
      %parallel_loop3A_507 = arith.cmpi eq, %iota3A, %parallel_loop3A_506 : vector<16xi32>
      %parallel_loop3A_508 = arith.select %parallel_loop3A_507, %parallel_loop3A_504, %parallel_loop3A_475 : vector<16xi1>, vector<16xf32>
      %parallel_loop3A_509 = arith.index_cast %parallel_loop3A_275 : i32 to index
      %parallel_loop3A_510 = arith.constant 112 : index
      %parallel_loop3A_511 = tpu.vector_load %arg17[%parallel_loop3A_509, %parallel_loop3A_510] {strides = array<i32>} : memref<40x128xf32, #tpu.memory_space<vmem>>, vector<16xf32>,
      %parallel_loop3A_512 = arith.index_cast %parallel_loop3A_275 : i32 to index
      %parallel_loop3A_513 = arith.constant 112 : index
      %parallel_loop3A_514 = tpu.vector_load %arg19[%parallel_loop3A_512, %parallel_loop3A_513] {strides = array<i32>} : memref<40x128xf32, #tpu.memory_space<vmem>>, vector<16xf32>,
      %parallel_loop3A_515 = arith.addf %parallel_loop3A_511, %parallel_loop3A_514 : vector<16xf32>
      %parallel_loop3A_516 = arith.constant 0.000000e+00 : f32
      %parallel_loop3A_517 = vector.broadcast %parallel_loop3A_516 : f32 to vector<16xf32>
      %parallel_loop3A_518 = arith.cmpf ogt, %parallel_loop3A_515, %parallel_loop3A_517 : vector<16xf32>
      %parallel_loop3A_519 = arith.constant 2.000000e-01 : f32
      %parallel_loop3A_520 = vector.broadcast %parallel_loop3A_519 : f32 to vector<16xf32>
      %parallel_loop3A_521 = arith.mulf %parallel_loop3A_520, %parallel_loop3A_515 : vector<16xf32>
      %parallel_loop3A_522 = arith.select %parallel_loop3A_518, %parallel_loop3A_515, %parallel_loop3A_521 : vector<16xi1>, vector<16xf32>
      %parallel_loop3A_523 = arith.mulf %parallel_loop3A_522, %get3A_49 : vector<16xf32>
      %parallel_loop3A_524 = arith.constant true
      %parallel_loop3A_525 = vector.broadcast %parallel_loop3A_524 : i1 to vector<16xi1>
      %parallel_loop3A_526 = tpu.scan <sum>, %parallel_loop3A_523 masked %parallel_loop3A_525 : vector<16xf32>, vector<16xi1> -> vector<16xf32>
      %parallel_loop3A_527 = arith.constant 0 : i32
      %parallel_loop3A_528 = vector.broadcast %parallel_loop3A_527 : i32 to vector<16xi32>
      %parallel_loop3A_529 = arith.cmpi slt, %broadcast_in_dim3A_3, %parallel_loop3A_528 : vector<16xi32>
      %parallel_loop3A_530 = arith.constant 16 : i32
      %parallel_loop3A_531 = vector.broadcast %parallel_loop3A_530 : i32 to vector<16xi32>
      %parallel_loop3A_532 = arith.addi %broadcast_in_dim3A_3, %parallel_loop3A_531 : vector<16xi32>
      %parallel_loop3A_533 = arith.select %parallel_loop3A_529, %parallel_loop3A_532, %broadcast_in_dim3A_3 : vector<16xi1>, vector<16xi32>
      %parallel_loop3A_534 = vector.shape_cast %parallel_loop3A_533 : vector<16xi32> to vector<16x1xi32>
      %parallel_loop3A_535 = vector.shape_cast %parallel_loop3A_534 : vector<16x1xi32> to vector<16xi32>
      %parallel_loop3A_536 = tpu.dynamic_gather %parallel_loop3A_526[%parallel_loop3A_535] in [0] : vector<16xf32>, vector<16xi32> -> vector<16xf32>
      %parallel_loop3A_537 = math.exp %parallel_loop3A_536 : vector<16xf32>
      %parallel_loop3A_538 = arith.constant 7 : i32
      %parallel_loop3A_539 = vector.broadcast %parallel_loop3A_538 : i32 to vector<16xi32>
      %parallel_loop3A_540 = arith.cmpi eq, %iota3A, %parallel_loop3A_539 : vector<16xi32>
      %parallel_loop3A_541 = arith.select %parallel_loop3A_540, %parallel_loop3A_537, %parallel_loop3A_508 : vector<16xi1>, vector<16xf32>
      %parallel_loop3A_542 = arith.index_cast %parallel_loop3A_275 : i32 to index
      %parallel_loop3A_543 = arith.constant 0 : index
      %parallel_loop3A_544 = tpu.vector_load %arg23[%parallel_loop3A_542, %parallel_loop3A_543] {strides = array<i32>} : memref<40x16xf32, #tpu.memory_space<vmem>>, vector<16xf32>,
      tpu.vector_store %arg23[%parallel_loop3A_542, %parallel_loop3A_543], %parallel_loop3A_541 {strides = array<i32>} : memref<40x16xf32, #tpu.memory_space<vmem>>, vector<16xf32>,
      %parallel_loop3A_545 = arith.mulf %parallel_loop3A_306, %parallel_loop3A_280 : vector<16xf32>
      %parallel_loop3A_546 = arith.index_cast %parallel_loop3A_275 : i32 to index
      %parallel_loop3A_547 = arith.constant 0 : index
      %parallel_loop3A_548 = tpu.vector_load %arg21[%parallel_loop3A_546, %parallel_loop3A_547] {strides = array<i32>} : memref<40x128xf32, #tpu.memory_space<vmem>>, vector<16xf32>,
      tpu.vector_store %arg21[%parallel_loop3A_546, %parallel_loop3A_547], %parallel_loop3A_545 {strides = array<i32>} : memref<40x128xf32, #tpu.memory_space<vmem>>, vector<16xf32>,
      %parallel_loop3A_549 = arith.mulf %parallel_loop3A_339, %parallel_loop3A_313 : vector<16xf32>
      %parallel_loop3A_550 = arith.index_cast %parallel_loop3A_275 : i32 to index
      %parallel_loop3A_551 = arith.constant 16 : index
      %parallel_loop3A_552 = tpu.vector_load %arg21[%parallel_loop3A_550, %parallel_loop3A_551] {strides = array<i32>} : memref<40x128xf32, #tpu.memory_space<vmem>>, vector<16xf32>,
      tpu.vector_store %arg21[%parallel_loop3A_550, %parallel_loop3A_551], %parallel_loop3A_549 {strides = array<i32>} : memref<40x128xf32, #tpu.memory_space<vmem>>, vector<16xf32>,
      %parallel_loop3A_553 = arith.mulf %parallel_loop3A_372, %parallel_loop3A_346 : vector<16xf32>
      %parallel_loop3A_554 = arith.index_cast %parallel_loop3A_275 : i32 to index
      %parallel_loop3A_555 = arith.constant 32 : index
      %parallel_loop3A_556 = tpu.vector_load %arg21[%parallel_loop3A_554, %parallel_loop3A_555] {strides = array<i32>} : memref<40x128xf32, #tpu.memory_space<vmem>>, vector<16xf32>,
      tpu.vector_store %arg21[%parallel_loop3A_554, %parallel_loop3A_555], %parallel_loop3A_553 {strides = array<i32>} : memref<40x128xf32, #tpu.memory_space<vmem>>, vector<16xf32>,
      %parallel_loop3A_557 = arith.mulf %parallel_loop3A_405, %parallel_loop3A_379 : vector<16xf32>
      %parallel_loop3A_558 = arith.index_cast %parallel_loop3A_275 : i32 to index
      %parallel_loop3A_559 = arith.constant 48 : index
      %parallel_loop3A_560 = tpu.vector_load %arg21[%parallel_loop3A_558, %parallel_loop3A_559] {strides = array<i32>} : memref<40x128xf32, #tpu.memory_space<vmem>>, vector<16xf32>,
      tpu.vector_store %arg21[%parallel_loop3A_558, %parallel_loop3A_559], %parallel_loop3A_557 {strides = array<i32>} : memref<40x128xf32, #tpu.memory_space<vmem>>, vector<16xf32>,
      %parallel_loop3A_561 = arith.mulf %parallel_loop3A_438, %parallel_loop3A_412 : vector<16xf32>
      %parallel_loop3A_562 = arith.index_cast %parallel_loop3A_275 : i32 to index
      %parallel_loop3A_563 = arith.constant 64 : index
      %parallel_loop3A_564 = tpu.vector_load %arg21[%parallel_loop3A_562, %parallel_loop3A_563] {strides = array<i32>} : memref<40x128xf32, #tpu.memory_space<vmem>>, vector<16xf32>,
      tpu.vector_store %arg21[%parallel_loop3A_562, %parallel_loop3A_563], %parallel_loop3A_561 {strides = array<i32>} : memref<40x128xf32, #tpu.memory_space<vmem>>, vector<16xf32>,
      %parallel_loop3A_565 = arith.mulf %parallel_loop3A_471, %parallel_loop3A_445 : vector<16xf32>
      %parallel_loop3A_566 = arith.index_cast %parallel_loop3A_275 : i32 to index
      %parallel_loop3A_567 = arith.constant 80 : index
      %parallel_loop3A_568 = tpu.vector_load %arg21[%parallel_loop3A_566, %parallel_loop3A_567] {strides = array<i32>} : memref<40x128xf32, #tpu.memory_space<vmem>>, vector<16xf32>,
      tpu.vector_store %arg21[%parallel_loop3A_566, %parallel_loop3A_567], %parallel_loop3A_565 {strides = array<i32>} : memref<40x128xf32, #tpu.memory_space<vmem>>, vector<16xf32>,
      %parallel_loop3A_569 = arith.mulf %parallel_loop3A_504, %parallel_loop3A_478 : vector<16xf32>
      %parallel_loop3A_570 = arith.index_cast %parallel_loop3A_275 : i32 to index
      %parallel_loop3A_571 = arith.constant 96 : index
      %parallel_loop3A_572 = tpu.vector_load %arg21[%parallel_loop3A_570, %parallel_loop3A_571] {strides = array<i32>} : memref<40x128xf32, #tpu.memory_space<vmem>>, vector<16xf32>,
      tpu.vector_store %arg21[%parallel_loop3A_570, %parallel_loop3A_571], %parallel_loop3A_569 {strides = array<i32>} : memref<40x128xf32, #tpu.memory_space<vmem>>, vector<16xf32>,
      %parallel_loop3A_573 = arith.mulf %parallel_loop3A_537, %parallel_loop3A_511 : vector<16xf32>
      %parallel_loop3A_574 = arith.index_cast %parallel_loop3A_275 : i32 to index
      %parallel_loop3A_575 = arith.constant 112 : index
      %parallel_loop3A_576 = tpu.vector_load %arg21[%parallel_loop3A_574, %parallel_loop3A_575] {strides = array<i32>} : memref<40x128xf32, #tpu.memory_space<vmem>>, vector<16xf32>,
      tpu.vector_store %arg21[%parallel_loop3A_574, %parallel_loop3A_575], %parallel_loop3A_573 {strides = array<i32>} : memref<40x128xf32, #tpu.memory_space<vmem>>, vector<16xf32>,
    } {sc.loop_unroll_factor = 2 : i64, sc.parallel_access}
    %dma_wait3A_148 = arith.constant 0 : i32
    %dma_wait3A_149 = tpu.memref_slice %arg4[%dma_wait3A_148] : memref<640000xi32, #tpu.memory_space<hbm>> -> memref<40xi32, #tpu.memory_space<hbm>>
    %dma_wait3A_150 = arith.constant 0 : i32
    %dma_wait3A_151 = tpu.memref_slice %arg4[%dma_wait3A_150] : memref<640000xi32, #tpu.memory_space<hbm>> -> memref<40xi32, #tpu.memory_space<hbm>>
    tpu.wait_dma2 semaphore(%arg34 : memref<!tpu.dma_semaphore, #tpu.memory_space<semaphore_mem>>) src(%dma_wait3A_151 : memref<40xi32, #tpu.memory_space<hbm>>) dst(%arg15 : memref<40xi32, #tpu.memory_space<vmem>>)
    %dma_start3A_152 = arith.constant 0 : i32
    %dma_start3A_153 = arith.constant 0 : i32
    %dma_start3A_154 = tpu.memref_slice %arg25[%dma_start3A_152, %dma_start3A_153] : memref<10240x128xf32, #tpu.memory_space<vmem_shared>> -> memref<10240x128xf32, #tpu.memory_space<vmem_shared>>
    tpu.enqueue_indirect_dma source(%arg21 : memref<40x128xf32, #tpu.memory_space<vmem>>) target(%dma_start3A_154 : memref<10240x128xf32, #tpu.memory_space<vmem_shared>>) offsets(%arg15 : memref<40xi32, #tpu.memory_space<vmem>>) semaphore(%arg32 : memref<!tpu.dma_semaphore, #tpu.memory_space<semaphore_mem>>) {add = true}
    %dma_start3A_155 = arith.constant 0 : i32
    %dma_start3A_156 = arith.constant 0 : i32
    %dma_start3A_157 = tpu.memref_slice %arg26[%dma_start3A_155, %dma_start3A_156] : memref<10240x16xf32, #tpu.memory_space<vmem_shared>> -> memref<10240x16xf32, #tpu.memory_space<vmem_shared>>
    tpu.enqueue_indirect_dma source(%arg23 : memref<40x16xf32, #tpu.memory_space<vmem>>) target(%dma_start3A_157 : memref<10240x16xf32, #tpu.memory_space<vmem_shared>>) offsets(%arg15 : memref<40xi32, #tpu.memory_space<vmem>>) semaphore(%arg32 : memref<!tpu.dma_semaphore, #tpu.memory_space<semaphore_mem>>) {add = true}
    %scan3A = arith.constant 1 : i32
    %scan3A_158 = arith.constant 123 : i32
    %scan3A_159 = arith.addi %scan3A, %scan3A_158 : i32
    %scan3A_160 = arith.constant 1 : i32
    scf.for %scan3A_275 = %scan3A to %scan3A_159 step %scan3A_160  : i32 {
      %mul3A_276 = arith.constant 2 : i32
      %mul3A_277 = arith.muli %mul3A_276, %scan3A_275 : i32
      %dma_wait3A_278 = arith.constant 0 : i32
      %dma_wait3A_279 = tpu.memref_slice %arg4[%dma_wait3A_278] : memref<640000xi32, #tpu.memory_space<hbm>> -> memref<40xi32, #tpu.memory_space<hbm>>
      %dma_wait3A_280 = arith.constant 0 : i32
      %dma_wait3A_281 = tpu.memref_slice %arg4[%dma_wait3A_280] : memref<640000xi32, #tpu.memory_space<hbm>> -> memref<40xi32, #tpu.memory_space<hbm>>
      tpu.wait_dma2 semaphore(%arg28 : memref<!tpu.dma_semaphore, #tpu.memory_space<semaphore_mem>>) src(%dma_wait3A_281 : memref<40xi32, #tpu.memory_space<hbm>>) dst(%arg11 : memref<40xi32, #tpu.memory_space<vmem>>)
      %dma_wait3A_282 = arith.constant 0 : i32
      %dma_wait3A_283 = tpu.memref_slice %arg4[%dma_wait3A_282] : memref<640000xi32, #tpu.memory_space<hbm>> -> memref<40xi32, #tpu.memory_space<hbm>>
      %dma_wait3A_284 = arith.constant 0 : i32
      %dma_wait3A_285 = tpu.memref_slice %arg4[%dma_wait3A_284] : memref<640000xi32, #tpu.memory_space<hbm>> -> memref<40xi32, #tpu.memory_space<hbm>>
      tpu.wait_dma2 semaphore(%arg28 : memref<!tpu.dma_semaphore, #tpu.memory_space<semaphore_mem>>) src(%dma_wait3A_285 : memref<40xi32, #tpu.memory_space<hbm>>) dst(%arg13 : memref<40xi32, #tpu.memory_space<vmem>>)
      %dma_start3A_286 = arith.constant 0 : i32
      %dma_start3A_287 = arith.constant 0 : i32
      %dma_start3A_288 = tpu.memref_slice %arg2[%dma_start3A_286, %dma_start3A_287] : memref<10000x128xf32, #tpu.memory_space<hbm>> -> memref<10000x128xf32, #tpu.memory_space<hbm>>
      tpu.enqueue_indirect_dma source(%dma_start3A_288 : memref<10000x128xf32, #tpu.memory_space<hbm>>) target(%arg17 : memref<40x128xf32, #tpu.memory_space<vmem>>) offsets(%arg11 : memref<40xi32, #tpu.memory_space<vmem>>) semaphore(%arg30 : memref<!tpu.dma_semaphore, #tpu.memory_space<semaphore_mem>>)
      %dma_start3A_289 = arith.constant 0 : i32
      %dma_start3A_290 = arith.constant 0 : i32
      %dma_start3A_291 = tpu.memref_slice %arg3[%dma_start3A_289, %dma_start3A_290] : memref<10000x128xf32, #tpu.memory_space<hbm>> -> memref<10000x128xf32, #tpu.memory_space<hbm>>
      tpu.enqueue_indirect_dma source(%dma_start3A_291 : memref<10000x128xf32, #tpu.memory_space<hbm>>) target(%arg19 : memref<40x128xf32, #tpu.memory_space<vmem>>) offsets(%arg13 : memref<40xi32, #tpu.memory_space<vmem>>) semaphore(%arg30 : memref<!tpu.dma_semaphore, #tpu.memory_space<semaphore_mem>>)
      %dma_wait3A_292 = arith.constant 0 : i32
      %dma_wait3A_293 = arith.constant 0 : i32
      %dma_wait3A_294 = tpu.memref_slice %arg25[%dma_wait3A_292, %dma_wait3A_293] : memref<10240x128xf32, #tpu.memory_space<vmem_shared>> -> memref<40x128xf32, #tpu.memory_space<vmem_shared>>
      %dma_wait3A_295 = arith.constant 0 : i32
      %dma_wait3A_296 = arith.constant 0 : i32
      %dma_wait3A_297 = tpu.memref_slice %arg25[%dma_wait3A_295, %dma_wait3A_296] : memref<10240x128xf32, #tpu.memory_space<vmem_shared>> -> memref<40x128xf32, #tpu.memory_space<vmem_shared>>
      tpu.wait_dma2 semaphore(%arg31 : memref<!tpu.dma_semaphore, #tpu.memory_space<semaphore_mem>>) src(%arg20 : memref<40x128xf32, #tpu.memory_space<vmem>>) dst(%dma_wait3A_297 : memref<40x128xf32, #tpu.memory_space<vmem_shared>>)
      %dma_wait3A_298 = arith.constant 0 : i32
      %dma_wait3A_299 = arith.constant 0 : i32
      %dma_wait3A_300 = tpu.memref_slice %arg26[%dma_wait3A_298, %dma_wait3A_299] : memref<10240x16xf32, #tpu.memory_space<vmem_shared>> -> memref<40x16xf32, #tpu.memory_space<vmem_shared>>
      %dma_wait3A_301 = arith.constant 0 : i32
      %dma_wait3A_302 = arith.constant 0 : i32
      %dma_wait3A_303 = tpu.memref_slice %arg26[%dma_wait3A_301, %dma_wait3A_302] : memref<10240x16xf32, #tpu.memory_space<vmem_shared>> -> memref<40x16xf32, #tpu.memory_space<vmem_shared>>
      tpu.wait_dma2 semaphore(%arg31 : memref<!tpu.dma_semaphore, #tpu.memory_space<semaphore_mem>>) src(%arg22 : memref<40x16xf32, #tpu.memory_space<vmem>>) dst(%dma_wait3A_303 : memref<40x16xf32, #tpu.memory_space<vmem_shared>>)
      %add3A_304 = arith.constant 320000 : i32
      %add3A_305 = arith.addi %add3A_304, %mul3A_2 : i32
      %mul3A_306 = arith.constant 40 : i32
      %mul3A_307 = arith.muli %mul3A_277, %mul3A_306 : i32
      %add3A_308 = arith.addi %add3A_305, %mul3A_307 : i32
      %dma_start3A_309 = tpu.memref_slice %arg4[%add3A_308] : memref<640000xi32, #tpu.memory_space<hbm>> -> memref<40xi32, #tpu.memory_space<hbm>>
      %dma_start3A_310 = tpu.memref_slice %arg4[%add3A_308] : memref<640000xi32, #tpu.memory_space<hbm>> -> memref<40xi32, #tpu.memory_space<hbm>>
      tpu.enqueue_dma source(%dma_start3A_310 : memref<40xi32, #tpu.memory_space<hbm>>) target(%arg14 : memref<40xi32, #tpu.memory_space<vmem>>) target_semaphore(%arg33 : memref<!tpu.dma_semaphore, #tpu.memory_space<semaphore_mem>>)
      %dma_wait3A_311 = arith.constant 0 : i32
      %dma_wait3A_312 = arith.constant 0 : i32
      %dma_wait3A_313 = tpu.memref_slice %arg2[%dma_wait3A_311, %dma_wait3A_312] : memref<10000x128xf32, #tpu.memory_space<hbm>> -> memref<10000x128xf32, #tpu.memory_space<hbm>>
      tpu.wait_indirect_dma semaphore(%arg29 : memref<!tpu.dma_semaphore, #tpu.memory_space<semaphore_mem>>) src(%dma_wait3A_313 : memref<10000x128xf32, #tpu.memory_space<hbm>>) dst(%arg16 : memref<40x128xf32, #tpu.memory_space<vmem>>)
      %dma_wait3A_314 = arith.constant 0 : i32
      %dma_wait3A_315 = arith.constant 0 : i32
      %dma_wait3A_316 = tpu.memref_slice %arg3[%dma_wait3A_314, %dma_wait3A_315] : memref<10000x128xf32, #tpu.memory_space<hbm>> -> memref<10000x128xf32, #tpu.memory_space<hbm>>
      tpu.wait_indirect_dma semaphore(%arg29 : memref<!tpu.dma_semaphore, #tpu.memory_space<semaphore_mem>>) src(%dma_wait3A_316 : memref<10000x128xf32, #tpu.memory_space<hbm>>) dst(%arg18 : memref<40x128xf32, #tpu.memory_space<vmem>>)
      %add3A_317 = arith.constant 2 : i32
      %add3A_318 = arith.addi %mul3A_277, %add3A_317 : i32
      %mul3A_319 = arith.constant 40 : i32
      %mul3A_320 = arith.muli %add3A_318, %mul3A_319 : i32
      %add3A_321 = arith.addi %mul3A_2, %mul3A_320 : i32
      %dma_start3A_322 = tpu.memref_slice %arg4[%add3A_321] : memref<640000xi32, #tpu.memory_space<hbm>> -> memref<40xi32, #tpu.memory_space<hbm>>
      %dma_start3A_323 = tpu.memref_slice %arg4[%add3A_321] : memref<640000xi32, #tpu.memory_space<hbm>> -> memref<40xi32, #tpu.memory_space<hbm>>
      tpu.enqueue_dma source(%dma_start3A_323 : memref<40xi32, #tpu.memory_space<hbm>>) target(%arg10 : memref<40xi32, #tpu.memory_space<vmem>>) target_semaphore(%arg27 : memref<!tpu.dma_semaphore, #tpu.memory_space<semaphore_mem>>)
      %add3A_324 = arith.constant 320000 : i32
      %add3A_325 = arith.addi %add3A_324, %add3A_321 : i32
      %dma_start3A_326 = tpu.memref_slice %arg4[%add3A_325] : memref<640000xi32, #tpu.memory_space<hbm>> -> memref<40xi32, #tpu.memory_space<hbm>>
      %dma_start3A_327 = tpu.memref_slice %arg4[%add3A_325] : memref<640000xi32, #tpu.memory_space<hbm>> -> memref<40xi32, #tpu.memory_space<hbm>>
      tpu.enqueue_dma source(%dma_start3A_327 : memref<40xi32, #tpu.memory_space<hbm>>) target(%arg12 : memref<40xi32, #tpu.memory_space<vmem>>) target_semaphore(%arg27 : memref<!tpu.dma_semaphore, #tpu.memory_space<semaphore_mem>>)
      %parallel_loop3A_328 = arith.constant 0 : i32
      %parallel_loop3A_329 = arith.constant 40 : i32
      %parallel_loop3A_330 = arith.constant 1 : i32
      scf.for %parallel_loop3A_408 = %parallel_loop3A_328 to %parallel_loop3A_329 step %parallel_loop3A_330  : i32 {
        %parallel_loop3A_409 = arith.constant 0.000000e+00 : f32
        %parallel_loop3A_410 = vector.broadcast %parallel_loop3A_409 : f32 to vector<16xf32>
        %parallel_loop3A_411 = arith.index_cast %parallel_loop3A_408 : i32 to index
        %parallel_loop3A_412 = arith.constant 0 : index
        %parallel_loop3A_413 = tpu.vector_load %arg16[%parallel_loop3A_411, %parallel_loop3A_412] {strides = array<i32>} : memref<40x128xf32, #tpu.memory_space<vmem>>, vector<16xf32>,
        %parallel_loop3A_414 = arith.index_cast %parallel_loop3A_408 : i32 to index
        %parallel_loop3A_415 = arith.constant 0 : index
        %parallel_loop3A_416 = tpu.vector_load %arg18[%parallel_loop3A_414, %parallel_loop3A_415] {strides = array<i32>} : memref<40x128xf32, #tpu.memory_space<vmem>>, vector<16xf32>,
        %parallel_loop3A_417 = arith.addf %parallel_loop3A_413, %parallel_loop3A_416 : vector<16xf32>
        %parallel_loop3A_418 = arith.constant 0.000000e+00 : f32
        %parallel_loop3A_419 = vector.broadcast %parallel_loop3A_418 : f32 to vector<16xf32>
        %parallel_loop3A_420 = arith.cmpf ogt, %parallel_loop3A_417, %parallel_loop3A_419 : vector<16xf32>
        %parallel_loop3A_421 = arith.constant 2.000000e-01 : f32
        %parallel_loop3A_422 = vector.broadcast %parallel_loop3A_421 : f32 to vector<16xf32>
        %parallel_loop3A_423 = arith.mulf %parallel_loop3A_422, %parallel_loop3A_417 : vector<16xf32>
        %parallel_loop3A_424 = arith.select %parallel_loop3A_420, %parallel_loop3A_417, %parallel_loop3A_423 : vector<16xi1>, vector<16xf32>
        %parallel_loop3A_425 = arith.mulf %parallel_loop3A_424, %get3A_21 : vector<16xf32>
        %parallel_loop3A_426 = arith.constant true
        %parallel_loop3A_427 = vector.broadcast %parallel_loop3A_426 : i1 to vector<16xi1>
        %parallel_loop3A_428 = tpu.scan <sum>, %parallel_loop3A_425 masked %parallel_loop3A_427 : vector<16xf32>, vector<16xi1> -> vector<16xf32>
        %parallel_loop3A_429 = arith.constant 0 : i32
        %parallel_loop3A_430 = vector.broadcast %parallel_loop3A_429 : i32 to vector<16xi32>
        %parallel_loop3A_431 = arith.cmpi slt, %broadcast_in_dim3A_3, %parallel_loop3A_430 : vector<16xi32>
        %parallel_loop3A_432 = arith.constant 16 : i32
        %parallel_loop3A_433 = vector.broadcast %parallel_loop3A_432 : i32 to vector<16xi32>
        %parallel_loop3A_434 = arith.addi %broadcast_in_dim3A_3, %parallel_loop3A_433 : vector<16xi32>
        %parallel_loop3A_435 = arith.select %parallel_loop3A_431, %parallel_loop3A_434, %broadcast_in_dim3A_3 : vector<16xi1>, vector<16xi32>
        %parallel_loop3A_436 = vector.shape_cast %parallel_loop3A_435 : vector<16xi32> to vector<16x1xi32>
        %parallel_loop3A_437 = vector.shape_cast %parallel_loop3A_436 : vector<16x1xi32> to vector<16xi32>
        %parallel_loop3A_438 = tpu.dynamic_gather %parallel_loop3A_428[%parallel_loop3A_437] in [0] : vector<16xf32>, vector<16xi32> -> vector<16xf32>
        %parallel_loop3A_439 = math.exp %parallel_loop3A_438 : vector<16xf32>
        %parallel_loop3A_440 = arith.constant 0 : i32
        %parallel_loop3A_441 = vector.broadcast %parallel_loop3A_440 : i32 to vector<16xi32>
        %parallel_loop3A_442 = arith.cmpi eq, %iota3A, %parallel_loop3A_441 : vector<16xi32>
        %parallel_loop3A_443 = arith.select %parallel_loop3A_442, %parallel_loop3A_439, %parallel_loop3A_410 : vector<16xi1>, vector<16xf32>
        %parallel_loop3A_444 = arith.index_cast %parallel_loop3A_408 : i32 to index
        %parallel_loop3A_445 = arith.constant 16 : index
        %parallel_loop3A_446 = tpu.vector_load %arg16[%parallel_loop3A_444, %parallel_loop3A_445] {strides = array<i32>} : memref<40x128xf32, #tpu.memory_space<vmem>>, vector<16xf32>,
        %parallel_loop3A_447 = arith.index_cast %parallel_loop3A_408 : i32 to index
        %parallel_loop3A_448 = arith.constant 16 : index
        %parallel_loop3A_449 = tpu.vector_load %arg18[%parallel_loop3A_447, %parallel_loop3A_448] {strides = array<i32>} : memref<40x128xf32, #tpu.memory_space<vmem>>, vector<16xf32>,
        %parallel_loop3A_450 = arith.addf %parallel_loop3A_446, %parallel_loop3A_449 : vector<16xf32>
        %parallel_loop3A_451 = arith.constant 0.000000e+00 : f32
        %parallel_loop3A_452 = vector.broadcast %parallel_loop3A_451 : f32 to vector<16xf32>
        %parallel_loop3A_453 = arith.cmpf ogt, %parallel_loop3A_450, %parallel_loop3A_452 : vector<16xf32>
        %parallel_loop3A_454 = arith.constant 2.000000e-01 : f32
        %parallel_loop3A_455 = vector.broadcast %parallel_loop3A_454 : f32 to vector<16xf32>
        %parallel_loop3A_456 = arith.mulf %parallel_loop3A_455, %parallel_loop3A_450 : vector<16xf32>
        %parallel_loop3A_457 = arith.select %parallel_loop3A_453, %parallel_loop3A_450, %parallel_loop3A_456 : vector<16xi1>, vector<16xf32>
        %parallel_loop3A_458 = arith.mulf %parallel_loop3A_457, %get3A_25 : vector<16xf32>
        %parallel_loop3A_459 = arith.constant true
        %parallel_loop3A_460 = vector.broadcast %parallel_loop3A_459 : i1 to vector<16xi1>
        %parallel_loop3A_461 = tpu.scan <sum>, %parallel_loop3A_458 masked %parallel_loop3A_460 : vector<16xf32>, vector<16xi1> -> vector<16xf32>
        %parallel_loop3A_462 = arith.constant 0 : i32
        %parallel_loop3A_463 = vector.broadcast %parallel_loop3A_462 : i32 to vector<16xi32>
        %parallel_loop3A_464 = arith.cmpi slt, %broadcast_in_dim3A_3, %parallel_loop3A_463 : vector<16xi32>
        %parallel_loop3A_465 = arith.constant 16 : i32
        %parallel_loop3A_466 = vector.broadcast %parallel_loop3A_465 : i32 to vector<16xi32>
        %parallel_loop3A_467 = arith.addi %broadcast_in_dim3A_3, %parallel_loop3A_466 : vector<16xi32>
        %parallel_loop3A_468 = arith.select %parallel_loop3A_464, %parallel_loop3A_467, %broadcast_in_dim3A_3 : vector<16xi1>, vector<16xi32>
        %parallel_loop3A_469 = vector.shape_cast %parallel_loop3A_468 : vector<16xi32> to vector<16x1xi32>
        %parallel_loop3A_470 = vector.shape_cast %parallel_loop3A_469 : vector<16x1xi32> to vector<16xi32>
        %parallel_loop3A_471 = tpu.dynamic_gather %parallel_loop3A_461[%parallel_loop3A_470] in [0] : vector<16xf32>, vector<16xi32> -> vector<16xf32>
        %parallel_loop3A_472 = math.exp %parallel_loop3A_471 : vector<16xf32>
        %parallel_loop3A_473 = arith.constant 1 : i32
        %parallel_loop3A_474 = vector.broadcast %parallel_loop3A_473 : i32 to vector<16xi32>
        %parallel_loop3A_475 = arith.cmpi eq, %iota3A, %parallel_loop3A_474 : vector<16xi32>
        %parallel_loop3A_476 = arith.select %parallel_loop3A_475, %parallel_loop3A_472, %parallel_loop3A_443 : vector<16xi1>, vector<16xf32>
        %parallel_loop3A_477 = arith.index_cast %parallel_loop3A_408 : i32 to index
        %parallel_loop3A_478 = arith.constant 32 : index
        %parallel_loop3A_479 = tpu.vector_load %arg16[%parallel_loop3A_477, %parallel_loop3A_478] {strides = array<i32>} : memref<40x128xf32, #tpu.memory_space<vmem>>, vector<16xf32>,
        %parallel_loop3A_480 = arith.index_cast %parallel_loop3A_408 : i32 to index
        %parallel_loop3A_481 = arith.constant 32 : index
        %parallel_loop3A_482 = tpu.vector_load %arg18[%parallel_loop3A_480, %parallel_loop3A_481] {strides = array<i32>} : memref<40x128xf32, #tpu.memory_space<vmem>>, vector<16xf32>,
        %parallel_loop3A_483 = arith.addf %parallel_loop3A_479, %parallel_loop3A_482 : vector<16xf32>
        %parallel_loop3A_484 = arith.constant 0.000000e+00 : f32
        %parallel_loop3A_485 = vector.broadcast %parallel_loop3A_484 : f32 to vector<16xf32>
        %parallel_loop3A_486 = arith.cmpf ogt, %parallel_loop3A_483, %parallel_loop3A_485 : vector<16xf32>
        %parallel_loop3A_487 = arith.constant 2.000000e-01 : f32
        %parallel_loop3A_488 = vector.broadcast %parallel_loop3A_487 : f32 to vector<16xf32>
        %parallel_loop3A_489 = arith.mulf %parallel_loop3A_488, %parallel_loop3A_483 : vector<16xf32>
        %parallel_loop3A_490 = arith.select %parallel_loop3A_486, %parallel_loop3A_483, %parallel_loop3A_489 : vector<16xi1>, vector<16xf32>
        %parallel_loop3A_491 = arith.mulf %parallel_loop3A_490, %get3A_29 : vector<16xf32>
        %parallel_loop3A_492 = arith.constant true
        %parallel_loop3A_493 = vector.broadcast %parallel_loop3A_492 : i1 to vector<16xi1>
        %parallel_loop3A_494 = tpu.scan <sum>, %parallel_loop3A_491 masked %parallel_loop3A_493 : vector<16xf32>, vector<16xi1> -> vector<16xf32>
        %parallel_loop3A_495 = arith.constant 0 : i32
        %parallel_loop3A_496 = vector.broadcast %parallel_loop3A_495 : i32 to vector<16xi32>
        %parallel_loop3A_497 = arith.cmpi slt, %broadcast_in_dim3A_3, %parallel_loop3A_496 : vector<16xi32>
        %parallel_loop3A_498 = arith.constant 16 : i32
        %parallel_loop3A_499 = vector.broadcast %parallel_loop3A_498 : i32 to vector<16xi32>
        %parallel_loop3A_500 = arith.addi %broadcast_in_dim3A_3, %parallel_loop3A_499 : vector<16xi32>
        %parallel_loop3A_501 = arith.select %parallel_loop3A_497, %parallel_loop3A_500, %broadcast_in_dim3A_3 : vector<16xi1>, vector<16xi32>
        %parallel_loop3A_502 = vector.shape_cast %parallel_loop3A_501 : vector<16xi32> to vector<16x1xi32>
        %parallel_loop3A_503 = vector.shape_cast %parallel_loop3A_502 : vector<16x1xi32> to vector<16xi32>
        %parallel_loop3A_504 = tpu.dynamic_gather %parallel_loop3A_494[%parallel_loop3A_503] in [0] : vector<16xf32>, vector<16xi32> -> vector<16xf32>
        %parallel_loop3A_505 = math.exp %parallel_loop3A_504 : vector<16xf32>
        %parallel_loop3A_506 = arith.constant 2 : i32
        %parallel_loop3A_507 = vector.broadcast %parallel_loop3A_506 : i32 to vector<16xi32>
        %parallel_loop3A_508 = arith.cmpi eq, %iota3A, %parallel_loop3A_507 : vector<16xi32>
        %parallel_loop3A_509 = arith.select %parallel_loop3A_508, %parallel_loop3A_505, %parallel_loop3A_476 : vector<16xi1>, vector<16xf32>
        %parallel_loop3A_510 = arith.index_cast %parallel_loop3A_408 : i32 to index
        %parallel_loop3A_511 = arith.constant 48 : index
        %parallel_loop3A_512 = tpu.vector_load %arg16[%parallel_loop3A_510, %parallel_loop3A_511] {strides = array<i32>} : memref<40x128xf32, #tpu.memory_space<vmem>>, vector<16xf32>,
        %parallel_loop3A_513 = arith.index_cast %parallel_loop3A_408 : i32 to index
        %parallel_loop3A_514 = arith.constant 48 : index
        %parallel_loop3A_515 = tpu.vector_load %arg18[%parallel_loop3A_513, %parallel_loop3A_514] {strides = array<i32>} : memref<40x128xf32, #tpu.memory_space<vmem>>, vector<16xf32>,
        %parallel_loop3A_516 = arith.addf %parallel_loop3A_512, %parallel_loop3A_515 : vector<16xf32>
        %parallel_loop3A_517 = arith.constant 0.000000e+00 : f32
        %parallel_loop3A_518 = vector.broadcast %parallel_loop3A_517 : f32 to vector<16xf32>
        %parallel_loop3A_519 = arith.cmpf ogt, %parallel_loop3A_516, %parallel_loop3A_518 : vector<16xf32>
        %parallel_loop3A_520 = arith.constant 2.000000e-01 : f32
        %parallel_loop3A_521 = vector.broadcast %parallel_loop3A_520 : f32 to vector<16xf32>
        %parallel_loop3A_522 = arith.mulf %parallel_loop3A_521, %parallel_loop3A_516 : vector<16xf32>
        %parallel_loop3A_523 = arith.select %parallel_loop3A_519, %parallel_loop3A_516, %parallel_loop3A_522 : vector<16xi1>, vector<16xf32>
        %parallel_loop3A_524 = arith.mulf %parallel_loop3A_523, %get3A_33 : vector<16xf32>
        %parallel_loop3A_525 = arith.constant true
        %parallel_loop3A_526 = vector.broadcast %parallel_loop3A_525 : i1 to vector<16xi1>
        %parallel_loop3A_527 = tpu.scan <sum>, %parallel_loop3A_524 masked %parallel_loop3A_526 : vector<16xf32>, vector<16xi1> -> vector<16xf32>
        %parallel_loop3A_528 = arith.constant 0 : i32
        %parallel_loop3A_529 = vector.broadcast %parallel_loop3A_528 : i32 to vector<16xi32>
        %parallel_loop3A_530 = arith.cmpi slt, %broadcast_in_dim3A_3, %parallel_loop3A_529 : vector<16xi32>
        %parallel_loop3A_531 = arith.constant 16 : i32
        %parallel_loop3A_532 = vector.broadcast %parallel_loop3A_531 : i32 to vector<16xi32>
        %parallel_loop3A_533 = arith.addi %broadcast_in_dim3A_3, %parallel_loop3A_532 : vector<16xi32>
        %parallel_loop3A_534 = arith.select %parallel_loop3A_530, %parallel_loop3A_533, %broadcast_in_dim3A_3 : vector<16xi1>, vector<16xi32>
        %parallel_loop3A_535 = vector.shape_cast %parallel_loop3A_534 : vector<16xi32> to vector<16x1xi32>
        %parallel_loop3A_536 = vector.shape_cast %parallel_loop3A_535 : vector<16x1xi32> to vector<16xi32>
        %parallel_loop3A_537 = tpu.dynamic_gather %parallel_loop3A_527[%parallel_loop3A_536] in [0] : vector<16xf32>, vector<16xi32> -> vector<16xf32>
        %parallel_loop3A_538 = math.exp %parallel_loop3A_537 : vector<16xf32>
        %parallel_loop3A_539 = arith.constant 3 : i32
        %parallel_loop3A_540 = vector.broadcast %parallel_loop3A_539 : i32 to vector<16xi32>
        %parallel_loop3A_541 = arith.cmpi eq, %iota3A, %parallel_loop3A_540 : vector<16xi32>
        %parallel_loop3A_542 = arith.select %parallel_loop3A_541, %parallel_loop3A_538, %parallel_loop3A_509 : vector<16xi1>, vector<16xf32>
        %parallel_loop3A_543 = arith.index_cast %parallel_loop3A_408 : i32 to index
        %parallel_loop3A_544 = arith.constant 64 : index
        %parallel_loop3A_545 = tpu.vector_load %arg16[%parallel_loop3A_543, %parallel_loop3A_544] {strides = array<i32>} : memref<40x128xf32, #tpu.memory_space<vmem>>, vector<16xf32>,
        %parallel_loop3A_546 = arith.index_cast %parallel_loop3A_408 : i32 to index
        %parallel_loop3A_547 = arith.constant 64 : index
        %parallel_loop3A_548 = tpu.vector_load %arg18[%parallel_loop3A_546, %parallel_loop3A_547] {strides = array<i32>} : memref<40x128xf32, #tpu.memory_space<vmem>>, vector<16xf32>,
        %parallel_loop3A_549 = arith.addf %parallel_loop3A_545, %parallel_loop3A_548 : vector<16xf32>
        %parallel_loop3A_550 = arith.constant 0.000000e+00 : f32
        %parallel_loop3A_551 = vector.broadcast %parallel_loop3A_550 : f32 to vector<16xf32>
        %parallel_loop3A_552 = arith.cmpf ogt, %parallel_loop3A_549, %parallel_loop3A_551 : vector<16xf32>
        %parallel_loop3A_553 = arith.constant 2.000000e-01 : f32
        %parallel_loop3A_554 = vector.broadcast %parallel_loop3A_553 : f32 to vector<16xf32>
        %parallel_loop3A_555 = arith.mulf %parallel_loop3A_554, %parallel_loop3A_549 : vector<16xf32>
        %parallel_loop3A_556 = arith.select %parallel_loop3A_552, %parallel_loop3A_549, %parallel_loop3A_555 : vector<16xi1>, vector<16xf32>
        %parallel_loop3A_557 = arith.mulf %parallel_loop3A_556, %get3A_37 : vector<16xf32>
        %parallel_loop3A_558 = arith.constant true
        %parallel_loop3A_559 = vector.broadcast %parallel_loop3A_558 : i1 to vector<16xi1>
        %parallel_loop3A_560 = tpu.scan <sum>, %parallel_loop3A_557 masked %parallel_loop3A_559 : vector<16xf32>, vector<16xi1> -> vector<16xf32>
        %parallel_loop3A_561 = arith.constant 0 : i32
        %parallel_loop3A_562 = vector.broadcast %parallel_loop3A_561 : i32 to vector<16xi32>
        %parallel_loop3A_563 = arith.cmpi slt, %broadcast_in_dim3A_3, %parallel_loop3A_562 : vector<16xi32>
        %parallel_loop3A_564 = arith.constant 16 : i32
        %parallel_loop3A_565 = vector.broadcast %parallel_loop3A_564 : i32 to vector<16xi32>
        %parallel_loop3A_566 = arith.addi %broadcast_in_dim3A_3, %parallel_loop3A_565 : vector<16xi32>
        %parallel_loop3A_567 = arith.select %parallel_loop3A_563, %parallel_loop3A_566, %broadcast_in_dim3A_3 : vector<16xi1>, vector<16xi32>
        %parallel_loop3A_568 = vector.shape_cast %parallel_loop3A_567 : vector<16xi32> to vector<16x1xi32>
        %parallel_loop3A_569 = vector.shape_cast %parallel_loop3A_568 : vector<16x1xi32> to vector<16xi32>
        %parallel_loop3A_570 = tpu.dynamic_gather %parallel_loop3A_560[%parallel_loop3A_569] in [0] : vector<16xf32>, vector<16xi32> -> vector<16xf32>
        %parallel_loop3A_571 = math.exp %parallel_loop3A_570 : vector<16xf32>
        %parallel_loop3A_572 = arith.constant 4 : i32
        %parallel_loop3A_573 = vector.broadcast %parallel_loop3A_572 : i32 to vector<16xi32>
        %parallel_loop3A_574 = arith.cmpi eq, %iota3A, %parallel_loop3A_573 : vector<16xi32>
        %parallel_loop3A_575 = arith.select %parallel_loop3A_574, %parallel_loop3A_571, %parallel_loop3A_542 : vector<16xi1>, vector<16xf32>
        %parallel_loop3A_576 = arith.index_cast %parallel_loop3A_408 : i32 to index
        %parallel_loop3A_577 = arith.constant 80 : index
        %parallel_loop3A_578 = tpu.vector_load %arg16[%parallel_loop3A_576, %parallel_loop3A_577] {strides = array<i32>} : memref<40x128xf32, #tpu.memory_space<vmem>>, vector<16xf32>,
        %parallel_loop3A_579 = arith.index_cast %parallel_loop3A_408 : i32 to index
        %parallel_loop3A_580 = arith.constant 80 : index
        %parallel_loop3A_581 = tpu.vector_load %arg18[%parallel_loop3A_579, %parallel_loop3A_580] {strides = array<i32>} : memref<40x128xf32, #tpu.memory_space<vmem>>, vector<16xf32>,
        %parallel_loop3A_582 = arith.addf %parallel_loop3A_578, %parallel_loop3A_581 : vector<16xf32>
        %parallel_loop3A_583 = arith.constant 0.000000e+00 : f32
        %parallel_loop3A_584 = vector.broadcast %parallel_loop3A_583 : f32 to vector<16xf32>
        %parallel_loop3A_585 = arith.cmpf ogt, %parallel_loop3A_582, %parallel_loop3A_584 : vector<16xf32>
        %parallel_loop3A_586 = arith.constant 2.000000e-01 : f32
        %parallel_loop3A_587 = vector.broadcast %parallel_loop3A_586 : f32 to vector<16xf32>
        %parallel_loop3A_588 = arith.mulf %parallel_loop3A_587, %parallel_loop3A_582 : vector<16xf32>
        %parallel_loop3A_589 = arith.select %parallel_loop3A_585, %parallel_loop3A_582, %parallel_loop3A_588 : vector<16xi1>, vector<16xf32>
        %parallel_loop3A_590 = arith.mulf %parallel_loop3A_589, %get3A_41 : vector<16xf32>
        %parallel_loop3A_591 = arith.constant true
        %parallel_loop3A_592 = vector.broadcast %parallel_loop3A_591 : i1 to vector<16xi1>
        %parallel_loop3A_593 = tpu.scan <sum>, %parallel_loop3A_590 masked %parallel_loop3A_592 : vector<16xf32>, vector<16xi1> -> vector<16xf32>
        %parallel_loop3A_594 = arith.constant 0 : i32
        %parallel_loop3A_595 = vector.broadcast %parallel_loop3A_594 : i32 to vector<16xi32>
        %parallel_loop3A_596 = arith.cmpi slt, %broadcast_in_dim3A_3, %parallel_loop3A_595 : vector<16xi32>
        %parallel_loop3A_597 = arith.constant 16 : i32
        %parallel_loop3A_598 = vector.broadcast %parallel_loop3A_597 : i32 to vector<16xi32>
        %parallel_loop3A_599 = arith.addi %broadcast_in_dim3A_3, %parallel_loop3A_598 : vector<16xi32>
        %parallel_loop3A_600 = arith.select %parallel_loop3A_596, %parallel_loop3A_599, %broadcast_in_dim3A_3 : vector<16xi1>, vector<16xi32>
        %parallel_loop3A_601 = vector.shape_cast %parallel_loop3A_600 : vector<16xi32> to vector<16x1xi32>
        %parallel_loop3A_602 = vector.shape_cast %parallel_loop3A_601 : vector<16x1xi32> to vector<16xi32>
        %parallel_loop3A_603 = tpu.dynamic_gather %parallel_loop3A_593[%parallel_loop3A_602] in [0] : vector<16xf32>, vector<16xi32> -> vector<16xf32>
        %parallel_loop3A_604 = math.exp %parallel_loop3A_603 : vector<16xf32>
        %parallel_loop3A_605 = arith.constant 5 : i32
        %parallel_loop3A_606 = vector.broadcast %parallel_loop3A_605 : i32 to vector<16xi32>
        %parallel_loop3A_607 = arith.cmpi eq, %iota3A, %parallel_loop3A_606 : vector<16xi32>
        %parallel_loop3A_608 = arith.select %parallel_loop3A_607, %parallel_loop3A_604, %parallel_loop3A_575 : vector<16xi1>, vector<16xf32>
        %parallel_loop3A_609 = arith.index_cast %parallel_loop3A_408 : i32 to index
        %parallel_loop3A_610 = arith.constant 96 : index
        %parallel_loop3A_611 = tpu.vector_load %arg16[%parallel_loop3A_609, %parallel_loop3A_610] {strides = array<i32>} : memref<40x128xf32, #tpu.memory_space<vmem>>, vector<16xf32>,
        %parallel_loop3A_612 = arith.index_cast %parallel_loop3A_408 : i32 to index
        %parallel_loop3A_613 = arith.constant 96 : index
        %parallel_loop3A_614 = tpu.vector_load %arg18[%parallel_loop3A_612, %parallel_loop3A_613] {strides = array<i32>} : memref<40x128xf32, #tpu.memory_space<vmem>>, vector<16xf32>,
        %parallel_loop3A_615 = arith.addf %parallel_loop3A_611, %parallel_loop3A_614 : vector<16xf32>
        %parallel_loop3A_616 = arith.constant 0.000000e+00 : f32
        %parallel_loop3A_617 = vector.broadcast %parallel_loop3A_616 : f32 to vector<16xf32>
        %parallel_loop3A_618 = arith.cmpf ogt, %parallel_loop3A_615, %parallel_loop3A_617 : vector<16xf32>
        %parallel_loop3A_619 = arith.constant 2.000000e-01 : f32
        %parallel_loop3A_620 = vector.broadcast %parallel_loop3A_619 : f32 to vector<16xf32>
        %parallel_loop3A_621 = arith.mulf %parallel_loop3A_620, %parallel_loop3A_615 : vector<16xf32>
        %parallel_loop3A_622 = arith.select %parallel_loop3A_618, %parallel_loop3A_615, %parallel_loop3A_621 : vector<16xi1>, vector<16xf32>
        %parallel_loop3A_623 = arith.mulf %parallel_loop3A_622, %get3A_45 : vector<16xf32>
        %parallel_loop3A_624 = arith.constant true
        %parallel_loop3A_625 = vector.broadcast %parallel_loop3A_624 : i1 to vector<16xi1>
        %parallel_loop3A_626 = tpu.scan <sum>, %parallel_loop3A_623 masked %parallel_loop3A_625 : vector<16xf32>, vector<16xi1> -> vector<16xf32>
        %parallel_loop3A_627 = arith.constant 0 : i32
        %parallel_loop3A_628 = vector.broadcast %parallel_loop3A_627 : i32 to vector<16xi32>
        %parallel_loop3A_629 = arith.cmpi slt, %broadcast_in_dim3A_3, %parallel_loop3A_628 : vector<16xi32>
        %parallel_loop3A_630 = arith.constant 16 : i32
        %parallel_loop3A_631 = vector.broadcast %parallel_loop3A_630 : i32 to vector<16xi32>
        %parallel_loop3A_632 = arith.addi %broadcast_in_dim3A_3, %parallel_loop3A_631 : vector<16xi32>
        %parallel_loop3A_633 = arith.select %parallel_loop3A_629, %parallel_loop3A_632, %broadcast_in_dim3A_3 : vector<16xi1>, vector<16xi32>
        %parallel_loop3A_634 = vector.shape_cast %parallel_loop3A_633 : vector<16xi32> to vector<16x1xi32>
        %parallel_loop3A_635 = vector.shape_cast %parallel_loop3A_634 : vector<16x1xi32> to vector<16xi32>
        %parallel_loop3A_636 = tpu.dynamic_gather %parallel_loop3A_626[%parallel_loop3A_635] in [0] : vector<16xf32>, vector<16xi32> -> vector<16xf32>
        %parallel_loop3A_637 = math.exp %parallel_loop3A_636 : vector<16xf32>
        %parallel_loop3A_638 = arith.constant 6 : i32
        %parallel_loop3A_639 = vector.broadcast %parallel_loop3A_638 : i32 to vector<16xi32>
        %parallel_loop3A_640 = arith.cmpi eq, %iota3A, %parallel_loop3A_639 : vector<16xi32>
        %parallel_loop3A_641 = arith.select %parallel_loop3A_640, %parallel_loop3A_637, %parallel_loop3A_608 : vector<16xi1>, vector<16xf32>
        %parallel_loop3A_642 = arith.index_cast %parallel_loop3A_408 : i32 to index
        %parallel_loop3A_643 = arith.constant 112 : index
        %parallel_loop3A_644 = tpu.vector_load %arg16[%parallel_loop3A_642, %parallel_loop3A_643] {strides = array<i32>} : memref<40x128xf32, #tpu.memory_space<vmem>>, vector<16xf32>,
        %parallel_loop3A_645 = arith.index_cast %parallel_loop3A_408 : i32 to index
        %parallel_loop3A_646 = arith.constant 112 : index
        %parallel_loop3A_647 = tpu.vector_load %arg18[%parallel_loop3A_645, %parallel_loop3A_646] {strides = array<i32>} : memref<40x128xf32, #tpu.memory_space<vmem>>, vector<16xf32>,
        %parallel_loop3A_648 = arith.addf %parallel_loop3A_644, %parallel_loop3A_647 : vector<16xf32>
        %parallel_loop3A_649 = arith.constant 0.000000e+00 : f32
        %parallel_loop3A_650 = vector.broadcast %parallel_loop3A_649 : f32 to vector<16xf32>
        %parallel_loop3A_651 = arith.cmpf ogt, %parallel_loop3A_648, %parallel_loop3A_650 : vector<16xf32>
        %parallel_loop3A_652 = arith.constant 2.000000e-01 : f32
        %parallel_loop3A_653 = vector.broadcast %parallel_loop3A_652 : f32 to vector<16xf32>
        %parallel_loop3A_654 = arith.mulf %parallel_loop3A_653, %parallel_loop3A_648 : vector<16xf32>
        %parallel_loop3A_655 = arith.select %parallel_loop3A_651, %parallel_loop3A_648, %parallel_loop3A_654 : vector<16xi1>, vector<16xf32>
        %parallel_loop3A_656 = arith.mulf %parallel_loop3A_655, %get3A_49 : vector<16xf32>
        %parallel_loop3A_657 = arith.constant true
        %parallel_loop3A_658 = vector.broadcast %parallel_loop3A_657 : i1 to vector<16xi1>
        %parallel_loop3A_659 = tpu.scan <sum>, %parallel_loop3A_656 masked %parallel_loop3A_658 : vector<16xf32>, vector<16xi1> -> vector<16xf32>
        %parallel_loop3A_660 = arith.constant 0 : i32
        %parallel_loop3A_661 = vector.broadcast %parallel_loop3A_660 : i32 to vector<16xi32>
        %parallel_loop3A_662 = arith.cmpi slt, %broadcast_in_dim3A_3, %parallel_loop3A_661 : vector<16xi32>
        %parallel_loop3A_663 = arith.constant 16 : i32
        %parallel_loop3A_664 = vector.broadcast %parallel_loop3A_663 : i32 to vector<16xi32>
        %parallel_loop3A_665 = arith.addi %broadcast_in_dim3A_3, %parallel_loop3A_664 : vector<16xi32>
        %parallel_loop3A_666 = arith.select %parallel_loop3A_662, %parallel_loop3A_665, %broadcast_in_dim3A_3 : vector<16xi1>, vector<16xi32>
        %parallel_loop3A_667 = vector.shape_cast %parallel_loop3A_666 : vector<16xi32> to vector<16x1xi32>
        %parallel_loop3A_668 = vector.shape_cast %parallel_loop3A_667 : vector<16x1xi32> to vector<16xi32>
        %parallel_loop3A_669 = tpu.dynamic_gather %parallel_loop3A_659[%parallel_loop3A_668] in [0] : vector<16xf32>, vector<16xi32> -> vector<16xf32>
        %parallel_loop3A_670 = math.exp %parallel_loop3A_669 : vector<16xf32>
        %parallel_loop3A_671 = arith.constant 7 : i32
        %parallel_loop3A_672 = vector.broadcast %parallel_loop3A_671 : i32 to vector<16xi32>
        %parallel_loop3A_673 = arith.cmpi eq, %iota3A, %parallel_loop3A_672 : vector<16xi32>
        %parallel_loop3A_674 = arith.select %parallel_loop3A_673, %parallel_loop3A_670, %parallel_loop3A_641 : vector<16xi1>, vector<16xf32>
        %parallel_loop3A_675 = arith.index_cast %parallel_loop3A_408 : i32 to index
        %parallel_loop3A_676 = arith.constant 0 : index
        %parallel_loop3A_677 = tpu.vector_load %arg22[%parallel_loop3A_675, %parallel_loop3A_676] {strides = array<i32>} : memref<40x16xf32, #tpu.memory_space<vmem>>, vector<16xf32>,
        tpu.vector_store %arg22[%parallel_loop3A_675, %parallel_loop3A_676], %parallel_loop3A_674 {strides = array<i32>} : memref<40x16xf32, #tpu.memory_space<vmem>>, vector<16xf32>,
        %parallel_loop3A_678 = arith.mulf %parallel_loop3A_439, %parallel_loop3A_413 : vector<16xf32>
        %parallel_loop3A_679 = arith.index_cast %parallel_loop3A_408 : i32 to index
        %parallel_loop3A_680 = arith.constant 0 : index
        %parallel_loop3A_681 = tpu.vector_load %arg20[%parallel_loop3A_679, %parallel_loop3A_680] {strides = array<i32>} : memref<40x128xf32, #tpu.memory_space<vmem>>, vector<16xf32>,
        tpu.vector_store %arg20[%parallel_loop3A_679, %parallel_loop3A_680], %parallel_loop3A_678 {strides = array<i32>} : memref<40x128xf32, #tpu.memory_space<vmem>>, vector<16xf32>,
        %parallel_loop3A_682 = arith.mulf %parallel_loop3A_472, %parallel_loop3A_446 : vector<16xf32>
        %parallel_loop3A_683 = arith.index_cast %parallel_loop3A_408 : i32 to index
        %parallel_loop3A_684 = arith.constant 16 : index
        %parallel_loop3A_685 = tpu.vector_load %arg20[%parallel_loop3A_683, %parallel_loop3A_684] {strides = array<i32>} : memref<40x128xf32, #tpu.memory_space<vmem>>, vector<16xf32>,
        tpu.vector_store %arg20[%parallel_loop3A_683, %parallel_loop3A_684], %parallel_loop3A_682 {strides = array<i32>} : memref<40x128xf32, #tpu.memory_space<vmem>>, vector<16xf32>,
        %parallel_loop3A_686 = arith.mulf %parallel_loop3A_505, %parallel_loop3A_479 : vector<16xf32>
        %parallel_loop3A_687 = arith.index_cast %parallel_loop3A_408 : i32 to index
        %parallel_loop3A_688 = arith.constant 32 : index
        %parallel_loop3A_689 = tpu.vector_load %arg20[%parallel_loop3A_687, %parallel_loop3A_688] {strides = array<i32>} : memref<40x128xf32, #tpu.memory_space<vmem>>, vector<16xf32>,
        tpu.vector_store %arg20[%parallel_loop3A_687, %parallel_loop3A_688], %parallel_loop3A_686 {strides = array<i32>} : memref<40x128xf32, #tpu.memory_space<vmem>>, vector<16xf32>,
        %parallel_loop3A_690 = arith.mulf %parallel_loop3A_538, %parallel_loop3A_512 : vector<16xf32>
        %parallel_loop3A_691 = arith.index_cast %parallel_loop3A_408 : i32 to index
        %parallel_loop3A_692 = arith.constant 48 : index
        %parallel_loop3A_693 = tpu.vector_load %arg20[%parallel_loop3A_691, %parallel_loop3A_692] {strides = array<i32>} : memref<40x128xf32, #tpu.memory_space<vmem>>, vector<16xf32>,
        tpu.vector_store %arg20[%parallel_loop3A_691, %parallel_loop3A_692], %parallel_loop3A_690 {strides = array<i32>} : memref<40x128xf32, #tpu.memory_space<vmem>>, vector<16xf32>,
        %parallel_loop3A_694 = arith.mulf %parallel_loop3A_571, %parallel_loop3A_545 : vector<16xf32>
        %parallel_loop3A_695 = arith.index_cast %parallel_loop3A_408 : i32 to index
        %parallel_loop3A_696 = arith.constant 64 : index
        %parallel_loop3A_697 = tpu.vector_load %arg20[%parallel_loop3A_695, %parallel_loop3A_696] {strides = array<i32>} : memref<40x128xf32, #tpu.memory_space<vmem>>, vector<16xf32>,
        tpu.vector_store %arg20[%parallel_loop3A_695, %parallel_loop3A_696], %parallel_loop3A_694 {strides = array<i32>} : memref<40x128xf32, #tpu.memory_space<vmem>>, vector<16xf32>,
        %parallel_loop3A_698 = arith.mulf %parallel_loop3A_604, %parallel_loop3A_578 : vector<16xf32>
        %parallel_loop3A_699 = arith.index_cast %parallel_loop3A_408 : i32 to index
        %parallel_loop3A_700 = arith.constant 80 : index
        %parallel_loop3A_701 = tpu.vector_load %arg20[%parallel_loop3A_699, %parallel_loop3A_700] {strides = array<i32>} : memref<40x128xf32, #tpu.memory_space<vmem>>, vector<16xf32>,
        tpu.vector_store %arg20[%parallel_loop3A_699, %parallel_loop3A_700], %parallel_loop3A_698 {strides = array<i32>} : memref<40x128xf32, #tpu.memory_space<vmem>>, vector<16xf32>,
        %parallel_loop3A_702 = arith.mulf %parallel_loop3A_637, %parallel_loop3A_611 : vector<16xf32>
        %parallel_loop3A_703 = arith.index_cast %parallel_loop3A_408 : i32 to index
        %parallel_loop3A_704 = arith.constant 96 : index
        %parallel_loop3A_705 = tpu.vector_load %arg20[%parallel_loop3A_703, %parallel_loop3A_704] {strides = array<i32>} : memref<40x128xf32, #tpu.memory_space<vmem>>, vector<16xf32>,
        tpu.vector_store %arg20[%parallel_loop3A_703, %parallel_loop3A_704], %parallel_loop3A_702 {strides = array<i32>} : memref<40x128xf32, #tpu.memory_space<vmem>>, vector<16xf32>,
        %parallel_loop3A_706 = arith.mulf %parallel_loop3A_670, %parallel_loop3A_644 : vector<16xf32>
        %parallel_loop3A_707 = arith.index_cast %parallel_loop3A_408 : i32 to index
        %parallel_loop3A_708 = arith.constant 112 : index
        %parallel_loop3A_709 = tpu.vector_load %arg20[%parallel_loop3A_707, %parallel_loop3A_708] {strides = array<i32>} : memref<40x128xf32, #tpu.memory_space<vmem>>, vector<16xf32>,
        tpu.vector_store %arg20[%parallel_loop3A_707, %parallel_loop3A_708], %parallel_loop3A_706 {strides = array<i32>} : memref<40x128xf32, #tpu.memory_space<vmem>>, vector<16xf32>,
      } {sc.loop_unroll_factor = 2 : i64, sc.parallel_access}
      %dma_wait3A_331 = arith.constant 0 : i32
      %dma_wait3A_332 = tpu.memref_slice %arg4[%dma_wait3A_331] : memref<640000xi32, #tpu.memory_space<hbm>> -> memref<40xi32, #tpu.memory_space<hbm>>
      %dma_wait3A_333 = arith.constant 0 : i32
      %dma_wait3A_334 = tpu.memref_slice %arg4[%dma_wait3A_333] : memref<640000xi32, #tpu.memory_space<hbm>> -> memref<40xi32, #tpu.memory_space<hbm>>
      tpu.wait_dma2 semaphore(%arg33 : memref<!tpu.dma_semaphore, #tpu.memory_space<semaphore_mem>>) src(%dma_wait3A_334 : memref<40xi32, #tpu.memory_space<hbm>>) dst(%arg14 : memref<40xi32, #tpu.memory_space<vmem>>)
      %dma_start3A_335 = arith.constant 0 : i32
      %dma_start3A_336 = arith.constant 0 : i32
      %dma_start3A_337 = tpu.memref_slice %arg25[%dma_start3A_335, %dma_start3A_336] : memref<10240x128xf32, #tpu.memory_space<vmem_shared>> -> memref<10240x128xf32, #tpu.memory_space<vmem_shared>>
      tpu.enqueue_indirect_dma source(%arg20 : memref<40x128xf32, #tpu.memory_space<vmem>>) target(%dma_start3A_337 : memref<10240x128xf32, #tpu.memory_space<vmem_shared>>) offsets(%arg14 : memref<40xi32, #tpu.memory_space<vmem>>) semaphore(%arg31 : memref<!tpu.dma_semaphore, #tpu.memory_space<semaphore_mem>>) {add = true}
      %dma_start3A_338 = arith.constant 0 : i32
      %dma_start3A_339 = arith.constant 0 : i32
      %dma_start3A_340 = tpu.memref_slice %arg26[%dma_start3A_338, %dma_start3A_339] : memref<10240x16xf32, #tpu.memory_space<vmem_shared>> -> memref<10240x16xf32, #tpu.memory_space<vmem_shared>>
      tpu.enqueue_indirect_dma source(%arg22 : memref<40x16xf32, #tpu.memory_space<vmem>>) target(%dma_start3A_340 : memref<10240x16xf32, #tpu.memory_space<vmem_shared>>) offsets(%arg14 : memref<40xi32, #tpu.memory_space<vmem>>) semaphore(%arg31 : memref<!tpu.dma_semaphore, #tpu.memory_space<semaphore_mem>>) {add = true}
      %mul3A_341 = arith.constant 2 : i32
      %mul3A_342 = arith.muli %mul3A_341, %scan3A_275 : i32
      %add3A_343 = arith.constant 1 : i32
      %add3A_344 = arith.addi %mul3A_342, %add3A_343 : i32
      %dma_wait3A_345 = arith.constant 0 : i32
      %dma_wait3A_346 = tpu.memref_slice %arg4[%dma_wait3A_345] : memref<640000xi32, #tpu.memory_space<hbm>> -> memref<40xi32, #tpu.memory_space<hbm>>
      %dma_wait3A_347 = arith.constant 0 : i32
      %dma_wait3A_348 = tpu.memref_slice %arg4[%dma_wait3A_347] : memref<640000xi32, #tpu.memory_space<hbm>> -> memref<40xi32, #tpu.memory_space<hbm>>
      tpu.wait_dma2 semaphore(%arg27 : memref<!tpu.dma_semaphore, #tpu.memory_space<semaphore_mem>>) src(%dma_wait3A_348 : memref<40xi32, #tpu.memory_space<hbm>>) dst(%arg10 : memref<40xi32, #tpu.memory_space<vmem>>)
      %dma_wait3A_349 = arith.constant 0 : i32
      %dma_wait3A_350 = tpu.memref_slice %arg4[%dma_wait3A_349] : memref<640000xi32, #tpu.memory_space<hbm>> -> memref<40xi32, #tpu.memory_space<hbm>>
      %dma_wait3A_351 = arith.constant 0 : i32
      %dma_wait3A_352 = tpu.memref_slice %arg4[%dma_wait3A_351] : memref<640000xi32, #tpu.memory_space<hbm>> -> memref<40xi32, #tpu.memory_space<hbm>>
      tpu.wait_dma2 semaphore(%arg27 : memref<!tpu.dma_semaphore, #tpu.memory_space<semaphore_mem>>) src(%dma_wait3A_352 : memref<40xi32, #tpu.memory_space<hbm>>) dst(%arg12 : memref<40xi32, #tpu.memory_space<vmem>>)
      %dma_start3A_353 = arith.constant 0 : i32
      %dma_start3A_354 = arith.constant 0 : i32
      %dma_start3A_355 = tpu.memref_slice %arg2[%dma_start3A_353, %dma_start3A_354] : memref<10000x128xf32, #tpu.memory_space<hbm>> -> memref<10000x128xf32, #tpu.memory_space<hbm>>
      tpu.enqueue_indirect_dma source(%dma_start3A_355 : memref<10000x128xf32, #tpu.memory_space<hbm>>) target(%arg16 : memref<40x128xf32, #tpu.memory_space<vmem>>) offsets(%arg10 : memref<40xi32, #tpu.memory_space<vmem>>) semaphore(%arg29 : memref<!tpu.dma_semaphore, #tpu.memory_space<semaphore_mem>>)
      %dma_start3A_356 = arith.constant 0 : i32
      %dma_start3A_357 = arith.constant 0 : i32
      %dma_start3A_358 = tpu.memref_slice %arg3[%dma_start3A_356, %dma_start3A_357] : memref<10000x128xf32, #tpu.memory_space<hbm>> -> memref<10000x128xf32, #tpu.memory_space<hbm>>
      tpu.enqueue_indirect_dma source(%dma_start3A_358 : memref<10000x128xf32, #tpu.memory_space<hbm>>) target(%arg18 : memref<40x128xf32, #tpu.memory_space<vmem>>) offsets(%arg12 : memref<40xi32, #tpu.memory_space<vmem>>) semaphore(%arg29 : memref<!tpu.dma_semaphore, #tpu.memory_space<semaphore_mem>>)
      %dma_wait3A_359 = arith.constant 0 : i32
      %dma_wait3A_360 = arith.constant 0 : i32
      %dma_wait3A_361 = tpu.memref_slice %arg25[%dma_wait3A_359, %dma_wait3A_360] : memref<10240x128xf32, #tpu.memory_space<vmem_shared>> -> memref<40x128xf32, #tpu.memory_space<vmem_shared>>
      %dma_wait3A_362 = arith.constant 0 : i32
      %dma_wait3A_363 = arith.constant 0 : i32
      %dma_wait3A_364 = tpu.memref_slice %arg25[%dma_wait3A_362, %dma_wait3A_363] : memref<10240x128xf32, #tpu.memory_space<vmem_shared>> -> memref<40x128xf32, #tpu.memory_space<vmem_shared>>
      tpu.wait_dma2 semaphore(%arg32 : memref<!tpu.dma_semaphore, #tpu.memory_space<semaphore_mem>>) src(%arg21 : memref<40x128xf32, #tpu.memory_space<vmem>>) dst(%dma_wait3A_364 : memref<40x128xf32, #tpu.memory_space<vmem_shared>>)
      %dma_wait3A_365 = arith.constant 0 : i32
      %dma_wait3A_366 = arith.constant 0 : i32
      %dma_wait3A_367 = tpu.memref_slice %arg26[%dma_wait3A_365, %dma_wait3A_366] : memref<10240x16xf32, #tpu.memory_space<vmem_shared>> -> memref<40x16xf32, #tpu.memory_space<vmem_shared>>
      %dma_wait3A_368 = arith.constant 0 : i32
      %dma_wait3A_369 = arith.constant 0 : i32
      %dma_wait3A_370 = tpu.memref_slice %arg26[%dma_wait3A_368, %dma_wait3A_369] : memref<10240x16xf32, #tpu.memory_space<vmem_shared>> -> memref<40x16xf32, #tpu.memory_space<vmem_shared>>
      tpu.wait_dma2 semaphore(%arg32 : memref<!tpu.dma_semaphore, #tpu.memory_space<semaphore_mem>>) src(%arg23 : memref<40x16xf32, #tpu.memory_space<vmem>>) dst(%dma_wait3A_370 : memref<40x16xf32, #tpu.memory_space<vmem_shared>>)
      %add3A_371 = arith.constant 320000 : i32
      %add3A_372 = arith.addi %add3A_371, %mul3A_2 : i32
      %mul3A_373 = arith.constant 40 : i32
      %mul3A_374 = arith.muli %add3A_344, %mul3A_373 : i32
      %add3A_375 = arith.addi %add3A_372, %mul3A_374 : i32
      %dma_start3A_376 = tpu.memref_slice %arg4[%add3A_375] : memref<640000xi32, #tpu.memory_space<hbm>> -> memref<40xi32, #tpu.memory_space<hbm>>
      %dma_start3A_377 = tpu.memref_slice %arg4[%add3A_375] : memref<640000xi32, #tpu.memory_space<hbm>> -> memref<40xi32, #tpu.memory_space<hbm>>
      tpu.enqueue_dma source(%dma_start3A_377 : memref<40xi32, #tpu.memory_space<hbm>>) target(%arg15 : memref<40xi32, #tpu.memory_space<vmem>>) target_semaphore(%arg34 : memref<!tpu.dma_semaphore, #tpu.memory_space<semaphore_mem>>)
      %dma_wait3A_378 = arith.constant 0 : i32
      %dma_wait3A_379 = arith.constant 0 : i32
      %dma_wait3A_380 = tpu.memref_slice %arg2[%dma_wait3A_378, %dma_wait3A_379] : memref<10000x128xf32, #tpu.memory_space<hbm>> -> memref<10000x128xf32, #tpu.memory_space<hbm>>
      tpu.wait_indirect_dma semaphore(%arg30 : memref<!tpu.dma_semaphore, #tpu.memory_space<semaphore_mem>>) src(%dma_wait3A_380 : memref<10000x128xf32, #tpu.memory_space<hbm>>) dst(%arg17 : memref<40x128xf32, #tpu.memory_space<vmem>>)
      %dma_wait3A_381 = arith.constant 0 : i32
      %dma_wait3A_382 = arith.constant 0 : i32
      %dma_wait3A_383 = tpu.memref_slice %arg3[%dma_wait3A_381, %dma_wait3A_382] : memref<10000x128xf32, #tpu.memory_space<hbm>> -> memref<10000x128xf32, #tpu.memory_space<hbm>>
      tpu.wait_indirect_dma semaphore(%arg30 : memref<!tpu.dma_semaphore, #tpu.memory_space<semaphore_mem>>) src(%dma_wait3A_383 : memref<10000x128xf32, #tpu.memory_space<hbm>>) dst(%arg19 : memref<40x128xf32, #tpu.memory_space<vmem>>)
      %add3A_384 = arith.constant 2 : i32
      %add3A_385 = arith.addi %add3A_344, %add3A_384 : i32
      %mul3A_386 = arith.constant 40 : i32
      %mul3A_387 = arith.muli %add3A_385, %mul3A_386 : i32
      %add3A_388 = arith.addi %mul3A_2, %mul3A_387 : i32
      %dma_start3A_389 = tpu.memref_slice %arg4[%add3A_388] : memref<640000xi32, #tpu.memory_space<hbm>> -> memref<40xi32, #tpu.memory_space<hbm>>
      %dma_start3A_390 = tpu.memref_slice %arg4[%add3A_388] : memref<640000xi32, #tpu.memory_space<hbm>> -> memref<40xi32, #tpu.memory_space<hbm>>
      tpu.enqueue_dma source(%dma_start3A_390 : memref<40xi32, #tpu.memory_space<hbm>>) target(%arg11 : memref<40xi32, #tpu.memory_space<vmem>>) target_semaphore(%arg28 : memref<!tpu.dma_semaphore, #tpu.memory_space<semaphore_mem>>)
      %add3A_391 = arith.constant 320000 : i32
      %add3A_392 = arith.addi %add3A_391, %add3A_388 : i32
      %dma_start3A_393 = tpu.memref_slice %arg4[%add3A_392] : memref<640000xi32, #tpu.memory_space<hbm>> -> memref<40xi32, #tpu.memory_space<hbm>>
      %dma_start3A_394 = tpu.memref_slice %arg4[%add3A_392] : memref<640000xi32, #tpu.memory_space<hbm>> -> memref<40xi32, #tpu.memory_space<hbm>>
      tpu.enqueue_dma source(%dma_start3A_394 : memref<40xi32, #tpu.memory_space<hbm>>) target(%arg13 : memref<40xi32, #tpu.memory_space<vmem>>) target_semaphore(%arg28 : memref<!tpu.dma_semaphore, #tpu.memory_space<semaphore_mem>>)
      %parallel_loop3A_395 = arith.constant 0 : i32
      %parallel_loop3A_396 = arith.constant 40 : i32
      %parallel_loop3A_397 = arith.constant 1 : i32
      scf.for %parallel_loop3A_408 = %parallel_loop3A_395 to %parallel_loop3A_396 step %parallel_loop3A_397  : i32 {
        %parallel_loop3A_409 = arith.constant 0.000000e+00 : f32
        %parallel_loop3A_410 = vector.broadcast %parallel_loop3A_409 : f32 to vector<16xf32>
        %parallel_loop3A_411 = arith.index_cast %parallel_loop3A_408 : i32 to index
        %parallel_loop3A_412 = arith.constant 0 : index
        %parallel_loop3A_413 = tpu.vector_load %arg17[%parallel_loop3A_411, %parallel_loop3A_412] {strides = array<i32>} : memref<40x128xf32, #tpu.memory_space<vmem>>, vector<16xf32>,
        %parallel_loop3A_414 = arith.index_cast %parallel_loop3A_408 : i32 to index
        %parallel_loop3A_415 = arith.constant 0 : index
        %parallel_loop3A_416 = tpu.vector_load %arg19[%parallel_loop3A_414, %parallel_loop3A_415] {strides = array<i32>} : memref<40x128xf32, #tpu.memory_space<vmem>>, vector<16xf32>,
        %parallel_loop3A_417 = arith.addf %parallel_loop3A_413, %parallel_loop3A_416 : vector<16xf32>
        %parallel_loop3A_418 = arith.constant 0.000000e+00 : f32
        %parallel_loop3A_419 = vector.broadcast %parallel_loop3A_418 : f32 to vector<16xf32>
        %parallel_loop3A_420 = arith.cmpf ogt, %parallel_loop3A_417, %parallel_loop3A_419 : vector<16xf32>
        %parallel_loop3A_421 = arith.constant 2.000000e-01 : f32
        %parallel_loop3A_422 = vector.broadcast %parallel_loop3A_421 : f32 to vector<16xf32>
        %parallel_loop3A_423 = arith.mulf %parallel_loop3A_422, %parallel_loop3A_417 : vector<16xf32>
        %parallel_loop3A_424 = arith.select %parallel_loop3A_420, %parallel_loop3A_417, %parallel_loop3A_423 : vector<16xi1>, vector<16xf32>
        %parallel_loop3A_425 = arith.mulf %parallel_loop3A_424, %get3A_21 : vector<16xf32>
        %parallel_loop3A_426 = arith.constant true
        %parallel_loop3A_427 = vector.broadcast %parallel_loop3A_426 : i1 to vector<16xi1>
        %parallel_loop3A_428 = tpu.scan <sum>, %parallel_loop3A_425 masked %parallel_loop3A_427 : vector<16xf32>, vector<16xi1> -> vector<16xf32>
        %parallel_loop3A_429 = arith.constant 0 : i32
        %parallel_loop3A_430 = vector.broadcast %parallel_loop3A_429 : i32 to vector<16xi32>
        %parallel_loop3A_431 = arith.cmpi slt, %broadcast_in_dim3A_3, %parallel_loop3A_430 : vector<16xi32>
        %parallel_loop3A_432 = arith.constant 16 : i32
        %parallel_loop3A_433 = vector.broadcast %parallel_loop3A_432 : i32 to vector<16xi32>
        %parallel_loop3A_434 = arith.addi %broadcast_in_dim3A_3, %parallel_loop3A_433 : vector<16xi32>
        %parallel_loop3A_435 = arith.select %parallel_loop3A_431, %parallel_loop3A_434, %broadcast_in_dim3A_3 : vector<16xi1>, vector<16xi32>
        %parallel_loop3A_436 = vector.shape_cast %parallel_loop3A_435 : vector<16xi32> to vector<16x1xi32>
        %parallel_loop3A_437 = vector.shape_cast %parallel_loop3A_436 : vector<16x1xi32> to vector<16xi32>
        %parallel_loop3A_438 = tpu.dynamic_gather %parallel_loop3A_428[%parallel_loop3A_437] in [0] : vector<16xf32>, vector<16xi32> -> vector<16xf32>
        %parallel_loop3A_439 = math.exp %parallel_loop3A_438 : vector<16xf32>
        %parallel_loop3A_440 = arith.constant 0 : i32
        %parallel_loop3A_441 = vector.broadcast %parallel_loop3A_440 : i32 to vector<16xi32>
        %parallel_loop3A_442 = arith.cmpi eq, %iota3A, %parallel_loop3A_441 : vector<16xi32>
        %parallel_loop3A_443 = arith.select %parallel_loop3A_442, %parallel_loop3A_439, %parallel_loop3A_410 : vector<16xi1>, vector<16xf32>
        %parallel_loop3A_444 = arith.index_cast %parallel_loop3A_408 : i32 to index
        %parallel_loop3A_445 = arith.constant 16 : index
        %parallel_loop3A_446 = tpu.vector_load %arg17[%parallel_loop3A_444, %parallel_loop3A_445] {strides = array<i32>} : memref<40x128xf32, #tpu.memory_space<vmem>>, vector<16xf32>,
        %parallel_loop3A_447 = arith.index_cast %parallel_loop3A_408 : i32 to index
        %parallel_loop3A_448 = arith.constant 16 : index
        %parallel_loop3A_449 = tpu.vector_load %arg19[%parallel_loop3A_447, %parallel_loop3A_448] {strides = array<i32>} : memref<40x128xf32, #tpu.memory_space<vmem>>, vector<16xf32>,
        %parallel_loop3A_450 = arith.addf %parallel_loop3A_446, %parallel_loop3A_449 : vector<16xf32>
        %parallel_loop3A_451 = arith.constant 0.000000e+00 : f32
        %parallel_loop3A_452 = vector.broadcast %parallel_loop3A_451 : f32 to vector<16xf32>
        %parallel_loop3A_453 = arith.cmpf ogt, %parallel_loop3A_450, %parallel_loop3A_452 : vector<16xf32>
        %parallel_loop3A_454 = arith.constant 2.000000e-01 : f32
        %parallel_loop3A_455 = vector.broadcast %parallel_loop3A_454 : f32 to vector<16xf32>
        %parallel_loop3A_456 = arith.mulf %parallel_loop3A_455, %parallel_loop3A_450 : vector<16xf32>
        %parallel_loop3A_457 = arith.select %parallel_loop3A_453, %parallel_loop3A_450, %parallel_loop3A_456 : vector<16xi1>, vector<16xf32>
        %parallel_loop3A_458 = arith.mulf %parallel_loop3A_457, %get3A_25 : vector<16xf32>
        %parallel_loop3A_459 = arith.constant true
        %parallel_loop3A_460 = vector.broadcast %parallel_loop3A_459 : i1 to vector<16xi1>
        %parallel_loop3A_461 = tpu.scan <sum>, %parallel_loop3A_458 masked %parallel_loop3A_460 : vector<16xf32>, vector<16xi1> -> vector<16xf32>
        %parallel_loop3A_462 = arith.constant 0 : i32
        %parallel_loop3A_463 = vector.broadcast %parallel_loop3A_462 : i32 to vector<16xi32>
        %parallel_loop3A_464 = arith.cmpi slt, %broadcast_in_dim3A_3, %parallel_loop3A_463 : vector<16xi32>
        %parallel_loop3A_465 = arith.constant 16 : i32
        %parallel_loop3A_466 = vector.broadcast %parallel_loop3A_465 : i32 to vector<16xi32>
        %parallel_loop3A_467 = arith.addi %broadcast_in_dim3A_3, %parallel_loop3A_466 : vector<16xi32>
        %parallel_loop3A_468 = arith.select %parallel_loop3A_464, %parallel_loop3A_467, %broadcast_in_dim3A_3 : vector<16xi1>, vector<16xi32>
        %parallel_loop3A_469 = vector.shape_cast %parallel_loop3A_468 : vector<16xi32> to vector<16x1xi32>
        %parallel_loop3A_470 = vector.shape_cast %parallel_loop3A_469 : vector<16x1xi32> to vector<16xi32>
        %parallel_loop3A_471 = tpu.dynamic_gather %parallel_loop3A_461[%parallel_loop3A_470] in [0] : vector<16xf32>, vector<16xi32> -> vector<16xf32>
        %parallel_loop3A_472 = math.exp %parallel_loop3A_471 : vector<16xf32>
        %parallel_loop3A_473 = arith.constant 1 : i32
        %parallel_loop3A_474 = vector.broadcast %parallel_loop3A_473 : i32 to vector<16xi32>
        %parallel_loop3A_475 = arith.cmpi eq, %iota3A, %parallel_loop3A_474 : vector<16xi32>
        %parallel_loop3A_476 = arith.select %parallel_loop3A_475, %parallel_loop3A_472, %parallel_loop3A_443 : vector<16xi1>, vector<16xf32>
        %parallel_loop3A_477 = arith.index_cast %parallel_loop3A_408 : i32 to index
        %parallel_loop3A_478 = arith.constant 32 : index
        %parallel_loop3A_479 = tpu.vector_load %arg17[%parallel_loop3A_477, %parallel_loop3A_478] {strides = array<i32>} : memref<40x128xf32, #tpu.memory_space<vmem>>, vector<16xf32>,
        %parallel_loop3A_480 = arith.index_cast %parallel_loop3A_408 : i32 to index
        %parallel_loop3A_481 = arith.constant 32 : index
        %parallel_loop3A_482 = tpu.vector_load %arg19[%parallel_loop3A_480, %parallel_loop3A_481] {strides = array<i32>} : memref<40x128xf32, #tpu.memory_space<vmem>>, vector<16xf32>,
        %parallel_loop3A_483 = arith.addf %parallel_loop3A_479, %parallel_loop3A_482 : vector<16xf32>
        %parallel_loop3A_484 = arith.constant 0.000000e+00 : f32
        %parallel_loop3A_485 = vector.broadcast %parallel_loop3A_484 : f32 to vector<16xf32>
        %parallel_loop3A_486 = arith.cmpf ogt, %parallel_loop3A_483, %parallel_loop3A_485 : vector<16xf32>
        %parallel_loop3A_487 = arith.constant 2.000000e-01 : f32
        %parallel_loop3A_488 = vector.broadcast %parallel_loop3A_487 : f32 to vector<16xf32>
        %parallel_loop3A_489 = arith.mulf %parallel_loop3A_488, %parallel_loop3A_483 : vector<16xf32>
        %parallel_loop3A_490 = arith.select %parallel_loop3A_486, %parallel_loop3A_483, %parallel_loop3A_489 : vector<16xi1>, vector<16xf32>
        %parallel_loop3A_491 = arith.mulf %parallel_loop3A_490, %get3A_29 : vector<16xf32>
        %parallel_loop3A_492 = arith.constant true
        %parallel_loop3A_493 = vector.broadcast %parallel_loop3A_492 : i1 to vector<16xi1>
        %parallel_loop3A_494 = tpu.scan <sum>, %parallel_loop3A_491 masked %parallel_loop3A_493 : vector<16xf32>, vector<16xi1> -> vector<16xf32>
        %parallel_loop3A_495 = arith.constant 0 : i32
        %parallel_loop3A_496 = vector.broadcast %parallel_loop3A_495 : i32 to vector<16xi32>
        %parallel_loop3A_497 = arith.cmpi slt, %broadcast_in_dim3A_3, %parallel_loop3A_496 : vector<16xi32>
        %parallel_loop3A_498 = arith.constant 16 : i32
        %parallel_loop3A_499 = vector.broadcast %parallel_loop3A_498 : i32 to vector<16xi32>
        %parallel_loop3A_500 = arith.addi %broadcast_in_dim3A_3, %parallel_loop3A_499 : vector<16xi32>
        %parallel_loop3A_501 = arith.select %parallel_loop3A_497, %parallel_loop3A_500, %broadcast_in_dim3A_3 : vector<16xi1>, vector<16xi32>
        %parallel_loop3A_502 = vector.shape_cast %parallel_loop3A_501 : vector<16xi32> to vector<16x1xi32>
        %parallel_loop3A_503 = vector.shape_cast %parallel_loop3A_502 : vector<16x1xi32> to vector<16xi32>
        %parallel_loop3A_504 = tpu.dynamic_gather %parallel_loop3A_494[%parallel_loop3A_503] in [0] : vector<16xf32>, vector<16xi32> -> vector<16xf32>
        %parallel_loop3A_505 = math.exp %parallel_loop3A_504 : vector<16xf32>
        %parallel_loop3A_506 = arith.constant 2 : i32
        %parallel_loop3A_507 = vector.broadcast %parallel_loop3A_506 : i32 to vector<16xi32>
        %parallel_loop3A_508 = arith.cmpi eq, %iota3A, %parallel_loop3A_507 : vector<16xi32>
        %parallel_loop3A_509 = arith.select %parallel_loop3A_508, %parallel_loop3A_505, %parallel_loop3A_476 : vector<16xi1>, vector<16xf32>
        %parallel_loop3A_510 = arith.index_cast %parallel_loop3A_408 : i32 to index
        %parallel_loop3A_511 = arith.constant 48 : index
        %parallel_loop3A_512 = tpu.vector_load %arg17[%parallel_loop3A_510, %parallel_loop3A_511] {strides = array<i32>} : memref<40x128xf32, #tpu.memory_space<vmem>>, vector<16xf32>,
        %parallel_loop3A_513 = arith.index_cast %parallel_loop3A_408 : i32 to index
        %parallel_loop3A_514 = arith.constant 48 : index
        %parallel_loop3A_515 = tpu.vector_load %arg19[%parallel_loop3A_513, %parallel_loop3A_514] {strides = array<i32>} : memref<40x128xf32, #tpu.memory_space<vmem>>, vector<16xf32>,
        %parallel_loop3A_516 = arith.addf %parallel_loop3A_512, %parallel_loop3A_515 : vector<16xf32>
        %parallel_loop3A_517 = arith.constant 0.000000e+00 : f32
        %parallel_loop3A_518 = vector.broadcast %parallel_loop3A_517 : f32 to vector<16xf32>
        %parallel_loop3A_519 = arith.cmpf ogt, %parallel_loop3A_516, %parallel_loop3A_518 : vector<16xf32>
        %parallel_loop3A_520 = arith.constant 2.000000e-01 : f32
        %parallel_loop3A_521 = vector.broadcast %parallel_loop3A_520 : f32 to vector<16xf32>
        %parallel_loop3A_522 = arith.mulf %parallel_loop3A_521, %parallel_loop3A_516 : vector<16xf32>
        %parallel_loop3A_523 = arith.select %parallel_loop3A_519, %parallel_loop3A_516, %parallel_loop3A_522 : vector<16xi1>, vector<16xf32>
        %parallel_loop3A_524 = arith.mulf %parallel_loop3A_523, %get3A_33 : vector<16xf32>
        %parallel_loop3A_525 = arith.constant true
        %parallel_loop3A_526 = vector.broadcast %parallel_loop3A_525 : i1 to vector<16xi1>
        %parallel_loop3A_527 = tpu.scan <sum>, %parallel_loop3A_524 masked %parallel_loop3A_526 : vector<16xf32>, vector<16xi1> -> vector<16xf32>
        %parallel_loop3A_528 = arith.constant 0 : i32
        %parallel_loop3A_529 = vector.broadcast %parallel_loop3A_528 : i32 to vector<16xi32>
        %parallel_loop3A_530 = arith.cmpi slt, %broadcast_in_dim3A_3, %parallel_loop3A_529 : vector<16xi32>
        %parallel_loop3A_531 = arith.constant 16 : i32
        %parallel_loop3A_532 = vector.broadcast %parallel_loop3A_531 : i32 to vector<16xi32>
        %parallel_loop3A_533 = arith.addi %broadcast_in_dim3A_3, %parallel_loop3A_532 : vector<16xi32>
        %parallel_loop3A_534 = arith.select %parallel_loop3A_530, %parallel_loop3A_533, %broadcast_in_dim3A_3 : vector<16xi1>, vector<16xi32>
        %parallel_loop3A_535 = vector.shape_cast %parallel_loop3A_534 : vector<16xi32> to vector<16x1xi32>
        %parallel_loop3A_536 = vector.shape_cast %parallel_loop3A_535 : vector<16x1xi32> to vector<16xi32>
        %parallel_loop3A_537 = tpu.dynamic_gather %parallel_loop3A_527[%parallel_loop3A_536] in [0] : vector<16xf32>, vector<16xi32> -> vector<16xf32>
        %parallel_loop3A_538 = math.exp %parallel_loop3A_537 : vector<16xf32>
        %parallel_loop3A_539 = arith.constant 3 : i32
        %parallel_loop3A_540 = vector.broadcast %parallel_loop3A_539 : i32 to vector<16xi32>
        %parallel_loop3A_541 = arith.cmpi eq, %iota3A, %parallel_loop3A_540 : vector<16xi32>
        %parallel_loop3A_542 = arith.select %parallel_loop3A_541, %parallel_loop3A_538, %parallel_loop3A_509 : vector<16xi1>, vector<16xf32>
        %parallel_loop3A_543 = arith.index_cast %parallel_loop3A_408 : i32 to index
        %parallel_loop3A_544 = arith.constant 64 : index
        %parallel_loop3A_545 = tpu.vector_load %arg17[%parallel_loop3A_543, %parallel_loop3A_544] {strides = array<i32>} : memref<40x128xf32, #tpu.memory_space<vmem>>, vector<16xf32>,
        %parallel_loop3A_546 = arith.index_cast %parallel_loop3A_408 : i32 to index
        %parallel_loop3A_547 = arith.constant 64 : index
        %parallel_loop3A_548 = tpu.vector_load %arg19[%parallel_loop3A_546, %parallel_loop3A_547] {strides = array<i32>} : memref<40x128xf32, #tpu.memory_space<vmem>>, vector<16xf32>,
        %parallel_loop3A_549 = arith.addf %parallel_loop3A_545, %parallel_loop3A_548 : vector<16xf32>
        %parallel_loop3A_550 = arith.constant 0.000000e+00 : f32
        %parallel_loop3A_551 = vector.broadcast %parallel_loop3A_550 : f32 to vector<16xf32>
        %parallel_loop3A_552 = arith.cmpf ogt, %parallel_loop3A_549, %parallel_loop3A_551 : vector<16xf32>
        %parallel_loop3A_553 = arith.constant 2.000000e-01 : f32
        %parallel_loop3A_554 = vector.broadcast %parallel_loop3A_553 : f32 to vector<16xf32>
        %parallel_loop3A_555 = arith.mulf %parallel_loop3A_554, %parallel_loop3A_549 : vector<16xf32>
        %parallel_loop3A_556 = arith.select %parallel_loop3A_552, %parallel_loop3A_549, %parallel_loop3A_555 : vector<16xi1>, vector<16xf32>
        %parallel_loop3A_557 = arith.mulf %parallel_loop3A_556, %get3A_37 : vector<16xf32>
        %parallel_loop3A_558 = arith.constant true
        %parallel_loop3A_559 = vector.broadcast %parallel_loop3A_558 : i1 to vector<16xi1>
        %parallel_loop3A_560 = tpu.scan <sum>, %parallel_loop3A_557 masked %parallel_loop3A_559 : vector<16xf32>, vector<16xi1> -> vector<16xf32>
        %parallel_loop3A_561 = arith.constant 0 : i32
        %parallel_loop3A_562 = vector.broadcast %parallel_loop3A_561 : i32 to vector<16xi32>
        %parallel_loop3A_563 = arith.cmpi slt, %broadcast_in_dim3A_3, %parallel_loop3A_562 : vector<16xi32>
        %parallel_loop3A_564 = arith.constant 16 : i32
        %parallel_loop3A_565 = vector.broadcast %parallel_loop3A_564 : i32 to vector<16xi32>
        %parallel_loop3A_566 = arith.addi %broadcast_in_dim3A_3, %parallel_loop3A_565 : vector<16xi32>
        %parallel_loop3A_567 = arith.select %parallel_loop3A_563, %parallel_loop3A_566, %broadcast_in_dim3A_3 : vector<16xi1>, vector<16xi32>
        %parallel_loop3A_568 = vector.shape_cast %parallel_loop3A_567 : vector<16xi32> to vector<16x1xi32>
        %parallel_loop3A_569 = vector.shape_cast %parallel_loop3A_568 : vector<16x1xi32> to vector<16xi32>
        %parallel_loop3A_570 = tpu.dynamic_gather %parallel_loop3A_560[%parallel_loop3A_569] in [0] : vector<16xf32>, vector<16xi32> -> vector<16xf32>
        %parallel_loop3A_571 = math.exp %parallel_loop3A_570 : vector<16xf32>
        %parallel_loop3A_572 = arith.constant 4 : i32
        %parallel_loop3A_573 = vector.broadcast %parallel_loop3A_572 : i32 to vector<16xi32>
        %parallel_loop3A_574 = arith.cmpi eq, %iota3A, %parallel_loop3A_573 : vector<16xi32>
        %parallel_loop3A_575 = arith.select %parallel_loop3A_574, %parallel_loop3A_571, %parallel_loop3A_542 : vector<16xi1>, vector<16xf32>
        %parallel_loop3A_576 = arith.index_cast %parallel_loop3A_408 : i32 to index
        %parallel_loop3A_577 = arith.constant 80 : index
        %parallel_loop3A_578 = tpu.vector_load %arg17[%parallel_loop3A_576, %parallel_loop3A_577] {strides = array<i32>} : memref<40x128xf32, #tpu.memory_space<vmem>>, vector<16xf32>,
        %parallel_loop3A_579 = arith.index_cast %parallel_loop3A_408 : i32 to index
        %parallel_loop3A_580 = arith.constant 80 : index
        %parallel_loop3A_581 = tpu.vector_load %arg19[%parallel_loop3A_579, %parallel_loop3A_580] {strides = array<i32>} : memref<40x128xf32, #tpu.memory_space<vmem>>, vector<16xf32>,
        %parallel_loop3A_582 = arith.addf %parallel_loop3A_578, %parallel_loop3A_581 : vector<16xf32>
        %parallel_loop3A_583 = arith.constant 0.000000e+00 : f32
        %parallel_loop3A_584 = vector.broadcast %parallel_loop3A_583 : f32 to vector<16xf32>
        %parallel_loop3A_585 = arith.cmpf ogt, %parallel_loop3A_582, %parallel_loop3A_584 : vector<16xf32>
        %parallel_loop3A_586 = arith.constant 2.000000e-01 : f32
        %parallel_loop3A_587 = vector.broadcast %parallel_loop3A_586 : f32 to vector<16xf32>
        %parallel_loop3A_588 = arith.mulf %parallel_loop3A_587, %parallel_loop3A_582 : vector<16xf32>
        %parallel_loop3A_589 = arith.select %parallel_loop3A_585, %parallel_loop3A_582, %parallel_loop3A_588 : vector<16xi1>, vector<16xf32>
        %parallel_loop3A_590 = arith.mulf %parallel_loop3A_589, %get3A_41 : vector<16xf32>
        %parallel_loop3A_591 = arith.constant true
        %parallel_loop3A_592 = vector.broadcast %parallel_loop3A_591 : i1 to vector<16xi1>
        %parallel_loop3A_593 = tpu.scan <sum>, %parallel_loop3A_590 masked %parallel_loop3A_592 : vector<16xf32>, vector<16xi1> -> vector<16xf32>
        %parallel_loop3A_594 = arith.constant 0 : i32
        %parallel_loop3A_595 = vector.broadcast %parallel_loop3A_594 : i32 to vector<16xi32>
        %parallel_loop3A_596 = arith.cmpi slt, %broadcast_in_dim3A_3, %parallel_loop3A_595 : vector<16xi32>
        %parallel_loop3A_597 = arith.constant 16 : i32
        %parallel_loop3A_598 = vector.broadcast %parallel_loop3A_597 : i32 to vector<16xi32>
        %parallel_loop3A_599 = arith.addi %broadcast_in_dim3A_3, %parallel_loop3A_598 : vector<16xi32>
        %parallel_loop3A_600 = arith.select %parallel_loop3A_596, %parallel_loop3A_599, %broadcast_in_dim3A_3 : vector<16xi1>, vector<16xi32>
        %parallel_loop3A_601 = vector.shape_cast %parallel_loop3A_600 : vector<16xi32> to vector<16x1xi32>
        %parallel_loop3A_602 = vector.shape_cast %parallel_loop3A_601 : vector<16x1xi32> to vector<16xi32>
        %parallel_loop3A_603 = tpu.dynamic_gather %parallel_loop3A_593[%parallel_loop3A_602] in [0] : vector<16xf32>, vector<16xi32> -> vector<16xf32>
        %parallel_loop3A_604 = math.exp %parallel_loop3A_603 : vector<16xf32>
        %parallel_loop3A_605 = arith.constant 5 : i32
        %parallel_loop3A_606 = vector.broadcast %parallel_loop3A_605 : i32 to vector<16xi32>
        %parallel_loop3A_607 = arith.cmpi eq, %iota3A, %parallel_loop3A_606 : vector<16xi32>
        %parallel_loop3A_608 = arith.select %parallel_loop3A_607, %parallel_loop3A_604, %parallel_loop3A_575 : vector<16xi1>, vector<16xf32>
        %parallel_loop3A_609 = arith.index_cast %parallel_loop3A_408 : i32 to index
        %parallel_loop3A_610 = arith.constant 96 : index
        %parallel_loop3A_611 = tpu.vector_load %arg17[%parallel_loop3A_609, %parallel_loop3A_610] {strides = array<i32>} : memref<40x128xf32, #tpu.memory_space<vmem>>, vector<16xf32>,
        %parallel_loop3A_612 = arith.index_cast %parallel_loop3A_408 : i32 to index
        %parallel_loop3A_613 = arith.constant 96 : index
        %parallel_loop3A_614 = tpu.vector_load %arg19[%parallel_loop3A_612, %parallel_loop3A_613] {strides = array<i32>} : memref<40x128xf32, #tpu.memory_space<vmem>>, vector<16xf32>,
        %parallel_loop3A_615 = arith.addf %parallel_loop3A_611, %parallel_loop3A_614 : vector<16xf32>
        %parallel_loop3A_616 = arith.constant 0.000000e+00 : f32
        %parallel_loop3A_617 = vector.broadcast %parallel_loop3A_616 : f32 to vector<16xf32>
        %parallel_loop3A_618 = arith.cmpf ogt, %parallel_loop3A_615, %parallel_loop3A_617 : vector<16xf32>
        %parallel_loop3A_619 = arith.constant 2.000000e-01 : f32
        %parallel_loop3A_620 = vector.broadcast %parallel_loop3A_619 : f32 to vector<16xf32>
        %parallel_loop3A_621 = arith.mulf %parallel_loop3A_620, %parallel_loop3A_615 : vector<16xf32>
        %parallel_loop3A_622 = arith.select %parallel_loop3A_618, %parallel_loop3A_615, %parallel_loop3A_621 : vector<16xi1>, vector<16xf32>
        %parallel_loop3A_623 = arith.mulf %parallel_loop3A_622, %get3A_45 : vector<16xf32>
        %parallel_loop3A_624 = arith.constant true
        %parallel_loop3A_625 = vector.broadcast %parallel_loop3A_624 : i1 to vector<16xi1>
        %parallel_loop3A_626 = tpu.scan <sum>, %parallel_loop3A_623 masked %parallel_loop3A_625 : vector<16xf32>, vector<16xi1> -> vector<16xf32>
        %parallel_loop3A_627 = arith.constant 0 : i32
        %parallel_loop3A_628 = vector.broadcast %parallel_loop3A_627 : i32 to vector<16xi32>
        %parallel_loop3A_629 = arith.cmpi slt, %broadcast_in_dim3A_3, %parallel_loop3A_628 : vector<16xi32>
        %parallel_loop3A_630 = arith.constant 16 : i32
        %parallel_loop3A_631 = vector.broadcast %parallel_loop3A_630 : i32 to vector<16xi32>
        %parallel_loop3A_632 = arith.addi %broadcast_in_dim3A_3, %parallel_loop3A_631 : vector<16xi32>
        %parallel_loop3A_633 = arith.select %parallel_loop3A_629, %parallel_loop3A_632, %broadcast_in_dim3A_3 : vector<16xi1>, vector<16xi32>
        %parallel_loop3A_634 = vector.shape_cast %parallel_loop3A_633 : vector<16xi32> to vector<16x1xi32>
        %parallel_loop3A_635 = vector.shape_cast %parallel_loop3A_634 : vector<16x1xi32> to vector<16xi32>
        %parallel_loop3A_636 = tpu.dynamic_gather %parallel_loop3A_626[%parallel_loop3A_635] in [0] : vector<16xf32>, vector<16xi32> -> vector<16xf32>
        %parallel_loop3A_637 = math.exp %parallel_loop3A_636 : vector<16xf32>
        %parallel_loop3A_638 = arith.constant 6 : i32
        %parallel_loop3A_639 = vector.broadcast %parallel_loop3A_638 : i32 to vector<16xi32>
        %parallel_loop3A_640 = arith.cmpi eq, %iota3A, %parallel_loop3A_639 : vector<16xi32>
        %parallel_loop3A_641 = arith.select %parallel_loop3A_640, %parallel_loop3A_637, %parallel_loop3A_608 : vector<16xi1>, vector<16xf32>
        %parallel_loop3A_642 = arith.index_cast %parallel_loop3A_408 : i32 to index
        %parallel_loop3A_643 = arith.constant 112 : index
        %parallel_loop3A_644 = tpu.vector_load %arg17[%parallel_loop3A_642, %parallel_loop3A_643] {strides = array<i32>} : memref<40x128xf32, #tpu.memory_space<vmem>>, vector<16xf32>,
        %parallel_loop3A_645 = arith.index_cast %parallel_loop3A_408 : i32 to index
        %parallel_loop3A_646 = arith.constant 112 : index
        %parallel_loop3A_647 = tpu.vector_load %arg19[%parallel_loop3A_645, %parallel_loop3A_646] {strides = array<i32>} : memref<40x128xf32, #tpu.memory_space<vmem>>, vector<16xf32>,
        %parallel_loop3A_648 = arith.addf %parallel_loop3A_644, %parallel_loop3A_647 : vector<16xf32>
        %parallel_loop3A_649 = arith.constant 0.000000e+00 : f32
        %parallel_loop3A_650 = vector.broadcast %parallel_loop3A_649 : f32 to vector<16xf32>
        %parallel_loop3A_651 = arith.cmpf ogt, %parallel_loop3A_648, %parallel_loop3A_650 : vector<16xf32>
        %parallel_loop3A_652 = arith.constant 2.000000e-01 : f32
        %parallel_loop3A_653 = vector.broadcast %parallel_loop3A_652 : f32 to vector<16xf32>
        %parallel_loop3A_654 = arith.mulf %parallel_loop3A_653, %parallel_loop3A_648 : vector<16xf32>
        %parallel_loop3A_655 = arith.select %parallel_loop3A_651, %parallel_loop3A_648, %parallel_loop3A_654 : vector<16xi1>, vector<16xf32>
        %parallel_loop3A_656 = arith.mulf %parallel_loop3A_655, %get3A_49 : vector<16xf32>
        %parallel_loop3A_657 = arith.constant true
        %parallel_loop3A_658 = vector.broadcast %parallel_loop3A_657 : i1 to vector<16xi1>
        %parallel_loop3A_659 = tpu.scan <sum>, %parallel_loop3A_656 masked %parallel_loop3A_658 : vector<16xf32>, vector<16xi1> -> vector<16xf32>
        %parallel_loop3A_660 = arith.constant 0 : i32
        %parallel_loop3A_661 = vector.broadcast %parallel_loop3A_660 : i32 to vector<16xi32>
        %parallel_loop3A_662 = arith.cmpi slt, %broadcast_in_dim3A_3, %parallel_loop3A_661 : vector<16xi32>
        %parallel_loop3A_663 = arith.constant 16 : i32
        %parallel_loop3A_664 = vector.broadcast %parallel_loop3A_663 : i32 to vector<16xi32>
        %parallel_loop3A_665 = arith.addi %broadcast_in_dim3A_3, %parallel_loop3A_664 : vector<16xi32>
        %parallel_loop3A_666 = arith.select %parallel_loop3A_662, %parallel_loop3A_665, %broadcast_in_dim3A_3 : vector<16xi1>, vector<16xi32>
        %parallel_loop3A_667 = vector.shape_cast %parallel_loop3A_666 : vector<16xi32> to vector<16x1xi32>
        %parallel_loop3A_668 = vector.shape_cast %parallel_loop3A_667 : vector<16x1xi32> to vector<16xi32>
        %parallel_loop3A_669 = tpu.dynamic_gather %parallel_loop3A_659[%parallel_loop3A_668] in [0] : vector<16xf32>, vector<16xi32> -> vector<16xf32>
        %parallel_loop3A_670 = math.exp %parallel_loop3A_669 : vector<16xf32>
        %parallel_loop3A_671 = arith.constant 7 : i32
        %parallel_loop3A_672 = vector.broadcast %parallel_loop3A_671 : i32 to vector<16xi32>
        %parallel_loop3A_673 = arith.cmpi eq, %iota3A, %parallel_loop3A_672 : vector<16xi32>
        %parallel_loop3A_674 = arith.select %parallel_loop3A_673, %parallel_loop3A_670, %parallel_loop3A_641 : vector<16xi1>, vector<16xf32>
        %parallel_loop3A_675 = arith.index_cast %parallel_loop3A_408 : i32 to index
        %parallel_loop3A_676 = arith.constant 0 : index
        %parallel_loop3A_677 = tpu.vector_load %arg23[%parallel_loop3A_675, %parallel_loop3A_676] {strides = array<i32>} : memref<40x16xf32, #tpu.memory_space<vmem>>, vector<16xf32>,
        tpu.vector_store %arg23[%parallel_loop3A_675, %parallel_loop3A_676], %parallel_loop3A_674 {strides = array<i32>} : memref<40x16xf32, #tpu.memory_space<vmem>>, vector<16xf32>,
        %parallel_loop3A_678 = arith.mulf %parallel_loop3A_439, %parallel_loop3A_413 : vector<16xf32>
        %parallel_loop3A_679 = arith.index_cast %parallel_loop3A_408 : i32 to index
        %parallel_loop3A_680 = arith.constant 0 : index
        %parallel_loop3A_681 = tpu.vector_load %arg21[%parallel_loop3A_679, %parallel_loop3A_680] {strides = array<i32>} : memref<40x128xf32, #tpu.memory_space<vmem>>, vector<16xf32>,
        tpu.vector_store %arg21[%parallel_loop3A_679, %parallel_loop3A_680], %parallel_loop3A_678 {strides = array<i32>} : memref<40x128xf32, #tpu.memory_space<vmem>>, vector<16xf32>,
        %parallel_loop3A_682 = arith.mulf %parallel_loop3A_472, %parallel_loop3A_446 : vector<16xf32>
        %parallel_loop3A_683 = arith.index_cast %parallel_loop3A_408 : i32 to index
        %parallel_loop3A_684 = arith.constant 16 : index
        %parallel_loop3A_685 = tpu.vector_load %arg21[%parallel_loop3A_683, %parallel_loop3A_684] {strides = array<i32>} : memref<40x128xf32, #tpu.memory_space<vmem>>, vector<16xf32>,
        tpu.vector_store %arg21[%parallel_loop3A_683, %parallel_loop3A_684], %parallel_loop3A_682 {strides = array<i32>} : memref<40x128xf32, #tpu.memory_space<vmem>>, vector<16xf32>,
        %parallel_loop3A_686 = arith.mulf %parallel_loop3A_505, %parallel_loop3A_479 : vector<16xf32>
        %parallel_loop3A_687 = arith.index_cast %parallel_loop3A_408 : i32 to index
        %parallel_loop3A_688 = arith.constant 32 : index
        %parallel_loop3A_689 = tpu.vector_load %arg21[%parallel_loop3A_687, %parallel_loop3A_688] {strides = array<i32>} : memref<40x128xf32, #tpu.memory_space<vmem>>, vector<16xf32>,
        tpu.vector_store %arg21[%parallel_loop3A_687, %parallel_loop3A_688], %parallel_loop3A_686 {strides = array<i32>} : memref<40x128xf32, #tpu.memory_space<vmem>>, vector<16xf32>,
        %parallel_loop3A_690 = arith.mulf %parallel_loop3A_538, %parallel_loop3A_512 : vector<16xf32>
        %parallel_loop3A_691 = arith.index_cast %parallel_loop3A_408 : i32 to index
        %parallel_loop3A_692 = arith.constant 48 : index
        %parallel_loop3A_693 = tpu.vector_load %arg21[%parallel_loop3A_691, %parallel_loop3A_692] {strides = array<i32>} : memref<40x128xf32, #tpu.memory_space<vmem>>, vector<16xf32>,
        tpu.vector_store %arg21[%parallel_loop3A_691, %parallel_loop3A_692], %parallel_loop3A_690 {strides = array<i32>} : memref<40x128xf32, #tpu.memory_space<vmem>>, vector<16xf32>,
        %parallel_loop3A_694 = arith.mulf %parallel_loop3A_571, %parallel_loop3A_545 : vector<16xf32>
        %parallel_loop3A_695 = arith.index_cast %parallel_loop3A_408 : i32 to index
        %parallel_loop3A_696 = arith.constant 64 : index
        %parallel_loop3A_697 = tpu.vector_load %arg21[%parallel_loop3A_695, %parallel_loop3A_696] {strides = array<i32>} : memref<40x128xf32, #tpu.memory_space<vmem>>, vector<16xf32>,
        tpu.vector_store %arg21[%parallel_loop3A_695, %parallel_loop3A_696], %parallel_loop3A_694 {strides = array<i32>} : memref<40x128xf32, #tpu.memory_space<vmem>>, vector<16xf32>,
        %parallel_loop3A_698 = arith.mulf %parallel_loop3A_604, %parallel_loop3A_578 : vector<16xf32>
        %parallel_loop3A_699 = arith.index_cast %parallel_loop3A_408 : i32 to index
        %parallel_loop3A_700 = arith.constant 80 : index
        %parallel_loop3A_701 = tpu.vector_load %arg21[%parallel_loop3A_699, %parallel_loop3A_700] {strides = array<i32>} : memref<40x128xf32, #tpu.memory_space<vmem>>, vector<16xf32>,
        tpu.vector_store %arg21[%parallel_loop3A_699, %parallel_loop3A_700], %parallel_loop3A_698 {strides = array<i32>} : memref<40x128xf32, #tpu.memory_space<vmem>>, vector<16xf32>,
        %parallel_loop3A_702 = arith.mulf %parallel_loop3A_637, %parallel_loop3A_611 : vector<16xf32>
        %parallel_loop3A_703 = arith.index_cast %parallel_loop3A_408 : i32 to index
        %parallel_loop3A_704 = arith.constant 96 : index
        %parallel_loop3A_705 = tpu.vector_load %arg21[%parallel_loop3A_703, %parallel_loop3A_704] {strides = array<i32>} : memref<40x128xf32, #tpu.memory_space<vmem>>, vector<16xf32>,
        tpu.vector_store %arg21[%parallel_loop3A_703, %parallel_loop3A_704], %parallel_loop3A_702 {strides = array<i32>} : memref<40x128xf32, #tpu.memory_space<vmem>>, vector<16xf32>,
        %parallel_loop3A_706 = arith.mulf %parallel_loop3A_670, %parallel_loop3A_644 : vector<16xf32>
        %parallel_loop3A_707 = arith.index_cast %parallel_loop3A_408 : i32 to index
        %parallel_loop3A_708 = arith.constant 112 : index
        %parallel_loop3A_709 = tpu.vector_load %arg21[%parallel_loop3A_707, %parallel_loop3A_708] {strides = array<i32>} : memref<40x128xf32, #tpu.memory_space<vmem>>, vector<16xf32>,
        tpu.vector_store %arg21[%parallel_loop3A_707, %parallel_loop3A_708], %parallel_loop3A_706 {strides = array<i32>} : memref<40x128xf32, #tpu.memory_space<vmem>>, vector<16xf32>,
      } {sc.loop_unroll_factor = 2 : i64, sc.parallel_access}
      %dma_wait3A_398 = arith.constant 0 : i32
      %dma_wait3A_399 = tpu.memref_slice %arg4[%dma_wait3A_398] : memref<640000xi32, #tpu.memory_space<hbm>> -> memref<40xi32, #tpu.memory_space<hbm>>
      %dma_wait3A_400 = arith.constant 0 : i32
      %dma_wait3A_401 = tpu.memref_slice %arg4[%dma_wait3A_400] : memref<640000xi32, #tpu.memory_space<hbm>> -> memref<40xi32, #tpu.memory_space<hbm>>
      tpu.wait_dma2 semaphore(%arg34 : memref<!tpu.dma_semaphore, #tpu.memory_space<semaphore_mem>>) src(%dma_wait3A_401 : memref<40xi32, #tpu.memory_space<hbm>>) dst(%arg15 : memref<40xi32, #tpu.memory_space<vmem>>)
      %dma_start3A_402 = arith.constant 0 : i32
      %dma_start3A_403 = arith.constant 0 : i32
      %dma_start3A_404 = tpu.memref_slice %arg25[%dma_start3A_402, %dma_start3A_403] : memref<10240x128xf32, #tpu.memory_space<vmem_shared>> -> memref<10240x128xf32, #tpu.memory_space<vmem_shared>>
      tpu.enqueue_indirect_dma source(%arg21 : memref<40x128xf32, #tpu.memory_space<vmem>>) target(%dma_start3A_404 : memref<10240x128xf32, #tpu.memory_space<vmem_shared>>) offsets(%arg15 : memref<40xi32, #tpu.memory_space<vmem>>) semaphore(%arg32 : memref<!tpu.dma_semaphore, #tpu.memory_space<semaphore_mem>>) {add = true}
      %dma_start3A_405 = arith.constant 0 : i32
      %dma_start3A_406 = arith.constant 0 : i32
      %dma_start3A_407 = tpu.memref_slice %arg26[%dma_start3A_405, %dma_start3A_406] : memref<10240x16xf32, #tpu.memory_space<vmem_shared>> -> memref<10240x16xf32, #tpu.memory_space<vmem_shared>>
      tpu.enqueue_indirect_dma source(%arg23 : memref<40x16xf32, #tpu.memory_space<vmem>>) target(%dma_start3A_407 : memref<10240x16xf32, #tpu.memory_space<vmem_shared>>) offsets(%arg15 : memref<40xi32, #tpu.memory_space<vmem>>) semaphore(%arg32 : memref<!tpu.dma_semaphore, #tpu.memory_space<semaphore_mem>>) {add = true}
    }
    %scan3A_161 = arith.constant 123 : i32
    %dma_wait3A_162 = arith.constant 0 : i32
    %dma_wait3A_163 = tpu.memref_slice %arg4[%dma_wait3A_162] : memref<640000xi32, #tpu.memory_space<hbm>> -> memref<40xi32, #tpu.memory_space<hbm>>
    %dma_wait3A_164 = arith.constant 0 : i32
    %dma_wait3A_165 = tpu.memref_slice %arg4[%dma_wait3A_164] : memref<640000xi32, #tpu.memory_space<hbm>> -> memref<40xi32, #tpu.memory_space<hbm>>
    tpu.wait_dma2 semaphore(%arg28 : memref<!tpu.dma_semaphore, #tpu.memory_space<semaphore_mem>>) src(%dma_wait3A_165 : memref<40xi32, #tpu.memory_space<hbm>>) dst(%arg11 : memref<40xi32, #tpu.memory_space<vmem>>)
    %dma_wait3A_166 = arith.constant 0 : i32
    %dma_wait3A_167 = tpu.memref_slice %arg4[%dma_wait3A_166] : memref<640000xi32, #tpu.memory_space<hbm>> -> memref<40xi32, #tpu.memory_space<hbm>>
    %dma_wait3A_168 = arith.constant 0 : i32
    %dma_wait3A_169 = tpu.memref_slice %arg4[%dma_wait3A_168] : memref<640000xi32, #tpu.memory_space<hbm>> -> memref<40xi32, #tpu.memory_space<hbm>>
    tpu.wait_dma2 semaphore(%arg28 : memref<!tpu.dma_semaphore, #tpu.memory_space<semaphore_mem>>) src(%dma_wait3A_169 : memref<40xi32, #tpu.memory_space<hbm>>) dst(%arg13 : memref<40xi32, #tpu.memory_space<vmem>>)
    %dma_start3A_170 = arith.constant 0 : i32
    %dma_start3A_171 = arith.constant 0 : i32
    %dma_start3A_172 = tpu.memref_slice %arg2[%dma_start3A_170, %dma_start3A_171] : memref<10000x128xf32, #tpu.memory_space<hbm>> -> memref<10000x128xf32, #tpu.memory_space<hbm>>
    tpu.enqueue_indirect_dma source(%dma_start3A_172 : memref<10000x128xf32, #tpu.memory_space<hbm>>) target(%arg17 : memref<40x128xf32, #tpu.memory_space<vmem>>) offsets(%arg11 : memref<40xi32, #tpu.memory_space<vmem>>) semaphore(%arg30 : memref<!tpu.dma_semaphore, #tpu.memory_space<semaphore_mem>>)
    %dma_start3A_173 = arith.constant 0 : i32
    %dma_start3A_174 = arith.constant 0 : i32
    %dma_start3A_175 = tpu.memref_slice %arg3[%dma_start3A_173, %dma_start3A_174] : memref<10000x128xf32, #tpu.memory_space<hbm>> -> memref<10000x128xf32, #tpu.memory_space<hbm>>
    tpu.enqueue_indirect_dma source(%dma_start3A_175 : memref<10000x128xf32, #tpu.memory_space<hbm>>) target(%arg19 : memref<40x128xf32, #tpu.memory_space<vmem>>) offsets(%arg13 : memref<40xi32, #tpu.memory_space<vmem>>) semaphore(%arg30 : memref<!tpu.dma_semaphore, #tpu.memory_space<semaphore_mem>>)
    %dma_wait3A_176 = arith.constant 0 : i32
    %dma_wait3A_177 = arith.constant 0 : i32
    %dma_wait3A_178 = tpu.memref_slice %arg2[%dma_wait3A_176, %dma_wait3A_177] : memref<10000x128xf32, #tpu.memory_space<hbm>> -> memref<10000x128xf32, #tpu.memory_space<hbm>>
    tpu.wait_indirect_dma semaphore(%arg29 : memref<!tpu.dma_semaphore, #tpu.memory_space<semaphore_mem>>) src(%dma_wait3A_178 : memref<10000x128xf32, #tpu.memory_space<hbm>>) dst(%arg16 : memref<40x128xf32, #tpu.memory_space<vmem>>)
    %dma_wait3A_179 = arith.constant 0 : i32
    %dma_wait3A_180 = arith.constant 0 : i32
    %dma_wait3A_181 = tpu.memref_slice %arg3[%dma_wait3A_179, %dma_wait3A_180] : memref<10000x128xf32, #tpu.memory_space<hbm>> -> memref<10000x128xf32, #tpu.memory_space<hbm>>
    tpu.wait_indirect_dma semaphore(%arg29 : memref<!tpu.dma_semaphore, #tpu.memory_space<semaphore_mem>>) src(%dma_wait3A_181 : memref<10000x128xf32, #tpu.memory_space<hbm>>) dst(%arg18 : memref<40x128xf32, #tpu.memory_space<vmem>>)
    %dma_wait3A_182 = arith.constant 0 : i32
    %dma_wait3A_183 = arith.constant 0 : i32
    %dma_wait3A_184 = tpu.memref_slice %arg25[%dma_wait3A_182, %dma_wait3A_183] : memref<10240x128xf32, #tpu.memory_space<vmem_shared>> -> memref<40x128xf32, #tpu.memory_space<vmem_shared>>
    %dma_wait3A_185 = arith.constant 0 : i32
    %dma_wait3A_186 = arith.constant 0 : i32
    %dma_wait3A_187 = tpu.memref_slice %arg25[%dma_wait3A_185, %dma_wait3A_186] : memref<10240x128xf32, #tpu.memory_space<vmem_shared>> -> memref<40x128xf32, #tpu.memory_space<vmem_shared>>
    tpu.wait_dma2 semaphore(%arg31 : memref<!tpu.dma_semaphore, #tpu.memory_space<semaphore_mem>>) src(%arg20 : memref<40x128xf32, #tpu.memory_space<vmem>>) dst(%dma_wait3A_187 : memref<40x128xf32, #tpu.memory_space<vmem_shared>>)
    %dma_wait3A_188 = arith.constant 0 : i32
    %dma_wait3A_189 = arith.constant 0 : i32
    %dma_wait3A_190 = tpu.memref_slice %arg26[%dma_wait3A_188, %dma_wait3A_189] : memref<10240x16xf32, #tpu.memory_space<vmem_shared>> -> memref<40x16xf32, #tpu.memory_space<vmem_shared>>
    %dma_wait3A_191 = arith.constant 0 : i32
    %dma_wait3A_192 = arith.constant 0 : i32
    %dma_wait3A_193 = tpu.memref_slice %arg26[%dma_wait3A_191, %dma_wait3A_192] : memref<10240x16xf32, #tpu.memory_space<vmem_shared>> -> memref<40x16xf32, #tpu.memory_space<vmem_shared>>
    tpu.wait_dma2 semaphore(%arg31 : memref<!tpu.dma_semaphore, #tpu.memory_space<semaphore_mem>>) src(%arg22 : memref<40x16xf32, #tpu.memory_space<vmem>>) dst(%dma_wait3A_193 : memref<40x16xf32, #tpu.memory_space<vmem_shared>>)
    %add3A_194 = arith.constant 320000 : i32
    %add3A_195 = arith.addi %add3A_194, %mul3A_2 : i32
    %add3A_196 = arith.constant 9920 : i32
    %add3A_197 = arith.addi %add3A_195, %add3A_196 : i32
    %dma_start3A_198 = tpu.memref_slice %arg4[%add3A_197] : memref<640000xi32, #tpu.memory_space<hbm>> -> memref<40xi32, #tpu.memory_space<hbm>>
    %dma_start3A_199 = tpu.memref_slice %arg4[%add3A_197] : memref<640000xi32, #tpu.memory_space<hbm>> -> memref<40xi32, #tpu.memory_space<hbm>>
    tpu.enqueue_dma source(%dma_start3A_199 : memref<40xi32, #tpu.memory_space<hbm>>) target(%arg14 : memref<40xi32, #tpu.memory_space<vmem>>) target_semaphore(%arg33 : memref<!tpu.dma_semaphore, #tpu.memory_space<semaphore_mem>>)
    %parallel_loop3A_200 = arith.constant 0 : i32
    %parallel_loop3A_201 = arith.constant 40 : i32
    %parallel_loop3A_202 = arith.constant 1 : i32
    scf.for %parallel_loop3A_275 = %parallel_loop3A_200 to %parallel_loop3A_201 step %parallel_loop3A_202  : i32 {
      %parallel_loop3A_276 = arith.constant 0.000000e+00 : f32
      %parallel_loop3A_277 = vector.broadcast %parallel_loop3A_276 : f32 to vector<16xf32>
      %parallel_loop3A_278 = arith.index_cast %parallel_loop3A_275 : i32 to index
      %parallel_loop3A_279 = arith.constant 0 : index
      %parallel_loop3A_280 = tpu.vector_load %arg16[%parallel_loop3A_278, %parallel_loop3A_279] {strides = array<i32>} : memref<40x128xf32, #tpu.memory_space<vmem>>, vector<16xf32>,
      %parallel_loop3A_281 = arith.index_cast %parallel_loop3A_275 : i32 to index
      %parallel_loop3A_282 = arith.constant 0 : index
      %parallel_loop3A_283 = tpu.vector_load %arg18[%parallel_loop3A_281, %parallel_loop3A_282] {strides = array<i32>} : memref<40x128xf32, #tpu.memory_space<vmem>>, vector<16xf32>,
      %parallel_loop3A_284 = arith.addf %parallel_loop3A_280, %parallel_loop3A_283 : vector<16xf32>
      %parallel_loop3A_285 = arith.constant 0.000000e+00 : f32
      %parallel_loop3A_286 = vector.broadcast %parallel_loop3A_285 : f32 to vector<16xf32>
      %parallel_loop3A_287 = arith.cmpf ogt, %parallel_loop3A_284, %parallel_loop3A_286 : vector<16xf32>
      %parallel_loop3A_288 = arith.constant 2.000000e-01 : f32
      %parallel_loop3A_289 = vector.broadcast %parallel_loop3A_288 : f32 to vector<16xf32>
      %parallel_loop3A_290 = arith.mulf %parallel_loop3A_289, %parallel_loop3A_284 : vector<16xf32>
      %parallel_loop3A_291 = arith.select %parallel_loop3A_287, %parallel_loop3A_284, %parallel_loop3A_290 : vector<16xi1>, vector<16xf32>
      %parallel_loop3A_292 = arith.mulf %parallel_loop3A_291, %get3A_21 : vector<16xf32>
      %parallel_loop3A_293 = arith.constant true
      %parallel_loop3A_294 = vector.broadcast %parallel_loop3A_293 : i1 to vector<16xi1>
      %parallel_loop3A_295 = tpu.scan <sum>, %parallel_loop3A_292 masked %parallel_loop3A_294 : vector<16xf32>, vector<16xi1> -> vector<16xf32>
      %parallel_loop3A_296 = arith.constant 0 : i32
      %parallel_loop3A_297 = vector.broadcast %parallel_loop3A_296 : i32 to vector<16xi32>
      %parallel_loop3A_298 = arith.cmpi slt, %broadcast_in_dim3A_3, %parallel_loop3A_297 : vector<16xi32>
      %parallel_loop3A_299 = arith.constant 16 : i32
      %parallel_loop3A_300 = vector.broadcast %parallel_loop3A_299 : i32 to vector<16xi32>
      %parallel_loop3A_301 = arith.addi %broadcast_in_dim3A_3, %parallel_loop3A_300 : vector<16xi32>
      %parallel_loop3A_302 = arith.select %parallel_loop3A_298, %parallel_loop3A_301, %broadcast_in_dim3A_3 : vector<16xi1>, vector<16xi32>
      %parallel_loop3A_303 = vector.shape_cast %parallel_loop3A_302 : vector<16xi32> to vector<16x1xi32>
      %parallel_loop3A_304 = vector.shape_cast %parallel_loop3A_303 : vector<16x1xi32> to vector<16xi32>
      %parallel_loop3A_305 = tpu.dynamic_gather %parallel_loop3A_295[%parallel_loop3A_304] in [0] : vector<16xf32>, vector<16xi32> -> vector<16xf32>
      %parallel_loop3A_306 = math.exp %parallel_loop3A_305 : vector<16xf32>
      %parallel_loop3A_307 = arith.constant 0 : i32
      %parallel_loop3A_308 = vector.broadcast %parallel_loop3A_307 : i32 to vector<16xi32>
      %parallel_loop3A_309 = arith.cmpi eq, %iota3A, %parallel_loop3A_308 : vector<16xi32>
      %parallel_loop3A_310 = arith.select %parallel_loop3A_309, %parallel_loop3A_306, %parallel_loop3A_277 : vector<16xi1>, vector<16xf32>
      %parallel_loop3A_311 = arith.index_cast %parallel_loop3A_275 : i32 to index
      %parallel_loop3A_312 = arith.constant 16 : index
      %parallel_loop3A_313 = tpu.vector_load %arg16[%parallel_loop3A_311, %parallel_loop3A_312] {strides = array<i32>} : memref<40x128xf32, #tpu.memory_space<vmem>>, vector<16xf32>,
      %parallel_loop3A_314 = arith.index_cast %parallel_loop3A_275 : i32 to index
      %parallel_loop3A_315 = arith.constant 16 : index
      %parallel_loop3A_316 = tpu.vector_load %arg18[%parallel_loop3A_314, %parallel_loop3A_315] {strides = array<i32>} : memref<40x128xf32, #tpu.memory_space<vmem>>, vector<16xf32>,
      %parallel_loop3A_317 = arith.addf %parallel_loop3A_313, %parallel_loop3A_316 : vector<16xf32>
      %parallel_loop3A_318 = arith.constant 0.000000e+00 : f32
      %parallel_loop3A_319 = vector.broadcast %parallel_loop3A_318 : f32 to vector<16xf32>
      %parallel_loop3A_320 = arith.cmpf ogt, %parallel_loop3A_317, %parallel_loop3A_319 : vector<16xf32>
      %parallel_loop3A_321 = arith.constant 2.000000e-01 : f32
      %parallel_loop3A_322 = vector.broadcast %parallel_loop3A_321 : f32 to vector<16xf32>
      %parallel_loop3A_323 = arith.mulf %parallel_loop3A_322, %parallel_loop3A_317 : vector<16xf32>
      %parallel_loop3A_324 = arith.select %parallel_loop3A_320, %parallel_loop3A_317, %parallel_loop3A_323 : vector<16xi1>, vector<16xf32>
      %parallel_loop3A_325 = arith.mulf %parallel_loop3A_324, %get3A_25 : vector<16xf32>
      %parallel_loop3A_326 = arith.constant true
      %parallel_loop3A_327 = vector.broadcast %parallel_loop3A_326 : i1 to vector<16xi1>
      %parallel_loop3A_328 = tpu.scan <sum>, %parallel_loop3A_325 masked %parallel_loop3A_327 : vector<16xf32>, vector<16xi1> -> vector<16xf32>
      %parallel_loop3A_329 = arith.constant 0 : i32
      %parallel_loop3A_330 = vector.broadcast %parallel_loop3A_329 : i32 to vector<16xi32>
      %parallel_loop3A_331 = arith.cmpi slt, %broadcast_in_dim3A_3, %parallel_loop3A_330 : vector<16xi32>
      %parallel_loop3A_332 = arith.constant 16 : i32
      %parallel_loop3A_333 = vector.broadcast %parallel_loop3A_332 : i32 to vector<16xi32>
      %parallel_loop3A_334 = arith.addi %broadcast_in_dim3A_3, %parallel_loop3A_333 : vector<16xi32>
      %parallel_loop3A_335 = arith.select %parallel_loop3A_331, %parallel_loop3A_334, %broadcast_in_dim3A_3 : vector<16xi1>, vector<16xi32>
      %parallel_loop3A_336 = vector.shape_cast %parallel_loop3A_335 : vector<16xi32> to vector<16x1xi32>
      %parallel_loop3A_337 = vector.shape_cast %parallel_loop3A_336 : vector<16x1xi32> to vector<16xi32>
      %parallel_loop3A_338 = tpu.dynamic_gather %parallel_loop3A_328[%parallel_loop3A_337] in [0] : vector<16xf32>, vector<16xi32> -> vector<16xf32>
      %parallel_loop3A_339 = math.exp %parallel_loop3A_338 : vector<16xf32>
      %parallel_loop3A_340 = arith.constant 1 : i32
      %parallel_loop3A_341 = vector.broadcast %parallel_loop3A_340 : i32 to vector<16xi32>
      %parallel_loop3A_342 = arith.cmpi eq, %iota3A, %parallel_loop3A_341 : vector<16xi32>
      %parallel_loop3A_343 = arith.select %parallel_loop3A_342, %parallel_loop3A_339, %parallel_loop3A_310 : vector<16xi1>, vector<16xf32>
      %parallel_loop3A_344 = arith.index_cast %parallel_loop3A_275 : i32 to index
      %parallel_loop3A_345 = arith.constant 32 : index
      %parallel_loop3A_346 = tpu.vector_load %arg16[%parallel_loop3A_344, %parallel_loop3A_345] {strides = array<i32>} : memref<40x128xf32, #tpu.memory_space<vmem>>, vector<16xf32>,
      %parallel_loop3A_347 = arith.index_cast %parallel_loop3A_275 : i32 to index
      %parallel_loop3A_348 = arith.constant 32 : index
      %parallel_loop3A_349 = tpu.vector_load %arg18[%parallel_loop3A_347, %parallel_loop3A_348] {strides = array<i32>} : memref<40x128xf32, #tpu.memory_space<vmem>>, vector<16xf32>,
      %parallel_loop3A_350 = arith.addf %parallel_loop3A_346, %parallel_loop3A_349 : vector<16xf32>
      %parallel_loop3A_351 = arith.constant 0.000000e+00 : f32
      %parallel_loop3A_352 = vector.broadcast %parallel_loop3A_351 : f32 to vector<16xf32>
      %parallel_loop3A_353 = arith.cmpf ogt, %parallel_loop3A_350, %parallel_loop3A_352 : vector<16xf32>
      %parallel_loop3A_354 = arith.constant 2.000000e-01 : f32
      %parallel_loop3A_355 = vector.broadcast %parallel_loop3A_354 : f32 to vector<16xf32>
      %parallel_loop3A_356 = arith.mulf %parallel_loop3A_355, %parallel_loop3A_350 : vector<16xf32>
      %parallel_loop3A_357 = arith.select %parallel_loop3A_353, %parallel_loop3A_350, %parallel_loop3A_356 : vector<16xi1>, vector<16xf32>
      %parallel_loop3A_358 = arith.mulf %parallel_loop3A_357, %get3A_29 : vector<16xf32>
      %parallel_loop3A_359 = arith.constant true
      %parallel_loop3A_360 = vector.broadcast %parallel_loop3A_359 : i1 to vector<16xi1>
      %parallel_loop3A_361 = tpu.scan <sum>, %parallel_loop3A_358 masked %parallel_loop3A_360 : vector<16xf32>, vector<16xi1> -> vector<16xf32>
      %parallel_loop3A_362 = arith.constant 0 : i32
      %parallel_loop3A_363 = vector.broadcast %parallel_loop3A_362 : i32 to vector<16xi32>
      %parallel_loop3A_364 = arith.cmpi slt, %broadcast_in_dim3A_3, %parallel_loop3A_363 : vector<16xi32>
      %parallel_loop3A_365 = arith.constant 16 : i32
      %parallel_loop3A_366 = vector.broadcast %parallel_loop3A_365 : i32 to vector<16xi32>
      %parallel_loop3A_367 = arith.addi %broadcast_in_dim3A_3, %parallel_loop3A_366 : vector<16xi32>
      %parallel_loop3A_368 = arith.select %parallel_loop3A_364, %parallel_loop3A_367, %broadcast_in_dim3A_3 : vector<16xi1>, vector<16xi32>
      %parallel_loop3A_369 = vector.shape_cast %parallel_loop3A_368 : vector<16xi32> to vector<16x1xi32>
      %parallel_loop3A_370 = vector.shape_cast %parallel_loop3A_369 : vector<16x1xi32> to vector<16xi32>
      %parallel_loop3A_371 = tpu.dynamic_gather %parallel_loop3A_361[%parallel_loop3A_370] in [0] : vector<16xf32>, vector<16xi32> -> vector<16xf32>
      %parallel_loop3A_372 = math.exp %parallel_loop3A_371 : vector<16xf32>
      %parallel_loop3A_373 = arith.constant 2 : i32
      %parallel_loop3A_374 = vector.broadcast %parallel_loop3A_373 : i32 to vector<16xi32>
      %parallel_loop3A_375 = arith.cmpi eq, %iota3A, %parallel_loop3A_374 : vector<16xi32>
      %parallel_loop3A_376 = arith.select %parallel_loop3A_375, %parallel_loop3A_372, %parallel_loop3A_343 : vector<16xi1>, vector<16xf32>
      %parallel_loop3A_377 = arith.index_cast %parallel_loop3A_275 : i32 to index
      %parallel_loop3A_378 = arith.constant 48 : index
      %parallel_loop3A_379 = tpu.vector_load %arg16[%parallel_loop3A_377, %parallel_loop3A_378] {strides = array<i32>} : memref<40x128xf32, #tpu.memory_space<vmem>>, vector<16xf32>,
      %parallel_loop3A_380 = arith.index_cast %parallel_loop3A_275 : i32 to index
      %parallel_loop3A_381 = arith.constant 48 : index
      %parallel_loop3A_382 = tpu.vector_load %arg18[%parallel_loop3A_380, %parallel_loop3A_381] {strides = array<i32>} : memref<40x128xf32, #tpu.memory_space<vmem>>, vector<16xf32>,
      %parallel_loop3A_383 = arith.addf %parallel_loop3A_379, %parallel_loop3A_382 : vector<16xf32>
      %parallel_loop3A_384 = arith.constant 0.000000e+00 : f32
      %parallel_loop3A_385 = vector.broadcast %parallel_loop3A_384 : f32 to vector<16xf32>
      %parallel_loop3A_386 = arith.cmpf ogt, %parallel_loop3A_383, %parallel_loop3A_385 : vector<16xf32>
      %parallel_loop3A_387 = arith.constant 2.000000e-01 : f32
      %parallel_loop3A_388 = vector.broadcast %parallel_loop3A_387 : f32 to vector<16xf32>
      %parallel_loop3A_389 = arith.mulf %parallel_loop3A_388, %parallel_loop3A_383 : vector<16xf32>
      %parallel_loop3A_390 = arith.select %parallel_loop3A_386, %parallel_loop3A_383, %parallel_loop3A_389 : vector<16xi1>, vector<16xf32>
      %parallel_loop3A_391 = arith.mulf %parallel_loop3A_390, %get3A_33 : vector<16xf32>
      %parallel_loop3A_392 = arith.constant true
      %parallel_loop3A_393 = vector.broadcast %parallel_loop3A_392 : i1 to vector<16xi1>
      %parallel_loop3A_394 = tpu.scan <sum>, %parallel_loop3A_391 masked %parallel_loop3A_393 : vector<16xf32>, vector<16xi1> -> vector<16xf32>
      %parallel_loop3A_395 = arith.constant 0 : i32
      %parallel_loop3A_396 = vector.broadcast %parallel_loop3A_395 : i32 to vector<16xi32>
      %parallel_loop3A_397 = arith.cmpi slt, %broadcast_in_dim3A_3, %parallel_loop3A_396 : vector<16xi32>
      %parallel_loop3A_398 = arith.constant 16 : i32
      %parallel_loop3A_399 = vector.broadcast %parallel_loop3A_398 : i32 to vector<16xi32>
      %parallel_loop3A_400 = arith.addi %broadcast_in_dim3A_3, %parallel_loop3A_399 : vector<16xi32>
      %parallel_loop3A_401 = arith.select %parallel_loop3A_397, %parallel_loop3A_400, %broadcast_in_dim3A_3 : vector<16xi1>, vector<16xi32>
      %parallel_loop3A_402 = vector.shape_cast %parallel_loop3A_401 : vector<16xi32> to vector<16x1xi32>
      %parallel_loop3A_403 = vector.shape_cast %parallel_loop3A_402 : vector<16x1xi32> to vector<16xi32>
      %parallel_loop3A_404 = tpu.dynamic_gather %parallel_loop3A_394[%parallel_loop3A_403] in [0] : vector<16xf32>, vector<16xi32> -> vector<16xf32>
      %parallel_loop3A_405 = math.exp %parallel_loop3A_404 : vector<16xf32>
      %parallel_loop3A_406 = arith.constant 3 : i32
      %parallel_loop3A_407 = vector.broadcast %parallel_loop3A_406 : i32 to vector<16xi32>
      %parallel_loop3A_408 = arith.cmpi eq, %iota3A, %parallel_loop3A_407 : vector<16xi32>
      %parallel_loop3A_409 = arith.select %parallel_loop3A_408, %parallel_loop3A_405, %parallel_loop3A_376 : vector<16xi1>, vector<16xf32>
      %parallel_loop3A_410 = arith.index_cast %parallel_loop3A_275 : i32 to index
      %parallel_loop3A_411 = arith.constant 64 : index
      %parallel_loop3A_412 = tpu.vector_load %arg16[%parallel_loop3A_410, %parallel_loop3A_411] {strides = array<i32>} : memref<40x128xf32, #tpu.memory_space<vmem>>, vector<16xf32>,
      %parallel_loop3A_413 = arith.index_cast %parallel_loop3A_275 : i32 to index
      %parallel_loop3A_414 = arith.constant 64 : index
      %parallel_loop3A_415 = tpu.vector_load %arg18[%parallel_loop3A_413, %parallel_loop3A_414] {strides = array<i32>} : memref<40x128xf32, #tpu.memory_space<vmem>>, vector<16xf32>,
      %parallel_loop3A_416 = arith.addf %parallel_loop3A_412, %parallel_loop3A_415 : vector<16xf32>
      %parallel_loop3A_417 = arith.constant 0.000000e+00 : f32
      %parallel_loop3A_418 = vector.broadcast %parallel_loop3A_417 : f32 to vector<16xf32>
      %parallel_loop3A_419 = arith.cmpf ogt, %parallel_loop3A_416, %parallel_loop3A_418 : vector<16xf32>
      %parallel_loop3A_420 = arith.constant 2.000000e-01 : f32
      %parallel_loop3A_421 = vector.broadcast %parallel_loop3A_420 : f32 to vector<16xf32>
      %parallel_loop3A_422 = arith.mulf %parallel_loop3A_421, %parallel_loop3A_416 : vector<16xf32>
      %parallel_loop3A_423 = arith.select %parallel_loop3A_419, %parallel_loop3A_416, %parallel_loop3A_422 : vector<16xi1>, vector<16xf32>
      %parallel_loop3A_424 = arith.mulf %parallel_loop3A_423, %get3A_37 : vector<16xf32>
      %parallel_loop3A_425 = arith.constant true
      %parallel_loop3A_426 = vector.broadcast %parallel_loop3A_425 : i1 to vector<16xi1>
      %parallel_loop3A_427 = tpu.scan <sum>, %parallel_loop3A_424 masked %parallel_loop3A_426 : vector<16xf32>, vector<16xi1> -> vector<16xf32>
      %parallel_loop3A_428 = arith.constant 0 : i32
      %parallel_loop3A_429 = vector.broadcast %parallel_loop3A_428 : i32 to vector<16xi32>
      %parallel_loop3A_430 = arith.cmpi slt, %broadcast_in_dim3A_3, %parallel_loop3A_429 : vector<16xi32>
      %parallel_loop3A_431 = arith.constant 16 : i32
      %parallel_loop3A_432 = vector.broadcast %parallel_loop3A_431 : i32 to vector<16xi32>
      %parallel_loop3A_433 = arith.addi %broadcast_in_dim3A_3, %parallel_loop3A_432 : vector<16xi32>
      %parallel_loop3A_434 = arith.select %parallel_loop3A_430, %parallel_loop3A_433, %broadcast_in_dim3A_3 : vector<16xi1>, vector<16xi32>
      %parallel_loop3A_435 = vector.shape_cast %parallel_loop3A_434 : vector<16xi32> to vector<16x1xi32>
      %parallel_loop3A_436 = vector.shape_cast %parallel_loop3A_435 : vector<16x1xi32> to vector<16xi32>
      %parallel_loop3A_437 = tpu.dynamic_gather %parallel_loop3A_427[%parallel_loop3A_436] in [0] : vector<16xf32>, vector<16xi32> -> vector<16xf32>
      %parallel_loop3A_438 = math.exp %parallel_loop3A_437 : vector<16xf32>
      %parallel_loop3A_439 = arith.constant 4 : i32
      %parallel_loop3A_440 = vector.broadcast %parallel_loop3A_439 : i32 to vector<16xi32>
      %parallel_loop3A_441 = arith.cmpi eq, %iota3A, %parallel_loop3A_440 : vector<16xi32>
      %parallel_loop3A_442 = arith.select %parallel_loop3A_441, %parallel_loop3A_438, %parallel_loop3A_409 : vector<16xi1>, vector<16xf32>
      %parallel_loop3A_443 = arith.index_cast %parallel_loop3A_275 : i32 to index
      %parallel_loop3A_444 = arith.constant 80 : index
      %parallel_loop3A_445 = tpu.vector_load %arg16[%parallel_loop3A_443, %parallel_loop3A_444] {strides = array<i32>} : memref<40x128xf32, #tpu.memory_space<vmem>>, vector<16xf32>,
      %parallel_loop3A_446 = arith.index_cast %parallel_loop3A_275 : i32 to index
      %parallel_loop3A_447 = arith.constant 80 : index
      %parallel_loop3A_448 = tpu.vector_load %arg18[%parallel_loop3A_446, %parallel_loop3A_447] {strides = array<i32>} : memref<40x128xf32, #tpu.memory_space<vmem>>, vector<16xf32>,
      %parallel_loop3A_449 = arith.addf %parallel_loop3A_445, %parallel_loop3A_448 : vector<16xf32>
      %parallel_loop3A_450 = arith.constant 0.000000e+00 : f32
      %parallel_loop3A_451 = vector.broadcast %parallel_loop3A_450 : f32 to vector<16xf32>
      %parallel_loop3A_452 = arith.cmpf ogt, %parallel_loop3A_449, %parallel_loop3A_451 : vector<16xf32>
      %parallel_loop3A_453 = arith.constant 2.000000e-01 : f32
      %parallel_loop3A_454 = vector.broadcast %parallel_loop3A_453 : f32 to vector<16xf32>
      %parallel_loop3A_455 = arith.mulf %parallel_loop3A_454, %parallel_loop3A_449 : vector<16xf32>
      %parallel_loop3A_456 = arith.select %parallel_loop3A_452, %parallel_loop3A_449, %parallel_loop3A_455 : vector<16xi1>, vector<16xf32>
      %parallel_loop3A_457 = arith.mulf %parallel_loop3A_456, %get3A_41 : vector<16xf32>
      %parallel_loop3A_458 = arith.constant true
      %parallel_loop3A_459 = vector.broadcast %parallel_loop3A_458 : i1 to vector<16xi1>
      %parallel_loop3A_460 = tpu.scan <sum>, %parallel_loop3A_457 masked %parallel_loop3A_459 : vector<16xf32>, vector<16xi1> -> vector<16xf32>
      %parallel_loop3A_461 = arith.constant 0 : i32
      %parallel_loop3A_462 = vector.broadcast %parallel_loop3A_461 : i32 to vector<16xi32>
      %parallel_loop3A_463 = arith.cmpi slt, %broadcast_in_dim3A_3, %parallel_loop3A_462 : vector<16xi32>
      %parallel_loop3A_464 = arith.constant 16 : i32
      %parallel_loop3A_465 = vector.broadcast %parallel_loop3A_464 : i32 to vector<16xi32>
      %parallel_loop3A_466 = arith.addi %broadcast_in_dim3A_3, %parallel_loop3A_465 : vector<16xi32>
      %parallel_loop3A_467 = arith.select %parallel_loop3A_463, %parallel_loop3A_466, %broadcast_in_dim3A_3 : vector<16xi1>, vector<16xi32>
      %parallel_loop3A_468 = vector.shape_cast %parallel_loop3A_467 : vector<16xi32> to vector<16x1xi32>
      %parallel_loop3A_469 = vector.shape_cast %parallel_loop3A_468 : vector<16x1xi32> to vector<16xi32>
      %parallel_loop3A_470 = tpu.dynamic_gather %parallel_loop3A_460[%parallel_loop3A_469] in [0] : vector<16xf32>, vector<16xi32> -> vector<16xf32>
      %parallel_loop3A_471 = math.exp %parallel_loop3A_470 : vector<16xf32>
      %parallel_loop3A_472 = arith.constant 5 : i32
      %parallel_loop3A_473 = vector.broadcast %parallel_loop3A_472 : i32 to vector<16xi32>
      %parallel_loop3A_474 = arith.cmpi eq, %iota3A, %parallel_loop3A_473 : vector<16xi32>
      %parallel_loop3A_475 = arith.select %parallel_loop3A_474, %parallel_loop3A_471, %parallel_loop3A_442 : vector<16xi1>, vector<16xf32>
      %parallel_loop3A_476 = arith.index_cast %parallel_loop3A_275 : i32 to index
      %parallel_loop3A_477 = arith.constant 96 : index
      %parallel_loop3A_478 = tpu.vector_load %arg16[%parallel_loop3A_476, %parallel_loop3A_477] {strides = array<i32>} : memref<40x128xf32, #tpu.memory_space<vmem>>, vector<16xf32>,
      %parallel_loop3A_479 = arith.index_cast %parallel_loop3A_275 : i32 to index
      %parallel_loop3A_480 = arith.constant 96 : index
      %parallel_loop3A_481 = tpu.vector_load %arg18[%parallel_loop3A_479, %parallel_loop3A_480] {strides = array<i32>} : memref<40x128xf32, #tpu.memory_space<vmem>>, vector<16xf32>,
      %parallel_loop3A_482 = arith.addf %parallel_loop3A_478, %parallel_loop3A_481 : vector<16xf32>
      %parallel_loop3A_483 = arith.constant 0.000000e+00 : f32
      %parallel_loop3A_484 = vector.broadcast %parallel_loop3A_483 : f32 to vector<16xf32>
      %parallel_loop3A_485 = arith.cmpf ogt, %parallel_loop3A_482, %parallel_loop3A_484 : vector<16xf32>
      %parallel_loop3A_486 = arith.constant 2.000000e-01 : f32
      %parallel_loop3A_487 = vector.broadcast %parallel_loop3A_486 : f32 to vector<16xf32>
      %parallel_loop3A_488 = arith.mulf %parallel_loop3A_487, %parallel_loop3A_482 : vector<16xf32>
      %parallel_loop3A_489 = arith.select %parallel_loop3A_485, %parallel_loop3A_482, %parallel_loop3A_488 : vector<16xi1>, vector<16xf32>
      %parallel_loop3A_490 = arith.mulf %parallel_loop3A_489, %get3A_45 : vector<16xf32>
      %parallel_loop3A_491 = arith.constant true
      %parallel_loop3A_492 = vector.broadcast %parallel_loop3A_491 : i1 to vector<16xi1>
      %parallel_loop3A_493 = tpu.scan <sum>, %parallel_loop3A_490 masked %parallel_loop3A_492 : vector<16xf32>, vector<16xi1> -> vector<16xf32>
      %parallel_loop3A_494 = arith.constant 0 : i32
      %parallel_loop3A_495 = vector.broadcast %parallel_loop3A_494 : i32 to vector<16xi32>
      %parallel_loop3A_496 = arith.cmpi slt, %broadcast_in_dim3A_3, %parallel_loop3A_495 : vector<16xi32>
      %parallel_loop3A_497 = arith.constant 16 : i32
      %parallel_loop3A_498 = vector.broadcast %parallel_loop3A_497 : i32 to vector<16xi32>
      %parallel_loop3A_499 = arith.addi %broadcast_in_dim3A_3, %parallel_loop3A_498 : vector<16xi32>
      %parallel_loop3A_500 = arith.select %parallel_loop3A_496, %parallel_loop3A_499, %broadcast_in_dim3A_3 : vector<16xi1>, vector<16xi32>
      %parallel_loop3A_501 = vector.shape_cast %parallel_loop3A_500 : vector<16xi32> to vector<16x1xi32>
      %parallel_loop3A_502 = vector.shape_cast %parallel_loop3A_501 : vector<16x1xi32> to vector<16xi32>
      %parallel_loop3A_503 = tpu.dynamic_gather %parallel_loop3A_493[%parallel_loop3A_502] in [0] : vector<16xf32>, vector<16xi32> -> vector<16xf32>
      %parallel_loop3A_504 = math.exp %parallel_loop3A_503 : vector<16xf32>
      %parallel_loop3A_505 = arith.constant 6 : i32
      %parallel_loop3A_506 = vector.broadcast %parallel_loop3A_505 : i32 to vector<16xi32>
      %parallel_loop3A_507 = arith.cmpi eq, %iota3A, %parallel_loop3A_506 : vector<16xi32>
      %parallel_loop3A_508 = arith.select %parallel_loop3A_507, %parallel_loop3A_504, %parallel_loop3A_475 : vector<16xi1>, vector<16xf32>
      %parallel_loop3A_509 = arith.index_cast %parallel_loop3A_275 : i32 to index
      %parallel_loop3A_510 = arith.constant 112 : index
      %parallel_loop3A_511 = tpu.vector_load %arg16[%parallel_loop3A_509, %parallel_loop3A_510] {strides = array<i32>} : memref<40x128xf32, #tpu.memory_space<vmem>>, vector<16xf32>,
      %parallel_loop3A_512 = arith.index_cast %parallel_loop3A_275 : i32 to index
      %parallel_loop3A_513 = arith.constant 112 : index
      %parallel_loop3A_514 = tpu.vector_load %arg18[%parallel_loop3A_512, %parallel_loop3A_513] {strides = array<i32>} : memref<40x128xf32, #tpu.memory_space<vmem>>, vector<16xf32>,
      %parallel_loop3A_515 = arith.addf %parallel_loop3A_511, %parallel_loop3A_514 : vector<16xf32>
      %parallel_loop3A_516 = arith.constant 0.000000e+00 : f32
      %parallel_loop3A_517 = vector.broadcast %parallel_loop3A_516 : f32 to vector<16xf32>
      %parallel_loop3A_518 = arith.cmpf ogt, %parallel_loop3A_515, %parallel_loop3A_517 : vector<16xf32>
      %parallel_loop3A_519 = arith.constant 2.000000e-01 : f32
      %parallel_loop3A_520 = vector.broadcast %parallel_loop3A_519 : f32 to vector<16xf32>
      %parallel_loop3A_521 = arith.mulf %parallel_loop3A_520, %parallel_loop3A_515 : vector<16xf32>
      %parallel_loop3A_522 = arith.select %parallel_loop3A_518, %parallel_loop3A_515, %parallel_loop3A_521 : vector<16xi1>, vector<16xf32>
      %parallel_loop3A_523 = arith.mulf %parallel_loop3A_522, %get3A_49 : vector<16xf32>
      %parallel_loop3A_524 = arith.constant true
      %parallel_loop3A_525 = vector.broadcast %parallel_loop3A_524 : i1 to vector<16xi1>
      %parallel_loop3A_526 = tpu.scan <sum>, %parallel_loop3A_523 masked %parallel_loop3A_525 : vector<16xf32>, vector<16xi1> -> vector<16xf32>
      %parallel_loop3A_527 = arith.constant 0 : i32
      %parallel_loop3A_528 = vector.broadcast %parallel_loop3A_527 : i32 to vector<16xi32>
      %parallel_loop3A_529 = arith.cmpi slt, %broadcast_in_dim3A_3, %parallel_loop3A_528 : vector<16xi32>
      %parallel_loop3A_530 = arith.constant 16 : i32
      %parallel_loop3A_531 = vector.broadcast %parallel_loop3A_530 : i32 to vector<16xi32>
      %parallel_loop3A_532 = arith.addi %broadcast_in_dim3A_3, %parallel_loop3A_531 : vector<16xi32>
      %parallel_loop3A_533 = arith.select %parallel_loop3A_529, %parallel_loop3A_532, %broadcast_in_dim3A_3 : vector<16xi1>, vector<16xi32>
      %parallel_loop3A_534 = vector.shape_cast %parallel_loop3A_533 : vector<16xi32> to vector<16x1xi32>
      %parallel_loop3A_535 = vector.shape_cast %parallel_loop3A_534 : vector<16x1xi32> to vector<16xi32>
      %parallel_loop3A_536 = tpu.dynamic_gather %parallel_loop3A_526[%parallel_loop3A_535] in [0] : vector<16xf32>, vector<16xi32> -> vector<16xf32>
      %parallel_loop3A_537 = math.exp %parallel_loop3A_536 : vector<16xf32>
      %parallel_loop3A_538 = arith.constant 7 : i32
      %parallel_loop3A_539 = vector.broadcast %parallel_loop3A_538 : i32 to vector<16xi32>
      %parallel_loop3A_540 = arith.cmpi eq, %iota3A, %parallel_loop3A_539 : vector<16xi32>
      %parallel_loop3A_541 = arith.select %parallel_loop3A_540, %parallel_loop3A_537, %parallel_loop3A_508 : vector<16xi1>, vector<16xf32>
      %parallel_loop3A_542 = arith.index_cast %parallel_loop3A_275 : i32 to index
      %parallel_loop3A_543 = arith.constant 0 : index
      %parallel_loop3A_544 = tpu.vector_load %arg22[%parallel_loop3A_542, %parallel_loop3A_543] {strides = array<i32>} : memref<40x16xf32, #tpu.memory_space<vmem>>, vector<16xf32>,
      tpu.vector_store %arg22[%parallel_loop3A_542, %parallel_loop3A_543], %parallel_loop3A_541 {strides = array<i32>} : memref<40x16xf32, #tpu.memory_space<vmem>>, vector<16xf32>,
      %parallel_loop3A_545 = arith.mulf %parallel_loop3A_306, %parallel_loop3A_280 : vector<16xf32>
      %parallel_loop3A_546 = arith.index_cast %parallel_loop3A_275 : i32 to index
      %parallel_loop3A_547 = arith.constant 0 : index
      %parallel_loop3A_548 = tpu.vector_load %arg20[%parallel_loop3A_546, %parallel_loop3A_547] {strides = array<i32>} : memref<40x128xf32, #tpu.memory_space<vmem>>, vector<16xf32>,
      tpu.vector_store %arg20[%parallel_loop3A_546, %parallel_loop3A_547], %parallel_loop3A_545 {strides = array<i32>} : memref<40x128xf32, #tpu.memory_space<vmem>>, vector<16xf32>,
      %parallel_loop3A_549 = arith.mulf %parallel_loop3A_339, %parallel_loop3A_313 : vector<16xf32>
      %parallel_loop3A_550 = arith.index_cast %parallel_loop3A_275 : i32 to index
      %parallel_loop3A_551 = arith.constant 16 : index
      %parallel_loop3A_552 = tpu.vector_load %arg20[%parallel_loop3A_550, %parallel_loop3A_551] {strides = array<i32>} : memref<40x128xf32, #tpu.memory_space<vmem>>, vector<16xf32>,
      tpu.vector_store %arg20[%parallel_loop3A_550, %parallel_loop3A_551], %parallel_loop3A_549 {strides = array<i32>} : memref<40x128xf32, #tpu.memory_space<vmem>>, vector<16xf32>,
      %parallel_loop3A_553 = arith.mulf %parallel_loop3A_372, %parallel_loop3A_346 : vector<16xf32>
      %parallel_loop3A_554 = arith.index_cast %parallel_loop3A_275 : i32 to index
      %parallel_loop3A_555 = arith.constant 32 : index
      %parallel_loop3A_556 = tpu.vector_load %arg20[%parallel_loop3A_554, %parallel_loop3A_555] {strides = array<i32>} : memref<40x128xf32, #tpu.memory_space<vmem>>, vector<16xf32>,
      tpu.vector_store %arg20[%parallel_loop3A_554, %parallel_loop3A_555], %parallel_loop3A_553 {strides = array<i32>} : memref<40x128xf32, #tpu.memory_space<vmem>>, vector<16xf32>,
      %parallel_loop3A_557 = arith.mulf %parallel_loop3A_405, %parallel_loop3A_379 : vector<16xf32>
      %parallel_loop3A_558 = arith.index_cast %parallel_loop3A_275 : i32 to index
      %parallel_loop3A_559 = arith.constant 48 : index
      %parallel_loop3A_560 = tpu.vector_load %arg20[%parallel_loop3A_558, %parallel_loop3A_559] {strides = array<i32>} : memref<40x128xf32, #tpu.memory_space<vmem>>, vector<16xf32>,
      tpu.vector_store %arg20[%parallel_loop3A_558, %parallel_loop3A_559], %parallel_loop3A_557 {strides = array<i32>} : memref<40x128xf32, #tpu.memory_space<vmem>>, vector<16xf32>,
      %parallel_loop3A_561 = arith.mulf %parallel_loop3A_438, %parallel_loop3A_412 : vector<16xf32>
      %parallel_loop3A_562 = arith.index_cast %parallel_loop3A_275 : i32 to index
      %parallel_loop3A_563 = arith.constant 64 : index
      %parallel_loop3A_564 = tpu.vector_load %arg20[%parallel_loop3A_562, %parallel_loop3A_563] {strides = array<i32>} : memref<40x128xf32, #tpu.memory_space<vmem>>, vector<16xf32>,
      tpu.vector_store %arg20[%parallel_loop3A_562, %parallel_loop3A_563], %parallel_loop3A_561 {strides = array<i32>} : memref<40x128xf32, #tpu.memory_space<vmem>>, vector<16xf32>,
      %parallel_loop3A_565 = arith.mulf %parallel_loop3A_471, %parallel_loop3A_445 : vector<16xf32>
      %parallel_loop3A_566 = arith.index_cast %parallel_loop3A_275 : i32 to index
      %parallel_loop3A_567 = arith.constant 80 : index
      %parallel_loop3A_568 = tpu.vector_load %arg20[%parallel_loop3A_566, %parallel_loop3A_567] {strides = array<i32>} : memref<40x128xf32, #tpu.memory_space<vmem>>, vector<16xf32>,
      tpu.vector_store %arg20[%parallel_loop3A_566, %parallel_loop3A_567], %parallel_loop3A_565 {strides = array<i32>} : memref<40x128xf32, #tpu.memory_space<vmem>>, vector<16xf32>,
      %parallel_loop3A_569 = arith.mulf %parallel_loop3A_504, %parallel_loop3A_478 : vector<16xf32>
      %parallel_loop3A_570 = arith.index_cast %parallel_loop3A_275 : i32 to index
      %parallel_loop3A_571 = arith.constant 96 : index
      %parallel_loop3A_572 = tpu.vector_load %arg20[%parallel_loop3A_570, %parallel_loop3A_571] {strides = array<i32>} : memref<40x128xf32, #tpu.memory_space<vmem>>, vector<16xf32>,
      tpu.vector_store %arg20[%parallel_loop3A_570, %parallel_loop3A_571], %parallel_loop3A_569 {strides = array<i32>} : memref<40x128xf32, #tpu.memory_space<vmem>>, vector<16xf32>,
      %parallel_loop3A_573 = arith.mulf %parallel_loop3A_537, %parallel_loop3A_511 : vector<16xf32>
      %parallel_loop3A_574 = arith.index_cast %parallel_loop3A_275 : i32 to index
      %parallel_loop3A_575 = arith.constant 112 : index
      %parallel_loop3A_576 = tpu.vector_load %arg20[%parallel_loop3A_574, %parallel_loop3A_575] {strides = array<i32>} : memref<40x128xf32, #tpu.memory_space<vmem>>, vector<16xf32>,
      tpu.vector_store %arg20[%parallel_loop3A_574, %parallel_loop3A_575], %parallel_loop3A_573 {strides = array<i32>} : memref<40x128xf32, #tpu.memory_space<vmem>>, vector<16xf32>,
    } {sc.loop_unroll_factor = 2 : i64, sc.parallel_access}
    %dma_wait3A_203 = arith.constant 0 : i32
    %dma_wait3A_204 = tpu.memref_slice %arg4[%dma_wait3A_203] : memref<640000xi32, #tpu.memory_space<hbm>> -> memref<40xi32, #tpu.memory_space<hbm>>
    %dma_wait3A_205 = arith.constant 0 : i32
    %dma_wait3A_206 = tpu.memref_slice %arg4[%dma_wait3A_205] : memref<640000xi32, #tpu.memory_space<hbm>> -> memref<40xi32, #tpu.memory_space<hbm>>
    tpu.wait_dma2 semaphore(%arg33 : memref<!tpu.dma_semaphore, #tpu.memory_space<semaphore_mem>>) src(%dma_wait3A_206 : memref<40xi32, #tpu.memory_space<hbm>>) dst(%arg14 : memref<40xi32, #tpu.memory_space<vmem>>)
    %dma_start3A_207 = arith.constant 0 : i32
    %dma_start3A_208 = arith.constant 0 : i32
    %dma_start3A_209 = tpu.memref_slice %arg25[%dma_start3A_207, %dma_start3A_208] : memref<10240x128xf32, #tpu.memory_space<vmem_shared>> -> memref<10240x128xf32, #tpu.memory_space<vmem_shared>>
    tpu.enqueue_indirect_dma source(%arg20 : memref<40x128xf32, #tpu.memory_space<vmem>>) target(%dma_start3A_209 : memref<10240x128xf32, #tpu.memory_space<vmem_shared>>) offsets(%arg14 : memref<40xi32, #tpu.memory_space<vmem>>) semaphore(%arg31 : memref<!tpu.dma_semaphore, #tpu.memory_space<semaphore_mem>>) {add = true}
    %dma_start3A_210 = arith.constant 0 : i32
    %dma_start3A_211 = arith.constant 0 : i32
    %dma_start3A_212 = tpu.memref_slice %arg26[%dma_start3A_210, %dma_start3A_211] : memref<10240x16xf32, #tpu.memory_space<vmem_shared>> -> memref<10240x16xf32, #tpu.memory_space<vmem_shared>>
    tpu.enqueue_indirect_dma source(%arg22 : memref<40x16xf32, #tpu.memory_space<vmem>>) target(%dma_start3A_212 : memref<10240x16xf32, #tpu.memory_space<vmem_shared>>) offsets(%arg14 : memref<40xi32, #tpu.memory_space<vmem>>) semaphore(%arg31 : memref<!tpu.dma_semaphore, #tpu.memory_space<semaphore_mem>>) {add = true}
    %dma_wait3A_213 = arith.constant 0 : i32
    %dma_wait3A_214 = arith.constant 0 : i32
    %dma_wait3A_215 = tpu.memref_slice %arg2[%dma_wait3A_213, %dma_wait3A_214] : memref<10000x128xf32, #tpu.memory_space<hbm>> -> memref<10000x128xf32, #tpu.memory_space<hbm>>
    tpu.wait_indirect_dma semaphore(%arg30 : memref<!tpu.dma_semaphore, #tpu.memory_space<semaphore_mem>>) src(%dma_wait3A_215 : memref<10000x128xf32, #tpu.memory_space<hbm>>) dst(%arg17 : memref<40x128xf32, #tpu.memory_space<vmem>>)
    %dma_wait3A_216 = arith.constant 0 : i32
    %dma_wait3A_217 = arith.constant 0 : i32
    %dma_wait3A_218 = tpu.memref_slice %arg3[%dma_wait3A_216, %dma_wait3A_217] : memref<10000x128xf32, #tpu.memory_space<hbm>> -> memref<10000x128xf32, #tpu.memory_space<hbm>>
    tpu.wait_indirect_dma semaphore(%arg30 : memref<!tpu.dma_semaphore, #tpu.memory_space<semaphore_mem>>) src(%dma_wait3A_218 : memref<10000x128xf32, #tpu.memory_space<hbm>>) dst(%arg19 : memref<40x128xf32, #tpu.memory_space<vmem>>)
    %dma_wait3A_219 = arith.constant 0 : i32
    %dma_wait3A_220 = arith.constant 0 : i32
    %dma_wait3A_221 = tpu.memref_slice %arg25[%dma_wait3A_219, %dma_wait3A_220] : memref<10240x128xf32, #tpu.memory_space<vmem_shared>> -> memref<40x128xf32, #tpu.memory_space<vmem_shared>>
    %dma_wait3A_222 = arith.constant 0 : i32
    %dma_wait3A_223 = arith.constant 0 : i32
    %dma_wait3A_224 = tpu.memref_slice %arg25[%dma_wait3A_222, %dma_wait3A_223] : memref<10240x128xf32, #tpu.memory_space<vmem_shared>> -> memref<40x128xf32, #tpu.memory_space<vmem_shared>>
    tpu.wait_dma2 semaphore(%arg32 : memref<!tpu.dma_semaphore, #tpu.memory_space<semaphore_mem>>) src(%arg21 : memref<40x128xf32, #tpu.memory_space<vmem>>) dst(%dma_wait3A_224 : memref<40x128xf32, #tpu.memory_space<vmem_shared>>)
    %dma_wait3A_225 = arith.constant 0 : i32
    %dma_wait3A_226 = arith.constant 0 : i32
    %dma_wait3A_227 = tpu.memref_slice %arg26[%dma_wait3A_225, %dma_wait3A_226] : memref<10240x16xf32, #tpu.memory_space<vmem_shared>> -> memref<40x16xf32, #tpu.memory_space<vmem_shared>>
    %dma_wait3A_228 = arith.constant 0 : i32
    %dma_wait3A_229 = arith.constant 0 : i32
    %dma_wait3A_230 = tpu.memref_slice %arg26[%dma_wait3A_228, %dma_wait3A_229] : memref<10240x16xf32, #tpu.memory_space<vmem_shared>> -> memref<40x16xf32, #tpu.memory_space<vmem_shared>>
    tpu.wait_dma2 semaphore(%arg32 : memref<!tpu.dma_semaphore, #tpu.memory_space<semaphore_mem>>) src(%arg23 : memref<40x16xf32, #tpu.memory_space<vmem>>) dst(%dma_wait3A_230 : memref<40x16xf32, #tpu.memory_space<vmem_shared>>)
    %add3A_231 = arith.constant 320000 : i32
    %add3A_232 = arith.addi %add3A_231, %mul3A_2 : i32
    %add3A_233 = arith.constant 9960 : i32
    %add3A_234 = arith.addi %add3A_232, %add3A_233 : i32
    %dma_start3A_235 = tpu.memref_slice %arg4[%add3A_234] : memref<640000xi32, #tpu.memory_space<hbm>> -> memref<40xi32, #tpu.memory_space<hbm>>
    %dma_start3A_236 = tpu.memref_slice %arg4[%add3A_234] : memref<640000xi32, #tpu.memory_space<hbm>> -> memref<40xi32, #tpu.memory_space<hbm>>
    tpu.enqueue_dma source(%dma_start3A_236 : memref<40xi32, #tpu.memory_space<hbm>>) target(%arg15 : memref<40xi32, #tpu.memory_space<vmem>>) target_semaphore(%arg34 : memref<!tpu.dma_semaphore, #tpu.memory_space<semaphore_mem>>)
    %parallel_loop3A_237 = arith.constant 0 : i32
    %parallel_loop3A_238 = arith.constant 40 : i32
    %parallel_loop3A_239 = arith.constant 1 : i32
    scf.for %parallel_loop3A_275 = %parallel_loop3A_237 to %parallel_loop3A_238 step %parallel_loop3A_239  : i32 {
      %parallel_loop3A_276 = arith.constant 0.000000e+00 : f32
      %parallel_loop3A_277 = vector.broadcast %parallel_loop3A_276 : f32 to vector<16xf32>
      %parallel_loop3A_278 = arith.index_cast %parallel_loop3A_275 : i32 to index
      %parallel_loop3A_279 = arith.constant 0 : index
      %parallel_loop3A_280 = tpu.vector_load %arg17[%parallel_loop3A_278, %parallel_loop3A_279] {strides = array<i32>} : memref<40x128xf32, #tpu.memory_space<vmem>>, vector<16xf32>,
      %parallel_loop3A_281 = arith.index_cast %parallel_loop3A_275 : i32 to index
      %parallel_loop3A_282 = arith.constant 0 : index
      %parallel_loop3A_283 = tpu.vector_load %arg19[%parallel_loop3A_281, %parallel_loop3A_282] {strides = array<i32>} : memref<40x128xf32, #tpu.memory_space<vmem>>, vector<16xf32>,
      %parallel_loop3A_284 = arith.addf %parallel_loop3A_280, %parallel_loop3A_283 : vector<16xf32>
      %parallel_loop3A_285 = arith.constant 0.000000e+00 : f32
      %parallel_loop3A_286 = vector.broadcast %parallel_loop3A_285 : f32 to vector<16xf32>
      %parallel_loop3A_287 = arith.cmpf ogt, %parallel_loop3A_284, %parallel_loop3A_286 : vector<16xf32>
      %parallel_loop3A_288 = arith.constant 2.000000e-01 : f32
      %parallel_loop3A_289 = vector.broadcast %parallel_loop3A_288 : f32 to vector<16xf32>
      %parallel_loop3A_290 = arith.mulf %parallel_loop3A_289, %parallel_loop3A_284 : vector<16xf32>
      %parallel_loop3A_291 = arith.select %parallel_loop3A_287, %parallel_loop3A_284, %parallel_loop3A_290 : vector<16xi1>, vector<16xf32>
      %parallel_loop3A_292 = arith.mulf %parallel_loop3A_291, %get3A_21 : vector<16xf32>
      %parallel_loop3A_293 = arith.constant true
      %parallel_loop3A_294 = vector.broadcast %parallel_loop3A_293 : i1 to vector<16xi1>
      %parallel_loop3A_295 = tpu.scan <sum>, %parallel_loop3A_292 masked %parallel_loop3A_294 : vector<16xf32>, vector<16xi1> -> vector<16xf32>
      %parallel_loop3A_296 = arith.constant 0 : i32
      %parallel_loop3A_297 = vector.broadcast %parallel_loop3A_296 : i32 to vector<16xi32>
      %parallel_loop3A_298 = arith.cmpi slt, %broadcast_in_dim3A_3, %parallel_loop3A_297 : vector<16xi32>
      %parallel_loop3A_299 = arith.constant 16 : i32
      %parallel_loop3A_300 = vector.broadcast %parallel_loop3A_299 : i32 to vector<16xi32>
      %parallel_loop3A_301 = arith.addi %broadcast_in_dim3A_3, %parallel_loop3A_300 : vector<16xi32>
      %parallel_loop3A_302 = arith.select %parallel_loop3A_298, %parallel_loop3A_301, %broadcast_in_dim3A_3 : vector<16xi1>, vector<16xi32>
      %parallel_loop3A_303 = vector.shape_cast %parallel_loop3A_302 : vector<16xi32> to vector<16x1xi32>
      %parallel_loop3A_304 = vector.shape_cast %parallel_loop3A_303 : vector<16x1xi32> to vector<16xi32>
      %parallel_loop3A_305 = tpu.dynamic_gather %parallel_loop3A_295[%parallel_loop3A_304] in [0] : vector<16xf32>, vector<16xi32> -> vector<16xf32>
      %parallel_loop3A_306 = math.exp %parallel_loop3A_305 : vector<16xf32>
      %parallel_loop3A_307 = arith.constant 0 : i32
      %parallel_loop3A_308 = vector.broadcast %parallel_loop3A_307 : i32 to vector<16xi32>
      %parallel_loop3A_309 = arith.cmpi eq, %iota3A, %parallel_loop3A_308 : vector<16xi32>
      %parallel_loop3A_310 = arith.select %parallel_loop3A_309, %parallel_loop3A_306, %parallel_loop3A_277 : vector<16xi1>, vector<16xf32>
      %parallel_loop3A_311 = arith.index_cast %parallel_loop3A_275 : i32 to index
      %parallel_loop3A_312 = arith.constant 16 : index
      %parallel_loop3A_313 = tpu.vector_load %arg17[%parallel_loop3A_311, %parallel_loop3A_312] {strides = array<i32>} : memref<40x128xf32, #tpu.memory_space<vmem>>, vector<16xf32>,
      %parallel_loop3A_314 = arith.index_cast %parallel_loop3A_275 : i32 to index
      %parallel_loop3A_315 = arith.constant 16 : index
      %parallel_loop3A_316 = tpu.vector_load %arg19[%parallel_loop3A_314, %parallel_loop3A_315] {strides = array<i32>} : memref<40x128xf32, #tpu.memory_space<vmem>>, vector<16xf32>,
      %parallel_loop3A_317 = arith.addf %parallel_loop3A_313, %parallel_loop3A_316 : vector<16xf32>
      %parallel_loop3A_318 = arith.constant 0.000000e+00 : f32
      %parallel_loop3A_319 = vector.broadcast %parallel_loop3A_318 : f32 to vector<16xf32>
      %parallel_loop3A_320 = arith.cmpf ogt, %parallel_loop3A_317, %parallel_loop3A_319 : vector<16xf32>
      %parallel_loop3A_321 = arith.constant 2.000000e-01 : f32
      %parallel_loop3A_322 = vector.broadcast %parallel_loop3A_321 : f32 to vector<16xf32>
      %parallel_loop3A_323 = arith.mulf %parallel_loop3A_322, %parallel_loop3A_317 : vector<16xf32>
      %parallel_loop3A_324 = arith.select %parallel_loop3A_320, %parallel_loop3A_317, %parallel_loop3A_323 : vector<16xi1>, vector<16xf32>
      %parallel_loop3A_325 = arith.mulf %parallel_loop3A_324, %get3A_25 : vector<16xf32>
      %parallel_loop3A_326 = arith.constant true
      %parallel_loop3A_327 = vector.broadcast %parallel_loop3A_326 : i1 to vector<16xi1>
      %parallel_loop3A_328 = tpu.scan <sum>, %parallel_loop3A_325 masked %parallel_loop3A_327 : vector<16xf32>, vector<16xi1> -> vector<16xf32>
      %parallel_loop3A_329 = arith.constant 0 : i32
      %parallel_loop3A_330 = vector.broadcast %parallel_loop3A_329 : i32 to vector<16xi32>
      %parallel_loop3A_331 = arith.cmpi slt, %broadcast_in_dim3A_3, %parallel_loop3A_330 : vector<16xi32>
      %parallel_loop3A_332 = arith.constant 16 : i32
      %parallel_loop3A_333 = vector.broadcast %parallel_loop3A_332 : i32 to vector<16xi32>
      %parallel_loop3A_334 = arith.addi %broadcast_in_dim3A_3, %parallel_loop3A_333 : vector<16xi32>
      %parallel_loop3A_335 = arith.select %parallel_loop3A_331, %parallel_loop3A_334, %broadcast_in_dim3A_3 : vector<16xi1>, vector<16xi32>
      %parallel_loop3A_336 = vector.shape_cast %parallel_loop3A_335 : vector<16xi32> to vector<16x1xi32>
      %parallel_loop3A_337 = vector.shape_cast %parallel_loop3A_336 : vector<16x1xi32> to vector<16xi32>
      %parallel_loop3A_338 = tpu.dynamic_gather %parallel_loop3A_328[%parallel_loop3A_337] in [0] : vector<16xf32>, vector<16xi32> -> vector<16xf32>
      %parallel_loop3A_339 = math.exp %parallel_loop3A_338 : vector<16xf32>
      %parallel_loop3A_340 = arith.constant 1 : i32
      %parallel_loop3A_341 = vector.broadcast %parallel_loop3A_340 : i32 to vector<16xi32>
      %parallel_loop3A_342 = arith.cmpi eq, %iota3A, %parallel_loop3A_341 : vector<16xi32>
      %parallel_loop3A_343 = arith.select %parallel_loop3A_342, %parallel_loop3A_339, %parallel_loop3A_310 : vector<16xi1>, vector<16xf32>
      %parallel_loop3A_344 = arith.index_cast %parallel_loop3A_275 : i32 to index
      %parallel_loop3A_345 = arith.constant 32 : index
      %parallel_loop3A_346 = tpu.vector_load %arg17[%parallel_loop3A_344, %parallel_loop3A_345] {strides = array<i32>} : memref<40x128xf32, #tpu.memory_space<vmem>>, vector<16xf32>,
      %parallel_loop3A_347 = arith.index_cast %parallel_loop3A_275 : i32 to index
      %parallel_loop3A_348 = arith.constant 32 : index
      %parallel_loop3A_349 = tpu.vector_load %arg19[%parallel_loop3A_347, %parallel_loop3A_348] {strides = array<i32>} : memref<40x128xf32, #tpu.memory_space<vmem>>, vector<16xf32>,
      %parallel_loop3A_350 = arith.addf %parallel_loop3A_346, %parallel_loop3A_349 : vector<16xf32>
      %parallel_loop3A_351 = arith.constant 0.000000e+00 : f32
      %parallel_loop3A_352 = vector.broadcast %parallel_loop3A_351 : f32 to vector<16xf32>
      %parallel_loop3A_353 = arith.cmpf ogt, %parallel_loop3A_350, %parallel_loop3A_352 : vector<16xf32>
      %parallel_loop3A_354 = arith.constant 2.000000e-01 : f32
      %parallel_loop3A_355 = vector.broadcast %parallel_loop3A_354 : f32 to vector<16xf32>
      %parallel_loop3A_356 = arith.mulf %parallel_loop3A_355, %parallel_loop3A_350 : vector<16xf32>
      %parallel_loop3A_357 = arith.select %parallel_loop3A_353, %parallel_loop3A_350, %parallel_loop3A_356 : vector<16xi1>, vector<16xf32>
      %parallel_loop3A_358 = arith.mulf %parallel_loop3A_357, %get3A_29 : vector<16xf32>
      %parallel_loop3A_359 = arith.constant true
      %parallel_loop3A_360 = vector.broadcast %parallel_loop3A_359 : i1 to vector<16xi1>
      %parallel_loop3A_361 = tpu.scan <sum>, %parallel_loop3A_358 masked %parallel_loop3A_360 : vector<16xf32>, vector<16xi1> -> vector<16xf32>
      %parallel_loop3A_362 = arith.constant 0 : i32
      %parallel_loop3A_363 = vector.broadcast %parallel_loop3A_362 : i32 to vector<16xi32>
      %parallel_loop3A_364 = arith.cmpi slt, %broadcast_in_dim3A_3, %parallel_loop3A_363 : vector<16xi32>
      %parallel_loop3A_365 = arith.constant 16 : i32
      %parallel_loop3A_366 = vector.broadcast %parallel_loop3A_365 : i32 to vector<16xi32>
      %parallel_loop3A_367 = arith.addi %broadcast_in_dim3A_3, %parallel_loop3A_366 : vector<16xi32>
      %parallel_loop3A_368 = arith.select %parallel_loop3A_364, %parallel_loop3A_367, %broadcast_in_dim3A_3 : vector<16xi1>, vector<16xi32>
      %parallel_loop3A_369 = vector.shape_cast %parallel_loop3A_368 : vector<16xi32> to vector<16x1xi32>
      %parallel_loop3A_370 = vector.shape_cast %parallel_loop3A_369 : vector<16x1xi32> to vector<16xi32>
      %parallel_loop3A_371 = tpu.dynamic_gather %parallel_loop3A_361[%parallel_loop3A_370] in [0] : vector<16xf32>, vector<16xi32> -> vector<16xf32>
      %parallel_loop3A_372 = math.exp %parallel_loop3A_371 : vector<16xf32>
      %parallel_loop3A_373 = arith.constant 2 : i32
      %parallel_loop3A_374 = vector.broadcast %parallel_loop3A_373 : i32 to vector<16xi32>
      %parallel_loop3A_375 = arith.cmpi eq, %iota3A, %parallel_loop3A_374 : vector<16xi32>
      %parallel_loop3A_376 = arith.select %parallel_loop3A_375, %parallel_loop3A_372, %parallel_loop3A_343 : vector<16xi1>, vector<16xf32>
      %parallel_loop3A_377 = arith.index_cast %parallel_loop3A_275 : i32 to index
      %parallel_loop3A_378 = arith.constant 48 : index
      %parallel_loop3A_379 = tpu.vector_load %arg17[%parallel_loop3A_377, %parallel_loop3A_378] {strides = array<i32>} : memref<40x128xf32, #tpu.memory_space<vmem>>, vector<16xf32>,
      %parallel_loop3A_380 = arith.index_cast %parallel_loop3A_275 : i32 to index
      %parallel_loop3A_381 = arith.constant 48 : index
      %parallel_loop3A_382 = tpu.vector_load %arg19[%parallel_loop3A_380, %parallel_loop3A_381] {strides = array<i32>} : memref<40x128xf32, #tpu.memory_space<vmem>>, vector<16xf32>,
      %parallel_loop3A_383 = arith.addf %parallel_loop3A_379, %parallel_loop3A_382 : vector<16xf32>
      %parallel_loop3A_384 = arith.constant 0.000000e+00 : f32
      %parallel_loop3A_385 = vector.broadcast %parallel_loop3A_384 : f32 to vector<16xf32>
      %parallel_loop3A_386 = arith.cmpf ogt, %parallel_loop3A_383, %parallel_loop3A_385 : vector<16xf32>
      %parallel_loop3A_387 = arith.constant 2.000000e-01 : f32
      %parallel_loop3A_388 = vector.broadcast %parallel_loop3A_387 : f32 to vector<16xf32>
      %parallel_loop3A_389 = arith.mulf %parallel_loop3A_388, %parallel_loop3A_383 : vector<16xf32>
      %parallel_loop3A_390 = arith.select %parallel_loop3A_386, %parallel_loop3A_383, %parallel_loop3A_389 : vector<16xi1>, vector<16xf32>
      %parallel_loop3A_391 = arith.mulf %parallel_loop3A_390, %get3A_33 : vector<16xf32>
      %parallel_loop3A_392 = arith.constant true
      %parallel_loop3A_393 = vector.broadcast %parallel_loop3A_392 : i1 to vector<16xi1>
      %parallel_loop3A_394 = tpu.scan <sum>, %parallel_loop3A_391 masked %parallel_loop3A_393 : vector<16xf32>, vector<16xi1> -> vector<16xf32>
      %parallel_loop3A_395 = arith.constant 0 : i32
      %parallel_loop3A_396 = vector.broadcast %parallel_loop3A_395 : i32 to vector<16xi32>
      %parallel_loop3A_397 = arith.cmpi slt, %broadcast_in_dim3A_3, %parallel_loop3A_396 : vector<16xi32>
      %parallel_loop3A_398 = arith.constant 16 : i32
      %parallel_loop3A_399 = vector.broadcast %parallel_loop3A_398 : i32 to vector<16xi32>
      %parallel_loop3A_400 = arith.addi %broadcast_in_dim3A_3, %parallel_loop3A_399 : vector<16xi32>
      %parallel_loop3A_401 = arith.select %parallel_loop3A_397, %parallel_loop3A_400, %broadcast_in_dim3A_3 : vector<16xi1>, vector<16xi32>
      %parallel_loop3A_402 = vector.shape_cast %parallel_loop3A_401 : vector<16xi32> to vector<16x1xi32>
      %parallel_loop3A_403 = vector.shape_cast %parallel_loop3A_402 : vector<16x1xi32> to vector<16xi32>
      %parallel_loop3A_404 = tpu.dynamic_gather %parallel_loop3A_394[%parallel_loop3A_403] in [0] : vector<16xf32>, vector<16xi32> -> vector<16xf32>
      %parallel_loop3A_405 = math.exp %parallel_loop3A_404 : vector<16xf32>
      %parallel_loop3A_406 = arith.constant 3 : i32
      %parallel_loop3A_407 = vector.broadcast %parallel_loop3A_406 : i32 to vector<16xi32>
      %parallel_loop3A_408 = arith.cmpi eq, %iota3A, %parallel_loop3A_407 : vector<16xi32>
      %parallel_loop3A_409 = arith.select %parallel_loop3A_408, %parallel_loop3A_405, %parallel_loop3A_376 : vector<16xi1>, vector<16xf32>
      %parallel_loop3A_410 = arith.index_cast %parallel_loop3A_275 : i32 to index
      %parallel_loop3A_411 = arith.constant 64 : index
      %parallel_loop3A_412 = tpu.vector_load %arg17[%parallel_loop3A_410, %parallel_loop3A_411] {strides = array<i32>} : memref<40x128xf32, #tpu.memory_space<vmem>>, vector<16xf32>,
      %parallel_loop3A_413 = arith.index_cast %parallel_loop3A_275 : i32 to index
      %parallel_loop3A_414 = arith.constant 64 : index
      %parallel_loop3A_415 = tpu.vector_load %arg19[%parallel_loop3A_413, %parallel_loop3A_414] {strides = array<i32>} : memref<40x128xf32, #tpu.memory_space<vmem>>, vector<16xf32>,
      %parallel_loop3A_416 = arith.addf %parallel_loop3A_412, %parallel_loop3A_415 : vector<16xf32>
      %parallel_loop3A_417 = arith.constant 0.000000e+00 : f32
      %parallel_loop3A_418 = vector.broadcast %parallel_loop3A_417 : f32 to vector<16xf32>
      %parallel_loop3A_419 = arith.cmpf ogt, %parallel_loop3A_416, %parallel_loop3A_418 : vector<16xf32>
      %parallel_loop3A_420 = arith.constant 2.000000e-01 : f32
      %parallel_loop3A_421 = vector.broadcast %parallel_loop3A_420 : f32 to vector<16xf32>
      %parallel_loop3A_422 = arith.mulf %parallel_loop3A_421, %parallel_loop3A_416 : vector<16xf32>
      %parallel_loop3A_423 = arith.select %parallel_loop3A_419, %parallel_loop3A_416, %parallel_loop3A_422 : vector<16xi1>, vector<16xf32>
      %parallel_loop3A_424 = arith.mulf %parallel_loop3A_423, %get3A_37 : vector<16xf32>
      %parallel_loop3A_425 = arith.constant true
      %parallel_loop3A_426 = vector.broadcast %parallel_loop3A_425 : i1 to vector<16xi1>
      %parallel_loop3A_427 = tpu.scan <sum>, %parallel_loop3A_424 masked %parallel_loop3A_426 : vector<16xf32>, vector<16xi1> -> vector<16xf32>
      %parallel_loop3A_428 = arith.constant 0 : i32
      %parallel_loop3A_429 = vector.broadcast %parallel_loop3A_428 : i32 to vector<16xi32>
      %parallel_loop3A_430 = arith.cmpi slt, %broadcast_in_dim3A_3, %parallel_loop3A_429 : vector<16xi32>
      %parallel_loop3A_431 = arith.constant 16 : i32
      %parallel_loop3A_432 = vector.broadcast %parallel_loop3A_431 : i32 to vector<16xi32>
      %parallel_loop3A_433 = arith.addi %broadcast_in_dim3A_3, %parallel_loop3A_432 : vector<16xi32>
      %parallel_loop3A_434 = arith.select %parallel_loop3A_430, %parallel_loop3A_433, %broadcast_in_dim3A_3 : vector<16xi1>, vector<16xi32>
      %parallel_loop3A_435 = vector.shape_cast %parallel_loop3A_434 : vector<16xi32> to vector<16x1xi32>
      %parallel_loop3A_436 = vector.shape_cast %parallel_loop3A_435 : vector<16x1xi32> to vector<16xi32>
      %parallel_loop3A_437 = tpu.dynamic_gather %parallel_loop3A_427[%parallel_loop3A_436] in [0] : vector<16xf32>, vector<16xi32> -> vector<16xf32>
      %parallel_loop3A_438 = math.exp %parallel_loop3A_437 : vector<16xf32>
      %parallel_loop3A_439 = arith.constant 4 : i32
      %parallel_loop3A_440 = vector.broadcast %parallel_loop3A_439 : i32 to vector<16xi32>
      %parallel_loop3A_441 = arith.cmpi eq, %iota3A, %parallel_loop3A_440 : vector<16xi32>
      %parallel_loop3A_442 = arith.select %parallel_loop3A_441, %parallel_loop3A_438, %parallel_loop3A_409 : vector<16xi1>, vector<16xf32>
      %parallel_loop3A_443 = arith.index_cast %parallel_loop3A_275 : i32 to index
      %parallel_loop3A_444 = arith.constant 80 : index
      %parallel_loop3A_445 = tpu.vector_load %arg17[%parallel_loop3A_443, %parallel_loop3A_444] {strides = array<i32>} : memref<40x128xf32, #tpu.memory_space<vmem>>, vector<16xf32>,
      %parallel_loop3A_446 = arith.index_cast %parallel_loop3A_275 : i32 to index
      %parallel_loop3A_447 = arith.constant 80 : index
      %parallel_loop3A_448 = tpu.vector_load %arg19[%parallel_loop3A_446, %parallel_loop3A_447] {strides = array<i32>} : memref<40x128xf32, #tpu.memory_space<vmem>>, vector<16xf32>,
      %parallel_loop3A_449 = arith.addf %parallel_loop3A_445, %parallel_loop3A_448 : vector<16xf32>
      %parallel_loop3A_450 = arith.constant 0.000000e+00 : f32
      %parallel_loop3A_451 = vector.broadcast %parallel_loop3A_450 : f32 to vector<16xf32>
      %parallel_loop3A_452 = arith.cmpf ogt, %parallel_loop3A_449, %parallel_loop3A_451 : vector<16xf32>
      %parallel_loop3A_453 = arith.constant 2.000000e-01 : f32
      %parallel_loop3A_454 = vector.broadcast %parallel_loop3A_453 : f32 to vector<16xf32>
      %parallel_loop3A_455 = arith.mulf %parallel_loop3A_454, %parallel_loop3A_449 : vector<16xf32>
      %parallel_loop3A_456 = arith.select %parallel_loop3A_452, %parallel_loop3A_449, %parallel_loop3A_455 : vector<16xi1>, vector<16xf32>
      %parallel_loop3A_457 = arith.mulf %parallel_loop3A_456, %get3A_41 : vector<16xf32>
      %parallel_loop3A_458 = arith.constant true
      %parallel_loop3A_459 = vector.broadcast %parallel_loop3A_458 : i1 to vector<16xi1>
      %parallel_loop3A_460 = tpu.scan <sum>, %parallel_loop3A_457 masked %parallel_loop3A_459 : vector<16xf32>, vector<16xi1> -> vector<16xf32>
      %parallel_loop3A_461 = arith.constant 0 : i32
      %parallel_loop3A_462 = vector.broadcast %parallel_loop3A_461 : i32 to vector<16xi32>
      %parallel_loop3A_463 = arith.cmpi slt, %broadcast_in_dim3A_3, %parallel_loop3A_462 : vector<16xi32>
      %parallel_loop3A_464 = arith.constant 16 : i32
      %parallel_loop3A_465 = vector.broadcast %parallel_loop3A_464 : i32 to vector<16xi32>
      %parallel_loop3A_466 = arith.addi %broadcast_in_dim3A_3, %parallel_loop3A_465 : vector<16xi32>
      %parallel_loop3A_467 = arith.select %parallel_loop3A_463, %parallel_loop3A_466, %broadcast_in_dim3A_3 : vector<16xi1>, vector<16xi32>
      %parallel_loop3A_468 = vector.shape_cast %parallel_loop3A_467 : vector<16xi32> to vector<16x1xi32>
      %parallel_loop3A_469 = vector.shape_cast %parallel_loop3A_468 : vector<16x1xi32> to vector<16xi32>
      %parallel_loop3A_470 = tpu.dynamic_gather %parallel_loop3A_460[%parallel_loop3A_469] in [0] : vector<16xf32>, vector<16xi32> -> vector<16xf32>
      %parallel_loop3A_471 = math.exp %parallel_loop3A_470 : vector<16xf32>
      %parallel_loop3A_472 = arith.constant 5 : i32
      %parallel_loop3A_473 = vector.broadcast %parallel_loop3A_472 : i32 to vector<16xi32>
      %parallel_loop3A_474 = arith.cmpi eq, %iota3A, %parallel_loop3A_473 : vector<16xi32>
      %parallel_loop3A_475 = arith.select %parallel_loop3A_474, %parallel_loop3A_471, %parallel_loop3A_442 : vector<16xi1>, vector<16xf32>
      %parallel_loop3A_476 = arith.index_cast %parallel_loop3A_275 : i32 to index
      %parallel_loop3A_477 = arith.constant 96 : index
      %parallel_loop3A_478 = tpu.vector_load %arg17[%parallel_loop3A_476, %parallel_loop3A_477] {strides = array<i32>} : memref<40x128xf32, #tpu.memory_space<vmem>>, vector<16xf32>,
      %parallel_loop3A_479 = arith.index_cast %parallel_loop3A_275 : i32 to index
      %parallel_loop3A_480 = arith.constant 96 : index
      %parallel_loop3A_481 = tpu.vector_load %arg19[%parallel_loop3A_479, %parallel_loop3A_480] {strides = array<i32>} : memref<40x128xf32, #tpu.memory_space<vmem>>, vector<16xf32>,
      %parallel_loop3A_482 = arith.addf %parallel_loop3A_478, %parallel_loop3A_481 : vector<16xf32>
      %parallel_loop3A_483 = arith.constant 0.000000e+00 : f32
      %parallel_loop3A_484 = vector.broadcast %parallel_loop3A_483 : f32 to vector<16xf32>
      %parallel_loop3A_485 = arith.cmpf ogt, %parallel_loop3A_482, %parallel_loop3A_484 : vector<16xf32>
      %parallel_loop3A_486 = arith.constant 2.000000e-01 : f32
      %parallel_loop3A_487 = vector.broadcast %parallel_loop3A_486 : f32 to vector<16xf32>
      %parallel_loop3A_488 = arith.mulf %parallel_loop3A_487, %parallel_loop3A_482 : vector<16xf32>
      %parallel_loop3A_489 = arith.select %parallel_loop3A_485, %parallel_loop3A_482, %parallel_loop3A_488 : vector<16xi1>, vector<16xf32>
      %parallel_loop3A_490 = arith.mulf %parallel_loop3A_489, %get3A_45 : vector<16xf32>
      %parallel_loop3A_491 = arith.constant true
      %parallel_loop3A_492 = vector.broadcast %parallel_loop3A_491 : i1 to vector<16xi1>
      %parallel_loop3A_493 = tpu.scan <sum>, %parallel_loop3A_490 masked %parallel_loop3A_492 : vector<16xf32>, vector<16xi1> -> vector<16xf32>
      %parallel_loop3A_494 = arith.constant 0 : i32
      %parallel_loop3A_495 = vector.broadcast %parallel_loop3A_494 : i32 to vector<16xi32>
      %parallel_loop3A_496 = arith.cmpi slt, %broadcast_in_dim3A_3, %parallel_loop3A_495 : vector<16xi32>
      %parallel_loop3A_497 = arith.constant 16 : i32
      %parallel_loop3A_498 = vector.broadcast %parallel_loop3A_497 : i32 to vector<16xi32>
      %parallel_loop3A_499 = arith.addi %broadcast_in_dim3A_3, %parallel_loop3A_498 : vector<16xi32>
      %parallel_loop3A_500 = arith.select %parallel_loop3A_496, %parallel_loop3A_499, %broadcast_in_dim3A_3 : vector<16xi1>, vector<16xi32>
      %parallel_loop3A_501 = vector.shape_cast %parallel_loop3A_500 : vector<16xi32> to vector<16x1xi32>
      %parallel_loop3A_502 = vector.shape_cast %parallel_loop3A_501 : vector<16x1xi32> to vector<16xi32>
      %parallel_loop3A_503 = tpu.dynamic_gather %parallel_loop3A_493[%parallel_loop3A_502] in [0] : vector<16xf32>, vector<16xi32> -> vector<16xf32>
      %parallel_loop3A_504 = math.exp %parallel_loop3A_503 : vector<16xf32>
      %parallel_loop3A_505 = arith.constant 6 : i32
      %parallel_loop3A_506 = vector.broadcast %parallel_loop3A_505 : i32 to vector<16xi32>
      %parallel_loop3A_507 = arith.cmpi eq, %iota3A, %parallel_loop3A_506 : vector<16xi32>
      %parallel_loop3A_508 = arith.select %parallel_loop3A_507, %parallel_loop3A_504, %parallel_loop3A_475 : vector<16xi1>, vector<16xf32>
      %parallel_loop3A_509 = arith.index_cast %parallel_loop3A_275 : i32 to index
      %parallel_loop3A_510 = arith.constant 112 : index
      %parallel_loop3A_511 = tpu.vector_load %arg17[%parallel_loop3A_509, %parallel_loop3A_510] {strides = array<i32>} : memref<40x128xf32, #tpu.memory_space<vmem>>, vector<16xf32>,
      %parallel_loop3A_512 = arith.index_cast %parallel_loop3A_275 : i32 to index
      %parallel_loop3A_513 = arith.constant 112 : index
      %parallel_loop3A_514 = tpu.vector_load %arg19[%parallel_loop3A_512, %parallel_loop3A_513] {strides = array<i32>} : memref<40x128xf32, #tpu.memory_space<vmem>>, vector<16xf32>,
      %parallel_loop3A_515 = arith.addf %parallel_loop3A_511, %parallel_loop3A_514 : vector<16xf32>
      %parallel_loop3A_516 = arith.constant 0.000000e+00 : f32
      %parallel_loop3A_517 = vector.broadcast %parallel_loop3A_516 : f32 to vector<16xf32>
      %parallel_loop3A_518 = arith.cmpf ogt, %parallel_loop3A_515, %parallel_loop3A_517 : vector<16xf32>
      %parallel_loop3A_519 = arith.constant 2.000000e-01 : f32
      %parallel_loop3A_520 = vector.broadcast %parallel_loop3A_519 : f32 to vector<16xf32>
      %parallel_loop3A_521 = arith.mulf %parallel_loop3A_520, %parallel_loop3A_515 : vector<16xf32>
      %parallel_loop3A_522 = arith.select %parallel_loop3A_518, %parallel_loop3A_515, %parallel_loop3A_521 : vector<16xi1>, vector<16xf32>
      %parallel_loop3A_523 = arith.mulf %parallel_loop3A_522, %get3A_49 : vector<16xf32>
      %parallel_loop3A_524 = arith.constant true
      %parallel_loop3A_525 = vector.broadcast %parallel_loop3A_524 : i1 to vector<16xi1>
      %parallel_loop3A_526 = tpu.scan <sum>, %parallel_loop3A_523 masked %parallel_loop3A_525 : vector<16xf32>, vector<16xi1> -> vector<16xf32>
      %parallel_loop3A_527 = arith.constant 0 : i32
      %parallel_loop3A_528 = vector.broadcast %parallel_loop3A_527 : i32 to vector<16xi32>
      %parallel_loop3A_529 = arith.cmpi slt, %broadcast_in_dim3A_3, %parallel_loop3A_528 : vector<16xi32>
      %parallel_loop3A_530 = arith.constant 16 : i32
      %parallel_loop3A_531 = vector.broadcast %parallel_loop3A_530 : i32 to vector<16xi32>
      %parallel_loop3A_532 = arith.addi %broadcast_in_dim3A_3, %parallel_loop3A_531 : vector<16xi32>
      %parallel_loop3A_533 = arith.select %parallel_loop3A_529, %parallel_loop3A_532, %broadcast_in_dim3A_3 : vector<16xi1>, vector<16xi32>
      %parallel_loop3A_534 = vector.shape_cast %parallel_loop3A_533 : vector<16xi32> to vector<16x1xi32>
      %parallel_loop3A_535 = vector.shape_cast %parallel_loop3A_534 : vector<16x1xi32> to vector<16xi32>
      %parallel_loop3A_536 = tpu.dynamic_gather %parallel_loop3A_526[%parallel_loop3A_535] in [0] : vector<16xf32>, vector<16xi32> -> vector<16xf32>
      %parallel_loop3A_537 = math.exp %parallel_loop3A_536 : vector<16xf32>
      %parallel_loop3A_538 = arith.constant 7 : i32
      %parallel_loop3A_539 = vector.broadcast %parallel_loop3A_538 : i32 to vector<16xi32>
      %parallel_loop3A_540 = arith.cmpi eq, %iota3A, %parallel_loop3A_539 : vector<16xi32>
      %parallel_loop3A_541 = arith.select %parallel_loop3A_540, %parallel_loop3A_537, %parallel_loop3A_508 : vector<16xi1>, vector<16xf32>
      %parallel_loop3A_542 = arith.index_cast %parallel_loop3A_275 : i32 to index
      %parallel_loop3A_543 = arith.constant 0 : index
      %parallel_loop3A_544 = tpu.vector_load %arg23[%parallel_loop3A_542, %parallel_loop3A_543] {strides = array<i32>} : memref<40x16xf32, #tpu.memory_space<vmem>>, vector<16xf32>,
      tpu.vector_store %arg23[%parallel_loop3A_542, %parallel_loop3A_543], %parallel_loop3A_541 {strides = array<i32>} : memref<40x16xf32, #tpu.memory_space<vmem>>, vector<16xf32>,
      %parallel_loop3A_545 = arith.mulf %parallel_loop3A_306, %parallel_loop3A_280 : vector<16xf32>
      %parallel_loop3A_546 = arith.index_cast %parallel_loop3A_275 : i32 to index
      %parallel_loop3A_547 = arith.constant 0 : index
      %parallel_loop3A_548 = tpu.vector_load %arg21[%parallel_loop3A_546, %parallel_loop3A_547] {strides = array<i32>} : memref<40x128xf32, #tpu.memory_space<vmem>>, vector<16xf32>,
      tpu.vector_store %arg21[%parallel_loop3A_546, %parallel_loop3A_547], %parallel_loop3A_545 {strides = array<i32>} : memref<40x128xf32, #tpu.memory_space<vmem>>, vector<16xf32>,
      %parallel_loop3A_549 = arith.mulf %parallel_loop3A_339, %parallel_loop3A_313 : vector<16xf32>
      %parallel_loop3A_550 = arith.index_cast %parallel_loop3A_275 : i32 to index
      %parallel_loop3A_551 = arith.constant 16 : index
      %parallel_loop3A_552 = tpu.vector_load %arg21[%parallel_loop3A_550, %parallel_loop3A_551] {strides = array<i32>} : memref<40x128xf32, #tpu.memory_space<vmem>>, vector<16xf32>,
      tpu.vector_store %arg21[%parallel_loop3A_550, %parallel_loop3A_551], %parallel_loop3A_549 {strides = array<i32>} : memref<40x128xf32, #tpu.memory_space<vmem>>, vector<16xf32>,
      %parallel_loop3A_553 = arith.mulf %parallel_loop3A_372, %parallel_loop3A_346 : vector<16xf32>
      %parallel_loop3A_554 = arith.index_cast %parallel_loop3A_275 : i32 to index
      %parallel_loop3A_555 = arith.constant 32 : index
      %parallel_loop3A_556 = tpu.vector_load %arg21[%parallel_loop3A_554, %parallel_loop3A_555] {strides = array<i32>} : memref<40x128xf32, #tpu.memory_space<vmem>>, vector<16xf32>,
      tpu.vector_store %arg21[%parallel_loop3A_554, %parallel_loop3A_555], %parallel_loop3A_553 {strides = array<i32>} : memref<40x128xf32, #tpu.memory_space<vmem>>, vector<16xf32>,
      %parallel_loop3A_557 = arith.mulf %parallel_loop3A_405, %parallel_loop3A_379 : vector<16xf32>
      %parallel_loop3A_558 = arith.index_cast %parallel_loop3A_275 : i32 to index
      %parallel_loop3A_559 = arith.constant 48 : index
      %parallel_loop3A_560 = tpu.vector_load %arg21[%parallel_loop3A_558, %parallel_loop3A_559] {strides = array<i32>} : memref<40x128xf32, #tpu.memory_space<vmem>>, vector<16xf32>,
      tpu.vector_store %arg21[%parallel_loop3A_558, %parallel_loop3A_559], %parallel_loop3A_557 {strides = array<i32>} : memref<40x128xf32, #tpu.memory_space<vmem>>, vector<16xf32>,
      %parallel_loop3A_561 = arith.mulf %parallel_loop3A_438, %parallel_loop3A_412 : vector<16xf32>
      %parallel_loop3A_562 = arith.index_cast %parallel_loop3A_275 : i32 to index
      %parallel_loop3A_563 = arith.constant 64 : index
      %parallel_loop3A_564 = tpu.vector_load %arg21[%parallel_loop3A_562, %parallel_loop3A_563] {strides = array<i32>} : memref<40x128xf32, #tpu.memory_space<vmem>>, vector<16xf32>,
      tpu.vector_store %arg21[%parallel_loop3A_562, %parallel_loop3A_563], %parallel_loop3A_561 {strides = array<i32>} : memref<40x128xf32, #tpu.memory_space<vmem>>, vector<16xf32>,
      %parallel_loop3A_565 = arith.mulf %parallel_loop3A_471, %parallel_loop3A_445 : vector<16xf32>
      %parallel_loop3A_566 = arith.index_cast %parallel_loop3A_275 : i32 to index
      %parallel_loop3A_567 = arith.constant 80 : index
      %parallel_loop3A_568 = tpu.vector_load %arg21[%parallel_loop3A_566, %parallel_loop3A_567] {strides = array<i32>} : memref<40x128xf32, #tpu.memory_space<vmem>>, vector<16xf32>,
      tpu.vector_store %arg21[%parallel_loop3A_566, %parallel_loop3A_567], %parallel_loop3A_565 {strides = array<i32>} : memref<40x128xf32, #tpu.memory_space<vmem>>, vector<16xf32>,
      %parallel_loop3A_569 = arith.mulf %parallel_loop3A_504, %parallel_loop3A_478 : vector<16xf32>
      %parallel_loop3A_570 = arith.index_cast %parallel_loop3A_275 : i32 to index
      %parallel_loop3A_571 = arith.constant 96 : index
      %parallel_loop3A_572 = tpu.vector_load %arg21[%parallel_loop3A_570, %parallel_loop3A_571] {strides = array<i32>} : memref<40x128xf32, #tpu.memory_space<vmem>>, vector<16xf32>,
      tpu.vector_store %arg21[%parallel_loop3A_570, %parallel_loop3A_571], %parallel_loop3A_569 {strides = array<i32>} : memref<40x128xf32, #tpu.memory_space<vmem>>, vector<16xf32>,
      %parallel_loop3A_573 = arith.mulf %parallel_loop3A_537, %parallel_loop3A_511 : vector<16xf32>
      %parallel_loop3A_574 = arith.index_cast %parallel_loop3A_275 : i32 to index
      %parallel_loop3A_575 = arith.constant 112 : index
      %parallel_loop3A_576 = tpu.vector_load %arg21[%parallel_loop3A_574, %parallel_loop3A_575] {strides = array<i32>} : memref<40x128xf32, #tpu.memory_space<vmem>>, vector<16xf32>,
      tpu.vector_store %arg21[%parallel_loop3A_574, %parallel_loop3A_575], %parallel_loop3A_573 {strides = array<i32>} : memref<40x128xf32, #tpu.memory_space<vmem>>, vector<16xf32>,
    } {sc.loop_unroll_factor = 2 : i64, sc.parallel_access}
    %dma_wait3A_240 = arith.constant 0 : i32
    %dma_wait3A_241 = tpu.memref_slice %arg4[%dma_wait3A_240] : memref<640000xi32, #tpu.memory_space<hbm>> -> memref<40xi32, #tpu.memory_space<hbm>>
    %dma_wait3A_242 = arith.constant 0 : i32
    %dma_wait3A_243 = tpu.memref_slice %arg4[%dma_wait3A_242] : memref<640000xi32, #tpu.memory_space<hbm>> -> memref<40xi32, #tpu.memory_space<hbm>>
    tpu.wait_dma2 semaphore(%arg34 : memref<!tpu.dma_semaphore, #tpu.memory_space<semaphore_mem>>) src(%dma_wait3A_243 : memref<40xi32, #tpu.memory_space<hbm>>) dst(%arg15 : memref<40xi32, #tpu.memory_space<vmem>>)
    %dma_start3A_244 = arith.constant 0 : i32
    %dma_start3A_245 = arith.constant 0 : i32
    %dma_start3A_246 = tpu.memref_slice %arg25[%dma_start3A_244, %dma_start3A_245] : memref<10240x128xf32, #tpu.memory_space<vmem_shared>> -> memref<10240x128xf32, #tpu.memory_space<vmem_shared>>
    tpu.enqueue_indirect_dma source(%arg21 : memref<40x128xf32, #tpu.memory_space<vmem>>) target(%dma_start3A_246 : memref<10240x128xf32, #tpu.memory_space<vmem_shared>>) offsets(%arg15 : memref<40xi32, #tpu.memory_space<vmem>>) semaphore(%arg32 : memref<!tpu.dma_semaphore, #tpu.memory_space<semaphore_mem>>) {add = true}
    %dma_start3A_247 = arith.constant 0 : i32
    %dma_start3A_248 = arith.constant 0 : i32
    %dma_start3A_249 = tpu.memref_slice %arg26[%dma_start3A_247, %dma_start3A_248] : memref<10240x16xf32, #tpu.memory_space<vmem_shared>> -> memref<10240x16xf32, #tpu.memory_space<vmem_shared>>
    tpu.enqueue_indirect_dma source(%arg23 : memref<40x16xf32, #tpu.memory_space<vmem>>) target(%dma_start3A_249 : memref<10240x16xf32, #tpu.memory_space<vmem_shared>>) offsets(%arg15 : memref<40xi32, #tpu.memory_space<vmem>>) semaphore(%arg32 : memref<!tpu.dma_semaphore, #tpu.memory_space<semaphore_mem>>) {add = true}
    %dma_wait3A_250 = arith.constant 0 : i32
    %dma_wait3A_251 = arith.constant 0 : i32
    %dma_wait3A_252 = tpu.memref_slice %arg25[%dma_wait3A_250, %dma_wait3A_251] : memref<10240x128xf32, #tpu.memory_space<vmem_shared>> -> memref<40x128xf32, #tpu.memory_space<vmem_shared>>
    %dma_wait3A_253 = arith.constant 0 : i32
    %dma_wait3A_254 = arith.constant 0 : i32
    %dma_wait3A_255 = tpu.memref_slice %arg25[%dma_wait3A_253, %dma_wait3A_254] : memref<10240x128xf32, #tpu.memory_space<vmem_shared>> -> memref<40x128xf32, #tpu.memory_space<vmem_shared>>
    tpu.wait_dma2 semaphore(%arg31 : memref<!tpu.dma_semaphore, #tpu.memory_space<semaphore_mem>>) src(%arg20 : memref<40x128xf32, #tpu.memory_space<vmem>>) dst(%dma_wait3A_255 : memref<40x128xf32, #tpu.memory_space<vmem_shared>>)
    %dma_wait3A_256 = arith.constant 0 : i32
    %dma_wait3A_257 = arith.constant 0 : i32
    %dma_wait3A_258 = tpu.memref_slice %arg26[%dma_wait3A_256, %dma_wait3A_257] : memref<10240x16xf32, #tpu.memory_space<vmem_shared>> -> memref<40x16xf32, #tpu.memory_space<vmem_shared>>
    %dma_wait3A_259 = arith.constant 0 : i32
    %dma_wait3A_260 = arith.constant 0 : i32
    %dma_wait3A_261 = tpu.memref_slice %arg26[%dma_wait3A_259, %dma_wait3A_260] : memref<10240x16xf32, #tpu.memory_space<vmem_shared>> -> memref<40x16xf32, #tpu.memory_space<vmem_shared>>
    tpu.wait_dma2 semaphore(%arg31 : memref<!tpu.dma_semaphore, #tpu.memory_space<semaphore_mem>>) src(%arg22 : memref<40x16xf32, #tpu.memory_space<vmem>>) dst(%dma_wait3A_261 : memref<40x16xf32, #tpu.memory_space<vmem_shared>>)
    %dma_wait3A_262 = arith.constant 0 : i32
    %dma_wait3A_263 = arith.constant 0 : i32
    %dma_wait3A_264 = tpu.memref_slice %arg25[%dma_wait3A_262, %dma_wait3A_263] : memref<10240x128xf32, #tpu.memory_space<vmem_shared>> -> memref<40x128xf32, #tpu.memory_space<vmem_shared>>
    %dma_wait3A_265 = arith.constant 0 : i32
    %dma_wait3A_266 = arith.constant 0 : i32
    %dma_wait3A_267 = tpu.memref_slice %arg25[%dma_wait3A_265, %dma_wait3A_266] : memref<10240x128xf32, #tpu.memory_space<vmem_shared>> -> memref<40x128xf32, #tpu.memory_space<vmem_shared>>
    tpu.wait_dma2 semaphore(%arg32 : memref<!tpu.dma_semaphore, #tpu.memory_space<semaphore_mem>>) src(%arg21 : memref<40x128xf32, #tpu.memory_space<vmem>>) dst(%dma_wait3A_267 : memref<40x128xf32, #tpu.memory_space<vmem_shared>>)
    %dma_wait3A_268 = arith.constant 0 : i32
    %dma_wait3A_269 = arith.constant 0 : i32
    %dma_wait3A_270 = tpu.memref_slice %arg26[%dma_wait3A_268, %dma_wait3A_269] : memref<10240x16xf32, #tpu.memory_space<vmem_shared>> -> memref<40x16xf32, #tpu.memory_space<vmem_shared>>
    %dma_wait3A_271 = arith.constant 0 : i32
    %dma_wait3A_272 = arith.constant 0 : i32
    %dma_wait3A_273 = tpu.memref_slice %arg26[%dma_wait3A_271, %dma_wait3A_272] : memref<10240x16xf32, #tpu.memory_space<vmem_shared>> -> memref<40x16xf32, #tpu.memory_space<vmem_shared>>
    tpu.wait_dma2 semaphore(%arg32 : memref<!tpu.dma_semaphore, #tpu.memory_space<semaphore_mem>>) src(%arg23 : memref<40x16xf32, #tpu.memory_space<vmem>>) dst(%dma_wait3A_273 : memref<40x16xf32, #tpu.memory_space<vmem_shared>>)
    %barrier3A_274 = arith.constant 0 : index
    tpu.barrier barrier_id(%barrier3A_274)
    "tpu.region"() ({
      %run_scoped3A = tpu.sem_alloc : memref<!tpu.dma_semaphore, #tpu.memory_space<semaphore_mem>>
      %dma_start3A_275 = arith.constant 0 : i32
      %dma_start3A_276 = tpu.memref_slice %arg8[%arg0, %mul3A_51, %dma_start3A_275] : memref<2x10240x128xf32, #tpu.memory_space<hbm>> -> memref<1x640x128xf32, #tpu.memory_space<hbm>>
      %dma_start3A_277 = tpu.memref_squeeze %dma_start3A_276 : memref<1x640x128xf32, #tpu.memory_space<hbm>> -> memref<640x128xf32, #tpu.memory_space<hbm>>
      %dma_start3A_278 = arith.constant 0 : i32
      %dma_start3A_279 = tpu.memref_slice %arg25[%mul3A_51, %dma_start3A_278] : memref<10240x128xf32, #tpu.memory_space<vmem_shared>> -> memref<640x128xf32, #tpu.memory_space<vmem_shared>>
      tpu.enqueue_dma source(%dma_start3A_279 : memref<640x128xf32, #tpu.memory_space<vmem_shared>>) target(%dma_start3A_277 : memref<640x128xf32, #tpu.memory_space<hbm>>) target_semaphore(%run_scoped3A : memref<!tpu.dma_semaphore, #tpu.memory_space<semaphore_mem>>)
      %dma_wait3A_280 = arith.constant 0 : i32
      %dma_wait3A_281 = tpu.memref_slice %arg8[%arg0, %mul3A_51, %dma_wait3A_280] : memref<2x10240x128xf32, #tpu.memory_space<hbm>> -> memref<1x640x128xf32, #tpu.memory_space<hbm>>
      %dma_wait3A_282 = tpu.memref_squeeze %dma_wait3A_281 : memref<1x640x128xf32, #tpu.memory_space<hbm>> -> memref<640x128xf32, #tpu.memory_space<hbm>>
      %dma_wait3A_283 = arith.constant 0 : i32
      %dma_wait3A_284 = tpu.memref_slice %arg25[%mul3A_51, %dma_wait3A_283] : memref<10240x128xf32, #tpu.memory_space<vmem_shared>> -> memref<640x128xf32, #tpu.memory_space<vmem_shared>>
      tpu.wait_dma2 semaphore(%run_scoped3A : memref<!tpu.dma_semaphore, #tpu.memory_space<semaphore_mem>>) src(%dma_wait3A_284 : memref<640x128xf32, #tpu.memory_space<vmem_shared>>) dst(%dma_wait3A_282 : memref<640x128xf32, #tpu.memory_space<hbm>>)
      tpu.yield
    }) : () -> ()
    "tpu.region"() ({
      %run_scoped3A = tpu.sem_alloc : memref<!tpu.dma_semaphore, #tpu.memory_space<semaphore_mem>>
      %dma_start3A_275 = arith.constant 0 : i32
      %dma_start3A_276 = tpu.memref_slice %arg9[%arg0, %mul3A_51, %dma_start3A_275] : memref<2x10240x16xf32, #tpu.memory_space<hbm>> -> memref<1x640x16xf32, #tpu.memory_space<hbm>>
      %dma_start3A_277 = tpu.memref_squeeze %dma_start3A_276 : memref<1x640x16xf32, #tpu.memory_space<hbm>> -> memref<640x16xf32, #tpu.memory_space<hbm>>
      %dma_start3A_278 = arith.constant 0 : i32
      %dma_start3A_279 = tpu.memref_slice %arg26[%mul3A_51, %dma_start3A_278] : memref<10240x16xf32, #tpu.memory_space<vmem_shared>> -> memref<640x16xf32, #tpu.memory_space<vmem_shared>>
      tpu.enqueue_dma source(%dma_start3A_279 : memref<640x16xf32, #tpu.memory_space<vmem_shared>>) target(%dma_start3A_277 : memref<640x16xf32, #tpu.memory_space<hbm>>) target_semaphore(%run_scoped3A : memref<!tpu.dma_semaphore, #tpu.memory_space<semaphore_mem>>)
      %dma_wait3A_280 = arith.constant 0 : i32
      %dma_wait3A_281 = tpu.memref_slice %arg9[%arg0, %mul3A_51, %dma_wait3A_280] : memref<2x10240x16xf32, #tpu.memory_space<hbm>> -> memref<1x640x16xf32, #tpu.memory_space<hbm>>
      %dma_wait3A_282 = tpu.memref_squeeze %dma_wait3A_281 : memref<1x640x16xf32, #tpu.memory_space<hbm>> -> memref<640x16xf32, #tpu.memory_space<hbm>>
      %dma_wait3A_283 = arith.constant 0 : i32
      %dma_wait3A_284 = tpu.memref_slice %arg26[%mul3A_51, %dma_wait3A_283] : memref<10240x16xf32, #tpu.memory_space<vmem_shared>> -> memref<640x16xf32, #tpu.memory_space<vmem_shared>>
      tpu.wait_dma2 semaphore(%run_scoped3A : memref<!tpu.dma_semaphore, #tpu.memory_space<semaphore_mem>>) src(%dma_wait3A_284 : memref<640x16xf32, #tpu.memory_space<vmem_shared>>) dst(%dma_wait3A_282 : memref<640x16xf32, #tpu.memory_space<hbm>>)
      tpu.yield
    }) : () -> ()
    return
  }
}

module attributes {stable_mosaic.version = 14 : i64} {
  func.func @_proj_body(%arg0: i32, %arg1: memref<1000x128xf32, #tpu.memory_space<vmem>>, %arg2: memref<128x128xf32, #tpu.memory_space<vmem>>, %arg3: memref<1x128xf32, #tpu.memory_space<vmem>>, %arg4: memref<128x128xf32, #tpu.memory_space<vmem>>, %arg5: memref<1x128xf32, #tpu.memory_space<vmem>>, %arg6: memref<1000x128xf32, #tpu.memory_space<vmem>>, %arg7: memref<1000x128xf32, #tpu.memory_space<vmem>>) attributes {dimension_semantics = [#tpu.dimension_semantics<arbitrary>], iteration_bounds = array<i64: 10>, scalar_prefetch = 0 : i64, scratch_operands = 0 : i64, tpu.core_type = #tpu.core_type<tc>, window_params = [{transform_indices = @transform_0, window_bounds = array<i64: 1000, 128>}, {pipeline_mode = #tpu.pipeline_mode<synchronous>, transform_indices = @transform_1, window_bounds = array<i64: 128, 128>}, {pipeline_mode = #tpu.pipeline_mode<synchronous>, transform_indices = @transform_2, window_bounds = array<i64: 1, 128>}, {pipeline_mode = #tpu.pipeline_mode<synchronous>, transform_indices = @transform_3, window_bounds = array<i64: 128, 128>}, {pipeline_mode = #tpu.pipeline_mode<synchronous>, transform_indices = @transform_4, window_bounds = array<i64: 1, 128>}, {transform_indices = @transform_5, window_bounds = array<i64: 1000, 128>}, {transform_indices = @transform_6, window_bounds = array<i64: 1000, 128>}]} {
    %get3A = arith.constant 0 : index
    %get3A_0 = arith.constant 0 : index
    %get3A_1 = vector.load %arg1[%get3A, %get3A_0] : memref<1000x128xf32, #tpu.memory_space<vmem>>, vector<1000x128xf32>
    %get3A_2 = arith.constant 0 : index
    %get3A_3 = arith.constant 0 : index
    %get3A_4 = vector.load %arg2[%get3A_2, %get3A_3] : memref<128x128xf32, #tpu.memory_space<vmem>>, vector<128x128xf32>
    %dot_general3A = arith.constant dense<0.000000e+00> : vector<1000x128xf32>
    %dot_general3A_5 = tpu.matmul %get3A_1, %get3A_4, %dot_general3A {dimension_numbers = #tpu.dot_dimension_numbers<[1], [1], [0], [0], [0, 0, 1, 0], [], []>, transpose_lhs_hint = false} : vector<1000x128xf32>, vector<128x128xf32>, vector<1000x128xf32> -> vector<1000x128xf32>
    %get3A_6 = arith.constant 0 : index
    %get3A_7 = arith.constant 0 : index
    %get3A_8 = vector.load %arg3[%get3A_6, %get3A_7] : memref<1x128xf32, #tpu.memory_space<vmem>>, vector<1x128xf32>
    %add3A = vector.broadcast %get3A_8 : vector<1x128xf32> to vector<1000x128xf32>
    %add3A_9 = arith.addf %dot_general3A_5, %add3A : vector<1000x128xf32>
    %swap3A = arith.constant 0 : index
    %swap3A_10 = arith.constant 0 : index
    %swap3A_11 = vector.load %arg6[%swap3A, %swap3A_10] : memref<1000x128xf32, #tpu.memory_space<vmem>>, vector<1000x128xf32>
    tpu.vector_store %arg6[%swap3A, %swap3A_10], %add3A_9 {strides = array<i32>} : memref<1000x128xf32, #tpu.memory_space<vmem>>, vector<1000x128xf32>,
    %get3A_12 = arith.constant 0 : index
    %get3A_13 = arith.constant 0 : index
    %get3A_14 = vector.load %arg4[%get3A_12, %get3A_13] : memref<128x128xf32, #tpu.memory_space<vmem>>, vector<128x128xf32>
    %dot_general3A_15 = arith.constant dense<0.000000e+00> : vector<1000x128xf32>
    %dot_general3A_16 = tpu.matmul %get3A_1, %get3A_14, %dot_general3A_15 {dimension_numbers = #tpu.dot_dimension_numbers<[1], [1], [0], [0], [0, 0, 1, 0], [], []>, transpose_lhs_hint = false} : vector<1000x128xf32>, vector<128x128xf32>, vector<1000x128xf32> -> vector<1000x128xf32>
    %get3A_17 = arith.constant 0 : index
    %get3A_18 = arith.constant 0 : index
    %get3A_19 = vector.load %arg5[%get3A_17, %get3A_18] : memref<1x128xf32, #tpu.memory_space<vmem>>, vector<1x128xf32>
    %add3A_20 = vector.broadcast %get3A_19 : vector<1x128xf32> to vector<1000x128xf32>
    %add3A_21 = arith.addf %dot_general3A_16, %add3A_20 : vector<1000x128xf32>
    %swap3A_22 = arith.constant 0 : index
    %swap3A_23 = arith.constant 0 : index
    %swap3A_24 = vector.load %arg7[%swap3A_22, %swap3A_23] : memref<1000x128xf32, #tpu.memory_space<vmem>>, vector<1000x128xf32>
    tpu.vector_store %arg7[%swap3A_22, %swap3A_23], %add3A_21 {strides = array<i32>} : memref<1000x128xf32, #tpu.memory_space<vmem>>, vector<1000x128xf32>,
    return
  }
  func.func @transform_0(%arg0: i32) -> (i32, i32) {
    %c0_i32 = arith.constant 0 : i32
    %c0_i32_0 = arith.constant 0 : i32
    return %arg0, %c0_i32 : i32, i32
  }
  func.func @transform_1(%arg0: i32) -> (i32, i32) {
    %c0_i32 = arith.constant 0 : i32
    %c0_i32_0 = arith.constant 0 : i32
    %c0_i32_1 = arith.constant 0 : i32
    return %c0_i32, %c0_i32_0 : i32, i32
  }
  func.func @transform_2(%arg0: i32) -> (i32, i32) {
    %c0_i32 = arith.constant 0 : i32
    %c0_i32_0 = arith.constant 0 : i32
    %c0_i32_1 = arith.constant 0 : i32
    return %c0_i32, %c0_i32_0 : i32, i32
  }
  func.func @transform_3(%arg0: i32) -> (i32, i32) {
    %c0_i32 = arith.constant 0 : i32
    %c0_i32_0 = arith.constant 0 : i32
    %c0_i32_1 = arith.constant 0 : i32
    return %c0_i32, %c0_i32_0 : i32, i32
  }
  func.func @transform_4(%arg0: i32) -> (i32, i32) {
    %c0_i32 = arith.constant 0 : i32
    %c0_i32_0 = arith.constant 0 : i32
    %c0_i32_1 = arith.constant 0 : i32
    return %c0_i32, %c0_i32_0 : i32, i32
  }
  func.func @transform_5(%arg0: i32) -> (i32, i32) {
    %c0_i32 = arith.constant 0 : i32
    %c0_i32_0 = arith.constant 0 : i32
    return %arg0, %c0_i32 : i32, i32
  }
  func.func @transform_6(%arg0: i32) -> (i32, i32) {
    %c0_i32 = arith.constant 0 : i32
    %c0_i32_0 = arith.constant 0 : i32
    return %arg0, %c0_i32 : i32, i32
  }
}

module attributes {stable_mosaic.version = 14 : i64} {
  func.func @_fin_body(%arg0: i32, %arg1: memref<2x1000x128xf32, #tpu.memory_space<vmem>>, %arg2: memref<2x1000x16xf32, #tpu.memory_space<vmem>>, %arg3: memref<1000x128xf32, #tpu.memory_space<vmem>>, %arg4: memref<1x128xf32, #tpu.memory_space<vmem>>, %arg5: memref<1000x128xf32, #tpu.memory_space<vmem>>) attributes {dimension_semantics = [#tpu.dimension_semantics<arbitrary>], iteration_bounds = array<i64: 10>, scalar_prefetch = 0 : i64, scratch_operands = 0 : i64, tpu.core_type = #tpu.core_type<tc>, window_params = [{transform_indices = @transform_0, window_bounds = array<i64: 2, 1000, 128>}, {transform_indices = @transform_1, window_bounds = array<i64: 2, 1000, 16>}, {transform_indices = @transform_2, window_bounds = array<i64: 1000, 128>}, {pipeline_mode = #tpu.pipeline_mode<synchronous>, transform_indices = @transform_3, window_bounds = array<i64: 1, 128>}, {transform_indices = @transform_4, window_bounds = array<i64: 1000, 128>}]} {
    %get3A = arith.constant 0 : index
    %get3A_0 = arith.constant 0 : index
    %get3A_1 = arith.constant 0 : index
    %get3A_2 = vector.load %arg1[%get3A, %get3A_0, %get3A_1] : memref<2x1000x128xf32, #tpu.memory_space<vmem>>, vector<1x1000x128xf32>
    %get3A_3 = vector.shape_cast %get3A_2 : vector<1x1000x128xf32> to vector<1000x128xf32>
    %get3A_4 = arith.constant 1 : index
    %get3A_5 = arith.constant 0 : index
    %get3A_6 = arith.constant 0 : index
    %get3A_7 = vector.load %arg1[%get3A_4, %get3A_5, %get3A_6] : memref<2x1000x128xf32, #tpu.memory_space<vmem>>, vector<1x1000x128xf32>
    %get3A_8 = vector.shape_cast %get3A_7 : vector<1x1000x128xf32> to vector<1000x128xf32>
    %add3A = arith.addf %get3A_3, %get3A_8 : vector<1000x128xf32>
    %get3A_9 = arith.constant 0 : index
    %get3A_10 = arith.constant 0 : index
    %get3A_11 = arith.constant 0 : index
    %get3A_12 = vector.load %arg2[%get3A_9, %get3A_10, %get3A_11] : memref<2x1000x16xf32, #tpu.memory_space<vmem>>, vector<1x1000x16xf32>
    %get3A_13 = vector.shape_cast %get3A_12 : vector<1x1000x16xf32> to vector<1000x16xf32>
    %get3A_14 = arith.constant 1 : index
    %get3A_15 = arith.constant 0 : index
    %get3A_16 = arith.constant 0 : index
    %get3A_17 = vector.load %arg2[%get3A_14, %get3A_15, %get3A_16] : memref<2x1000x16xf32, #tpu.memory_space<vmem>>, vector<1x1000x16xf32>
    %get3A_18 = vector.shape_cast %get3A_17 : vector<1x1000x16xf32> to vector<1000x16xf32>
    %add3A_19 = arith.addf %get3A_13, %get3A_18 : vector<1000x16xf32>
    %iota3A = tpu.iota {dimensions = array<i32: 0>} : vector<16x128xi32>
    %iota3A_20 = tpu.iota {dimensions = array<i32: 1>} : vector<16x128xi32>
    %jit3A = arith.constant 16 : i32
    %div3A = vector.broadcast %jit3A : i32 to vector<16x128xi32>
    %div3A_21 = arith.divsi %iota3A_20, %div3A : vector<16x128xi32>
    %sign3A = arith.constant 0 : i32
    %sign3A_22 = vector.broadcast %sign3A : i32 to vector<16x128xi32>
    %sign3A_23 = arith.cmpi sgt, %iota3A_20, %sign3A_22 : vector<16x128xi32>
    %sign3A_24 = arith.extui %sign3A_23 : vector<16x128xi1> to vector<16x128xi32>
    %sign3A_25 = arith.constant 0 : i32
    %sign3A_26 = vector.broadcast %sign3A_25 : i32 to vector<16x128xi32>
    %sign3A_27 = arith.cmpi slt, %iota3A_20, %sign3A_26 : vector<16x128xi32>
    %sign3A_28 = arith.extui %sign3A_27 : vector<16x128xi1> to vector<16x128xi32>
    %sign3A_29 = arith.subi %sign3A_24, %sign3A_28 : vector<16x128xi32>
    %sign3A_30 = arith.constant 0 : i32
    %sign3A_31 = arith.cmpi sgt, %jit3A, %sign3A_30 : i32
    %sign3A_32 = arith.extui %sign3A_31 : i1 to i32
    %sign3A_33 = arith.constant 0 : i32
    %sign3A_34 = arith.cmpi slt, %jit3A, %sign3A_33 : i32
    %sign3A_35 = arith.extui %sign3A_34 : i1 to i32
    %sign3A_36 = arith.subi %sign3A_32, %sign3A_35 : i32
    %ne3A = vector.broadcast %sign3A_36 : i32 to vector<16x128xi32>
    %ne3A_37 = arith.cmpi ne, %sign3A_29, %ne3A : vector<16x128xi32>
    %rem3A = vector.broadcast %jit3A : i32 to vector<16x128xi32>
    %rem3A_38 = arith.remsi %iota3A_20, %rem3A : vector<16x128xi32>
    %ne3A_39 = arith.constant 0 : i32
    %ne3A_40 = vector.broadcast %ne3A_39 : i32 to vector<16x128xi32>
    %ne3A_41 = arith.cmpi ne, %rem3A_38, %ne3A_40 : vector<16x128xi32>
    %and3A = arith.andi %ne3A_37, %ne3A_41 : vector<16x128xi1>
    %sub3A = arith.constant 1 : i32
    %sub3A_42 = vector.broadcast %sub3A : i32 to vector<16x128xi32>
    %sub3A_43 = arith.subi %div3A_21, %sub3A_42 : vector<16x128xi32>
    %select_n3A = arith.select %and3A, %sub3A_43, %div3A_21 : vector<16x128xi1>, vector<16x128xi32>
    %eq3A = arith.cmpi eq, %select_n3A, %iota3A : vector<16x128xi32>
    %convert_element_type3A = arith.extui %eq3A : vector<16x128xi1> to vector<16x128xi32>
    %convert_element_type3A_44 = arith.sitofp %convert_element_type3A : vector<16x128xi32> to vector<16x128xf32>
    %dot_general3A = arith.constant dense<0.000000e+00> : vector<1000x128xf32>
    %dot_general3A_45 = tpu.matmul %add3A_19, %convert_element_type3A_44, %dot_general3A {dimension_numbers = #tpu.dot_dimension_numbers<[1], [0], [0], [1], [0, 0, 1, 1], [], []>, transpose_lhs_hint = false} : vector<1000x16xf32>, vector<16x128xf32>, vector<1000x128xf32> -> vector<1000x128xf32>
    %add3A_46 = arith.constant 1.000000e-16 : f32
    %add3A_47 = vector.broadcast %add3A_46 : f32 to vector<1000x128xf32>
    %add3A_48 = arith.addf %dot_general3A_45, %add3A_47 : vector<1000x128xf32>
    %div3A_49 = arith.divf %add3A, %add3A_48 : vector<1000x128xf32>
    %get3A_50 = arith.constant 0 : index
    %get3A_51 = arith.constant 0 : index
    %get3A_52 = vector.load %arg4[%get3A_50, %get3A_51] : memref<1x128xf32, #tpu.memory_space<vmem>>, vector<1x128xf32>
    %add3A_53 = vector.broadcast %get3A_52 : vector<1x128xf32> to vector<1000x128xf32>
    %add3A_54 = arith.addf %div3A_49, %add3A_53 : vector<1000x128xf32>
    %get3A_55 = arith.constant 0 : index
    %get3A_56 = arith.constant 0 : index
    %get3A_57 = vector.load %arg3[%get3A_55, %get3A_56] : memref<1000x128xf32, #tpu.memory_space<vmem>>, vector<1000x128xf32>
    %add3A_58 = arith.addf %add3A_54, %get3A_57 : vector<1000x128xf32>
    %mul3A = arith.constant 5.000000e-01 : f32
    %mul3A_59 = vector.broadcast %mul3A : f32 to vector<1000x128xf32>
    %mul3A_60 = arith.mulf %mul3A_59, %add3A_58 : vector<1000x128xf32>
    %mul3A_61 = arith.constant 0.707106769 : f32
    %mul3A_62 = vector.broadcast %mul3A_61 : f32 to vector<1000x128xf32>
    %mul3A_63 = arith.mulf %add3A_58, %mul3A_62 : vector<1000x128xf32>
    %erf3A = math.erf %mul3A_63 : vector<1000x128xf32>
    %add3A_64 = arith.constant 1.000000e+00 : f32
    %add3A_65 = vector.broadcast %add3A_64 : f32 to vector<1000x128xf32>
    %add3A_66 = arith.addf %add3A_65, %erf3A : vector<1000x128xf32>
    %mul3A_67 = arith.mulf %mul3A_60, %add3A_66 : vector<1000x128xf32>
    %swap3A = arith.constant 0 : index
    %swap3A_68 = arith.constant 0 : index
    %swap3A_69 = vector.load %arg5[%swap3A, %swap3A_68] : memref<1000x128xf32, #tpu.memory_space<vmem>>, vector<1000x128xf32>
    tpu.vector_store %arg5[%swap3A, %swap3A_68], %mul3A_67 {strides = array<i32>} : memref<1000x128xf32, #tpu.memory_space<vmem>>, vector<1000x128xf32>,
    return
  }
  func.func @transform_0(%arg0: i32) -> (i32, i32, i32) {
    %c0_i32 = arith.constant 0 : i32
    %c0_i32_0 = arith.constant 0 : i32
    %c0_i32_1 = arith.constant 0 : i32
    return %c0_i32, %arg0, %c0_i32_0 : i32, i32, i32
  }
  func.func @transform_1(%arg0: i32) -> (i32, i32, i32) {
    %c0_i32 = arith.constant 0 : i32
    %c0_i32_0 = arith.constant 0 : i32
    %c0_i32_1 = arith.constant 0 : i32
    return %c0_i32, %arg0, %c0_i32_0 : i32, i32, i32
  }
  func.func @transform_2(%arg0: i32) -> (i32, i32) {
    %c0_i32 = arith.constant 0 : i32
    %c0_i32_0 = arith.constant 0 : i32
    return %arg0, %c0_i32 : i32, i32
  }
  func.func @transform_3(%arg0: i32) -> (i32, i32) {
    %c0_i32 = arith.constant 0 : i32
    %c0_i32_0 = arith.constant 0 : i32
    %c0_i32_1 = arith.constant 0 : i32
    return %c0_i32, %c0_i32_0 : i32, i32
  }
  func.func @transform_4(%arg0: i32) -> (i32, i32) {
    %c0_i32 = arith.constant 0 : i32
    %c0_i32_0 = arith.constant 0 : i32
    return %arg0, %c0_i32 : i32, i32
  }
}

</mosaic_0001>

<sc_bundles>
// kernel: kernel.5.cloned.1.call-start
scs
__scs_entry_jumppad:
0x0: {  	(pc) =	sbr.rel $0x88, $3  }
0x1: {  	(tag) =	ssettag $0x0;
	lr =	simm.s32 $0x1  }
0x2: {  	[smem:$0x3F99] =	sst lr;
	_ =	strace $0xD0000000  }
0x3: {  	_ = 	snop  }
0x4: {  	_ = 	snop  }
0x5: {  	_ = 	snop  }
0x6: {  	_ = 	snop  }
0x7: {  	_ = 	snop  }
__scs_overlays_trampoline_lowered:
0x8: {  	[smem:$0x3FA8] =	sst s0  }
0x9: {  	[smem:$0x3FA9] =	sst s1  }
0xa: {  	[smem:$0x3FAA] =	sst s2  }
0xb: {  	[smem:$0x3FAB] =	sst s3  }
0xc: {  	[smem:$0x3FAC] =	sst s4  }
0xd: {  	[smem:$0x3FAD] =	sst s5  }
0xe: {  	[smem:$0x3FAE] =	sst s6  }
0xf: {  	[smem:$0x3FAF] =	sst s7  }
0x10: {  	[smem:$0x3FB0] =	sst s8  }
0x11: {  	[smem:$0x3FB1] =	sst s9;
	s0 =	simm.s32 @!p0 $0x0  }
0x12: {  	s1 =	sld [smem:$0x3F97];
	s0 =	simm.s32 @p0 $0x1  }
0x13: {  	[smem:$0x3FB2] =	sst s0;
	s0 =	simm.s32 @!p1 $0x0  }
0x14: {  	s2 =	sld [smem:$0x3F96];
	s0 =	simm.s32 @p1 $0x1  }
0x15: {  	[smem:$0x3FB3] =	sst s0;
	s0 =	simm.s32 @!p2 $0x0  }
0x16: {  	s3 =	sld [smem:$0x3FDB];
	s0 =	simm.s32 @p2 $0x1  }
0x17: {  	s4 =	simm.s32 $0x1BF5;
	[smem:$0x3FB5] =	sst s0  }
0x18: {  	s0 =	sld [smem:$0x3F98];
	_ =	swait.ge [sflag:s4], $0x0  }
0x19: {  	s7 =	sld [smem:$0x3F99]  }
0x1a: {  	s8 =	sadd.s32 $0xFFFFE003, lr  }
0x1b: {  	s9 =	sadd.s32 $0xFFFFFEF7, lr;
	s5 =	simm.s32 $0xFFFFFFFF;
	p2 =	slt.u32 s8, $0xFFFFF086  }
0x1c: {  	p1 =	slt.u32 s9, $0xF7A;
	s5 =	simm.s32 @!p2 $0x0  }
0x1d: {  	s5 =	simm.s32 @p1 $0x1;
	p0 =	seq.s32 s7, s2  }
0x1e: {  	s7 =	smul.u32 @!p0 $0xF7A, s2;
	p2 =	seq.s32 @!p0 s5, $0x0  }
0x1f: {  	s9 =	smul.u32 $0xF7A, s1;
	s8 =	simm.s32 @!p0 $0x1BF5;
	p2 =	por !p2, p0  }
0x20: {  	[sflag:s8] =	ssyncset.s32 @!p0 $0xFFFFF086;
	s6 =	sadd.s32 @!p0 s3, s7;
	s7 =	simm.s32 @!p0 $0x108  }
0x21: {  	s3 =	sadd.s32 s3, s9;
	s6 =	sadd.s32 @!p0 $0x88, s6;
	s7 =	simm.s32 @p2 $0x1082  }
0x22: {  	[simem:s7], [sflag:s8] =	dma.local @!p0 [hbm:s6], $0xF7A  }
0x23: {  	s9 =	sor.u32 $0xD0000000, s2;
	s6 =	simm.s32 $0x108;
	_ =	swait.ge @!p0 [sflag:s8], $0x0  }
0x24: {  	s3 =	sadd.s32 $0x88, s3;
	s6 =	simm.s32 @!p1 $0x1082;
	[sflag:s4] =	ssyncset.s32 $0xFFFFF086  }
0x25: {  	[simem:s6], [sflag:s4] =	dma.local [hbm:s3], $0xF7A  }
0x26: {  	[smem:$0x3F99] =	sst s1;
	(tag) =	ssettag s2;
	_ =	strace s9  }
0x27: {  	s1 =	sld [smem:$0x3FA9]  }
0x28: {  	s2 =	sld [smem:$0x3FAA]  }
0x29: {  	s4 =	sld [smem:$0x3FAC]  }
0x2a: {  	p0 =	seq.s32 s5, $0x0;
	s5 =	sld [smem:$0x3FAD]  }
0x2b: {  	s6 =	sld [smem:$0x3FAE]  }
0x2c: {  	s7 =	sld [smem:$0x3FAF]  }
0x2d: {  	s3 =	simm.s32 $0x108;
	s8 =	sld [smem:$0x3FB0]  }
0x2e: {  	s3 =	simm.s32 @!p0 $0x1082;
	s9 =	sld [smem:$0x3FB1]  }
0x2f: {  	lr =	sadd.s32 s0, s3;
	s0 =	sld [smem:$0x3FA8]  }
0x30: {  	s3 =	sld [smem:$0x3FAB]  }
0x31: {  	[smem:$0x3FB4] =	sst s10  }
0x32: {  	s10 =	sld [smem:$0x3FB2];
	_ =	sdelay $0x3  }
0x33: {  	p0 =	seq.s32 s10, $0x1;
	s10 =	sld [smem:$0x3FB4];
	_ =	sdelay $0x3  }
0x34: {  	[smem:$0x3FB4] =	sst s10  }
0x35: {  	s10 =	sld [smem:$0x3FB3];
	_ =	sdelay $0x3  }
0x36: {  	p1 =	seq.s32 s10, $0x1;
	s10 =	sld [smem:$0x3FB4];
	_ =	sdelay $0x3  }
0x37: {  	[smem:$0x3FB4] =	sst s10  }
0x38: {  	s10 =	sld [smem:$0x3FB5]  }
0x39: {  	_ = 	snop;
	(pc) =	sbr.ind lr, $3  }
0x3a: {  	_ = 	snop  }
0x3b: {  	_ = 	snop  }
0x3c: {  	p2 =	seq.s32 s10, $0x1;
	s10 =	sld [smem:$0x3FB4]  }
0x3d: {  	_ =	shalt  }
0x3e: {  	_ =	shalt  }
0x3f: {  	_ =	shalt  }
0x40: {  	_ =	shalt  }
0x41: {  	_ =	shalt  }
0x42: {  	_ =	shalt  }
0x43: {  	_ =	shalt  }
0x44: {  	_ =	shalt  }
0x45: {  	_ =	shalt  }
0x46: {  	_ =	shalt  }
0x47: {  	_ =	shalt  }
0x48: {  	_ =	shalt  }
0x49: {  	_ =	shalt  }
0x4a: {  	_ =	shalt  }
0x4b: {  	_ =	shalt  }
0x4c: {  	_ =	shalt  }
0x4d: {  	_ =	shalt  }
0x4e: {  	_ =	shalt  }
0x4f: {  	_ =	shalt  }
0x50: {  	_ =	shalt  }
0x51: {  	_ =	shalt  }
0x52: {  	_ =	shalt  }
0x53: {  	_ =	shalt  }
0x54: {  	_ =	shalt  }
0x55: {  	_ =	shalt  }
0x56: {  	_ =	shalt  }
0x57: {  	_ =	shalt  }
0x58: {  	_ =	shalt  }
0x59: {  	_ =	shalt  }
0x5a: {  	_ =	shalt  }
0x5b: {  	_ =	shalt  }
0x5c: {  	_ =	shalt  }
0x5d: {  	_ =	shalt  }
0x5e: {  	_ =	shalt  }
0x5f: {  	_ =	shalt  }
0x60: {  	_ =	shalt  }
0x61: {  	_ =	shalt  }
0x62: {  	_ =	shalt  }
0x63: {  	_ =	shalt  }
0x64: {  	_ =	shalt  }
0x65: {  	_ =	shalt  }
0x66: {  	_ =	shalt  }
0x67: {  	_ =	shalt  }
0x68: {  	_ =	shalt  }
0x69: {  	_ =	shalt  }
0x6a: {  	_ =	shalt  }
0x6b: {  	_ =	shalt  }
0x6c: {  	_ =	shalt  }
0x6d: {  	_ =	shalt  }
0x6e: {  	_ =	shalt  }
0x6f: {  	_ =	shalt  }
0x70: {  	_ =	shalt  }
0x71: {  	_ =	shalt  }
0x72: {  	_ =	shalt  }
0x73: {  	_ =	shalt  }
0x74: {  	_ =	shalt  }
0x75: {  	_ =	shalt  }
0x76: {  	_ =	shalt  }
0x77: {  	_ =	shalt  }
0x78: {  	_ =	shalt  }
0x79: {  	_ =	shalt  }
0x7a: {  	_ =	shalt  }
0x7b: {  	_ =	shalt  }
0x7c: {  	_ =	shalt  }
0x7d: {  	_ =	shalt  }
0x7e: {  	_ =	shalt  }
0x7f: {  	_ =	shalt  }
0x80: {  	_ =	shalt  }
0x81: {  	_ =	shalt  }
0x82: {  	_ =	shalt  }
0x83: {  	_ =	shalt  }
0x84: {  	_ =	shalt  }
0x85: {  	_ =	shalt  }
0x86: {  	_ =	shalt  }
0x87: {  	_ =	shalt  }
.Lfunc_end0:
.L_simem_size_0:
called_computation_lowered:
.L_overlay_start_0:
0x88: {  	s2 =	sld [smem:$0x3FD9]  }
0x89: {  	s3 =	sld [smem:$0x3FFE];
	_ =	sdelay $0x1  }
0x8a: {  	s1 =	srdreg.scid  }
0x8b: {  	s0 =	sand.u32 $0x1, s1  }
0x8c: {  	s17 =	sshll.u32 s0, $0xA;
	s2 =	sadd.s32 s3, s2  }
0x8d: {  	s2 =	sadd.s32 s2, s17  }
0x8e: {  	[smem:$0x3FC0] =	sst s2  }
0x8f: {  	_ = 	snop  }
0x90: {  	s2 =	sld [smem:$0x3FD0];
	(tm) =	ssettm $0x1  }
0x91: {  	s18 =	sld [smem:$0x3FFB];
	_ =	sdelay $0x3  }
0x92: {  	_ =	strace s18  }
0x93: {  	s3 =	sld [smem:$0x3FFC];
	_ =	sdelay $0x3  }
0x94: {  	_ =	strace s3  }
0x95: {  	s3 =	sld [smem:$0x3FFD];
	_ =	sdelay $0x3  }
0x96: {  	_ =	strace s3  }
0x97: {  	_ =	strace $0x8FFFFFFF  }
0x98: {  	s19 =	sld [smem:$0x3FDB];
	_ =	sdelay $0x1  }
0x99: {  	s4 =	simm.s32 $_scs_section_size  }
0x9a: {  	s5 =	simm.s32 $_size__tile_overlayer_lowered;
	s6 =	simm.s32 $_tile_overlayer_lowered  }
0x9b: {  	s22 =	simm.s32 $0x1BFF;
	s21 =	sshll.u32 s6, $0x1;
	s3 =	sadd.s32 s4, s19  }
0x9c: {  	s7 =	simm.s32 $0x0;
	s20 =	sshll.u32 s5, $0x1;
	s5 =	sadd.s32 s21, s3  }
0x9d: {  	[timem:s7], [sflag:s22] =	dma.local [hbm:s5], s20  }
0x9e: {  	_ =	swait.ge [sflag:s22], s20  }
0x9f: {  	s4 =	ssub.s32 $0x0, s20;
	[sflag:s22] =	ssyncset.done $0x0  }
0xa0: {  	[sflag:s22] =	ssyncadd.s32 s4;
	_ =	sdelay $0x1  }
0xa1: {  	s23 =	simm.s32 $0x1B8B  }
0xa2: {  	_ =	swait.ge [sflag:s23], $0x1  }
0xa3: {  	[sflag:s23] =	ssyncset.done $0x0  }
0xa4: {  	s25 =	simm.s32 $0x1B8E;
	s24 =	sld [smem:$0x3FFE];
	[sflag:s23] =	ssyncadd.s32 $0xFFFFFFFF  }
0xa5: {  	s26 =	simm.s32 $execute0_lowered;
	[smem:$0x3FD2] =	sst s25  }
0xa6: {  	s5 =	sshll.u32 s26, $0x1;
	_ =	strace $0x80000046;
	[dreg:$0x1] =	wrdreg $0xFFFFFFFF  }
0xa7: {  	s28 =	simm.s32 $_size_execute0_lowered;
	s3 =	sadd.s32 s3, s5;
	[dreg:$0x0] =	wrdreg $0x0  }
0xa8: {  	s5 =	sshll.u32 s28, $0x1;
	[dreg:$0x2] =	wrdreg s3  }
0xa9: {  	[dreg:$0x3] =	wrdreg s5  }
0xaa: {  	[dreg:$0x4] =	wrdreg $0xC0  }
0xab: {  	_ =	task [dreg:s7], $0x5FFFF  }
0xac: {  	[dreg:$0x1] =	wrdreg $0xFFFFFFFF  }
0xad: {  	[dreg:$0x0] =	wrdreg $0x60  }
0xae: {  	[dreg:$0x2] =	wrdreg s2  }
0xaf: {  	[dreg:$0x3] =	wrdreg s24  }
0xb0: {  	[dreg:$0x4] =	wrdreg $0x7E700  }
0xb1: {  	[dreg:$0x5] =	wrdreg $0x1BE700  }
0xb2: {  	[dreg:$0x6] =	wrdreg $0x9  }
0xb3: {  	_ =	task.clear_ibuf [dreg:s7], $0x7FFFF;
	_ =	strace $0x90000046  }
0xb4: {  	s29 =	simm.s32 $0x9;
	_ =	strace $0x80000048  }
0xb5: {  	_ =	swait.ge [sflag:s29], $0x1  }
0xb6: {  	[sflag:s29] =	ssyncadd.s32 $0xFFFFFFFF  }
0xb7: {  	_ =	strace $0x90000048  }
0xb8: {  	_ =	sfence  }
0xb9: {  	s30 =	sld [smem:$0x0];
	_ =	sdelay $0x2  }
0xba: {  	s31 =	sshll.u32 s1, $0xD;
	s1 =	sshrl.u32 s1, $0x2  }
0xbb: {  	s3 =	sand.u32 $0x4000, s31;
	s1 =	sadd.s32 s1, s30  }
0xbc: {  	s0 =	sor.u32 s3, s0;
	s1 =	sshll.u32 s1, $0x11  }
0xbd: {  	s0 =	sor.u32 s1, s0  }
0xbe: {  	s0 =	sadd.s32 $0x8F2B, s0  }
0xbf: {  	[sflag:s0] =	ssyncadd.remote.s32 $0x1  }
0xc0: {  	_ =	sfence.sel $0xFFFF  }
0xc1: {  	[dreg:$0x0] =	wrdreg $0xFFFFFFFF;
	(pc) =	sbr.abs _section_cstart, $3  }
0xc2: {  	[dreg:$0x1] =	wrdreg $0xFFFFFFFF  }
0xc3: {  	_ =	task.clear_ibuf [dreg:s7], $0x2FFFF;
	_ =	strace $0x9FFFFFFF  }
0xc4: {  	(tm) =	ssettm $0x7FFFFFFF  }
0xc5: {  	_ =	shalt  }
tec
execute0_lowered:
.L_overlay_start_1:
0x0: {  	(tag) =	ssettag $0x1  }
0x1: {  	s1 =	rddreg [dreg:$0x0]  }
0x2: {  	s0 =	rddreg [dreg:$0x1]  }
0x3: {  	s2 =	rddreg [dreg:$0x2]  }
0x4: {  	s3 =	rddreg [dreg:$0x3];
	s5 =	simm.s32 $0x0  }
0x5: {  	s13 =	stileid.u32;
	s8 =	srdreg.scid;
	s31 =	simm.s32 $0x50  }
0x6: {  	s28 =	simm.s32 $0x4;
	s29 =	simm.s32 $0xC8;
	s30 =	simm.s32 $0x8  }
0x7: {  	[smem:$0x7FF] =	sst s5;
	s6 =	sadd.s32 $0x15800, s0;
	s4 =	smul.u32 $0x14000, s13  }
0x8: {  	s7 =	sadd.s32 $0x1E00, s0;
	s9 =	smul.u32 $0x2800, s13;
	s8 =	sand.u32 $0x1, s8  }
0x9: {  	s10 =	sadd.s32 $0x1C00, s0;
	s13 =	sshll.u32 s13, $0x1;
	s11 =	smul.u32 $0x140000, s8  }
0xa: {  	_ =	strace $0x80000047;
	[dreg:$0x5] =	wrdreg s10;
	s14 =	smul.u32 $0x28000, s8  }
0xb: {  	s13 =	sor.u32 s8, s13;
	s8 =	ssub.s32 $0x2, s8;
	s17 =	sshrl.u32 s4, $0x3  }
0xc: {  	s18 =	sshrl.u32 s9, $0x3;
	s13 =	smul.u32 $0x2710, s13;
	s21 =	sshrl.u32 s8, $0x1  }
0xd: {  	s25 =	sadd.s32 s9, s3;
	s12 =	sadd.s32 s17, s0;
	s11 =	sadd.s32 s4, s11  }
0xe: {  	s15 =	sadd.s32 s18, s0;
	s20 =	sadd.s32 s9, s14;
	s8 =	ssub.s32 s8, s21  }
0xf: {  	s4 =	sadd.s32 s4, s2;
	[dreg:$0xc] =	wrdreg s25;
	s19 =	sshrl.u32 s11, $0x3  }
0x10: {  	s10 =	sshrl.u32 s20, $0x3;
	s22 =	sshrl.u32 s13, $0x3;
	s23 =	sadd.s32 $0x28, s13  }
0x11: {  	s11 =	sadd.s32 $0x4E228, s13;
	[dreg:$0xa] =	wrdreg s4;
	s24 =	sadd.s32 $0x41A00, s12  }
0x12: {  	s9 =	sadd.s32 $0x3CA00, s15;
	s21 =	sadd.s32 $0x78, s13;
	s15 =	sadd.s32 $0x508E8, s13  }
0x13: {  	s16 =	sadd.s32 s19, s0;
	s0 =	sadd.s32 s10, s0;
	s19 =	sadd.s32 s7, s22  }
0x14: {  	s10 =	sadd.s32 $0x4E200, s13;
	s14 =	sshrl.u32 s23, $0x3;
	[dreg:$0xb] =	wrdreg s24  }
0x15: {  	s18 =	sshrl.u32 s11, $0x3;
	[dreg:$0xd] =	wrdreg s9;
	s23 =	smax.u32 s8, $0x1  }
0x16: {  	s20 =	sshrl.u32 s15, $0x3;
	s8 =	simm.s32 $0x6;
	[dreg:$0x14] =	wrdreg s23  }
0x17: {  	s17 =	sshrl.u32 s10, $0x3;
	s14 =	sadd.s32 s7, s14;
	[dreg:$0x6] =	wrdreg s19  }
0x18: {  	s26 =	sadd.s32 s7, s18;
	s22 =	sadd.s32 $0x73A00, s16;
	[dreg:$0x8] =	wrdreg s14  }
0x19: {  	s18 =	sshrl.u32 s21, $0x3;
	s0 =	sadd.s32 $0x69A00, s0;
	[dreg:$0x12] =	wrdreg s22  }
0x1a: {  	s24 =	sadd.s32 $0x9C4A, s19;
	s25 =	sadd.s32 $0xA118, s19;
	[dreg:$0x13] =	wrdreg s0  }
0x1b: {  	s16 =	simm.s32 $0x9;
	s23 =	simm.s32 $0xA0;
	[dreg:$0x15] =	wrdreg s24  }
0x1c: {  	s17 =	sadd.s32 s7, s17;
	s14 =	sadd.s32 $0x4E278, s13;
	[dreg:$0x16] =	wrdreg s25  }
0x1d: {  	s0 =	simm.s32 $0x28;
	[dreg:$0x7] =	wrdreg s17;
	s17 =	sadd.s32 $0x50, s13  }
0x1e: {  	s22 =	simm.s32 $0x3;
	s24 =	simm.s32 $0x7;
	s12 =	sshrl.u32 s17, $0x3  }
0x1f: {  	[dreg:$0x9] =	wrdreg s26;
	s13 =	simm.s32 $0x1;
	s4 =	sadd.s32 s7, s12  }
0x20: {  	s12 =	sadd.s32 s7, s18;
	[dreg:$0xe] =	wrdreg s4;
	s4 =	sshrl.u32 s14, $0x3  }
0x21: {  	v0 =	vimm.s32 $0xF;
	vm0 =	vmmov $0x1;
	vm1 =	vcmask $0x320;
	s18 =	simm.s32 $0x2;
	[dreg:$0xf] =	wrdreg s12;
	s4 =	sadd.s32 s7, s4  }
0x22: {  	vm2 =	vcmask $0x720;
	vm3 =	vcmask $0xB20;
	vm4 =	vcmask $0xF20;
	s14 =	simm.s32 $0x5;
	[dreg:$0x10] =	wrdreg s4;
	s4 =	sadd.s32 s7, s20  }
0x23: {  	vm5 =	vcmask $0x1320;
	vm6 =	vcmask $0x1720;
	vm7 =	vcmask $0x1B20;
	s12 =	simm.s32 $0x0;
	[dreg:$0x11] =	wrdreg s4;
	s4 =	simm.s32 $0x78  }
.LBB2_1:
0x24: {  	[dreg:$0x17] =	wrdreg s12  }
0x25: {  	s9 =	rddreg [dreg:$0x6]  }
0x26: {  	[tilespmem:s5], [sflag:$0x1] =	stream.linear.gather [hbm4b:s9+s5], $0x28, $0x38;
	[tilespmem:$0x1E670] =	vst v63  }
0x27: {  	s12 =	rddreg [dreg:$0x7]  }
0x28: {  	[tilespmem:s31], [sflag:$0x1] =	stream.linear.gather [hbm4b:s12+s5], $0x28, $0x38;
	[tilespmem:$0x1E670] =	vst v63  }
0x29: {  	s20 =	rddreg [dreg:$0x8]  }
0x2a: {  	[tilespmem:s0], [sflag:$0x2] =	stream.linear.gather [hbm4b:s20+s5], $0x28, $0x38;
	[tilespmem:$0x1E670] =	vst v63  }
0x2b: {  	_ = 	snop  }
0x2c: {  	[tilespmem:s4], [sflag:$0x2] =	stream.linear.gather [hbm4b:s26+s5], $0x28, $0x38;
	[tilespmem:$0x1E670] =	vst v63  }
0x2d: {  	s25 =	rddreg [dreg:$0x5];
	s15 =	simm.s32 $0x7DF0  }
0x2e: {  	[tilespmem:s15], [sflag:$0x9] =	stream.linear.gather [hbm4b:s25+s5], $0x80, $0x38;
	[tilespmem:$0x1E670] =	vst v63  }
0x2f: {  	_ =	swait.ge [sflag:s16], $0x80  }
0x30: {  	[sflag:s16] =	ssyncset.done $0x0  }
0x31: {  	[sflag:s16] =	ssyncadd.s32 $0xFFFFFF80  }
0x32: {  	v1 =	vld [tilespmem:$0x7DF0]  }
0x33: {  	v2 =	vld [tilespmem:$0x7E00]  }
0x34: {  	v3 =	vld [tilespmem:$0x7E10]  }
0x35: {  	v4 =	vld [tilespmem:$0x7E20]  }
0x36: {  	s19 =	stileid.u32;
	s20 =	rddreg [dreg:$0xa];
	v5 =	vld [tilespmem:$0x7E30]  }
0x37: {  	s9 =	sshll.u32 s19, $0x6;
	s25 =	rddreg [dreg:$0xb];
	s19 =	sshrl.u32 s20, $0x3;
	v6 =	vld [tilespmem:$0x7E40]  }
0x38: {  	s15 =	sor.u32 $0x1C09, s9;
	v7 =	vld [tilespmem:$0x7E50];
	[dreg:$0x19] =	wrdreg s19  }
0x39: {  	v8 =	vld [tilespmem:$0x7E60];
	[spmem:s19], [sflag:s15] =	dma.local [hbm:s25], $0x2800  }
0x3a: {  	_ =	swait.ge [sflag:s16], $0x2800;
	[dreg:$0x18] =	wrdreg s15  }
0x3b: {  	s19 =	rddreg [dreg:$0xc]  }
0x3c: {  	[sflag:s16] =	ssyncset.done $0x0;
	s25 =	rddreg [dreg:$0xd];
	s20 =	sshrl.u32 s19, $0x3  }
0x3d: {  	[sflag:s16] =	ssyncadd.s32 $0xFFFFD800;
	[dreg:$0x1a] =	wrdreg s20  }
0x3e: {  	[spmem:s20], [sflag:s15] =	dma.local [hbm:s25], $0x500  }
0x3f: {  	_ =	swait.ge [sflag:s16], $0x500  }
0x40: {  	[sflag:s16] =	ssyncset.done $0x0  }
0x41: {  	[sflag:s16] =	ssyncadd.s32 $0xFFFFFB00  }
0x42: {  	_ =	swait.ge [sflag:s13], $0x28  }
0x43: {  	[sflag:s13] =	ssyncset.done $0x0  }
0x44: {  	[sflag:s13] =	ssyncadd.s32 $0xFFFFFFD8  }
0x45: {  	_ =	swait.ge [sflag:s13], $0x28  }
0x46: {  	[sflag:s13] =	ssyncset.done $0x0  }
0x47: {  	s16 =	simm.s32 $0xF0;
	[sflag:s13] =	ssyncadd.s32 $0xFFFFFFD8  }
0x48: {  	[tilespmem:s16], [sflag:$0x3] =	stream.indirect.gather [hbm4b:s1+s0], $0x80, s5, s0, $0xb8;
	[tilespmem:$0x1E670] =	vst v63  }
0x49: {  	s19 =	simm.s32 $0x28F0  }
0x4a: {  	[tilespmem:s19], [sflag:$0x3] =	stream.indirect.gather [hbm4b:s6+s0], $0x80, s31, s0, $0xb8;
	[tilespmem:$0x1E670] =	vst v63  }
0x4b: {  	[bflag:$0x0] =	sbarrier.arrive $0xFFFF  }
0x4c: {  	_ =	swait.ge [sflag:s18], $0x28  }
0x4d: {  	[sflag:s18] =	ssyncset.done $0x0  }
0x4e: {  	[sflag:s18] =	ssyncadd.s32 $0xFFFFFFD8  }
0x4f: {  	_ =	swait.ge [sflag:s18], $0x28  }
0x50: {  	[sflag:s18] =	ssyncset.done $0x0  }
0x51: {  	s20 =	simm.s32 $0x14F0;
	[sflag:s18] =	ssyncadd.s32 $0xFFFFFFD8  }
0x52: {  	[tilespmem:s20], [sflag:$0x4] =	stream.indirect.gather [hbm4b:s1+s0], $0x80, s0, s0, $0xb8;
	[tilespmem:$0x1E670] =	vst v63  }
0x53: {  	s25 =	simm.s32 $0x3CF0  }
0x54: {  	[tilespmem:s25], [sflag:$0x4] =	stream.indirect.gather [hbm4b:s6+s0], $0x80, s4, s0, $0xb8;
	[tilespmem:$0x1E670] =	vst v63  }
0x55: {  	_ =	swait.ge [sflag:s22], $0x1400  }
0x56: {  	[sflag:s22] =	ssyncset.done $0x0  }
0x57: {  	[sflag:s22] =	ssyncadd.s32 $0xFFFFEC00  }
0x58: {  	_ =	swait.ge [sflag:s22], $0x1400  }
0x59: {  	[sflag:s22] =	ssyncset.done $0x0  }
0x5a: {  	s15 =	rddreg [dreg:$0xe];
	[sflag:s22] =	ssyncadd.s32 $0xFFFFEC00  }
0x5b: {  	[tilespmem:s5], [sflag:$0x1] =	stream.linear.gather [hbm4b:s15+s5], $0x28, $0x38;
	[tilespmem:$0x1E670] =	vst v63  }
0x5c: {  	s16 =	rddreg [dreg:$0x15]  }
0x5d: {  	[tilespmem:s31], [sflag:$0x1] =	stream.linear.gather [hbm4b:s16+s5], $0x28, $0x38;
	[tilespmem:$0x1E670] =	vst v63  }
0x5e: {  	s19 =	simm.s32 $0x170  }
0x5f: {  	[tilespmem:s23], [sflag:$0x7] =	stream.linear.gather [hbm4b:s12+s5], $0x28, $0x38;
	[tilespmem:$0x1E670] =	vst v63  }
0x60: {  	s20 =	simm.s32 $0x2970;
	v12 =	vld [tilespmem:s19+$0x60]  }
0x61: {  	v9 =	vld [tilespmem:s20+$0x60]  }
0x62: {  	v19 =	vld [tilespmem:s19+$0x70]  }
0x63: {  	v10 =	vld [tilespmem:s20+$0x70]  }
0x64: {  	v17 =	vld [tilespmem:s19+$0x50]  }
0x65: {  	v11 =	vld [tilespmem:s20+$0x50]  }
0x66: {  	v22 =	vld [tilespmem:s19+$0x40]  }
0x67: {  	v13 =	vld [tilespmem:s20+$0x40]  }
0x68: {  	v18 =	vld [tilespmem:s19+$0x20]  }
0x69: {  	v14 =	vld [tilespmem:s20+$0x20]  }
0x6a: {  	v23 =	vld [tilespmem:s19+$0x10]  }
0x6b: {  	v20 =	vld [tilespmem:s20+$0x10];
	v9 =	vadd.f32 v9, v12;
	_ =	sdelay $0x1  }
0x6c: {  	v10 =	vadd.f32 v10, v19;
	v15 =	vmul.f32 $2.000000030e-01, v9  }
0x6d: {  	v25 =	vld [tilespmem:s20+$0x0];
	v16 =	vadd.f32 v11, v17;
	v13 =	vadd.f32 v13, v22;
	vm8 =	vgt.f32 v9, $0.0e+00  }
0x6e: {  	v11 =	vld [tilespmem:s19+$0x0];
	v14 =	vadd.f32 v14, v18;
	v9 =	vsel vm8, v9, v15;
	v15 =	vmul.f32 $2.000000030e-01, v10  }
0x6f: {  	v24 =	vld [tilespmem:s19+$0x30];
	v20 =	vadd.f32 v20, v23;
	v21 =	vmul.f32 $2.000000030e-01, v16;
	vm8 =	vgt.f32 v10, $0.0e+00  }
0x70: {  	v26 =	vld [tilespmem:s20+$0xFFFFFF80];
	v27 =	vmul.f32 $2.000000030e-01, v14;
	v10 =	vsel vm8, v10, v15;
	vm8 =	vgt.f32 v16, $0.0e+00  }
0x71: {  	v9 =	vmul.f32 v9, v7;
	v15 =	vsel vm8, v16, v21;
	v16 =	vmul.f32 $2.000000030e-01, v13;
	v21 =	vld [tilespmem:s20+$0x30]  }
0x72: {  	v32 =	vld [tilespmem:s19+$0xFFFFFF80];
	v10 =	vmul.f32 v10, v8;
	vm8 =	vgt.f32 v13, $0.0e+00;
	v15 =	vmul.f32 v15, v6  }
0x73: {  	v30 =	vld [tilespmem:s19+$0xFFFFFF90];
	v13 =	vsel vm8, v13, v16;
	vm8 =	vgt.f32 v14, $0.0e+00;
	v16 =	vadd.f32 v25, v11  }
0x74: {  	v29 =	vld [tilespmem:s19+$0xFFFFFFA0];
	(xrf2) =	vadd.scan.msk.f32 $0xffff, v9;
	v9 =	vmul.f32 v13, v5;
	v13 =	vsel vm8, v14, v27;
	v14 =	vmul.f32 $2.000000030e-01, v20  }
0x75: {  	v31 =	vld [tilespmem:s19+$0xFFFFFFB0];
	(xrf2) =	vadd.scan.msk.f32 $0xffff, v10;
	vm8 =	vgt.f32 v20, $0.0e+00;
	v10 =	vmul.f32 v13, v3;
	v13 =	vmul.f32 $2.000000030e-01, v16  }
0x76: {  	v25 =	vld [tilespmem:s20+$0xFFFFFF90];
	(xrf2) =	vadd.scan.msk.f32 $0xffff, v15;
	v14 =	vsel vm8, v20, v14;
	vm8 =	vgt.f32 v16, $0.0e+00;
	v15 =	vadd.f32 v21, v24  }
0x77: {  	v20 =	vld [tilespmem:s20+$0xFFFFFFA0];
	(xrf2) =	vadd.scan.msk.f32 $0xffff, v9;
	v9 =	vmul.f32 v14, v2;
	v13 =	vsel vm8, v16, v13  }
0x78: {  	(xrf2) =	vadd.scan.msk.f32 $0xffff, v10;
	v14 =	vld [tilespmem:s20+$0xFFFFFFB0];
	v10 =	vmul.f32 v13, v1;
	v13 =	vmul.f32 $2.000000030e-01, v15  }
0x79: {  	vm8 =	vgt.f32 v15, $0.0e+00;
	(xrf2) =	vadd.scan.msk.f32 $0xffff, v9;
	v9 =	vadd.f32 v26, v32  }
0x7a: {  	v13 =	vsel vm8, v15, v13  }
0x7b: {  	(xrf2) =	vadd.scan.msk.f32 $0xffff, v10;
	v10 =	vmul.f32 v13, v4;
	v13 =	vmul.f32 $2.000000030e-01, v9  }
0x7c: {  	v21 =	vld [tilespmem:s20+$0xFFFFFFC0];
	v16 =	vadd.f32 v25, v30  }
0x7d: {  	v15 =	vld [tilespmem:s19+$0xFFFFFFC0];
	vm8 =	vgt.f32 v9, $0.0e+00;
	v20 =	vadd.f32 v20, v29;
	v14 =	vadd.f32 v14, v31  }
0x7e: {  	(xrf2) =	vadd.scan.msk.f32 $0xffff, v10;
	v9 =	vsel vm8, v9, v13;
	v10 =	vmul.f32 $2.000000030e-01, v16  }
0x7f: {  	vm8 =	vgt.f32 v16, $0.0e+00;
	v25 =	vmul.f32 $2.000000030e-01, v20;
	v27 =	vmul.f32 $2.000000030e-01, v14;
	v13, _, _ =	vpop (xrf2)  }
0x80: {  	v10 =	vsel vm8, v16, v10;
	vm8 =	vgt.f32 v20, $0.0e+00;
	v26, _, _ =	vpop (xrf2)  }
0x81: {  	v9 =	vmul.f32 v9, v1;
	v20 =	vsel vm8, v20, v25;
	v16, _, _ =	vpop (xrf2)  }
0x82: {  	v25 =	vadd.f32 v21, v15;
	vm8 =	vgt.f32 v14, $0.0e+00;
	v10 =	vmul.f32 v10, v2;
	v21, _, _ =	vpop (xrf2)  }
0x83: {  	v13 =	vperm.xlane v13, v0;
	v20 =	vmul.f32 v20, v3;
	v14 =	vsel vm8, v14, v27;
	v27, _, _ =	vpop (xrf2)  }
0x84: {  	v26 =	vperm.xlane v26, v0;
	v28 =	vmul.f32 $2.000000030e-01, v25;
	v33, _, _ =	vpop (xrf2)  }
0x85: {  	v14 =	vmul.f32 v14, v4;
	v51 =	vperm.xlane v16, v0;
	(xrf2) =	vadd.scan.msk.f32 $0xffff, v9;
	v34, _, _ =	vpop (xrf2)  }
0x86: {  	v13 =	vmul.f32 $1.442695020e+00, v13;
	v9 =	vperm.xlane v34, v0  }
0x87: {  	v16 =	vld [tilespmem:s19+$0xFFFFFFD0];
	v52 =	vperm.xlane v21, v0;
	(xrf2) =	vadd.scan.msk.f32 $0xffff, v10;
	v10 =	vperm.xlane v33, v0  }
0x88: {  	v21 =	vperm.xlane v27, v0;
	v27 =	vld [tilespmem:s20+$0xFFFFFFD0];
	(xrf2) =	vadd.scan.msk.f32 $0xffff, v20;
	v20, _, _ =	vpop (xrf2);
	v9 =	vmul.f32 $1.442695020e+00, v9  }
0x89: {  	v53 =	vld [tilespmem:s20+$0xFFFFFFF0];
	v10 =	vmul.f32 $1.442695020e+00, v10;
	v35 =	vperm.xlane v20, v0  }
0x8a: {  	v36 =	vmul.f32 $1.442695020e+00, v21;
	v20 =	vld [tilespmem:s19+$0xFFFFFFE0];
	(erf) = vpow2.f32 v9  }
0x8b: {  	v9 =	vld [tilespmem:s20+$0xFFFFFFE0];
	v35 =	vmul.f32 $1.442695020e+00, v35;
	(erf) = vpow2.f32 v10  }
0x8c: {  	v21 =	vld [tilespmem:s19+$0xFFFFFFF0];
	v10 =	vmul.f32 $1.442695020e+00, v52;
	(erf) = vpow2.f32 v36  }
0x8d: {  	v34 =	vmul.f32 $1.442695020e+00, v51;
	v27 =	vadd.f32 v27, v16;
	(erf) = vpow2.f32 v35  }
0x8e: {  	(erf) = vpow2.f32 v10;
	v10 =	vmul.f32 $1.442695020e+00, v26  }
0x8f: {  	vm8 =	vgt.f32 v25, $0.0e+00;
	v55, _, _ =	vpop (xrf2);
	v26 =	vmul.f32 $2.000000030e-01, v27;
	(erf) = vpow2.f32 v34  }
0x90: {  	s15 =	simm.s32 $0x2A70;
	(xrf2) =	vadd.scan.msk.f32 $0xffff, v14;
	v57 =	vperm.xlane v55, v0;
	v54 =	vadd.f32 v9, v20;
	(erf) = vpow2.f32 v13  }
0x91: {  	v44 =	vld [tilespmem:s15+$0xFFFFFF80];
	v13 =	vsel vm8, v25, v28;
	vm8 =	vgt.f32 v27, $0.0e+00;
	v28 =	vadd.f32 v53, v21  }
0x92: {  	s25 =	simm.s32 $0x270;
	v46 =	vld [tilespmem:s15+$0x70];
	v25, _, _ =	vpop (xrf2);
	(erf) = vpow2.f32 v10;
	v10 =	vmul.f32 $2.000000030e-01, v54;
	v14 =	vsel vm8, v27, v26  }
0x93: {  	v9 =	vld [tilespmem:s25+$0x60];
	v41 =	vmul.f32 v13, v5;
	vm8 =	vgt.f32 v54, $0.0e+00;
	v25 =	vperm.xlane v25, v0  }
0x94: {  	v27 =	vld [tilespmem:s15+$0x60];
	v26, _, _ =	vpop (xrf2);
	v43 =	vmul.f32 v14, v6;
	v13 =	vmul.f32 $2.000000030e-01, v28;
	v10 =	vsel vm8, v54, v10  }
0x95: {  	v14 =	vld [tilespmem:s25+$0x70];
	v56 =	vpop (erf);
	vm8 =	vgt.f32 v28, $0.0e+00;
	v26 =	vperm.xlane v26, v0;
	v25 =	vmul.f32 $1.442695020e+00, v25  }
0x96: {  	v58 =	vpop (erf);
	v45 =	vmul.f32 v10, v7;
	v13 =	vsel vm8, v28, v13;
	v28 =	vmul.f32 $1.442695020e+00, v57;
	v10 =	vld [tilespmem:s25+$0xFFFFFF80]  }
0x97: {  	v39 =	vmul.f32 v56, v11;
	v11 =	vld [tilespmem:s25+$0x40];
	v37 =	vpop (erf);
	v48 =	vmul.f32 v13, v8  }
0x98: {  	(xrf2) =	vadd.scan.msk.f32 $0xffff, v41;
	v57 =	vld [tilespmem:s15+$0x10];
	v26 =	vmul.f32 $1.442695020e+00, v26;
	v40 =	vmul.f32 v58, v23;
	v47 =	vpop (erf)  }
0x99: {  	v13 =	vld [tilespmem:s25+$0x50];
	(erf) = vpow2.f32 v28;
	v38 =	vmul.f32 v37, v18;
	v49 =	vpop (erf)  }
0x9a: {  	v59 =	vnsel vm0, $0x0, v56;
	v23 =	vld [tilespmem:s15+$0x40];
	(erf) = vpow2.f32 v25;
	v35 =	vmul.f32 v47, v24;
	v24, _, _ =	vpop (xrf2)  }
0x9b: {  	v60 =	vsel vm1, v59, v58;
	v28 =	vld [tilespmem:s15+$0x50];
	v50 =	vpop (erf);
	(erf) = vpow2.f32 v26;
	v24 =	vperm.xlane v24, v0  }
0x9c: {  	v26 =	vsel vm2, v60, v37;
	v37 =	vmul.f32 v49, v22;
	v22 =	vld [tilespmem:s25+$0x10];
	v25 =	vpop (erf);
	v34 =	vmul.f32 v50, v17  }
0x9d: {  	v17 =	vadd.f32 v46, v14;
	v61 =	vsel vm3, v26, v47;
	v58 =	vadd.f32 v44, v10;
	v36 =	vpop (erf)  }
0x9e: {  	v18 =	vld [tilespmem:s25+$0x20];
	v33 =	vmul.f32 v25, v12;
	v42 =	vmul.f32 v36, v19;
	v19 =	vadd.f32 v27, v9  }
0x9f: {  	v23 =	vadd.f32 v23, v11;
	v24 =	vmul.f32 $1.442695020e+00, v24;
	v27 =	vld [tilespmem:s15+$0x20];
	v51 =	vmul.f32 $2.000000030e-01, v17  }
0xa0: {  	v28 =	vadd.f32 v28, v13;
	v60 =	vmul.f32 $2.000000030e-01, v58;
	v12 =	vmul.f32 $2.000000030e-01, v19  }
0xa1: {  	v26 =	vld [tilespmem:s25+$0x0];
	(erf) = vpow2.f32 v24;
	vm8 =	vgt.f32 v19, $0.0e+00;
	v54 =	vadd.f32 v57, v22  }
0xa2: {  	v62 =	vmul.f32 $2.000000030e-01, v28;
	v59, _, _ =	vpop (xrf2);
	v12 =	vsel vm8, v19, v12;
	vm8 =	vgt.f32 v17, $0.0e+00;
	v19 =	vld [tilespmem:s15+$0x0]  }
0xa3: {  	v44 =	vperm.xlane v59, v0;
	v47 =	vmul.f32 $2.000000030e-01, v54;
	v17 =	vsel vm8, v17, v51  }
0xa4: {  	(xrf2) =	vadd.scan.msk.f32 $0xffff, v43;
	v63 =	vmul.f32 v12, v7;
	vm8 =	vgt.f32 v28, $0.0e+00;
	v27 =	vadd.f32 v27, v18  }
0xa5: {  	v55 =	vld [tilespmem:s15+$0xFFFFFF90];
	(xrf2) =	vadd.scan.msk.f32 $0xffff, v45;
	v51 =	vmul.f32 v17, v8;
	v12 =	vsel vm8, v28, v62;
	v17 =	vmul.f32 $2.000000030e-01, v23  }
0xa6: {  	(xrf2) =	vadd.scan.msk.f32 $0xffff, v48;
	v57 =	vld [tilespmem:s15+$0xFFFFFFA0];
	v44 =	vmul.f32 $1.442695020e+00, v44;
	vm8 =	vgt.f32 v23, $0.0e+00;
	v28 =	vmul.f32 v12, v6  }
0xa7: {  	v12 =	vld [tilespmem:s25+$0xFFFFFF90];
	v17 =	vsel vm8, v23, v17;
	v23 =	vmul.f32 $2.000000030e-01, v27;
	v19 =	vadd.f32 v19, v26  }
0xa8: {  	(xrf2) =	vadd.scan.msk.f32 $0xffff, v63;
	(erf) = vpow2.f32 v44;
	vm8 =	vgt.f32 v27, $0.0e+00;
	v56 =	vmul.f32 v17, v5;
	v17 =	vld [tilespmem:s25+$0xFFFFFFA0]  }
0xa9: {  	(xrf2) =	vadd.scan.msk.f32 $0xffff, v51;
	v23 =	vsel vm8, v27, v23;
	vm8 =	vgt.f32 v54, $0.0e+00;
	v27 =	vmul.f32 $2.000000030e-01, v19  }
0xaa: {  	(xrf2) =	vadd.scan.msk.f32 $0xffff, v28;
	v28 =	vld [tilespmem:s25+$0x30];
	v23 =	vmul.f32 v23, v3;
	v43 =	vsel vm8, v54, v47;
	vm8 =	vgt.f32 v19, $0.0e+00  }
0xab: {  	(xrf2) =	vadd.scan.msk.f32 $0xffff, v56;
	v43 =	vmul.f32 v43, v2;
	v19 =	vsel vm8, v19, v27;
	v27 =	vsel vm4, v61, v49;
	v61 =	vld [tilespmem:s15+$0x30]  }
0xac: {  	v45 =	vadd.f32 v55, v12;
	(xrf2) =	vadd.scan.msk.f32 $0xffff, v23;
	vm8 =	vgt.f32 v58, $0.0e+00;
	v23 =	vmul.f32 v19, v1  }
0xad: {  	v63 =	vld [tilespmem:s15+$0xFFFFFFB0];
	(xrf2) =	vadd.scan.msk.f32 $0xffff, v43;
	v24 =	vsel vm8, v58, v60;
	v27 =	vsel vm5, v27, v50;
	v48 =	vadd.f32 v57, v17  }
0xae: {  	vm8 =	vgt.f32 v45, $0.0e+00;
	v60 =	vld [tilespmem:s15+$0xFFFFFFC0];
	v41 =	vmul.f32 v24, v1;
	v24 =	vmul.f32 $2.000000030e-01, v45;
	v19, _, _ =	vpop (xrf2);
	(xrf2) =	vadd.scan.msk.f32 $0xffff, v23  }
0xaf: {  	v52 =	vsel vm6, v27, v25;
	v25 =	vmul.f32 $2.000000030e-01, v48;
	v62 =	vperm.xlane v19, v0;
	v19 =	vld [tilespmem:s25+$0xFFFFFFB0];
	v58, _, _ =	vpop (xrf2)  }
0xb0: {  	v23 =	vld [tilespmem:s25+$0xFFFFFFC0];
	v24 =	vsel vm8, v45, v24;
	v59, _, _ =	vpop (xrf2);
	v49 =	vperm.xlane v58, v0;
	v47 =	vadd.f32 v61, v28  }
0xb1: {  	v55 =	vld [tilespmem:s15+$0xFFFFFFD0];
	vm8 =	vgt.f32 v48, $0.0e+00;
	v53 =	vmul.f32 v24, v2;
	v50 =	vperm.xlane v59, v0  }
0xb2: {  	v24 =	vld [tilespmem:s25+$0xFFFFFFD0];
	v25 =	vsel vm8, v48, v25;
	v51, _, _ =	vpop (xrf2);
	v43 =	vmul.f32 $1.442695020e+00, v62;
	v27 =	vmul.f32 $2.000000030e-01, v47  }
0xb3: {  	v48 =	vmul.f32 v25, v3;
	v54, _, _ =	vpop (xrf2);
	vm8 =	vgt.f32 v47, $0.0e+00;
	v49 =	vmul.f32 $1.442695020e+00, v49  }
0xb4: {  	v58 =	vld [tilespmem:s15+$0xFFFFFFE0];
	v56, _, _ =	vpop (xrf2);
	(erf) = vpow2.f32 v43;
	v46 =	vadd.f32 v63, v19;
	v27 =	vsel vm8, v47, v27  }
0xb5: {  	v25 =	vld [tilespmem:s25+$0xFFFFFFE0];
	v44 =	vadd.f32 v60, v23;
	v50 =	vmul.f32 $1.442695020e+00, v50;
	v47, _, _ =	vpop (xrf2);
	v45 =	vmul.f32 v27, v4  }
0xb6: {  	(erf) = vpow2.f32 v49;
	v57, _, _ =	vpop (xrf2);
	v59 =	vmul.f32 $2.000000030e-01, v46  }
0xb7: {  	v61 =	vmul.f32 $2.000000030e-01, v44;
	v55 =	vadd.f32 v55, v24;
	vm8 =	vgt.f32 v46, $0.0e+00;
	v60, _, _ =	vpop (xrf2);
	(xrf2) =	vadd.scan.msk.f32 $0xffff, v45  }
0xb8: {  	v27 =	vld [tilespmem:s25+$0xFFFFFFF0];
	(erf) = vpow2.f32 v50;
	v62, _, _ =	vpop (xrf2);
	v46 =	vsel vm8, v46, v59;
	vm8 =	vgt.f32 v44, $0.0e+00  }
0xb9: {  	v63 =	vmul.f32 $2.000000030e-01, v55;
	v59 =	vld [tilespmem:s15+$0xFFFFFFF0];
	v43 =	vperm.xlane v62, v0;
	v44 =	vsel vm8, v44, v61  }
0xba: {  	v45 =	vpop (erf);
	v46 =	vmul.f32 v46, v4;
	v61 =	vadd.f32 v58, v25;
	vm8 =	vgt.f32 v55, $0.0e+00  }
0xbb: {  	v49 =	vsel vm8, v55, v63;
	v32 =	vmul.f32 v45, v32;
	v63 =	vperm.xlane v60, v0  }
0xbc: {  	v43 =	vmul.f32 $1.442695020e+00, v43;
	v62 =	vmul.f32 $2.000000030e-01, v61  }
0xbd: {  	(xrf2) =	vadd.scan.msk.f32 $0xffff, v41;
	vm8 =	vgt.f32 v61, $0.0e+00;
	v41 =	vmul.f32 v49, v6;
	v60 =	vmul.f32 $1.442695020e+00, v63  }
0xbe: {  	(erf) = vpow2.f32 v43;
	v55 =	vadd.f32 v59, v27;
	v59 =	vmul.f32 v44, v5  }
0xbf: {  	(xrf2) =	vadd.scan.msk.f32 $0xffff, v53;
	v43 =	vsel vm8, v61, v62;
	v62 =	vperm.xlane v57, v0;
	v57 =	vperm.xlane v54, v0  }
0xc0: {  	(xrf2) =	vadd.scan.msk.f32 $0xffff, v48;
	v48 =	vpop (erf);
	v61 =	vsel vm7, v52, v36;
	v36 =	vmul.f32 v43, v7;
	v43 =	vperm.xlane v51, v0  }
0xc1: {  	s19 =	simm.s32 $0x7900;
	(erf) = vpow2.f32 v60;
	v60 =	vperm.xlane v47, v0;
	v63, _, _ =	vpop (xrf2)  }
0xc2: {  	s16 =	simm.s32 $0x5170;
	v50 =	vpop (erf);
	[tilespmem:s19+$0x0] =	vst v61;
	v44 =	vmul.f32 $2.000000030e-01, v55;
	v49 =	vperm.xlane v63, v0  }
0xc3: {  	v45 =	vnsel vm0, $0x0, v45;
	v53 =	vpop (erf);
	[tilespmem:s16+$0x70] =	vst v42;
	v61 =	vmul.f32 $1.442695020e+00, v62;
	v62 =	vperm.xlane v56, v0  }
0xc4: {  	v45 =	vsel vm1, v45, v48;
	[tilespmem:s16+$0x0] =	vst v39;
	v39 =	vpop (erf);
	v54 =	vmul.f32 $1.442695020e+00, v57;
	v49 =	vmul.f32 $1.442695020e+00, v49  }
0xc5: {  	v58 =	vsel vm2, v45, v50;
	[tilespmem:s16+$0x10] =	vst v40;
	v40 =	vpop (erf);
	v45 =	vmul.f32 $1.442695020e+00, v60;
	(erf) = vpow2.f32 v61  }
0xc6: {  	v42 =	vsel vm3, v58, v53;
	[tilespmem:s16+$0x20] =	vst v38;
	v51 =	vmul.f32 $1.442695020e+00, v62;
	v38 =	vpop (erf);
	(erf) = vpow2.f32 v49  }
0xc7: {  	vm8 =	vgt.f32 v55, $0.0e+00;
	[tilespmem:s16+$0x30] =	vst v35;
	v43 =	vmul.f32 $1.442695020e+00, v43;
	v63, _, _ =	vpop (xrf2);
	(erf) = vpow2.f32 v45  }
0xc8: {  	[tilespmem:s16+$0x40] =	vst v37;
	v42 =	vsel vm4, v42, v39;
	v62 =	vmul.f32 v48, v30;
	v37 =	vpop (erf);
	(erf) = vpow2.f32 v51  }
0xc9: {  	[tilespmem:s16+$0x50] =	vst v34;
	v42 =	vsel vm5, v42, v40;
	v56, _, _ =	vpop (xrf2);
	v58 =	vperm.xlane v63, v0;
	(erf) = vpow2.f32 v43  }
0xca: {  	(xrf2) =	vadd.scan.msk.f32 $0xffff, v46;
	v60, _, _ =	vpop (xrf2);
	v49 =	vsel vm8, v55, v44;
	v55 =	vsel vm6, v42, v38;
	(erf) = vpow2.f32 v54  }
0xcb: {  	[tilespmem:s16+$0x60] =	vst v33;
	v61 =	vperm.xlane v56, v0;
	v35 =	vperm.xlane v60, v0;
	v57 =	vsel vm7, v55, v37  }
0xcc: {  	(xrf2) =	vadd.scan.msk.f32 $0xffff, v59;
	v46 =	vmul.f32 $1.442695020e+00, v58;
	v34 =	vpop (erf);
	v42 =	vmul.f32 v49, v8;
	[tilespmem:s19+$0xFFFFFFF0] =	vst v57  }
0xcd: {  	v45 =	vmul.f32 $1.442695020e+00, v61;
	v44 =	vmul.f32 $1.442695020e+00, v35;
	v63 =	vnsel vm0, $0x0, v34;
	v30 =	vpop (erf);
	[tilespmem:s16+$0xFFFFFF80] =	vst v32  }
0xce: {  	s9 =	simm.s32 $0x370;
	s20 =	simm.s32 $0x5170;
	s25 =	simm.s32 $0x2;
	v47 =	vsel vm1, v63, v30;
	[tilespmem:s16+$0xFFFFFF90] =	vst v62;
	v32 =	vmul.f32 v50, v29;
	v29 =	vmul.f32 v53, v31;
	v43 =	vpop (erf)  }
.LBB2_2:
0xcf: {  	v31 =	vld [tilespmem:s9+$0x60];
	v33 =	vsel vm2, v47, v43;
	s15 =	sadd.s32 $0x100, s15;
	(erf) = vpow2.f32 v46;
	v35 =	vpop (erf);
	v15 =	vmul.f32 v39, v15  }
0xd0: {  	v16 =	vmul.f32 v40, v16;
	v39 =	vld [tilespmem:s15+$0x60];
	v33 =	vsel vm3, v33, v35;
	(erf) = vpow2.f32 v45;
	(xrf2) =	vadd.scan.msk.f32 $0xffff, v41;
	v41 =	vpop (erf)  }
0xd1: {  	v20 =	vmul.f32 v38, v20;
	v21 =	vmul.f32 v37, v21;
	v40 =	vld [tilespmem:s15+$0xFFFFFF80];
	v33 =	vsel vm4, v33, v41;
	v45 =	vpop (erf);
	[tilespmem:s16+$0xFFFFFFA0] =	vst v32  }
0xd2: {  	v26 =	vmul.f32 v34, v26;
	v32 =	vld [tilespmem:s9+$0x70];
	v33 =	vsel vm5, v33, v45;
	(erf) = vpow2.f32 v44;
	v37 =	vpop (erf);
	[tilespmem:s16+$0xFFFFFFB0] =	vst v29  }
0xd3: {  	v22 =	vmul.f32 v30, v22;
	v38 =	vld [tilespmem:s15+$0x70];
	v29 =	vsel vm6, v33, v37;
	v33 =	vmul.f32 v43, v18;
	(xrf2) =	vadd.scan.msk.f32 $0xffff, v36;
	v18 =	vpop (erf)  }
0xd4: {  	s19 =	sadd.s32 $0x20, s19;
	v28 =	vmul.f32 v35, v28;
	v34 =	vld [tilespmem:s9+$0xFFFFFF80];
	v29 =	vsel vm7, v29, v18;
	v36 =	vmul.f32 v18, v14;
	v18, _, _ =	vpop (xrf2);
	[tilespmem:s16+$0xFFFFFFC0] =	vst v15  }
0xd5: {  	v35 =	vmul.f32 v41, v11;
	s16 =	sadd.s32 $0x100, s16;
	v15 =	vld [tilespmem:s9+$0x50];
	v30 =	vadd.f32 v39, v31;
	v18 =	vperm.xlane v18, v0;
	[tilespmem:s19+$0x0] =	vst v29  }
0xd6: {  	v41 =	vmul.f32 v45, v13;
	v43 =	vmul.f32 v37, v9;
	v9 =	vmovc v31;
	v39 =	vld [tilespmem:s15+$0x50];
	[tilespmem:s16+$0x70] =	vst v36;
	(xrf2) =	vadd.scan.msk.f32 $0xffff, v42  }
0xd7: {  	v29 =	vld [tilespmem:s9+$0xFFFFFF90];
	v13 =	vmul.f32 $2.000000030e-01, v30;
	v18 =	vmul.f32 $1.442695020e+00, v18;
	v31, _, _ =	vpop (xrf2);
	[tilespmem:s20+$0xFFFFFFD0] =	vst v16;
	v14 =	vmov v32  }
0xd8: {  	vm8 =	vgt.f32 v30, $0.0e+00;
	v11 =	vld [tilespmem:s9+$0x40];
	v16 =	vadd.f32 v38, v14;
	v38 =	vperm.xlane v31, v0;
	v36 =	vpop (erf);
	[tilespmem:s20+$0xFFFFFFE0] =	vst v20  }
0xd9: {  	v20 =	vadd.f32 v40, v34;
	v32 =	vld [tilespmem:s15+$0x40];
	v13 =	vsel vm8, v30, v13;
	v30 =	vpop (erf);
	(erf) = vpow2.f32 v18;
	[tilespmem:s20+$0xFFFFFFF0] =	vst v21;
	s20 =	smov.u32 s16  }
0xda: {  	v40 =	vnsel vm0, $0x0, v36;
	v21 =	vld [tilespmem:s15+$0xFFFFFF90];
	v46 =	vmul.f32 v13, v7;
	v37 =	vmul.f32 $2.000000030e-01, v16;
	[tilespmem:s16+$0x0] =	vst v26;
	v26, _, _ =	vpop (xrf2)  }
0xdb: {  	vm8 =	vgt.f32 v16, $0.0e+00;
	v47 =	vmul.f32 $2.000000030e-01, v20;
	v18 =	vld [tilespmem:s9+$0x20];
	v39 =	vadd.f32 v39, v15;
	[tilespmem:s16+$0x10] =	vst v22;
	v31 =	vpop (erf)  }
0xdc: {  	vm9 =	vgt.f32 v20, $0.0e+00;
	v45 =	vperm.xlane v26, v0;
	v44 =	vld [tilespmem:s15+$0x20];
	v16 =	vsel vm8, v16, v37;
	(xrf2) =	vadd.scan.msk.f32 $0xffff, v46;
	v13 =	vmovc v15  }
0xdd: {  	v15 =	vsel vm9, v20, v47;
	v20 =	vld [tilespmem:s9+$0xFFFFFFA0];
	v26 =	vmul.f32 $2.000000030e-01, v39;
	v16 =	vmul.f32 v16, v8;
	[tilespmem:s16+$0x20] =	vst v33;
	v42, _, _ =	vpop (xrf2)  }
0xde: {  	vm8 =	vgt.f32 v39, $0.0e+00;
	v37 =	vmul.f32 v15, v1;
	v22 =	vld [tilespmem:s9+$0x10];
	v46 =	vadd.f32 v32, v11;
	[tilespmem:s16+$0x30] =	vst v28;
	v32 =	vmovc v17  }
0xdf: {  	v38 =	vmul.f32 $1.442695020e+00, v38;
	v33 =	vmovc v19;
	v17 =	vadd.f32 v21, v29;
	v21 =	vld [tilespmem:s15+$0x10];
	v49 =	vsel vm8, v39, v26;
	(xrf2) =	vadd.scan.msk.f32 $0xffff, v16  }
0xe0: {  	v40 =	vsel vm1, v40, v30;
	v39 =	vld [tilespmem:s15+$0xFFFFFFA0];
	v19 =	vmul.f32 $2.000000030e-01, v46;
	v28 =	vmul.f32 v49, v6;
	[tilespmem:s16+$0x40] =	vst v35;
	v47, _, _ =	vpop (xrf2)  }
0xe1: {  	vm8 =	vgt.f32 v46, $0.0e+00;
	v15 =	vmovc v23;
	v48 =	vmul.f32 $2.000000030e-01, v17;
	v26 =	vld [tilespmem:s9+$0x0];
	v44 =	vadd.f32 v44, v18;
	[tilespmem:s16+$0x50] =	vst v41;
	v16 =	vmovc v24  }
0xe2: {  	vm9 =	vgt.f32 v17, $0.0e+00;
	v41 =	vperm.xlane v42, v0;
	v24 =	vld [tilespmem:s15+$0x0];
	v23 =	vsel vm8, v46, v19;
	(xrf2) =	vadd.scan.msk.f32 $0xffff, v28;
	v35 =	vpop (erf)  }
0xe3: {  	s25 =	sadd.s32 $0x2, s25;
	v28 =	vsel vm9, v17, v48;
	v19 =	vld [tilespmem:s9+$0xFFFFFFB0];
	v42 =	vmul.f32 $2.000000030e-01, v44;
	v23 =	vmul.f32 v23, v5;
	[tilespmem:s16+$0x60] =	vst v43;
	v17 =	vmovc v20  }
0xe4: {  	p0 =	slt.u32 s25, $0x26;
	vm8 =	vgt.f32 v44, $0.0e+00;
	v20 =	vmovc v25;
	v43 =	vmul.f32 v28, v2;
	v46 =	vadd.f32 v21, v22;
	v28 =	vld [tilespmem:s9+$0x30];
	v21 =	vmovc v27  }
0xe5: {  	v25 =	vadd.f32 v39, v17;
	v27 =	vsel vm8, v44, v42;
	v39 =	vld [tilespmem:s15+$0x30];
	(xrf2) =	vadd.scan.msk.f32 $0xffff, v23;
	v42 =	vperm.xlane v47, v0  }
0xe6: {  	v40 =	vsel vm2, v40, v31;
	v44 =	vld [tilespmem:s15+$0xFFFFFFB0];
	v52 =	vmul.f32 $2.000000030e-01, v46;
	v27 =	vmul.f32 v27, v3;
	v48, _, _ =	vpop (xrf2)  }
0xe7: {  	vm8 =	vgt.f32 v46, $0.0e+00;
	v49 =	vmul.f32 $2.000000030e-01, v25;
	v23 =	vld [tilespmem:s9+$0xFFFFFFC0];
	v50 =	vadd.f32 v24, v26  }
0xe8: {  	v45 =	vmul.f32 $1.442695020e+00, v45;
	vm9 =	vgt.f32 v25, $0.0e+00;
	v51 =	vld [tilespmem:s15+$0xFFFFFFC0];
	v46 =	vsel vm8, v46, v52;
	(xrf2) =	vadd.scan.msk.f32 $0xffff, v27  }
0xe9: {  	v25 =	vsel vm9, v25, v49;
	v24 =	vld [tilespmem:s9+$0xFFFFFFD0];
	v27 =	vmul.f32 $2.000000030e-01, v50;
	v46 =	vmul.f32 v46, v2;
	v47, _, _ =	vpop (xrf2)  }
0xea: {  	vm8 =	vgt.f32 v50, $0.0e+00;
	v49 =	vmul.f32 v25, v3;
	v52 =	vld [tilespmem:s15+$0xFFFFFFD0];
	v39 =	vadd.f32 v39, v28  }
0xeb: {  	v44 =	vadd.f32 v44, v19;
	v25 =	vld [tilespmem:s9+$0xFFFFFFE0];
	v27 =	vsel vm8, v50, v27;
	(xrf2) =	vadd.scan.msk.f32 $0xffff, v46;
	(erf) = vpow2.f32 v38  }
0xec: {  	v40 =	vsel vm3, v40, v35;
	v38 =	vld [tilespmem:s15+$0xFFFFFFE0];
	v46 =	vmul.f32 v27, v1;
	v50 =	vmul.f32 $2.000000030e-01, v39;
	v53, _, _ =	vpop (xrf2)  }
0xed: {  	vm8 =	vgt.f32 v39, $0.0e+00;
	v54 =	vmul.f32 $2.000000030e-01, v44;
	v51 =	vadd.f32 v51, v23;
	v27 =	vld [tilespmem:s9+$0xFFFFFFF0]  }
0xee: {  	vm9 =	vgt.f32 v44, $0.0e+00;
	v55 =	vld [tilespmem:s15+$0xFFFFFFF0];
	v39 =	vsel vm8, v39, v50;
	(xrf2) =	vadd.scan.msk.f32 $0xffff, v46;
	v46 =	vmul.f32 $1.442695020e+00, v41  }
0xef: {  	v41 =	vmul.f32 $2.000000030e-01, v51;
	v50 =	vadd.f32 v52, v24;
	v39 =	vmul.f32 v39, v4;
	v52, _, _ =	vpop (xrf2)  }
0xf0: {  	v42 =	vmul.f32 $1.442695020e+00, v42;
	v44 =	vsel vm9, v44, v54;
	vm8 =	vgt.f32 v51, $0.0e+00  }
0xf1: {  	v44 =	vmul.f32 v44, v4;
	v54 =	vmul.f32 $2.000000030e-01, v50;
	v38 =	vadd.f32 v38, v25;
	(xrf2) =	vadd.scan.msk.f32 $0xffff, v39  }
0xf2: {  	v56 =	vmul.f32 v36, v10;
	v41 =	vsel vm8, v51, v41;
	vm8 =	vgt.f32 v50, $0.0e+00;
	v51, _, _ =	vpop (xrf2)  }
0xf3: {  	v10 =	vmovc v34;
	v57 =	vmul.f32 v41, v5;
	v36 =	vmul.f32 $2.000000030e-01, v38;
	v55 =	vadd.f32 v55, v27  }
0xf4: {  	v34 =	vsel vm8, v50, v54;
	vm8 =	vgt.f32 v38, $0.0e+00;
	(xrf2) =	vadd.scan.msk.f32 $0xffff, v37;
	v39 =	vpop (erf);
	(erf) = vpow2.f32 v45  }
0xf5: {  	v41 =	vmul.f32 v34, v6;
	vm9 =	vgt.f32 v55, $0.0e+00;
	v34 =	vmul.f32 $2.000000030e-01, v55;
	v37, _, _ =	vpop (xrf2)  }
0xf6: {  	v36 =	vsel vm8, v38, v36;
	v38 =	vsel vm4, v40, v39;
	(erf) = vpow2.f32 v46  }
0xf7: {  	v36 =	vmul.f32 v36, v7;
	v34 =	vsel vm9, v55, v34;
	(xrf2) =	vadd.scan.msk.f32 $0xffff, v43;
	(erf) = vpow2.f32 v42  }
0xf8: {  	v42 =	vperm.xlane v48, v0;
	v43 =	vperm.xlane v47, v0;
	v40, _, _ =	vpop (xrf2)  }
0xf9: {  	v45 =	vperm.xlane v53, v0;
	v40 =	vperm.xlane v40, v0  }
0xfa: {  	v37 =	vperm.xlane v37, v0;
	v46 =	vperm.xlane v52, v0;
	(xrf2) =	vadd.scan.msk.f32 $0xffff, v49  }
0xfb: {  	v47 =	vperm.xlane v51, v0;
	v50 =	vmul.f32 $1.442695020e+00, v40;
	v48, _, _ =	vpop (xrf2)  }
0xfc: {  	v37 =	vmul.f32 $1.442695020e+00, v37;
	v48 =	vperm.xlane v48, v0  }
0xfd: {  	v47 =	vmul.f32 $1.442695020e+00, v47;
	(erf) = vpow2.f32 v50;
	v40 =	vpop (erf)  }
0xfe: {  	v48 =	vmul.f32 $1.442695020e+00, v48;
	v49, _, _ =	vpop (xrf2);
	(erf) = vpow2.f32 v37;
	v50 =	vsel vm5, v38, v40  }
0xff: {  	v46 =	vmul.f32 $1.442695020e+00, v46;
	(erf) = vpow2.f32 v47;
	v38 =	vpop (erf)  }
0x100: {  	v45 =	vmul.f32 $1.442695020e+00, v45;
	(erf) = vpow2.f32 v48;
	v47 =	vsel vm6, v50, v38;
	v37 =	vpop (erf)  }
0x101: {  	v48 =	vmul.f32 $1.442695020e+00, v42;
	v50, _, _ =	vpop (xrf2);
	(erf) = vpow2.f32 v46;
	v42 =	vsel vm7, v47, v37  }
0x102: {  	v43 =	vmul.f32 $1.442695020e+00, v43;
	(erf) = vpow2.f32 v45;
	[tilespmem:s19+$0xFFFFFFF0] =	vst v42  }
0x103: {  	v42 =	vmul.f32 v34, v8;
	(erf) = vpow2.f32 v48;
	[tilespmem:s16+$0xFFFFFF80] =	vst v56  }
.Ltmp0:
0x104: {  	v47 =	vperm.xlane v49, v0;
	v45, _, _ =	vpop (xrf2);
	(xrf2) =	vadd.scan.msk.f32 $0xffff, v44;
	(erf) = vpow2.f32 v43;
	(pc) =	sbr.rel @p0 .LBB2_2-.Ltmp0, $4  }
0x105: {  	v49 =	vperm.xlane v50, v0;
	v44 =	vperm.xlane v45, v0  }
0x106: {  	v46 =	vmul.f32 $1.442695020e+00, v47;
	v48 =	vmul.f32 v30, v12;
	v12 =	vmov v29;
	v34 =	vpop (erf)  }
0x107: {  	v45 =	vmul.f32 $1.442695020e+00, v49;
	v44 =	vmul.f32 $1.442695020e+00, v44;
	v29 =	vnsel vm0, $0x0, v34;
	(xrf2) =	vadd.scan.msk.f32 $0xffff, v57;
	v30 =	vpop (erf)  }
0x108: {  	v32 =	vmul.f32 v31, v32;
	s9 =	sadd.s32 $0x100, s9;
	v47 =	vsel vm1, v29, v30;
	v43 =	vpop (erf);
	[tilespmem:s16+$0xFFFFFF90] =	vst v48;
	v29 =	vmul.f32 v35, v33  }
0x109: {  	(xrf2) =	vadd.scan.msk.f32 $0xffff, v41  }
0x10a: {  	(xrf2) =	vadd.scan.msk.f32 $0xffff, v36  }
0x10b: {  	(xrf2) =	vadd.scan.msk.f32 $0xffff, v42;
	_ =	sdelay $0x1  }
0x10c: {  	v31 =	vpop (erf)  }
0x10d: {  	v33 =	vpop (erf)  }
0x10e: {  	v15 =	vmul.f32 v39, v15;
	v57, _, _ =	vpop (xrf2)  }
0x10f: {  	v16 =	vmul.f32 v40, v16;
	v35 =	vpop (erf);
	v36 =	vperm.xlane v57, v0  }
0x110: {  	v20 =	vmul.f32 v38, v20;
	(erf) = vpow2.f32 v46;
	v58 =	vpop (erf)  }
0x111: {  	(erf) = vpow2.f32 v45;
	v36 =	vmul.f32 $1.442695020e+00, v36;
	v60, _, _ =	vpop (xrf2)  }
0x112: {  	(erf) = vpow2.f32 v44;
	v42 =	vperm.xlane v60, v0;
	v62, _, _ =	vpop (xrf2)  }
0x113: {  	v61 =	vsel vm2, v47, v43;
	(erf) = vpow2.f32 v36;
	v63 =	vperm.xlane v62, v0;
	v48, _, _ =	vpop (xrf2)  }
0x114: {  	v44 =	vsel vm3, v61, v31;
	v42 =	vmul.f32 $1.442695020e+00, v42;
	v49, _, _ =	vpop (xrf2);
	v45 =	vperm.xlane v48, v0  }
0x115: {  	[tilespmem:s16+$0xFFFFFFA0] =	vst v32;
	v44 =	vsel vm4, v44, v33;
	v51 =	vperm.xlane v49, v0;
	v36 =	vmul.f32 $1.442695020e+00, v63  }
0x116: {  	[tilespmem:s16+$0xFFFFFFB0] =	vst v29;
	v50 =	vsel vm5, v44, v35;
	(erf) = vpow2.f32 v42;
	v52 =	vmul.f32 $1.442695020e+00, v45  }
0x117: {  	[tilespmem:s16+$0xFFFFFFC0] =	vst v15;
	v59 =	vpop (erf);
	v29 =	vsel vm6, v50, v58;
	v15 =	vmul.f32 $1.442695020e+00, v51;
	(erf) = vpow2.f32 v36  }
0x118: {  	s9 =	sadd.s32 $0x20, s19;
	[tilespmem:s20+$0xFFFFFFE0] =	vst v20;
	v14 =	vmul.f32 v59, v14;
	v29 =	vsel vm7, v29, v59;
	(erf) = vpow2.f32 v52  }
0x119: {  	s12 =	sadd.s32 $0x100, s16;
	[tilespmem:s9+$0x0] =	vst v29;
	(erf) = vpow2.f32 v15;
	v15 =	vmul.f32 v34, v26  }
0x11a: {  	v20 =	vmul.f32 v30, v22;
	[tilespmem:s12+$0x70] =	vst v14;
	v14 =	vmul.f32 v37, v21  }
0x11b: {  	v18 =	vmul.f32 v43, v18;
	[tilespmem:s20+$0xFFFFFFD0] =	vst v16;
	v16 =	vpop (erf)  }
0x11c: {  	v21 =	vpop (erf);
	[tilespmem:s20+$0xFFFFFFF0] =	vst v14;
	v14 =	vnsel vm0, $0x0, v16  }
0x11d: {  	v14 =	vsel vm1, v14, v21;
	[tilespmem:s12+$0x0] =	vst v15;
	v15 =	vpop (erf)  }
0x11e: {  	v22 =	vmul.f32 v31, v28;
	[tilespmem:s12+$0x10] =	vst v20;
	v20 =	vpop (erf);
	v14 =	vsel vm2, v14, v15  }
0x11f: {  	[tilespmem:s12+$0x20] =	vst v18;
	v14 =	vsel vm3, v14, v20;
	v18 =	vpop (erf)  }
0x120: {  	v13 =	vmul.f32 v35, v13;
	v14 =	vsel vm4, v14, v18  }
0x121: {  	v11 =	vmul.f32 v33, v11  }
0x122: {  	[tilespmem:s12+$0x30] =	vst v22;
	v22 =	vpop (erf)  }
0x123: {  	v9 =	vmul.f32 v58, v9;
	[tilespmem:s12+$0x40] =	vst v11;
	v11 =	vsel vm5, v14, v22;
	v14 =	vpop (erf)  }
0x124: {  	[tilespmem:s12+$0x50] =	vst v13;
	v11 =	vsel vm6, v11, v14;
	v13 =	vpop (erf)  }
0x125: {  	[tilespmem:s12+$0x60] =	vst v9;
	v9 =	vmul.f32 v16, v10;
	v10 =	vsel vm7, v11, v13  }
0x126: {  	v11 =	vmul.f32 v18, v23;
	[tilespmem:s9+$0xFFFFFFF0] =	vst v10  }
0x127: {  	v10 =	vmul.f32 v21, v12;
	[tilespmem:s12+$0xFFFFFF80] =	vst v9  }
0x128: {  	v9 =	vmul.f32 v15, v17;
	[tilespmem:s12+$0xFFFFFFC0] =	vst v11  }
0x129: {  	v11 =	vmul.f32 v13, v27;
	[tilespmem:s12+$0xFFFFFF90] =	vst v10  }
0x12a: {  	v10 =	vmul.f32 v20, v19;
	[tilespmem:s12+$0xFFFFFFA0] =	vst v9  }
0x12b: {  	v9 =	vmul.f32 v22, v24;
	[tilespmem:s12+$0xFFFFFFF0] =	vst v11  }
0x12c: {  	[tilespmem:s12+$0xFFFFFFB0] =	vst v10;
	v10 =	vmul.f32 v14, v25  }
0x12d: {  	[tilespmem:s12+$0xFFFFFFD0] =	vst v9  }
0x12e: {  	[tilespmem:s12+$0xFFFFFFE0] =	vst v10  }
0x12f: {  	_ =	swait.ge [sflag:s24], $0x28  }
0x130: {  	[sflag:s24] =	ssyncset.done $0x0  }
0x131: {  	s20 =	simm.s32 $0x50F0;
	[sflag:s24] =	ssyncadd.s32 $0xFFFFFFD8  }
0x132: {  	[spmem:s2] =	stream.indirect.scatter.add.f32 [tilespmem:s20], [sflag:$0x5], $0x80, s23, s0, $0xb8;
	[tilespmem:$0x1E670] =	vst v63  }
0x133: {  	s25 =	simm.s32 $0x78F0  }
0x134: {  	[spmem:s3] =	stream.indirect.scatter.add.f32 [tilespmem:s25], [sflag:$0x5], $0x10, s23, s0, $0xb8;
	[tilespmem:$0x1E670] =	vst v63  }
0x135: {  	_ =	swait.ge [sflag:s13], $0x28  }
0x136: {  	[sflag:s13] =	ssyncset.done $0x0  }
0x137: {  	[sflag:s13] =	ssyncadd.s32 $0xFFFFFFD8  }
0x138: {  	_ =	swait.ge [sflag:s13], $0x28  }
0x139: {  	[sflag:s13] =	ssyncset.done $0x0  }
0x13a: {  	s12 =	simm.s32 $0xF0;
	[sflag:s13] =	ssyncadd.s32 $0xFFFFFFD8  }
0x13b: {  	[tilespmem:s12], [sflag:$0x3] =	stream.indirect.gather [hbm4b:s1+s0], $0x80, s5, s0, $0xb8;
	[tilespmem:$0x1E670] =	vst v63  }
0x13c: {  	s15 =	simm.s32 $0x28F0  }
0x13d: {  	[tilespmem:s15], [sflag:$0x3] =	stream.indirect.gather [hbm4b:s6+s0], $0x80, s31, s0, $0xb8;
	[tilespmem:$0x1E670] =	vst v63  }
0x13e: {  	_ =	swait.ge [sflag:s28], $0x1400  }
0x13f: {  	[sflag:s28] =	ssyncset.done $0x0  }
0x140: {  	[sflag:s28] =	ssyncadd.s32 $0xFFFFEC00  }
0x141: {  	_ =	swait.ge [sflag:s28], $0x1400  }
0x142: {  	[sflag:s28] =	ssyncset.done $0x0  }
0x143: {  	s16 =	rddreg [dreg:$0xf];
	[sflag:s28] =	ssyncadd.s32 $0xFFFFEC00  }
0x144: {  	[tilespmem:s0], [sflag:$0x2] =	stream.linear.gather [hbm4b:s16+s5], $0x28, $0x38;
	[tilespmem:$0x1E670] =	vst v63  }
0x145: {  	s19 =	rddreg [dreg:$0x10]  }
0x146: {  	[tilespmem:s4], [sflag:$0x2] =	stream.linear.gather [hbm4b:s19+s5], $0x28, $0x38;
	[tilespmem:$0x1E670] =	vst v63  }
0x147: {  	s20 =	simm.s32 $0x1570  }
0x148: {  	[tilespmem:s29], [sflag:$0x8] =	stream.linear.gather [hbm4b:s26+s5], $0x28, $0x38;
	[tilespmem:$0x1E670] =	vst v63  }
0x149: {  	s25 =	simm.s32 $0x3D70;
	v12 =	vld [tilespmem:s20+$0x60]  }
0x14a: {  	v9 =	vld [tilespmem:s25+$0x60]  }
0x14b: {  	v19 =	vld [tilespmem:s20+$0x70]  }
0x14c: {  	v10 =	vld [tilespmem:s25+$0x70]  }
0x14d: {  	v17 =	vld [tilespmem:s20+$0x50]  }
0x14e: {  	v11 =	vld [tilespmem:s25+$0x50]  }
0x14f: {  	v22 =	vld [tilespmem:s20+$0x40]  }
0x150: {  	v13 =	vld [tilespmem:s25+$0x40]  }
0x151: {  	v18 =	vld [tilespmem:s20+$0x20]  }
0x152: {  	v14 =	vld [tilespmem:s25+$0x20]  }
0x153: {  	v23 =	vld [tilespmem:s20+$0x10]  }
0x154: {  	v20 =	vld [tilespmem:s25+$0x10];
	v9 =	vadd.f32 v9, v12;
	_ =	sdelay $0x1  }
0x155: {  	v10 =	vadd.f32 v10, v19;
	v15 =	vmul.f32 $2.000000030e-01, v9  }
0x156: {  	v25 =	vld [tilespmem:s25+$0x0];
	v16 =	vadd.f32 v11, v17;
	v13 =	vadd.f32 v13, v22;
	vm8 =	vgt.f32 v9, $0.0e+00  }
0x157: {  	v11 =	vld [tilespmem:s20+$0x0];
	v14 =	vadd.f32 v14, v18;
	v9 =	vsel vm8, v9, v15;
	v15 =	vmul.f32 $2.000000030e-01, v10  }
0x158: {  	v24 =	vld [tilespmem:s20+$0x30];
	v20 =	vadd.f32 v20, v23;
	v21 =	vmul.f32 $2.000000030e-01, v16;
	vm8 =	vgt.f32 v10, $0.0e+00  }
0x159: {  	v26 =	vld [tilespmem:s25+$0xFFFFFF80];
	v27 =	vmul.f32 $2.000000030e-01, v14;
	v10 =	vsel vm8, v10, v15;
	vm8 =	vgt.f32 v16, $0.0e+00  }
0x15a: {  	v9 =	vmul.f32 v9, v7;
	v15 =	vsel vm8, v16, v21;
	v16 =	vmul.f32 $2.000000030e-01, v13;
	v21 =	vld [tilespmem:s25+$0x30]  }
0x15b: {  	v32 =	vld [tilespmem:s20+$0xFFFFFF80];
	v10 =	vmul.f32 v10, v8;
	vm8 =	vgt.f32 v13, $0.0e+00;
	v15 =	vmul.f32 v15, v6  }
0x15c: {  	v30 =	vld [tilespmem:s20+$0xFFFFFF90];
	v13 =	vsel vm8, v13, v16;
	vm8 =	vgt.f32 v14, $0.0e+00;
	v16 =	vadd.f32 v25, v11  }
0x15d: {  	v29 =	vld [tilespmem:s20+$0xFFFFFFA0];
	(xrf2) =	vadd.scan.msk.f32 $0xffff, v9;
	v9 =	vmul.f32 v13, v5;
	v13 =	vsel vm8, v14, v27;
	v14 =	vmul.f32 $2.000000030e-01, v20  }
0x15e: {  	v31 =	vld [tilespmem:s20+$0xFFFFFFB0];
	(xrf2) =	vadd.scan.msk.f32 $0xffff, v10;
	vm8 =	vgt.f32 v20, $0.0e+00;
	v10 =	vmul.f32 v13, v3;
	v13 =	vmul.f32 $2.000000030e-01, v16  }
0x15f: {  	v25 =	vld [tilespmem:s25+$0xFFFFFF90];
	(xrf2) =	vadd.scan.msk.f32 $0xffff, v15;
	v14 =	vsel vm8, v20, v14;
	vm8 =	vgt.f32 v16, $0.0e+00;
	v15 =	vadd.f32 v21, v24  }
0x160: {  	v20 =	vld [tilespmem:s25+$0xFFFFFFA0];
	(xrf2) =	vadd.scan.msk.f32 $0xffff, v9;
	v9 =	vmul.f32 v14, v2;
	v13 =	vsel vm8, v16, v13  }
0x161: {  	(xrf2) =	vadd.scan.msk.f32 $0xffff, v10;
	v14 =	vld [tilespmem:s25+$0xFFFFFFB0];
	v10 =	vmul.f32 v13, v1;
	v13 =	vmul.f32 $2.000000030e-01, v15  }
0x162: {  	vm8 =	vgt.f32 v15, $0.0e+00;
	(xrf2) =	vadd.scan.msk.f32 $0xffff, v9;
	v9 =	vadd.f32 v26, v32  }
0x163: {  	v13 =	vsel vm8, v15, v13  }
0x164: {  	(xrf2) =	vadd.scan.msk.f32 $0xffff, v10;
	v10 =	vmul.f32 v13, v4;
	v13 =	vmul.f32 $2.000000030e-01, v9  }
0x165: {  	v21 =	vld [tilespmem:s25+$0xFFFFFFC0];
	v16 =	vadd.f32 v25, v30  }
0x166: {  	v15 =	vld [tilespmem:s20+$0xFFFFFFC0];
	vm8 =	vgt.f32 v9, $0.0e+00;
	v20 =	vadd.f32 v20, v29;
	v14 =	vadd.f32 v14, v31  }
0x167: {  	(xrf2) =	vadd.scan.msk.f32 $0xffff, v10;
	v9 =	vsel vm8, v9, v13;
	v10 =	vmul.f32 $2.000000030e-01, v16  }
0x168: {  	vm8 =	vgt.f32 v16, $0.0e+00;
	v25 =	vmul.f32 $2.000000030e-01, v20;
	v27 =	vmul.f32 $2.000000030e-01, v14;
	v13, _, _ =	vpop (xrf2)  }
0x169: {  	v10 =	vsel vm8, v16, v10;
	vm8 =	vgt.f32 v20, $0.0e+00;
	v26, _, _ =	vpop (xrf2)  }
0x16a: {  	v9 =	vmul.f32 v9, v1;
	v20 =	vsel vm8, v20, v25;
	v16, _, _ =	vpop (xrf2)  }
0x16b: {  	v25 =	vadd.f32 v21, v15;
	vm8 =	vgt.f32 v14, $0.0e+00;
	v10 =	vmul.f32 v10, v2;
	v21, _, _ =	vpop (xrf2)  }
0x16c: {  	v13 =	vperm.xlane v13, v0;
	v20 =	vmul.f32 v20, v3;
	v14 =	vsel vm8, v14, v27;
	(xrf2) =	vadd.scan.msk.f32 $0xffff, v9;
	v27, _, _ =	vpop (xrf2)  }
0x16d: {  	v26 =	vperm.xlane v26, v0;
	v28 =	vmul.f32 $2.000000030e-01, v25;
	v53, _, _ =	vpop (xrf2)  }
0x16e: {  	v14 =	vmul.f32 v14, v4;
	v55 =	vperm.xlane v16, v0;
	v54, _, _ =	vpop (xrf2)  }
0x16f: {  	v13 =	vmul.f32 $1.442695020e+00, v13;
	v9 =	vperm.xlane v54, v0  }
0x170: {  	v59 =	vld [tilespmem:s25+$0xFFFFFFF0];
	v56 =	vperm.xlane v21, v0;
	(xrf2) =	vadd.scan.msk.f32 $0xffff, v10;
	v10 =	vperm.xlane v53, v0  }
0x171: {  	v16 =	vld [tilespmem:s20+$0xFFFFFFD0];
	v21 =	vperm.xlane v27, v0;
	(xrf2) =	vadd.scan.msk.f32 $0xffff, v20;
	v20, _, _ =	vpop (xrf2);
	v9 =	vmul.f32 $1.442695020e+00, v9  }
0x172: {  	v27 =	vld [tilespmem:s25+$0xFFFFFFD0];
	v10 =	vmul.f32 $1.442695020e+00, v10;
	v57 =	vperm.xlane v20, v0  }
0x173: {  	v58 =	vmul.f32 $1.442695020e+00, v21;
	v20 =	vld [tilespmem:s20+$0xFFFFFFE0];
	(erf) = vpow2.f32 v9  }
0x174: {  	v9 =	vld [tilespmem:s25+$0xFFFFFFE0];
	v35 =	vmul.f32 $1.442695020e+00, v57;
	(erf) = vpow2.f32 v10  }
0x175: {  	v21 =	vld [tilespmem:s20+$0xFFFFFFF0];
	v10 =	vmul.f32 $1.442695020e+00, v56;
	(erf) = vpow2.f32 v58  }
0x176: {  	v34 =	vmul.f32 $1.442695020e+00, v55;
	v61, _, _ =	vpop (xrf2);
	(erf) = vpow2.f32 v35  }
0x177: {  	v27 =	vadd.f32 v27, v16;
	v53 =	vperm.xlane v61, v0;
	(erf) = vpow2.f32 v10  }
0x178: {  	vm8 =	vgt.f32 v25, $0.0e+00;
	v10 =	vmul.f32 $1.442695020e+00, v26;
	(erf) = vpow2.f32 v34  }
0x179: {  	(xrf2) =	vadd.scan.msk.f32 $0xffff, v14;
	v26 =	vmul.f32 $2.000000030e-01, v27;
	v60 =	vadd.f32 v9, v20;
	(erf) = vpow2.f32 v13  }
0x17a: {  	s15 =	simm.s32 $0x3E70;
	v13 =	vsel vm8, v25, v28;
	vm8 =	vgt.f32 v27, $0.0e+00;
	v28 =	vadd.f32 v59, v21  }
0x17b: {  	v63 =	vld [tilespmem:s15+$0xFFFFFF80];
	v25, _, _ =	vpop (xrf2);
	(erf) = vpow2.f32 v10;
	v10 =	vmul.f32 $2.000000030e-01, v60;
	v14 =	vsel vm8, v27, v26  }
0x17c: {  	s26 =	simm.s32 $0x1670;
	v57 =	vld [tilespmem:s15+$0x70];
	v41 =	vmul.f32 v13, v5;
	vm8 =	vgt.f32 v60, $0.0e+00;
	v25 =	vperm.xlane v25, v0  }
0x17d: {  	v9 =	vld [tilespmem:s26+$0x60];
	v26, _, _ =	vpop (xrf2);
	v43 =	vmul.f32 v14, v6;
	v13 =	vmul.f32 $2.000000030e-01, v28;
	v10 =	vsel vm8, v60, v10  }
0x17e: {  	v27 =	vld [tilespmem:s15+$0x60];
	v62 =	vpop (erf);
	vm8 =	vgt.f32 v28, $0.0e+00;
	v26 =	vperm.xlane v26, v0;
	v25 =	vmul.f32 $1.442695020e+00, v25  }
0x17f: {  	v14 =	vld [tilespmem:s26+$0x70];
	v54 =	vpop (erf);
	v55 =	vmul.f32 v10, v7;
	v13 =	vsel vm8, v28, v13;
	v28 =	vmul.f32 $1.442695020e+00, v53  }
0x180: {  	v10 =	vld [tilespmem:s26+$0xFFFFFF80];
	v39 =	vmul.f32 v62, v11;
	v56 =	vpop (erf);
	v48 =	vmul.f32 v13, v8  }
0x181: {  	(xrf2) =	vadd.scan.msk.f32 $0xffff, v41;
	v11 =	vld [tilespmem:s26+$0x40];
	v26 =	vmul.f32 $1.442695020e+00, v26;
	v40 =	vmul.f32 v54, v23;
	v58 =	vpop (erf)  }
0x182: {  	v13 =	vld [tilespmem:s26+$0x50];
	(erf) = vpow2.f32 v28;
	v38 =	vmul.f32 v56, v18;
	v49 =	vpop (erf)  }
0x183: {  	v59 =	vnsel vm0, $0x0, v62;
	v28 =	vld [tilespmem:s15+$0x50];
	(erf) = vpow2.f32 v25;
	v35 =	vmul.f32 v58, v24;
	v24, _, _ =	vpop (xrf2)  }
0x184: {  	v60 =	vsel vm1, v59, v54;
	v23 =	vld [tilespmem:s15+$0x40];
	v50 =	vpop (erf);
	(erf) = vpow2.f32 v26;
	v24 =	vperm.xlane v24, v0  }
0x185: {  	v26 =	vsel vm2, v60, v56;
	v37 =	vmul.f32 v49, v22;
	v22 =	vld [tilespmem:s26+$0x10];
	v25 =	vpop (erf);
	v34 =	vmul.f32 v50, v17  }
0x186: {  	v17 =	vadd.f32 v57, v14;
	v61 =	vsel vm3, v26, v58;
	v57 =	vld [tilespmem:s15+$0x10];
	v58 =	vadd.f32 v63, v10;
	v36 =	vpop (erf)  }
0x187: {  	v18 =	vld [tilespmem:s26+$0x20];
	v33 =	vmul.f32 v25, v12;
	v42 =	vmul.f32 v36, v19;
	v19 =	vadd.f32 v27, v9  }
0x188: {  	v24 =	vmul.f32 $1.442695020e+00, v24;
	v27 =	vld [tilespmem:s15+$0x20];
	v51 =	vmul.f32 $2.000000030e-01, v17;
	v28 =	vadd.f32 v28, v13  }
0x189: {  	v23 =	vadd.f32 v23, v11;
	v60 =	vmul.f32 $2.000000030e-01, v58;
	v12 =	vmul.f32 $2.000000030e-01, v19  }
0x18a: {  	v26 =	vld [tilespmem:s26+$0x0];
	(erf) = vpow2.f32 v24;
	vm8 =	vgt.f32 v19, $0.0e+00;
	v62 =	vmul.f32 $2.000000030e-01, v28  }
0x18b: {  	v59, _, _ =	vpop (xrf2);
	v54 =	vadd.f32 v57, v22;
	v12 =	vsel vm8, v19, v12;
	vm8 =	vgt.f32 v17, $0.0e+00;
	v19 =	vld [tilespmem:s15+$0x0]  }
0x18c: {  	v44 =	vperm.xlane v59, v0;
	v17 =	vsel vm8, v17, v51;
	v63 =	vmul.f32 v12, v7  }
0x18d: {  	(xrf2) =	vadd.scan.msk.f32 $0xffff, v43;
	vm8 =	vgt.f32 v28, $0.0e+00;
	v27 =	vadd.f32 v27, v18;
	v47 =	vmul.f32 $2.000000030e-01, v54  }
0x18e: {  	(xrf2) =	vadd.scan.msk.f32 $0xffff, v55;
	v55 =	vld [tilespmem:s15+$0xFFFFFF90];
	v51 =	vmul.f32 v17, v8;
	v12 =	vsel vm8, v28, v62;
	v17 =	vmul.f32 $2.000000030e-01, v23  }
0x18f: {  	(xrf2) =	vadd.scan.msk.f32 $0xffff, v48;
	v57 =	vld [tilespmem:s15+$0xFFFFFFA0];
	v44 =	vmul.f32 $1.442695020e+00, v44;
	vm8 =	vgt.f32 v23, $0.0e+00;
	v28 =	vmul.f32 v12, v6  }
0x190: {  	v12 =	vld [tilespmem:s26+$0xFFFFFF90];
	v17 =	vsel vm8, v23, v17;
	v23 =	vmul.f32 $2.000000030e-01, v27;
	v19 =	vadd.f32 v19, v26  }
0x191: {  	(xrf2) =	vadd.scan.msk.f32 $0xffff, v63;
	(erf) = vpow2.f32 v44;
	vm8 =	vgt.f32 v27, $0.0e+00;
	v56 =	vmul.f32 v17, v5;
	v17 =	vld [tilespmem:s26+$0xFFFFFFA0]  }
0x192: {  	(xrf2) =	vadd.scan.msk.f32 $0xffff, v51;
	v23 =	vsel vm8, v27, v23;
	vm8 =	vgt.f32 v54, $0.0e+00;
	v27 =	vmul.f32 $2.000000030e-01, v19  }
0x193: {  	(xrf2) =	vadd.scan.msk.f32 $0xffff, v28;
	v28 =	vld [tilespmem:s26+$0x30];
	v23 =	vmul.f32 v23, v3;
	v43 =	vsel vm8, v54, v47;
	vm8 =	vgt.f32 v19, $0.0e+00  }
0x194: {  	(xrf2) =	vadd.scan.msk.f32 $0xffff, v56;
	v43 =	vmul.f32 v43, v2;
	v19 =	vsel vm8, v19, v27;
	v27 =	vsel vm4, v61, v49;
	v61 =	vld [tilespmem:s15+$0x30]  }
0x195: {  	v45 =	vadd.f32 v55, v12;
	(xrf2) =	vadd.scan.msk.f32 $0xffff, v23;
	vm8 =	vgt.f32 v58, $0.0e+00;
	v23 =	vmul.f32 v19, v1  }
0x196: {  	v63 =	vld [tilespmem:s15+$0xFFFFFFB0];
	(xrf2) =	vadd.scan.msk.f32 $0xffff, v43;
	v24 =	vsel vm8, v58, v60;
	v27 =	vsel vm5, v27, v50;
	v48 =	vadd.f32 v57, v17  }
0x197: {  	vm8 =	vgt.f32 v45, $0.0e+00;
	v60 =	vld [tilespmem:s15+$0xFFFFFFC0];
	v41 =	vmul.f32 v24, v1;
	v24 =	vmul.f32 $2.000000030e-01, v45;
	v19, _, _ =	vpop (xrf2);
	(xrf2) =	vadd.scan.msk.f32 $0xffff, v23  }
0x198: {  	v52 =	vsel vm6, v27, v25;
	v25 =	vmul.f32 $2.000000030e-01, v48;
	v62 =	vperm.xlane v19, v0;
	v19 =	vld [tilespmem:s26+$0xFFFFFFB0];
	v58, _, _ =	vpop (xrf2)  }
0x199: {  	v23 =	vld [tilespmem:s26+$0xFFFFFFC0];
	v24 =	vsel vm8, v45, v24;
	v59, _, _ =	vpop (xrf2);
	v49 =	vperm.xlane v58, v0;
	v47 =	vadd.f32 v61, v28  }
0x19a: {  	v55 =	vld [tilespmem:s15+$0xFFFFFFD0];
	vm8 =	vgt.f32 v48, $0.0e+00;
	v53 =	vmul.f32 v24, v2;
	v50 =	vperm.xlane v59, v0  }
0x19b: {  	v24 =	vld [tilespmem:s26+$0xFFFFFFD0];
	v25 =	vsel vm8, v48, v25;
	v51, _, _ =	vpop (xrf2);
	v43 =	vmul.f32 $1.442695020e+00, v62;
	v27 =	vmul.f32 $2.000000030e-01, v47  }
0x19c: {  	v48 =	vmul.f32 v25, v3;
	v54, _, _ =	vpop (xrf2);
	vm8 =	vgt.f32 v47, $0.0e+00;
	v49 =	vmul.f32 $1.442695020e+00, v49  }
0x19d: {  	v58 =	vld [tilespmem:s15+$0xFFFFFFE0];
	v56, _, _ =	vpop (xrf2);
	(erf) = vpow2.f32 v43;
	v46 =	vadd.f32 v63, v19;
	v27 =	vsel vm8, v47, v27  }
0x19e: {  	v25 =	vld [tilespmem:s26+$0xFFFFFFE0];
	v44 =	vadd.f32 v60, v23;
	v50 =	vmul.f32 $1.442695020e+00, v50;
	v47, _, _ =	vpop (xrf2);
	v45 =	vmul.f32 v27, v4  }
0x19f: {  	(erf) = vpow2.f32 v49;
	v57, _, _ =	vpop (xrf2);
	v59 =	vmul.f32 $2.000000030e-01, v46  }
0x1a0: {  	v61 =	vmul.f32 $2.000000030e-01, v44;
	v55 =	vadd.f32 v55, v24;
	vm8 =	vgt.f32 v46, $0.0e+00;
	v60, _, _ =	vpop (xrf2);
	(xrf2) =	vadd.scan.msk.f32 $0xffff, v45  }
0x1a1: {  	v27 =	vld [tilespmem:s26+$0xFFFFFFF0];
	(erf) = vpow2.f32 v50;
	v62, _, _ =	vpop (xrf2);
	v46 =	vsel vm8, v46, v59;
	vm8 =	vgt.f32 v44, $0.0e+00  }
0x1a2: {  	v63 =	vmul.f32 $2.000000030e-01, v55;
	v59 =	vld [tilespmem:s15+$0xFFFFFFF0];
	v43 =	vperm.xlane v62, v0;
	v44 =	vsel vm8, v44, v61  }
0x1a3: {  	v45 =	vpop (erf);
	v46 =	vmul.f32 v46, v4;
	v61 =	vadd.f32 v58, v25;
	vm8 =	vgt.f32 v55, $0.0e+00  }
0x1a4: {  	v49 =	vsel vm8, v55, v63;
	v32 =	vmul.f32 v45, v32;
	v63 =	vperm.xlane v60, v0  }
0x1a5: {  	v43 =	vmul.f32 $1.442695020e+00, v43;
	v62 =	vmul.f32 $2.000000030e-01, v61  }
0x1a6: {  	(xrf2) =	vadd.scan.msk.f32 $0xffff, v41;
	vm8 =	vgt.f32 v61, $0.0e+00;
	v41 =	vmul.f32 v49, v6;
	v60 =	vmul.f32 $1.442695020e+00, v63  }
0x1a7: {  	(erf) = vpow2.f32 v43;
	v55 =	vadd.f32 v59, v27;
	v59 =	vmul.f32 v44, v5  }
0x1a8: {  	(xrf2) =	vadd.scan.msk.f32 $0xffff, v53;
	v43 =	vsel vm8, v61, v62;
	v62 =	vperm.xlane v57, v0;
	v57 =	vperm.xlane v54, v0  }
0x1a9: {  	(xrf2) =	vadd.scan.msk.f32 $0xffff, v48;
	v48 =	vpop (erf);
	v61 =	vsel vm7, v52, v36;
	v36 =	vmul.f32 v43, v7;
	v43 =	vperm.xlane v51, v0  }
0x1aa: {  	s19 =	simm.s32 $0x7B80;
	(erf) = vpow2.f32 v60;
	v60 =	vperm.xlane v47, v0;
	v63, _, _ =	vpop (xrf2)  }
0x1ab: {  	s16 =	simm.s32 $0x6570;
	v50 =	vpop (erf);
	[tilespmem:s19+$0x0] =	vst v61;
	v44 =	vmul.f32 $2.000000030e-01, v55;
	v49 =	vperm.xlane v63, v0  }
0x1ac: {  	v45 =	vnsel vm0, $0x0, v45;
	v53 =	vpop (erf);
	[tilespmem:s16+$0x70] =	vst v42;
	v61 =	vmul.f32 $1.442695020e+00, v62;
	v62 =	vperm.xlane v56, v0  }
0x1ad: {  	v45 =	vsel vm1, v45, v48;
	[tilespmem:s16+$0x0] =	vst v39;
	v39 =	vpop (erf);
	v54 =	vmul.f32 $1.442695020e+00, v57;
	v49 =	vmul.f32 $1.442695020e+00, v49  }
0x1ae: {  	v58 =	vsel vm2, v45, v50;
	[tilespmem:s16+$0x10] =	vst v40;
	v40 =	vpop (erf);
	v45 =	vmul.f32 $1.442695020e+00, v60;
	(erf) = vpow2.f32 v61  }
0x1af: {  	v42 =	vsel vm3, v58, v53;
	[tilespmem:s16+$0x20] =	vst v38;
	v51 =	vmul.f32 $1.442695020e+00, v62;
	v38 =	vpop (erf);
	(erf) = vpow2.f32 v49  }
0x1b0: {  	vm8 =	vgt.f32 v55, $0.0e+00;
	[tilespmem:s16+$0x30] =	vst v35;
	v43 =	vmul.f32 $1.442695020e+00, v43;
	v63, _, _ =	vpop (xrf2);
	(erf) = vpow2.f32 v45  }
0x1b1: {  	[tilespmem:s16+$0x40] =	vst v37;
	v42 =	vsel vm4, v42, v39;
	v62 =	vmul.f32 v48, v30;
	v37 =	vpop (erf);
	(erf) = vpow2.f32 v51  }
0x1b2: {  	[tilespmem:s16+$0x50] =	vst v34;
	v42 =	vsel vm5, v42, v40;
	v56, _, _ =	vpop (xrf2);
	v58 =	vperm.xlane v63, v0;
	(erf) = vpow2.f32 v43  }
0x1b3: {  	(xrf2) =	vadd.scan.msk.f32 $0xffff, v46;
	v60, _, _ =	vpop (xrf2);
	v49 =	vsel vm8, v55, v44;
	v55 =	vsel vm6, v42, v38;
	(erf) = vpow2.f32 v54  }
0x1b4: {  	[tilespmem:s16+$0x60] =	vst v33;
	v61 =	vperm.xlane v56, v0;
	v35 =	vperm.xlane v60, v0;
	v57 =	vsel vm7, v55, v37  }
0x1b5: {  	(xrf2) =	vadd.scan.msk.f32 $0xffff, v59;
	v46 =	vmul.f32 $1.442695020e+00, v58;
	v34 =	vpop (erf);
	v42 =	vmul.f32 v49, v8;
	[tilespmem:s19+$0xFFFFFFF0] =	vst v57  }
0x1b6: {  	v45 =	vmul.f32 $1.442695020e+00, v61;
	v44 =	vmul.f32 $1.442695020e+00, v35;
	v63 =	vnsel vm0, $0x0, v34;
	v30 =	vpop (erf);
	[tilespmem:s16+$0xFFFFFF80] =	vst v32  }
0x1b7: {  	s9 =	simm.s32 $0x1770;
	s20 =	simm.s32 $0x6570;
	s25 =	simm.s32 $0x2;
	v47 =	vsel vm1, v63, v30;
	[tilespmem:s16+$0xFFFFFF90] =	vst v62;
	v32 =	vmul.f32 v50, v29;
	v29 =	vmul.f32 v53, v31;
	v43 =	vpop (erf)  }
.LBB2_4:
0x1b8: {  	v31 =	vld [tilespmem:s9+$0x60];
	v33 =	vsel vm2, v47, v43;
	s15 =	sadd.s32 $0x100, s15;
	(erf) = vpow2.f32 v46;
	v35 =	vpop (erf);
	v15 =	vmul.f32 v39, v15  }
0x1b9: {  	v16 =	vmul.f32 v40, v16;
	v39 =	vld [tilespmem:s15+$0x60];
	v33 =	vsel vm3, v33, v35;
	(erf) = vpow2.f32 v45;
	(xrf2) =	vadd.scan.msk.f32 $0xffff, v41;
	v41 =	vpop (erf)  }
0x1ba: {  	v20 =	vmul.f32 v38, v20;
	v21 =	vmul.f32 v37, v21;
	v40 =	vld [tilespmem:s15+$0xFFFFFF80];
	v33 =	vsel vm4, v33, v41;
	v45 =	vpop (erf);
	[tilespmem:s16+$0xFFFFFFA0] =	vst v32  }
0x1bb: {  	v26 =	vmul.f32 v34, v26;
	v32 =	vld [tilespmem:s9+$0x70];
	v33 =	vsel vm5, v33, v45;
	(erf) = vpow2.f32 v44;
	v37 =	vpop (erf);
	[tilespmem:s16+$0xFFFFFFB0] =	vst v29  }
0x1bc: {  	v22 =	vmul.f32 v30, v22;
	v38 =	vld [tilespmem:s15+$0x70];
	v29 =	vsel vm6, v33, v37;
	v33 =	vmul.f32 v43, v18;
	(xrf2) =	vadd.scan.msk.f32 $0xffff, v36;
	v18 =	vpop (erf)  }
0x1bd: {  	s19 =	sadd.s32 $0x20, s19;
	v28 =	vmul.f32 v35, v28;
	v34 =	vld [tilespmem:s9+$0xFFFFFF80];
	v29 =	vsel vm7, v29, v18;
	v36 =	vmul.f32 v18, v14;
	v18, _, _ =	vpop (xrf2);
	[tilespmem:s16+$0xFFFFFFC0] =	vst v15  }
0x1be: {  	v35 =	vmul.f32 v41, v11;
	s16 =	sadd.s32 $0x100, s16;
	v15 =	vld [tilespmem:s9+$0x50];
	v30 =	vadd.f32 v39, v31;
	v18 =	vperm.xlane v18, v0;
	[tilespmem:s19+$0x0] =	vst v29  }
0x1bf: {  	v41 =	vmul.f32 v45, v13;
	v43 =	vmul.f32 v37, v9;
	v9 =	vmovc v31;
	v39 =	vld [tilespmem:s15+$0x50];
	[tilespmem:s16+$0x70] =	vst v36;
	(xrf2) =	vadd.scan.msk.f32 $0xffff, v42  }
0x1c0: {  	v29 =	vld [tilespmem:s9+$0xFFFFFF90];
	v13 =	vmul.f32 $2.000000030e-01, v30;
	v18 =	vmul.f32 $1.442695020e+00, v18;
	v31, _, _ =	vpop (xrf2);
	[tilespmem:s20+$0xFFFFFFD0] =	vst v16;
	v14 =	vmov v32  }
0x1c1: {  	vm8 =	vgt.f32 v30, $0.0e+00;
	v11 =	vld [tilespmem:s9+$0x40];
	v16 =	vadd.f32 v38, v14;
	v38 =	vperm.xlane v31, v0;
	v36 =	vpop (erf);
	[tilespmem:s20+$0xFFFFFFE0] =	vst v20  }
0x1c2: {  	v20 =	vadd.f32 v40, v34;
	v32 =	vld [tilespmem:s15+$0x40];
	v13 =	vsel vm8, v30, v13;
	v30 =	vpop (erf);
	(erf) = vpow2.f32 v18;
	[tilespmem:s20+$0xFFFFFFF0] =	vst v21;
	s20 =	smov.u32 s16  }
0x1c3: {  	v40 =	vnsel vm0, $0x0, v36;
	v21 =	vld [tilespmem:s15+$0xFFFFFF90];
	v46 =	vmul.f32 v13, v7;
	v37 =	vmul.f32 $2.000000030e-01, v16;
	[tilespmem:s16+$0x0] =	vst v26;
	v26, _, _ =	vpop (xrf2)  }
0x1c4: {  	vm8 =	vgt.f32 v16, $0.0e+00;
	v47 =	vmul.f32 $2.000000030e-01, v20;
	v18 =	vld [tilespmem:s9+$0x20];
	v39 =	vadd.f32 v39, v15;
	[tilespmem:s16+$0x10] =	vst v22;
	v31 =	vpop (erf)  }
0x1c5: {  	vm9 =	vgt.f32 v20, $0.0e+00;
	v45 =	vperm.xlane v26, v0;
	v44 =	vld [tilespmem:s15+$0x20];
	v16 =	vsel vm8, v16, v37;
	(xrf2) =	vadd.scan.msk.f32 $0xffff, v46;
	v13 =	vmovc v15  }
0x1c6: {  	v15 =	vsel vm9, v20, v47;
	v20 =	vld [tilespmem:s9+$0xFFFFFFA0];
	v26 =	vmul.f32 $2.000000030e-01, v39;
	v16 =	vmul.f32 v16, v8;
	[tilespmem:s16+$0x20] =	vst v33;
	v42, _, _ =	vpop (xrf2)  }
0x1c7: {  	vm8 =	vgt.f32 v39, $0.0e+00;
	v37 =	vmul.f32 v15, v1;
	v22 =	vld [tilespmem:s9+$0x10];
	v46 =	vadd.f32 v32, v11;
	[tilespmem:s16+$0x30] =	vst v28;
	v32 =	vmovc v17  }
0x1c8: {  	v38 =	vmul.f32 $1.442695020e+00, v38;
	v33 =	vmovc v19;
	v17 =	vadd.f32 v21, v29;
	v21 =	vld [tilespmem:s15+$0x10];
	v49 =	vsel vm8, v39, v26;
	(xrf2) =	vadd.scan.msk.f32 $0xffff, v16  }
0x1c9: {  	v40 =	vsel vm1, v40, v30;
	v39 =	vld [tilespmem:s15+$0xFFFFFFA0];
	v19 =	vmul.f32 $2.000000030e-01, v46;
	v28 =	vmul.f32 v49, v6;
	[tilespmem:s16+$0x40] =	vst v35;
	v47, _, _ =	vpop (xrf2)  }
0x1ca: {  	vm8 =	vgt.f32 v46, $0.0e+00;
	v15 =	vmovc v23;
	v48 =	vmul.f32 $2.000000030e-01, v17;
	v26 =	vld [tilespmem:s9+$0x0];
	v44 =	vadd.f32 v44, v18;
	[tilespmem:s16+$0x50] =	vst v41;
	v16 =	vmovc v24  }
0x1cb: {  	vm9 =	vgt.f32 v17, $0.0e+00;
	v41 =	vperm.xlane v42, v0;
	v24 =	vld [tilespmem:s15+$0x0];
	v23 =	vsel vm8, v46, v19;
	(xrf2) =	vadd.scan.msk.f32 $0xffff, v28;
	v35 =	vpop (erf)  }
0x1cc: {  	s25 =	sadd.s32 $0x2, s25;
	v28 =	vsel vm9, v17, v48;
	v19 =	vld [tilespmem:s9+$0xFFFFFFB0];
	v42 =	vmul.f32 $2.000000030e-01, v44;
	v23 =	vmul.f32 v23, v5;
	[tilespmem:s16+$0x60] =	vst v43;
	v17 =	vmovc v20  }
0x1cd: {  	p0 =	slt.u32 s25, $0x26;
	vm8 =	vgt.f32 v44, $0.0e+00;
	v20 =	vmovc v25;
	v43 =	vmul.f32 v28, v2;
	v46 =	vadd.f32 v21, v22;
	v28 =	vld [tilespmem:s9+$0x30];
	v21 =	vmovc v27  }
0x1ce: {  	v25 =	vadd.f32 v39, v17;
	v27 =	vsel vm8, v44, v42;
	v39 =	vld [tilespmem:s15+$0x30];
	(xrf2) =	vadd.scan.msk.f32 $0xffff, v23;
	v42 =	vperm.xlane v47, v0  }
0x1cf: {  	v40 =	vsel vm2, v40, v31;
	v44 =	vld [tilespmem:s15+$0xFFFFFFB0];
	v52 =	vmul.f32 $2.000000030e-01, v46;
	v27 =	vmul.f32 v27, v3;
	v48, _, _ =	vpop (xrf2)  }
0x1d0: {  	vm8 =	vgt.f32 v46, $0.0e+00;
	v49 =	vmul.f32 $2.000000030e-01, v25;
	v23 =	vld [tilespmem:s9+$0xFFFFFFC0];
	v50 =	vadd.f32 v24, v26  }
0x1d1: {  	v45 =	vmul.f32 $1.442695020e+00, v45;
	vm9 =	vgt.f32 v25, $0.0e+00;
	v51 =	vld [tilespmem:s15+$0xFFFFFFC0];
	v46 =	vsel vm8, v46, v52;
	(xrf2) =	vadd.scan.msk.f32 $0xffff, v27  }
0x1d2: {  	v25 =	vsel vm9, v25, v49;
	v24 =	vld [tilespmem:s9+$0xFFFFFFD0];
	v27 =	vmul.f32 $2.000000030e-01, v50;
	v46 =	vmul.f32 v46, v2;
	v47, _, _ =	vpop (xrf2)  }
0x1d3: {  	vm8 =	vgt.f32 v50, $0.0e+00;
	v49 =	vmul.f32 v25, v3;
	v52 =	vld [tilespmem:s15+$0xFFFFFFD0];
	v39 =	vadd.f32 v39, v28  }
0x1d4: {  	v44 =	vadd.f32 v44, v19;
	v25 =	vld [tilespmem:s9+$0xFFFFFFE0];
	v27 =	vsel vm8, v50, v27;
	(xrf2) =	vadd.scan.msk.f32 $0xffff, v46;
	(erf) = vpow2.f32 v38  }
0x1d5: {  	v40 =	vsel vm3, v40, v35;
	v38 =	vld [tilespmem:s15+$0xFFFFFFE0];
	v46 =	vmul.f32 v27, v1;
	v50 =	vmul.f32 $2.000000030e-01, v39;
	v53, _, _ =	vpop (xrf2)  }
0x1d6: {  	vm8 =	vgt.f32 v39, $0.0e+00;
	v54 =	vmul.f32 $2.000000030e-01, v44;
	v51 =	vadd.f32 v51, v23;
	v27 =	vld [tilespmem:s9+$0xFFFFFFF0]  }
0x1d7: {  	vm9 =	vgt.f32 v44, $0.0e+00;
	v55 =	vld [tilespmem:s15+$0xFFFFFFF0];
	v39 =	vsel vm8, v39, v50;
	(xrf2) =	vadd.scan.msk.f32 $0xffff, v46;
	v46 =	vmul.f32 $1.442695020e+00, v41  }
0x1d8: {  	v41 =	vmul.f32 $2.000000030e-01, v51;
	v50 =	vadd.f32 v52, v24;
	v39 =	vmul.f32 v39, v4;
	v52, _, _ =	vpop (xrf2)  }
0x1d9: {  	v42 =	vmul.f32 $1.442695020e+00, v42;
	v44 =	vsel vm9, v44, v54;
	vm8 =	vgt.f32 v51, $0.0e+00  }
0x1da: {  	v44 =	vmul.f32 v44, v4;
	v54 =	vmul.f32 $2.000000030e-01, v50;
	v38 =	vadd.f32 v38, v25;
	(xrf2) =	vadd.scan.msk.f32 $0xffff, v39  }
0x1db: {  	v56 =	vmul.f32 v36, v10;
	v41 =	vsel vm8, v51, v41;
	vm8 =	vgt.f32 v50, $0.0e+00;
	v51, _, _ =	vpop (xrf2)  }
0x1dc: {  	v10 =	vmovc v34;
	v57 =	vmul.f32 v41, v5;
	v36 =	vmul.f32 $2.000000030e-01, v38;
	v55 =	vadd.f32 v55, v27  }
0x1dd: {  	v34 =	vsel vm8, v50, v54;
	vm8 =	vgt.f32 v38, $0.0e+00;
	(xrf2) =	vadd.scan.msk.f32 $0xffff, v37;
	v39 =	vpop (erf);
	(erf) = vpow2.f32 v45  }
0x1de: {  	v41 =	vmul.f32 v34, v6;
	vm9 =	vgt.f32 v55, $0.0e+00;
	v34 =	vmul.f32 $2.000000030e-01, v55;
	v37, _, _ =	vpop (xrf2)  }
0x1df: {  	v36 =	vsel vm8, v38, v36;
	v38 =	vsel vm4, v40, v39;
	(erf) = vpow2.f32 v46  }
0x1e0: {  	v36 =	vmul.f32 v36, v7;
	v34 =	vsel vm9, v55, v34;
	(xrf2) =	vadd.scan.msk.f32 $0xffff, v43;
	(erf) = vpow2.f32 v42  }
0x1e1: {  	v42 =	vperm.xlane v48, v0;
	v43 =	vperm.xlane v47, v0;
	v40, _, _ =	vpop (xrf2)  }
0x1e2: {  	v45 =	vperm.xlane v53, v0;
	v40 =	vperm.xlane v40, v0  }
0x1e3: {  	v37 =	vperm.xlane v37, v0;
	v46 =	vperm.xlane v52, v0;
	(xrf2) =	vadd.scan.msk.f32 $0xffff, v49  }
0x1e4: {  	v47 =	vperm.xlane v51, v0;
	v50 =	vmul.f32 $1.442695020e+00, v40;
	v48, _, _ =	vpop (xrf2)  }
0x1e5: {  	v37 =	vmul.f32 $1.442695020e+00, v37;
	v48 =	vperm.xlane v48, v0  }
0x1e6: {  	v47 =	vmul.f32 $1.442695020e+00, v47;
	(erf) = vpow2.f32 v50;
	v40 =	vpop (erf)  }
0x1e7: {  	v48 =	vmul.f32 $1.442695020e+00, v48;
	v49, _, _ =	vpop (xrf2);
	(erf) = vpow2.f32 v37;
	v50 =	vsel vm5, v38, v40  }
0x1e8: {  	v46 =	vmul.f32 $1.442695020e+00, v46;
	(erf) = vpow2.f32 v47;
	v38 =	vpop (erf)  }
0x1e9: {  	v45 =	vmul.f32 $1.442695020e+00, v45;
	(erf) = vpow2.f32 v48;
	v47 =	vsel vm6, v50, v38;
	v37 =	vpop (erf)  }
0x1ea: {  	v48 =	vmul.f32 $1.442695020e+00, v42;
	v50, _, _ =	vpop (xrf2);
	(erf) = vpow2.f32 v46;
	v42 =	vsel vm7, v47, v37  }
0x1eb: {  	v43 =	vmul.f32 $1.442695020e+00, v43;
	(erf) = vpow2.f32 v45;
	[tilespmem:s19+$0xFFFFFFF0] =	vst v42  }
0x1ec: {  	v42 =	vmul.f32 v34, v8;
	(erf) = vpow2.f32 v48;
	[tilespmem:s16+$0xFFFFFF80] =	vst v56  }
.Ltmp1:
0x1ed: {  	v47 =	vperm.xlane v49, v0;
	v45, _, _ =	vpop (xrf2);
	(xrf2) =	vadd.scan.msk.f32 $0xffff, v44;
	(erf) = vpow2.f32 v43;
	(pc) =	sbr.rel @p0 .LBB2_4-.Ltmp1, $4  }
0x1ee: {  	v49 =	vperm.xlane v50, v0;
	v44 =	vperm.xlane v45, v0  }
0x1ef: {  	v46 =	vmul.f32 $1.442695020e+00, v47;
	v48 =	vmul.f32 v30, v12;
	v12 =	vmov v29;
	v34 =	vpop (erf)  }
0x1f0: {  	v45 =	vmul.f32 $1.442695020e+00, v49;
	v44 =	vmul.f32 $1.442695020e+00, v44;
	v29 =	vnsel vm0, $0x0, v34;
	(xrf2) =	vadd.scan.msk.f32 $0xffff, v57;
	v30 =	vpop (erf)  }
0x1f1: {  	v32 =	vmul.f32 v31, v32;
	s9 =	sadd.s32 $0x100, s9;
	v47 =	vsel vm1, v29, v30;
	v43 =	vpop (erf);
	[tilespmem:s16+$0xFFFFFF90] =	vst v48;
	v29 =	vmul.f32 v35, v33  }
0x1f2: {  	(xrf2) =	vadd.scan.msk.f32 $0xffff, v41  }
0x1f3: {  	(xrf2) =	vadd.scan.msk.f32 $0xffff, v36  }
0x1f4: {  	(xrf2) =	vadd.scan.msk.f32 $0xffff, v42  }
0x1f5: {  	v33 =	vpop (erf)  }
0x1f6: {  	v35 =	vpop (erf)  }
0x1f7: {  	v36 =	vpop (erf)  }
0x1f8: {  	(erf) = vpow2.f32 v46;
	v31, _, _ =	vpop (xrf2)  }
0x1f9: {  	v15 =	vmul.f32 v39, v15;
	v41 =	vpop (erf);
	v31 =	vperm.xlane v31, v0  }
0x1fa: {  	v16 =	vmul.f32 v40, v16;
	v20 =	vmul.f32 v38, v20;
	v55 =	vpop (erf)  }
0x1fb: {  	(erf) = vpow2.f32 v45;
	v31 =	vmul.f32 $1.442695020e+00, v31;
	v56, _, _ =	vpop (xrf2)  }
0x1fc: {  	(erf) = vpow2.f32 v44;
	v42 =	vperm.xlane v56, v0;
	v58, _, _ =	vpop (xrf2)  }
0x1fd: {  	(erf) = vpow2.f32 v31;
	v59 =	vperm.xlane v58, v0;
	v60, _, _ =	vpop (xrf2)  }
0x1fe: {  	v42 =	vmul.f32 $1.442695020e+00, v42;
	v61, _, _ =	vpop (xrf2);
	v45 =	vperm.xlane v60, v0  }
0x1ff: {  	v57 =	vsel vm2, v47, v43;
	[tilespmem:s16+$0xFFFFFFA0] =	vst v32;
	v63 =	vperm.xlane v61, v0;
	v31 =	vmul.f32 $1.442695020e+00, v59  }
0x200: {  	[tilespmem:s16+$0xFFFFFFB0] =	vst v29;
	v44 =	vsel vm3, v57, v33;
	(erf) = vpow2.f32 v42;
	v49 =	vmul.f32 $1.442695020e+00, v45  }
0x201: {  	[tilespmem:s16+$0xFFFFFFC0] =	vst v15;
	v44 =	vsel vm4, v44, v35;
	v50 =	vmul.f32 $1.442695020e+00, v63;
	(erf) = vpow2.f32 v31  }
0x202: {  	v51 =	vmul.f32 v37, v21;
	[tilespmem:s20+$0xFFFFFFD0] =	vst v16;
	v62 =	vsel vm5, v44, v36;
	(erf) = vpow2.f32 v49  }
0x203: {  	[tilespmem:s20+$0xFFFFFFE0] =	vst v20;
	v48 =	vsel vm6, v62, v41;
	(erf) = vpow2.f32 v50  }
0x204: {  	s9 =	sadd.s32 $0x20, s19;
	[tilespmem:s20+$0xFFFFFFF0] =	vst v51;
	v14 =	vmul.f32 v55, v14;
	v29 =	vsel vm7, v48, v55  }
0x205: {  	s12 =	sadd.s32 $0x100, s16;
	v53 =	vmul.f32 v34, v26;
	[tilespmem:s9+$0x0] =	vst v29;
	v52 =	vpop (erf)  }
0x206: {  	v55 =	vmul.f32 v30, v22;
	[tilespmem:s12+$0x70] =	vst v14;
	v54 =	vpop (erf);
	v56 =	vnsel vm0, $0x0, v52  }
0x207: {  	v18 =	vmul.f32 v43, v18;
	[tilespmem:s12+$0x0] =	vst v53;
	v14 =	vsel vm1, v56, v54;
	v57 =	vpop (erf)  }
0x208: {  	v11 =	vmul.f32 v35, v11;
	[tilespmem:s12+$0x10] =	vst v55;
	v14 =	vsel vm2, v14, v57;
	v59 =	vpop (erf)  }
0x209: {  	v13 =	vmul.f32 v36, v13;
	[tilespmem:s12+$0x20] =	vst v18;
	v14 =	vsel vm3, v14, v59;
	v60 =	vpop (erf)  }
0x20a: {  	v9 =	vmul.f32 v41, v9;
	[tilespmem:s12+$0x40] =	vst v11;
	v14 =	vsel vm4, v14, v60;
	v61 =	vpop (erf)  }
0x20b: {  	[tilespmem:s12+$0x50] =	vst v13;
	v58 =	vmul.f32 v33, v28;
	v11 =	vsel vm5, v14, v61;
	v62 =	vpop (erf)  }
0x20c: {  	[tilespmem:s12+$0x60] =	vst v9;
	v11 =	vsel vm6, v11, v62;
	v63 =	vpop (erf)  }
0x20d: {  	v9 =	vmul.f32 v52, v10;
	[tilespmem:s12+$0x30] =	vst v58;
	v10 =	vsel vm7, v11, v63  }
0x20e: {  	v11 =	vmul.f32 v60, v23;
	[tilespmem:s9+$0xFFFFFFF0] =	vst v10  }
0x20f: {  	v10 =	vmul.f32 v54, v12;
	[tilespmem:s12+$0xFFFFFF80] =	vst v9  }
0x210: {  	v9 =	vmul.f32 v57, v17;
	[tilespmem:s12+$0xFFFFFFC0] =	vst v11  }
0x211: {  	v11 =	vmul.f32 v63, v27;
	[tilespmem:s12+$0xFFFFFF90] =	vst v10  }
0x212: {  	v10 =	vmul.f32 v59, v19;
	[tilespmem:s12+$0xFFFFFFA0] =	vst v9  }
0x213: {  	v9 =	vmul.f32 v61, v24;
	[tilespmem:s12+$0xFFFFFFF0] =	vst v11  }
0x214: {  	[tilespmem:s12+$0xFFFFFFB0] =	vst v10;
	v10 =	vmul.f32 v62, v25  }
0x215: {  	[tilespmem:s12+$0xFFFFFFD0] =	vst v9  }
0x216: {  	[tilespmem:s12+$0xFFFFFFE0] =	vst v10  }
0x217: {  	_ =	swait.ge [sflag:s30], $0x28  }
0x218: {  	[sflag:s30] =	ssyncset.done $0x0  }
0x219: {  	s25 =	simm.s32 $0x64F0;
	[sflag:s30] =	ssyncadd.s32 $0xFFFFFFD8  }
0x21a: {  	[spmem:s2] =	stream.indirect.scatter.add.f32 [tilespmem:s25], [sflag:$0x6], $0x80, s29, s0, $0xb8;
	[tilespmem:$0x1E670] =	vst v63  }
0x21b: {  	s26 =	simm.s32 $0x7B70;
	s15 =	simm.s32 $0x1  }
0x21c: {  	[spmem:s3] =	stream.indirect.scatter.add.f32 [tilespmem:s26], [sflag:$0x6], $0x10, s29, s0, $0xb8;
	[tilespmem:$0x1E670] =	vst v63  }
.LBB2_6:
0x21d: {  	_ =	swait.ge [sflag:s18], $0x28  }
0x21e: {  	[sflag:s18] =	ssyncset.done $0x0  }
0x21f: {  	[sflag:s18] =	ssyncadd.s32 $0xFFFFFFD8  }
0x220: {  	_ =	swait.ge [sflag:s18], $0x28  }
0x221: {  	[sflag:s18] =	ssyncset.done $0x0  }
0x222: {  	s9 =	simm.s32 $0x14F0;
	[sflag:s18] =	ssyncadd.s32 $0xFFFFFFD8  }
0x223: {  	[tilespmem:s9], [sflag:$0x4] =	stream.indirect.gather [hbm4b:s1+s0], $0x80, s0, s0, $0xb8;
	[tilespmem:$0x1E670] =	vst v63  }
0x224: {  	s16 =	simm.s32 $0x3CF0  }
0x225: {  	[tilespmem:s16], [sflag:$0x4] =	stream.indirect.gather [hbm4b:s6+s0], $0x80, s4, s0, $0xb8;
	[tilespmem:$0x1E670] =	vst v63  }
0x226: {  	_ =	swait.ge [sflag:s14], $0x1400  }
0x227: {  	s16 =	smul.u32 $0x50, s15;
	[sflag:s14] =	ssyncset.done $0x0  }
0x228: {  	[sflag:s14] =	ssyncadd.s32 $0xFFFFEC00  }
0x229: {  	s19 =	sadd.s32 s10, s16;
	_ =	swait.ge [sflag:s14], $0x280  }
0x22a: {  	s9 =	sshrl.u32 s19, $0x3;
	[sflag:s14] =	ssyncset.done $0x0  }
0x22b: {  	s9 =	sadd.s32 s7, s9;
	[sflag:s14] =	ssyncadd.s32 $0xFFFFFD80  }
0x22c: {  	[tilespmem:s23], [sflag:$0x7] =	stream.linear.gather [hbm4b:s9+s5], $0x28, $0x38;
	[tilespmem:$0x1E670] =	vst v63  }
0x22d: {  	_ =	swait.ge [sflag:s22], $0x1400  }
0x22e: {  	[sflag:s22] =	ssyncset.done $0x0  }
0x22f: {  	[sflag:s22] =	ssyncadd.s32 $0xFFFFEC00  }
0x230: {  	s20 =	sadd.s32 s16, s17;
	_ =	swait.ge [sflag:s22], $0x1400  }
0x231: {  	s9 =	sshrl.u32 s20, $0x3;
	[sflag:s22] =	ssyncset.done $0x0  }
0x232: {  	s9 =	sadd.s32 s7, s9;
	[sflag:s22] =	ssyncadd.s32 $0xFFFFEC00  }
0x233: {  	[tilespmem:s5], [sflag:$0x1] =	stream.linear.gather [hbm4b:s9+s5], $0x28, $0x38;
	[tilespmem:$0x1E670] =	vst v63  }
0x234: {  	s12 =	simm.s32 $0x170;
	s9 =	sadd.s32 $0x9C40, s9  }
0x235: {  	[tilespmem:s31], [sflag:$0x1] =	stream.linear.gather [hbm4b:s9+s5], $0x28, $0x38;
	[tilespmem:$0x1E670] =	vst v63  }
0x236: {  	s25 =	simm.s32 $0x2970;
	v12 =	vld [tilespmem:s12+$0x60]  }
0x237: {  	v9 =	vld [tilespmem:s25+$0x60]  }
0x238: {  	v19 =	vld [tilespmem:s12+$0x70]  }
0x239: {  	v10 =	vld [tilespmem:s25+$0x70]  }
0x23a: {  	v17 =	vld [tilespmem:s12+$0x50]  }
0x23b: {  	v11 =	vld [tilespmem:s25+$0x50]  }
0x23c: {  	v22 =	vld [tilespmem:s12+$0x40]  }
0x23d: {  	v13 =	vld [tilespmem:s25+$0x40]  }
0x23e: {  	v18 =	vld [tilespmem:s12+$0x20]  }
0x23f: {  	v14 =	vld [tilespmem:s25+$0x20]  }
0x240: {  	v23 =	vld [tilespmem:s12+$0x10]  }
0x241: {  	v20 =	vld [tilespmem:s25+$0x10];
	v9 =	vadd.f32 v9, v12;
	_ =	sdelay $0x1  }
0x242: {  	v10 =	vadd.f32 v10, v19;
	v15 =	vmul.f32 $2.000000030e-01, v9  }
0x243: {  	v25 =	vld [tilespmem:s25+$0x0];
	v16 =	vadd.f32 v11, v17;
	v13 =	vadd.f32 v13, v22;
	vm8 =	vgt.f32 v9, $0.0e+00  }
0x244: {  	v11 =	vld [tilespmem:s12+$0x0];
	v14 =	vadd.f32 v14, v18;
	v9 =	vsel vm8, v9, v15;
	v15 =	vmul.f32 $2.000000030e-01, v10  }
0x245: {  	v24 =	vld [tilespmem:s12+$0x30];
	v20 =	vadd.f32 v20, v23;
	v21 =	vmul.f32 $2.000000030e-01, v16;
	vm8 =	vgt.f32 v10, $0.0e+00  }
0x246: {  	v26 =	vld [tilespmem:s25+$0xFFFFFF80];
	v27 =	vmul.f32 $2.000000030e-01, v14;
	v10 =	vsel vm8, v10, v15;
	vm8 =	vgt.f32 v16, $0.0e+00  }
0x247: {  	v9 =	vmul.f32 v9, v7;
	v15 =	vsel vm8, v16, v21;
	v16 =	vmul.f32 $2.000000030e-01, v13;
	v21 =	vld [tilespmem:s25+$0x30]  }
0x248: {  	v32 =	vld [tilespmem:s12+$0xFFFFFF80];
	v10 =	vmul.f32 v10, v8;
	vm8 =	vgt.f32 v13, $0.0e+00;
	v15 =	vmul.f32 v15, v6  }
0x249: {  	v30 =	vld [tilespmem:s12+$0xFFFFFF90];
	v13 =	vsel vm8, v13, v16;
	vm8 =	vgt.f32 v14, $0.0e+00;
	v16 =	vadd.f32 v25, v11  }
0x24a: {  	v29 =	vld [tilespmem:s12+$0xFFFFFFA0];
	(xrf2) =	vadd.scan.msk.f32 $0xffff, v9;
	v9 =	vmul.f32 v13, v5;
	v13 =	vsel vm8, v14, v27;
	v14 =	vmul.f32 $2.000000030e-01, v20  }
0x24b: {  	v31 =	vld [tilespmem:s12+$0xFFFFFFB0];
	(xrf2) =	vadd.scan.msk.f32 $0xffff, v10;
	vm8 =	vgt.f32 v20, $0.0e+00;
	v10 =	vmul.f32 v13, v3;
	v13 =	vmul.f32 $2.000000030e-01, v16  }
0x24c: {  	v25 =	vld [tilespmem:s25+$0xFFFFFF90];
	(xrf2) =	vadd.scan.msk.f32 $0xffff, v15;
	v14 =	vsel vm8, v20, v14;
	vm8 =	vgt.f32 v16, $0.0e+00;
	v15 =	vadd.f32 v21, v24  }
0x24d: {  	v20 =	vld [tilespmem:s25+$0xFFFFFFA0];
	(xrf2) =	vadd.scan.msk.f32 $0xffff, v9;
	v9 =	vmul.f32 v14, v2;
	v13 =	vsel vm8, v16, v13  }
0x24e: {  	(xrf2) =	vadd.scan.msk.f32 $0xffff, v10;
	v14 =	vld [tilespmem:s25+$0xFFFFFFB0];
	v10 =	vmul.f32 v13, v1;
	v13 =	vmul.f32 $2.000000030e-01, v15  }
0x24f: {  	vm8 =	vgt.f32 v15, $0.0e+00;
	(xrf2) =	vadd.scan.msk.f32 $0xffff, v9;
	v9 =	vadd.f32 v26, v32  }
0x250: {  	v13 =	vsel vm8, v15, v13  }
0x251: {  	(xrf2) =	vadd.scan.msk.f32 $0xffff, v10;
	v10 =	vmul.f32 v13, v4;
	v13 =	vmul.f32 $2.000000030e-01, v9  }
0x252: {  	v21 =	vld [tilespmem:s25+$0xFFFFFFC0];
	v16 =	vadd.f32 v25, v30  }
0x253: {  	v15 =	vld [tilespmem:s12+$0xFFFFFFC0];
	vm8 =	vgt.f32 v9, $0.0e+00;
	v20 =	vadd.f32 v20, v29;
	v14 =	vadd.f32 v14, v31  }
0x254: {  	(xrf2) =	vadd.scan.msk.f32 $0xffff, v10;
	v9 =	vsel vm8, v9, v13;
	v10 =	vmul.f32 $2.000000030e-01, v16  }
0x255: {  	vm8 =	vgt.f32 v16, $0.0e+00;
	v25 =	vmul.f32 $2.000000030e-01, v20;
	v27 =	vmul.f32 $2.000000030e-01, v14;
	v13, _, _ =	vpop (xrf2)  }
0x256: {  	v10 =	vsel vm8, v16, v10;
	vm8 =	vgt.f32 v20, $0.0e+00;
	v26, _, _ =	vpop (xrf2)  }
0x257: {  	v9 =	vmul.f32 v9, v1;
	v20 =	vsel vm8, v20, v25;
	v16, _, _ =	vpop (xrf2)  }
0x258: {  	v25 =	vadd.f32 v21, v15;
	vm8 =	vgt.f32 v14, $0.0e+00;
	v10 =	vmul.f32 v10, v2;
	v21, _, _ =	vpop (xrf2)  }
0x259: {  	v13 =	vperm.xlane v13, v0;
	v20 =	vmul.f32 v20, v3;
	v14 =	vsel vm8, v14, v27;
	v27, _, _ =	vpop (xrf2)  }
0x25a: {  	v26 =	vperm.xlane v26, v0;
	v28 =	vmul.f32 $2.000000030e-01, v25;
	v33, _, _ =	vpop (xrf2)  }
0x25b: {  	v14 =	vmul.f32 v14, v4;
	v51 =	vperm.xlane v16, v0;
	(xrf2) =	vadd.scan.msk.f32 $0xffff, v9;
	v34, _, _ =	vpop (xrf2)  }
0x25c: {  	v13 =	vmul.f32 $1.442695020e+00, v13;
	v9 =	vperm.xlane v34, v0  }
0x25d: {  	v16 =	vld [tilespmem:s12+$0xFFFFFFD0];
	v52 =	vperm.xlane v21, v0;
	(xrf2) =	vadd.scan.msk.f32 $0xffff, v10;
	v10 =	vperm.xlane v33, v0  }
0x25e: {  	v21 =	vperm.xlane v27, v0;
	v27 =	vld [tilespmem:s25+$0xFFFFFFD0];
	(xrf2) =	vadd.scan.msk.f32 $0xffff, v20;
	v20, _, _ =	vpop (xrf2);
	v9 =	vmul.f32 $1.442695020e+00, v9  }
0x25f: {  	v53 =	vld [tilespmem:s25+$0xFFFFFFF0];
	v10 =	vmul.f32 $1.442695020e+00, v10;
	v35 =	vperm.xlane v20, v0  }
0x260: {  	v36 =	vmul.f32 $1.442695020e+00, v21;
	v20 =	vld [tilespmem:s12+$0xFFFFFFE0];
	(erf) = vpow2.f32 v9  }
0x261: {  	v9 =	vld [tilespmem:s25+$0xFFFFFFE0];
	v35 =	vmul.f32 $1.442695020e+00, v35;
	(erf) = vpow2.f32 v10  }
0x262: {  	v21 =	vld [tilespmem:s12+$0xFFFFFFF0];
	v10 =	vmul.f32 $1.442695020e+00, v52;
	(erf) = vpow2.f32 v36  }
0x263: {  	v34 =	vmul.f32 $1.442695020e+00, v51;
	v27 =	vadd.f32 v27, v16;
	(erf) = vpow2.f32 v35  }
0x264: {  	(erf) = vpow2.f32 v10;
	v10 =	vmul.f32 $1.442695020e+00, v26  }
0x265: {  	vm8 =	vgt.f32 v25, $0.0e+00;
	v55, _, _ =	vpop (xrf2);
	v26 =	vmul.f32 $2.000000030e-01, v27;
	(erf) = vpow2.f32 v34  }
0x266: {  	s19 =	simm.s32 $0x2A70;
	(xrf2) =	vadd.scan.msk.f32 $0xffff, v14;
	v57 =	vperm.xlane v55, v0;
	v54 =	vadd.f32 v9, v20;
	(erf) = vpow2.f32 v13  }
0x267: {  	v44 =	vld [tilespmem:s19+$0xFFFFFF80];
	v13 =	vsel vm8, v25, v28;
	vm8 =	vgt.f32 v27, $0.0e+00;
	v28 =	vadd.f32 v53, v21  }
0x268: {  	s26 =	simm.s32 $0x270;
	v46 =	vld [tilespmem:s19+$0x70];
	v25, _, _ =	vpop (xrf2);
	(erf) = vpow2.f32 v10;
	v10 =	vmul.f32 $2.000000030e-01, v54;
	v14 =	vsel vm8, v27, v26  }
0x269: {  	v9 =	vld [tilespmem:s26+$0x60];
	v41 =	vmul.f32 v13, v5;
	vm8 =	vgt.f32 v54, $0.0e+00;
	v25 =	vperm.xlane v25, v0  }
0x26a: {  	v27 =	vld [tilespmem:s19+$0x60];
	v26, _, _ =	vpop (xrf2);
	v43 =	vmul.f32 v14, v6;
	v13 =	vmul.f32 $2.000000030e-01, v28;
	v10 =	vsel vm8, v54, v10  }
0x26b: {  	v14 =	vld [tilespmem:s26+$0x70];
	v56 =	vpop (erf);
	vm8 =	vgt.f32 v28, $0.0e+00;
	v26 =	vperm.xlane v26, v0;
	v25 =	vmul.f32 $1.442695020e+00, v25  }
0x26c: {  	v58 =	vpop (erf);
	v45 =	vmul.f32 v10, v7;
	v13 =	vsel vm8, v28, v13;
	v28 =	vmul.f32 $1.442695020e+00, v57;
	v10 =	vld [tilespmem:s26+$0xFFFFFF80]  }
0x26d: {  	v39 =	vmul.f32 v56, v11;
	v11 =	vld [tilespmem:s26+$0x40];
	v37 =	vpop (erf);
	v48 =	vmul.f32 v13, v8  }
0x26e: {  	(xrf2) =	vadd.scan.msk.f32 $0xffff, v41;
	v57 =	vld [tilespmem:s19+$0x10];
	v26 =	vmul.f32 $1.442695020e+00, v26;
	v40 =	vmul.f32 v58, v23;
	v47 =	vpop (erf)  }
0x26f: {  	v13 =	vld [tilespmem:s26+$0x50];
	(erf) = vpow2.f32 v28;
	v38 =	vmul.f32 v37, v18;
	v49 =	vpop (erf)  }
0x270: {  	v59 =	vnsel vm0, $0x0, v56;
	v23 =	vld [tilespmem:s19+$0x40];
	(erf) = vpow2.f32 v25;
	v35 =	vmul.f32 v47, v24;
	v24, _, _ =	vpop (xrf2)  }
0x271: {  	v60 =	vsel vm1, v59, v58;
	v28 =	vld [tilespmem:s19+$0x50];
	v50 =	vpop (erf);
	(erf) = vpow2.f32 v26;
	v24 =	vperm.xlane v24, v0  }
0x272: {  	v26 =	vsel vm2, v60, v37;
	v37 =	vmul.f32 v49, v22;
	v22 =	vld [tilespmem:s26+$0x10];
	v25 =	vpop (erf);
	v34 =	vmul.f32 v50, v17  }
0x273: {  	v17 =	vadd.f32 v46, v14;
	v61 =	vsel vm3, v26, v47;
	v58 =	vadd.f32 v44, v10;
	v36 =	vpop (erf)  }
0x274: {  	v18 =	vld [tilespmem:s26+$0x20];
	v33 =	vmul.f32 v25, v12;
	v42 =	vmul.f32 v36, v19;
	v19 =	vadd.f32 v27, v9  }
0x275: {  	v23 =	vadd.f32 v23, v11;
	v24 =	vmul.f32 $1.442695020e+00, v24;
	v27 =	vld [tilespmem:s19+$0x20];
	v51 =	vmul.f32 $2.000000030e-01, v17  }
0x276: {  	v28 =	vadd.f32 v28, v13;
	v60 =	vmul.f32 $2.000000030e-01, v58;
	v12 =	vmul.f32 $2.000000030e-01, v19  }
0x277: {  	v26 =	vld [tilespmem:s26+$0x0];
	(erf) = vpow2.f32 v24;
	vm8 =	vgt.f32 v19, $0.0e+00;
	v54 =	vadd.f32 v57, v22  }
0x278: {  	v62 =	vmul.f32 $2.000000030e-01, v28;
	v59, _, _ =	vpop (xrf2);
	v12 =	vsel vm8, v19, v12;
	vm8 =	vgt.f32 v17, $0.0e+00;
	v19 =	vld [tilespmem:s19+$0x0]  }
0x279: {  	v44 =	vperm.xlane v59, v0;
	v47 =	vmul.f32 $2.000000030e-01, v54;
	v17 =	vsel vm8, v17, v51  }
0x27a: {  	(xrf2) =	vadd.scan.msk.f32 $0xffff, v43;
	v63 =	vmul.f32 v12, v7;
	vm8 =	vgt.f32 v28, $0.0e+00;
	v27 =	vadd.f32 v27, v18  }
0x27b: {  	v55 =	vld [tilespmem:s19+$0xFFFFFF90];
	(xrf2) =	vadd.scan.msk.f32 $0xffff, v45;
	v51 =	vmul.f32 v17, v8;
	v12 =	vsel vm8, v28, v62;
	v17 =	vmul.f32 $2.000000030e-01, v23  }
0x27c: {  	(xrf2) =	vadd.scan.msk.f32 $0xffff, v48;
	v57 =	vld [tilespmem:s19+$0xFFFFFFA0];
	v44 =	vmul.f32 $1.442695020e+00, v44;
	vm8 =	vgt.f32 v23, $0.0e+00;
	v28 =	vmul.f32 v12, v6  }
0x27d: {  	v12 =	vld [tilespmem:s26+$0xFFFFFF90];
	v17 =	vsel vm8, v23, v17;
	v23 =	vmul.f32 $2.000000030e-01, v27;
	v19 =	vadd.f32 v19, v26  }
0x27e: {  	(xrf2) =	vadd.scan.msk.f32 $0xffff, v63;
	(erf) = vpow2.f32 v44;
	vm8 =	vgt.f32 v27, $0.0e+00;
	v56 =	vmul.f32 v17, v5;
	v17 =	vld [tilespmem:s26+$0xFFFFFFA0]  }
0x27f: {  	(xrf2) =	vadd.scan.msk.f32 $0xffff, v51;
	v23 =	vsel vm8, v27, v23;
	vm8 =	vgt.f32 v54, $0.0e+00;
	v27 =	vmul.f32 $2.000000030e-01, v19  }
0x280: {  	(xrf2) =	vadd.scan.msk.f32 $0xffff, v28;
	v28 =	vld [tilespmem:s26+$0x30];
	v23 =	vmul.f32 v23, v3;
	v43 =	vsel vm8, v54, v47;
	vm8 =	vgt.f32 v19, $0.0e+00  }
0x281: {  	(xrf2) =	vadd.scan.msk.f32 $0xffff, v56;
	v43 =	vmul.f32 v43, v2;
	v19 =	vsel vm8, v19, v27;
	v27 =	vsel vm4, v61, v49;
	v61 =	vld [tilespmem:s19+$0x30]  }
0x282: {  	v45 =	vadd.f32 v55, v12;
	(xrf2) =	vadd.scan.msk.f32 $0xffff, v23;
	vm8 =	vgt.f32 v58, $0.0e+00;
	v23 =	vmul.f32 v19, v1  }
0x283: {  	v63 =	vld [tilespmem:s19+$0xFFFFFFB0];
	(xrf2) =	vadd.scan.msk.f32 $0xffff, v43;
	v24 =	vsel vm8, v58, v60;
	v27 =	vsel vm5, v27, v50;
	v48 =	vadd.f32 v57, v17  }
0x284: {  	vm8 =	vgt.f32 v45, $0.0e+00;
	v60 =	vld [tilespmem:s19+$0xFFFFFFC0];
	v41 =	vmul.f32 v24, v1;
	v24 =	vmul.f32 $2.000000030e-01, v45;
	v19, _, _ =	vpop (xrf2);
	(xrf2) =	vadd.scan.msk.f32 $0xffff, v23  }
0x285: {  	v52 =	vsel vm6, v27, v25;
	v25 =	vmul.f32 $2.000000030e-01, v48;
	v62 =	vperm.xlane v19, v0;
	v19 =	vld [tilespmem:s26+$0xFFFFFFB0];
	v58, _, _ =	vpop (xrf2)  }
0x286: {  	v23 =	vld [tilespmem:s26+$0xFFFFFFC0];
	v24 =	vsel vm8, v45, v24;
	v59, _, _ =	vpop (xrf2);
	v49 =	vperm.xlane v58, v0;
	v47 =	vadd.f32 v61, v28  }
0x287: {  	v55 =	vld [tilespmem:s19+$0xFFFFFFD0];
	vm8 =	vgt.f32 v48, $0.0e+00;
	v53 =	vmul.f32 v24, v2;
	v50 =	vperm.xlane v59, v0  }
0x288: {  	v24 =	vld [tilespmem:s26+$0xFFFFFFD0];
	v25 =	vsel vm8, v48, v25;
	v51, _, _ =	vpop (xrf2);
	v43 =	vmul.f32 $1.442695020e+00, v62;
	v27 =	vmul.f32 $2.000000030e-01, v47  }
0x289: {  	v48 =	vmul.f32 v25, v3;
	v54, _, _ =	vpop (xrf2);
	vm8 =	vgt.f32 v47, $0.0e+00;
	v49 =	vmul.f32 $1.442695020e+00, v49  }
0x28a: {  	v58 =	vld [tilespmem:s19+$0xFFFFFFE0];
	v56, _, _ =	vpop (xrf2);
	(erf) = vpow2.f32 v43;
	v46 =	vadd.f32 v63, v19;
	v27 =	vsel vm8, v47, v27  }
0x28b: {  	v25 =	vld [tilespmem:s26+$0xFFFFFFE0];
	v44 =	vadd.f32 v60, v23;
	v50 =	vmul.f32 $1.442695020e+00, v50;
	v47, _, _ =	vpop (xrf2);
	v45 =	vmul.f32 v27, v4  }
0x28c: {  	(erf) = vpow2.f32 v49;
	v57, _, _ =	vpop (xrf2);
	v59 =	vmul.f32 $2.000000030e-01, v46  }
0x28d: {  	v61 =	vmul.f32 $2.000000030e-01, v44;
	v55 =	vadd.f32 v55, v24;
	vm8 =	vgt.f32 v46, $0.0e+00;
	v60, _, _ =	vpop (xrf2);
	(xrf2) =	vadd.scan.msk.f32 $0xffff, v45  }
0x28e: {  	v27 =	vld [tilespmem:s26+$0xFFFFFFF0];
	(erf) = vpow2.f32 v50;
	v62, _, _ =	vpop (xrf2);
	v46 =	vsel vm8, v46, v59;
	vm8 =	vgt.f32 v44, $0.0e+00  }
0x28f: {  	v63 =	vmul.f32 $2.000000030e-01, v55;
	v59 =	vld [tilespmem:s19+$0xFFFFFFF0];
	v43 =	vperm.xlane v62, v0;
	v44 =	vsel vm8, v44, v61  }
0x290: {  	v45 =	vpop (erf);
	v46 =	vmul.f32 v46, v4;
	v61 =	vadd.f32 v58, v25;
	vm8 =	vgt.f32 v55, $0.0e+00  }
0x291: {  	v49 =	vsel vm8, v55, v63;
	v32 =	vmul.f32 v45, v32;
	v63 =	vperm.xlane v60, v0  }
0x292: {  	v43 =	vmul.f32 $1.442695020e+00, v43;
	v62 =	vmul.f32 $2.000000030e-01, v61  }
0x293: {  	(xrf2) =	vadd.scan.msk.f32 $0xffff, v41;
	vm8 =	vgt.f32 v61, $0.0e+00;
	v41 =	vmul.f32 v49, v6;
	v60 =	vmul.f32 $1.442695020e+00, v63  }
0x294: {  	(erf) = vpow2.f32 v43;
	v55 =	vadd.f32 v59, v27;
	v59 =	vmul.f32 v44, v5  }
0x295: {  	(xrf2) =	vadd.scan.msk.f32 $0xffff, v53;
	v43 =	vsel vm8, v61, v62;
	v62 =	vperm.xlane v57, v0;
	v57 =	vperm.xlane v54, v0  }
0x296: {  	(xrf2) =	vadd.scan.msk.f32 $0xffff, v48;
	v48 =	vpop (erf);
	v61 =	vsel vm7, v52, v36;
	v36 =	vmul.f32 v43, v7;
	v43 =	vperm.xlane v51, v0  }
0x297: {  	s25 =	simm.s32 $0x7900;
	(erf) = vpow2.f32 v60;
	v60 =	vperm.xlane v47, v0;
	v63, _, _ =	vpop (xrf2)  }
0x298: {  	s20 =	simm.s32 $0x5170;
	v50 =	vpop (erf);
	[tilespmem:s25+$0x0] =	vst v61;
	v44 =	vmul.f32 $2.000000030e-01, v55;
	v49 =	vperm.xlane v63, v0  }
0x299: {  	v45 =	vnsel vm0, $0x0, v45;
	v53 =	vpop (erf);
	[tilespmem:s20+$0x70] =	vst v42;
	v61 =	vmul.f32 $1.442695020e+00, v62;
	v62 =	vperm.xlane v56, v0  }
0x29a: {  	v45 =	vsel vm1, v45, v48;
	[tilespmem:s20+$0x0] =	vst v39;
	v39 =	vpop (erf);
	v54 =	vmul.f32 $1.442695020e+00, v57;
	v49 =	vmul.f32 $1.442695020e+00, v49  }
0x29b: {  	v58 =	vsel vm2, v45, v50;
	[tilespmem:s20+$0x10] =	vst v40;
	v40 =	vpop (erf);
	v45 =	vmul.f32 $1.442695020e+00, v60;
	(erf) = vpow2.f32 v61  }
0x29c: {  	v42 =	vsel vm3, v58, v53;
	[tilespmem:s20+$0x20] =	vst v38;
	v51 =	vmul.f32 $1.442695020e+00, v62;
	v38 =	vpop (erf);
	(erf) = vpow2.f32 v49  }
0x29d: {  	vm8 =	vgt.f32 v55, $0.0e+00;
	[tilespmem:s20+$0x30] =	vst v35;
	v43 =	vmul.f32 $1.442695020e+00, v43;
	v63, _, _ =	vpop (xrf2);
	(erf) = vpow2.f32 v45  }
0x29e: {  	[tilespmem:s20+$0x40] =	vst v37;
	v42 =	vsel vm4, v42, v39;
	v62 =	vmul.f32 v48, v30;
	v37 =	vpop (erf);
	(erf) = vpow2.f32 v51  }
0x29f: {  	[tilespmem:s20+$0x50] =	vst v34;
	v42 =	vsel vm5, v42, v40;
	v56, _, _ =	vpop (xrf2);
	v58 =	vperm.xlane v63, v0;
	(erf) = vpow2.f32 v43  }
0x2a0: {  	(xrf2) =	vadd.scan.msk.f32 $0xffff, v46;
	v60, _, _ =	vpop (xrf2);
	v49 =	vsel vm8, v55, v44;
	v55 =	vsel vm6, v42, v38;
	(erf) = vpow2.f32 v54  }
0x2a1: {  	[tilespmem:s20+$0x60] =	vst v33;
	v61 =	vperm.xlane v56, v0;
	v35 =	vperm.xlane v60, v0;
	v57 =	vsel vm7, v55, v37  }
0x2a2: {  	(xrf2) =	vadd.scan.msk.f32 $0xffff, v59;
	v46 =	vmul.f32 $1.442695020e+00, v58;
	v34 =	vpop (erf);
	v42 =	vmul.f32 v49, v8;
	[tilespmem:s25+$0xFFFFFFF0] =	vst v57  }
0x2a3: {  	v45 =	vmul.f32 $1.442695020e+00, v61;
	v44 =	vmul.f32 $1.442695020e+00, v35;
	v63 =	vnsel vm0, $0x0, v34;
	v30 =	vpop (erf);
	[tilespmem:s20+$0xFFFFFF80] =	vst v32  }
0x2a4: {  	s9 =	simm.s32 $0x2;
	s12 =	simm.s32 $0x370;
	s26 =	simm.s32 $0x5170;
	v47 =	vsel vm1, v63, v30;
	[tilespmem:s20+$0xFFFFFF90] =	vst v62;
	v32 =	vmul.f32 v50, v29;
	v29 =	vmul.f32 v53, v31;
	v43 =	vpop (erf)  }
.LBB2_7:
0x2a5: {  	v31 =	vld [tilespmem:s12+$0x60];
	v33 =	vsel vm2, v47, v43;
	s19 =	sadd.s32 $0x100, s19;
	(erf) = vpow2.f32 v46;
	v35 =	vpop (erf);
	v15 =	vmul.f32 v39, v15  }
0x2a6: {  	v16 =	vmul.f32 v40, v16;
	v39 =	vld [tilespmem:s19+$0x60];
	v33 =	vsel vm3, v33, v35;
	(erf) = vpow2.f32 v45;
	(xrf2) =	vadd.scan.msk.f32 $0xffff, v41;
	v41 =	vpop (erf)  }
0x2a7: {  	v20 =	vmul.f32 v38, v20;
	v21 =	vmul.f32 v37, v21;
	v40 =	vld [tilespmem:s19+$0xFFFFFF80];
	v33 =	vsel vm4, v33, v41;
	v45 =	vpop (erf);
	[tilespmem:s20+$0xFFFFFFA0] =	vst v32  }
0x2a8: {  	v26 =	vmul.f32 v34, v26;
	v32 =	vld [tilespmem:s12+$0x70];
	v33 =	vsel vm5, v33, v45;
	(erf) = vpow2.f32 v44;
	v37 =	vpop (erf);
	[tilespmem:s20+$0xFFFFFFB0] =	vst v29  }
0x2a9: {  	v22 =	vmul.f32 v30, v22;
	v38 =	vld [tilespmem:s19+$0x70];
	v29 =	vsel vm6, v33, v37;
	v33 =	vmul.f32 v43, v18;
	(xrf2) =	vadd.scan.msk.f32 $0xffff, v36;
	v18 =	vpop (erf)  }
0x2aa: {  	s25 =	sadd.s32 $0x20, s25;
	v28 =	vmul.f32 v35, v28;
	v34 =	vld [tilespmem:s12+$0xFFFFFF80];
	v29 =	vsel vm7, v29, v18;
	v36 =	vmul.f32 v18, v14;
	v18, _, _ =	vpop (xrf2);
	[tilespmem:s20+$0xFFFFFFC0] =	vst v15  }
0x2ab: {  	v35 =	vmul.f32 v41, v11;
	s20 =	sadd.s32 $0x100, s20;
	v15 =	vld [tilespmem:s12+$0x50];
	v30 =	vadd.f32 v39, v31;
	v18 =	vperm.xlane v18, v0;
	[tilespmem:s25+$0x0] =	vst v29  }
0x2ac: {  	v41 =	vmul.f32 v45, v13;
	v43 =	vmul.f32 v37, v9;
	v9 =	vmovc v31;
	v39 =	vld [tilespmem:s19+$0x50];
	[tilespmem:s20+$0x70] =	vst v36;
	(xrf2) =	vadd.scan.msk.f32 $0xffff, v42  }
0x2ad: {  	v29 =	vld [tilespmem:s12+$0xFFFFFF90];
	v13 =	vmul.f32 $2.000000030e-01, v30;
	v18 =	vmul.f32 $1.442695020e+00, v18;
	v31, _, _ =	vpop (xrf2);
	[tilespmem:s26+$0xFFFFFFD0] =	vst v16;
	v14 =	vmov v32  }
0x2ae: {  	vm8 =	vgt.f32 v30, $0.0e+00;
	v11 =	vld [tilespmem:s12+$0x40];
	v16 =	vadd.f32 v38, v14;
	v38 =	vperm.xlane v31, v0;
	v36 =	vpop (erf);
	[tilespmem:s26+$0xFFFFFFE0] =	vst v20  }
0x2af: {  	v20 =	vadd.f32 v40, v34;
	v32 =	vld [tilespmem:s19+$0x40];
	v13 =	vsel vm8, v30, v13;
	v30 =	vpop (erf);
	(erf) = vpow2.f32 v18;
	[tilespmem:s26+$0xFFFFFFF0] =	vst v21;
	s26 =	smov.u32 s20  }
0x2b0: {  	v40 =	vnsel vm0, $0x0, v36;
	v21 =	vld [tilespmem:s19+$0xFFFFFF90];
	v46 =	vmul.f32 v13, v7;
	v37 =	vmul.f32 $2.000000030e-01, v16;
	[tilespmem:s20+$0x0] =	vst v26;
	v26, _, _ =	vpop (xrf2)  }
0x2b1: {  	vm8 =	vgt.f32 v16, $0.0e+00;
	v47 =	vmul.f32 $2.000000030e-01, v20;
	v18 =	vld [tilespmem:s12+$0x20];
	v39 =	vadd.f32 v39, v15;
	[tilespmem:s20+$0x10] =	vst v22;
	v31 =	vpop (erf)  }
0x2b2: {  	vm9 =	vgt.f32 v20, $0.0e+00;
	v45 =	vperm.xlane v26, v0;
	v44 =	vld [tilespmem:s19+$0x20];
	v16 =	vsel vm8, v16, v37;
	(xrf2) =	vadd.scan.msk.f32 $0xffff, v46;
	v13 =	vmovc v15  }
0x2b3: {  	v15 =	vsel vm9, v20, v47;
	v20 =	vld [tilespmem:s12+$0xFFFFFFA0];
	v26 =	vmul.f32 $2.000000030e-01, v39;
	v16 =	vmul.f32 v16, v8;
	[tilespmem:s20+$0x20] =	vst v33;
	v42, _, _ =	vpop (xrf2)  }
0x2b4: {  	vm8 =	vgt.f32 v39, $0.0e+00;
	v37 =	vmul.f32 v15, v1;
	v22 =	vld [tilespmem:s12+$0x10];
	v46 =	vadd.f32 v32, v11;
	[tilespmem:s20+$0x30] =	vst v28;
	v32 =	vmovc v17  }
0x2b5: {  	v38 =	vmul.f32 $1.442695020e+00, v38;
	v33 =	vmovc v19;
	v17 =	vadd.f32 v21, v29;
	v21 =	vld [tilespmem:s19+$0x10];
	v49 =	vsel vm8, v39, v26;
	(xrf2) =	vadd.scan.msk.f32 $0xffff, v16  }
0x2b6: {  	v40 =	vsel vm1, v40, v30;
	v39 =	vld [tilespmem:s19+$0xFFFFFFA0];
	v19 =	vmul.f32 $2.000000030e-01, v46;
	v28 =	vmul.f32 v49, v6;
	[tilespmem:s20+$0x40] =	vst v35;
	v47, _, _ =	vpop (xrf2)  }
0x2b7: {  	vm8 =	vgt.f32 v46, $0.0e+00;
	v15 =	vmovc v23;
	v48 =	vmul.f32 $2.000000030e-01, v17;
	v26 =	vld [tilespmem:s12+$0x0];
	v44 =	vadd.f32 v44, v18;
	[tilespmem:s20+$0x50] =	vst v41;
	v16 =	vmovc v24  }
0x2b8: {  	vm9 =	vgt.f32 v17, $0.0e+00;
	v41 =	vperm.xlane v42, v0;
	v24 =	vld [tilespmem:s19+$0x0];
	v23 =	vsel vm8, v46, v19;
	(xrf2) =	vadd.scan.msk.f32 $0xffff, v28;
	v35 =	vpop (erf)  }
0x2b9: {  	s9 =	sadd.s32 $0x2, s9;
	v28 =	vsel vm9, v17, v48;
	v19 =	vld [tilespmem:s12+$0xFFFFFFB0];
	v42 =	vmul.f32 $2.000000030e-01, v44;
	v23 =	vmul.f32 v23, v5;
	[tilespmem:s20+$0x60] =	vst v43;
	v17 =	vmovc v20  }
0x2ba: {  	p0 =	slt.u32 s9, $0x26;
	vm8 =	vgt.f32 v44, $0.0e+00;
	v20 =	vmovc v25;
	v43 =	vmul.f32 v28, v2;
	v46 =	vadd.f32 v21, v22;
	v28 =	vld [tilespmem:s12+$0x30];
	v21 =	vmovc v27  }
0x2bb: {  	v25 =	vadd.f32 v39, v17;
	v27 =	vsel vm8, v44, v42;
	v39 =	vld [tilespmem:s19+$0x30];
	(xrf2) =	vadd.scan.msk.f32 $0xffff, v23;
	v42 =	vperm.xlane v47, v0  }
0x2bc: {  	v40 =	vsel vm2, v40, v31;
	v44 =	vld [tilespmem:s19+$0xFFFFFFB0];
	v52 =	vmul.f32 $2.000000030e-01, v46;
	v27 =	vmul.f32 v27, v3;
	v48, _, _ =	vpop (xrf2)  }
0x2bd: {  	vm8 =	vgt.f32 v46, $0.0e+00;
	v49 =	vmul.f32 $2.000000030e-01, v25;
	v23 =	vld [tilespmem:s12+$0xFFFFFFC0];
	v50 =	vadd.f32 v24, v26  }
0x2be: {  	v45 =	vmul.f32 $1.442695020e+00, v45;
	vm9 =	vgt.f32 v25, $0.0e+00;
	v51 =	vld [tilespmem:s19+$0xFFFFFFC0];
	v46 =	vsel vm8, v46, v52;
	(xrf2) =	vadd.scan.msk.f32 $0xffff, v27  }
0x2bf: {  	v25 =	vsel vm9, v25, v49;
	v24 =	vld [tilespmem:s12+$0xFFFFFFD0];
	v27 =	vmul.f32 $2.000000030e-01, v50;
	v46 =	vmul.f32 v46, v2;
	v47, _, _ =	vpop (xrf2)  }
0x2c0: {  	vm8 =	vgt.f32 v50, $0.0e+00;
	v49 =	vmul.f32 v25, v3;
	v52 =	vld [tilespmem:s19+$0xFFFFFFD0];
	v39 =	vadd.f32 v39, v28  }
0x2c1: {  	v44 =	vadd.f32 v44, v19;
	v25 =	vld [tilespmem:s12+$0xFFFFFFE0];
	v27 =	vsel vm8, v50, v27;
	(xrf2) =	vadd.scan.msk.f32 $0xffff, v46;
	(erf) = vpow2.f32 v38  }
0x2c2: {  	v40 =	vsel vm3, v40, v35;
	v38 =	vld [tilespmem:s19+$0xFFFFFFE0];
	v46 =	vmul.f32 v27, v1;
	v50 =	vmul.f32 $2.000000030e-01, v39;
	v53, _, _ =	vpop (xrf2)  }
0x2c3: {  	vm8 =	vgt.f32 v39, $0.0e+00;
	v54 =	vmul.f32 $2.000000030e-01, v44;
	v51 =	vadd.f32 v51, v23;
	v27 =	vld [tilespmem:s12+$0xFFFFFFF0]  }
0x2c4: {  	vm9 =	vgt.f32 v44, $0.0e+00;
	v55 =	vld [tilespmem:s19+$0xFFFFFFF0];
	v39 =	vsel vm8, v39, v50;
	(xrf2) =	vadd.scan.msk.f32 $0xffff, v46;
	v46 =	vmul.f32 $1.442695020e+00, v41  }
0x2c5: {  	v41 =	vmul.f32 $2.000000030e-01, v51;
	v50 =	vadd.f32 v52, v24;
	v39 =	vmul.f32 v39, v4;
	v52, _, _ =	vpop (xrf2)  }
0x2c6: {  	v42 =	vmul.f32 $1.442695020e+00, v42;
	v44 =	vsel vm9, v44, v54;
	vm8 =	vgt.f32 v51, $0.0e+00  }
0x2c7: {  	v44 =	vmul.f32 v44, v4;
	v54 =	vmul.f32 $2.000000030e-01, v50;
	v38 =	vadd.f32 v38, v25;
	(xrf2) =	vadd.scan.msk.f32 $0xffff, v39  }
0x2c8: {  	v56 =	vmul.f32 v36, v10;
	v41 =	vsel vm8, v51, v41;
	vm8 =	vgt.f32 v50, $0.0e+00;
	v51, _, _ =	vpop (xrf2)  }
0x2c9: {  	v10 =	vmovc v34;
	v57 =	vmul.f32 v41, v5;
	v36 =	vmul.f32 $2.000000030e-01, v38;
	v55 =	vadd.f32 v55, v27  }
0x2ca: {  	v34 =	vsel vm8, v50, v54;
	vm8 =	vgt.f32 v38, $0.0e+00;
	(xrf2) =	vadd.scan.msk.f32 $0xffff, v37;
	v39 =	vpop (erf);
	(erf) = vpow2.f32 v45  }
0x2cb: {  	v41 =	vmul.f32 v34, v6;
	vm9 =	vgt.f32 v55, $0.0e+00;
	v34 =	vmul.f32 $2.000000030e-01, v55;
	v37, _, _ =	vpop (xrf2)  }
0x2cc: {  	v36 =	vsel vm8, v38, v36;
	v38 =	vsel vm4, v40, v39;
	(erf) = vpow2.f32 v46  }
0x2cd: {  	v36 =	vmul.f32 v36, v7;
	v34 =	vsel vm9, v55, v34;
	(xrf2) =	vadd.scan.msk.f32 $0xffff, v43;
	(erf) = vpow2.f32 v42  }
0x2ce: {  	v42 =	vperm.xlane v48, v0;
	v43 =	vperm.xlane v47, v0;
	v40, _, _ =	vpop (xrf2)  }
0x2cf: {  	v45 =	vperm.xlane v53, v0;
	v40 =	vperm.xlane v40, v0  }
0x2d0: {  	v37 =	vperm.xlane v37, v0;
	v46 =	vperm.xlane v52, v0;
	(xrf2) =	vadd.scan.msk.f32 $0xffff, v49  }
0x2d1: {  	v47 =	vperm.xlane v51, v0;
	v50 =	vmul.f32 $1.442695020e+00, v40;
	v48, _, _ =	vpop (xrf2)  }
0x2d2: {  	v37 =	vmul.f32 $1.442695020e+00, v37;
	v48 =	vperm.xlane v48, v0  }
0x2d3: {  	v47 =	vmul.f32 $1.442695020e+00, v47;
	(erf) = vpow2.f32 v50;
	v40 =	vpop (erf)  }
0x2d4: {  	v48 =	vmul.f32 $1.442695020e+00, v48;
	v49, _, _ =	vpop (xrf2);
	(erf) = vpow2.f32 v37;
	v50 =	vsel vm5, v38, v40  }
0x2d5: {  	v46 =	vmul.f32 $1.442695020e+00, v46;
	(erf) = vpow2.f32 v47;
	v38 =	vpop (erf)  }
0x2d6: {  	v45 =	vmul.f32 $1.442695020e+00, v45;
	(erf) = vpow2.f32 v48;
	v47 =	vsel vm6, v50, v38;
	v37 =	vpop (erf)  }
0x2d7: {  	v48 =	vmul.f32 $1.442695020e+00, v42;
	v50, _, _ =	vpop (xrf2);
	(erf) = vpow2.f32 v46;
	v42 =	vsel vm7, v47, v37  }
0x2d8: {  	v43 =	vmul.f32 $1.442695020e+00, v43;
	(erf) = vpow2.f32 v45;
	[tilespmem:s25+$0xFFFFFFF0] =	vst v42  }
0x2d9: {  	v42 =	vmul.f32 v34, v8;
	(erf) = vpow2.f32 v48;
	[tilespmem:s20+$0xFFFFFF80] =	vst v56  }
.Ltmp2:
0x2da: {  	v47 =	vperm.xlane v49, v0;
	v45, _, _ =	vpop (xrf2);
	(xrf2) =	vadd.scan.msk.f32 $0xffff, v44;
	(erf) = vpow2.f32 v43;
	(pc) =	sbr.rel @p0 .LBB2_7-.Ltmp2, $4  }
0x2db: {  	v49 =	vperm.xlane v50, v0;
	v44 =	vperm.xlane v45, v0  }
0x2dc: {  	v46 =	vmul.f32 $1.442695020e+00, v47;
	v48 =	vmul.f32 v30, v12;
	v12 =	vmov v29;
	v34 =	vpop (erf)  }
0x2dd: {  	v45 =	vmul.f32 $1.442695020e+00, v49;
	v44 =	vmul.f32 $1.442695020e+00, v44;
	v29 =	vnsel vm0, $0x0, v34;
	(xrf2) =	vadd.scan.msk.f32 $0xffff, v57;
	v30 =	vpop (erf)  }
0x2de: {  	v32 =	vmul.f32 v31, v32;
	s12 =	sadd.s32 $0x100, s12;
	v47 =	vsel vm1, v29, v30;
	v43 =	vpop (erf);
	[tilespmem:s20+$0xFFFFFF90] =	vst v48;
	v29 =	vmul.f32 v35, v33  }
0x2df: {  	(xrf2) =	vadd.scan.msk.f32 $0xffff, v41  }
0x2e0: {  	(xrf2) =	vadd.scan.msk.f32 $0xffff, v36  }
0x2e1: {  	(xrf2) =	vadd.scan.msk.f32 $0xffff, v42;
	_ =	sdelay $0x1  }
0x2e2: {  	v31 =	vpop (erf)  }
0x2e3: {  	v33 =	vpop (erf)  }
0x2e4: {  	v15 =	vmul.f32 v39, v15;
	v57, _, _ =	vpop (xrf2)  }
0x2e5: {  	v16 =	vmul.f32 v40, v16;
	v35 =	vpop (erf);
	v36 =	vperm.xlane v57, v0  }
0x2e6: {  	v20 =	vmul.f32 v38, v20;
	(erf) = vpow2.f32 v46;
	v58 =	vpop (erf)  }
0x2e7: {  	(erf) = vpow2.f32 v45;
	v36 =	vmul.f32 $1.442695020e+00, v36;
	v60, _, _ =	vpop (xrf2)  }
0x2e8: {  	(erf) = vpow2.f32 v44;
	v42 =	vperm.xlane v60, v0;
	v62, _, _ =	vpop (xrf2)  }
0x2e9: {  	v61 =	vsel vm2, v47, v43;
	(erf) = vpow2.f32 v36;
	v63 =	vperm.xlane v62, v0;
	v48, _, _ =	vpop (xrf2)  }
0x2ea: {  	v44 =	vsel vm3, v61, v31;
	v42 =	vmul.f32 $1.442695020e+00, v42;
	v49, _, _ =	vpop (xrf2);
	v45 =	vperm.xlane v48, v0  }
0x2eb: {  	[tilespmem:s20+$0xFFFFFFA0] =	vst v32;
	v44 =	vsel vm4, v44, v33;
	v51 =	vperm.xlane v49, v0;
	v36 =	vmul.f32 $1.442695020e+00, v63  }
0x2ec: {  	[tilespmem:s20+$0xFFFFFFB0] =	vst v29;
	v50 =	vsel vm5, v44, v35;
	(erf) = vpow2.f32 v42;
	v52 =	vmul.f32 $1.442695020e+00, v45  }
0x2ed: {  	[tilespmem:s20+$0xFFFFFFC0] =	vst v15;
	v59 =	vpop (erf);
	v29 =	vsel vm6, v50, v58;
	v15 =	vmul.f32 $1.442695020e+00, v51;
	(erf) = vpow2.f32 v36  }
0x2ee: {  	s9 =	sadd.s32 $0x20, s25;
	[tilespmem:s26+$0xFFFFFFE0] =	vst v20;
	v14 =	vmul.f32 v59, v14;
	v29 =	vsel vm7, v29, v59;
	(erf) = vpow2.f32 v52  }
0x2ef: {  	s12 =	sadd.s32 $0x100, s20;
	[tilespmem:s9+$0x0] =	vst v29;
	(erf) = vpow2.f32 v15;
	v15 =	vmul.f32 v34, v26  }
0x2f0: {  	v20 =	vmul.f32 v30, v22;
	[tilespmem:s12+$0x70] =	vst v14;
	v14 =	vmul.f32 v37, v21  }
0x2f1: {  	v18 =	vmul.f32 v43, v18;
	[tilespmem:s26+$0xFFFFFFD0] =	vst v16;
	v16 =	vpop (erf)  }
0x2f2: {  	v21 =	vpop (erf);
	[tilespmem:s26+$0xFFFFFFF0] =	vst v14;
	v14 =	vnsel vm0, $0x0, v16  }
0x2f3: {  	v14 =	vsel vm1, v14, v21;
	[tilespmem:s12+$0x0] =	vst v15;
	v15 =	vpop (erf)  }
0x2f4: {  	v22 =	vmul.f32 v31, v28;
	[tilespmem:s12+$0x10] =	vst v20;
	v20 =	vpop (erf);
	v14 =	vsel vm2, v14, v15  }
0x2f5: {  	[tilespmem:s12+$0x20] =	vst v18;
	v14 =	vsel vm3, v14, v20;
	v18 =	vpop (erf)  }
0x2f6: {  	v13 =	vmul.f32 v35, v13;
	v14 =	vsel vm4, v14, v18  }
0x2f7: {  	v11 =	vmul.f32 v33, v11  }
0x2f8: {  	[tilespmem:s12+$0x30] =	vst v22;
	v22 =	vpop (erf)  }
0x2f9: {  	v9 =	vmul.f32 v58, v9;
	[tilespmem:s12+$0x40] =	vst v11;
	v11 =	vsel vm5, v14, v22;
	v14 =	vpop (erf)  }
0x2fa: {  	[tilespmem:s12+$0x50] =	vst v13;
	v11 =	vsel vm6, v11, v14;
	v13 =	vpop (erf)  }
0x2fb: {  	[tilespmem:s12+$0x60] =	vst v9;
	v9 =	vmul.f32 v16, v10;
	v10 =	vsel vm7, v11, v13  }
0x2fc: {  	v11 =	vmul.f32 v18, v23;
	[tilespmem:s9+$0xFFFFFFF0] =	vst v10  }
0x2fd: {  	v10 =	vmul.f32 v21, v12;
	[tilespmem:s12+$0xFFFFFF80] =	vst v9  }
0x2fe: {  	v9 =	vmul.f32 v15, v17;
	[tilespmem:s12+$0xFFFFFFC0] =	vst v11  }
0x2ff: {  	v11 =	vmul.f32 v13, v27;
	[tilespmem:s12+$0xFFFFFF90] =	vst v10  }
0x300: {  	v10 =	vmul.f32 v20, v19;
	[tilespmem:s12+$0xFFFFFFA0] =	vst v9  }
0x301: {  	v9 =	vmul.f32 v22, v24;
	[tilespmem:s12+$0xFFFFFFF0] =	vst v11  }
0x302: {  	[tilespmem:s12+$0xFFFFFFB0] =	vst v10;
	v10 =	vmul.f32 v14, v25  }
0x303: {  	[tilespmem:s12+$0xFFFFFFD0] =	vst v9  }
0x304: {  	[tilespmem:s12+$0xFFFFFFE0] =	vst v10  }
0x305: {  	_ =	swait.ge [sflag:s24], $0x28  }
0x306: {  	[sflag:s24] =	ssyncset.done $0x0  }
0x307: {  	s19 =	simm.s32 $0x50F0;
	[sflag:s24] =	ssyncadd.s32 $0xFFFFFFD8  }
0x308: {  	[spmem:s2] =	stream.indirect.scatter.add.f32 [tilespmem:s19], [sflag:$0x5], $0x80, s23, s0, $0xb8;
	[tilespmem:$0x1E670] =	vst v63  }
0x309: {  	s20 =	simm.s32 $0x78F0  }
0x30a: {  	[spmem:s3] =	stream.indirect.scatter.add.f32 [tilespmem:s20], [sflag:$0x5], $0x10, s23, s0, $0xb8;
	[tilespmem:$0x1E670] =	vst v63  }
0x30b: {  	_ =	swait.ge [sflag:s13], $0x28  }
0x30c: {  	[sflag:s13] =	ssyncset.done $0x0  }
0x30d: {  	[sflag:s13] =	ssyncadd.s32 $0xFFFFFFD8  }
0x30e: {  	_ =	swait.ge [sflag:s13], $0x28  }
0x30f: {  	[sflag:s13] =	ssyncset.done $0x0  }
0x310: {  	s25 =	simm.s32 $0xF0;
	[sflag:s13] =	ssyncadd.s32 $0xFFFFFFD8  }
0x311: {  	[tilespmem:s25], [sflag:$0x3] =	stream.indirect.gather [hbm4b:s1+s0], $0x80, s5, s0, $0xb8;
	[tilespmem:$0x1E670] =	vst v63  }
0x312: {  	s26 =	simm.s32 $0x28F0  }
0x313: {  	[tilespmem:s26], [sflag:$0x3] =	stream.indirect.gather [hbm4b:s6+s0], $0x80, s31, s0, $0xb8;
	[tilespmem:$0x1E670] =	vst v63  }
0x314: {  	_ =	swait.ge [sflag:s8], $0x1400  }
0x315: {  	[sflag:s8] =	ssyncset.done $0x0  }
0x316: {  	[sflag:s8] =	ssyncadd.s32 $0xFFFFEC00  }
0x317: {  	s12 =	sadd.s32 s16, s11;
	_ =	swait.ge [sflag:s8], $0x280  }
0x318: {  	s9 =	sshrl.u32 s12, $0x3;
	[sflag:s8] =	ssyncset.done $0x0  }
0x319: {  	s9 =	sadd.s32 s7, s9;
	[sflag:s8] =	ssyncadd.s32 $0xFFFFFD80  }
0x31a: {  	[tilespmem:s29], [sflag:$0x8] =	stream.linear.gather [hbm4b:s9+s5], $0x28, $0x38;
	[tilespmem:$0x1E670] =	vst v63  }
0x31b: {  	_ =	swait.ge [sflag:s28], $0x1400  }
0x31c: {  	[sflag:s28] =	ssyncset.done $0x0  }
0x31d: {  	[sflag:s28] =	ssyncadd.s32 $0xFFFFEC00  }
0x31e: {  	s19 =	sadd.s32 s16, s21;
	_ =	swait.ge [sflag:s28], $0x1400  }
0x31f: {  	s9 =	sshrl.u32 s19, $0x3;
	[sflag:s28] =	ssyncset.done $0x0  }
0x320: {  	s9 =	sadd.s32 s7, s9;
	[sflag:s28] =	ssyncadd.s32 $0xFFFFEC00  }
0x321: {  	[tilespmem:s0], [sflag:$0x2] =	stream.linear.gather [hbm4b:s9+s5], $0x28, $0x38;
	[tilespmem:$0x1E670] =	vst v63  }
0x322: {  	s20 =	simm.s32 $0x1570;
	s9 =	sadd.s32 $0x9C40, s9  }
0x323: {  	[tilespmem:s4], [sflag:$0x2] =	stream.linear.gather [hbm4b:s9+s5], $0x28, $0x38;
	[tilespmem:$0x1E670] =	vst v63  }
0x324: {  	s25 =	simm.s32 $0x3D70;
	v12 =	vld [tilespmem:s20+$0x60]  }
0x325: {  	v9 =	vld [tilespmem:s25+$0x60]  }
0x326: {  	v19 =	vld [tilespmem:s20+$0x70]  }
0x327: {  	v10 =	vld [tilespmem:s25+$0x70]  }
0x328: {  	v17 =	vld [tilespmem:s20+$0x50]  }
0x329: {  	v11 =	vld [tilespmem:s25+$0x50]  }
0x32a: {  	v22 =	vld [tilespmem:s20+$0x40]  }
0x32b: {  	v13 =	vld [tilespmem:s25+$0x40]  }
0x32c: {  	v18 =	vld [tilespmem:s20+$0x20]  }
0x32d: {  	v14 =	vld [tilespmem:s25+$0x20]  }
0x32e: {  	v23 =	vld [tilespmem:s20+$0x10]  }
0x32f: {  	v20 =	vld [tilespmem:s25+$0x10];
	v9 =	vadd.f32 v9, v12;
	_ =	sdelay $0x1  }
0x330: {  	v10 =	vadd.f32 v10, v19;
	v15 =	vmul.f32 $2.000000030e-01, v9  }
0x331: {  	v25 =	vld [tilespmem:s25+$0x0];
	v16 =	vadd.f32 v11, v17;
	v13 =	vadd.f32 v13, v22;
	vm8 =	vgt.f32 v9, $0.0e+00  }
0x332: {  	v11 =	vld [tilespmem:s20+$0x0];
	v14 =	vadd.f32 v14, v18;
	v9 =	vsel vm8, v9, v15;
	v15 =	vmul.f32 $2.000000030e-01, v10  }
0x333: {  	v24 =	vld [tilespmem:s20+$0x30];
	v20 =	vadd.f32 v20, v23;
	v21 =	vmul.f32 $2.000000030e-01, v16;
	vm8 =	vgt.f32 v10, $0.0e+00  }
0x334: {  	v26 =	vld [tilespmem:s25+$0xFFFFFF80];
	v27 =	vmul.f32 $2.000000030e-01, v14;
	v10 =	vsel vm8, v10, v15;
	vm8 =	vgt.f32 v16, $0.0e+00  }
0x335: {  	v9 =	vmul.f32 v9, v7;
	v15 =	vsel vm8, v16, v21;
	v16 =	vmul.f32 $2.000000030e-01, v13;
	v21 =	vld [tilespmem:s25+$0x30]  }
0x336: {  	v32 =	vld [tilespmem:s20+$0xFFFFFF80];
	v10 =	vmul.f32 v10, v8;
	vm8 =	vgt.f32 v13, $0.0e+00;
	v15 =	vmul.f32 v15, v6  }
0x337: {  	v30 =	vld [tilespmem:s20+$0xFFFFFF90];
	v13 =	vsel vm8, v13, v16;
	vm8 =	vgt.f32 v14, $0.0e+00;
	v16 =	vadd.f32 v25, v11  }
0x338: {  	v29 =	vld [tilespmem:s20+$0xFFFFFFA0];
	(xrf2) =	vadd.scan.msk.f32 $0xffff, v9;
	v9 =	vmul.f32 v13, v5;
	v13 =	vsel vm8, v14, v27;
	v14 =	vmul.f32 $2.000000030e-01, v20  }
0x339: {  	v31 =	vld [tilespmem:s20+$0xFFFFFFB0];
	(xrf2) =	vadd.scan.msk.f32 $0xffff, v10;
	vm8 =	vgt.f32 v20, $0.0e+00;
	v10 =	vmul.f32 v13, v3;
	v13 =	vmul.f32 $2.000000030e-01, v16  }
0x33a: {  	v25 =	vld [tilespmem:s25+$0xFFFFFF90];
	(xrf2) =	vadd.scan.msk.f32 $0xffff, v15;
	v14 =	vsel vm8, v20, v14;
	vm8 =	vgt.f32 v16, $0.0e+00;
	v15 =	vadd.f32 v21, v24  }
0x33b: {  	v20 =	vld [tilespmem:s25+$0xFFFFFFA0];
	(xrf2) =	vadd.scan.msk.f32 $0xffff, v9;
	v9 =	vmul.f32 v14, v2;
	v13 =	vsel vm8, v16, v13  }
0x33c: {  	(xrf2) =	vadd.scan.msk.f32 $0xffff, v10;
	v14 =	vld [tilespmem:s25+$0xFFFFFFB0];
	v10 =	vmul.f32 v13, v1;
	v13 =	vmul.f32 $2.000000030e-01, v15  }
0x33d: {  	vm8 =	vgt.f32 v15, $0.0e+00;
	(xrf2) =	vadd.scan.msk.f32 $0xffff, v9;
	v9 =	vadd.f32 v26, v32  }
0x33e: {  	v13 =	vsel vm8, v15, v13  }
0x33f: {  	(xrf2) =	vadd.scan.msk.f32 $0xffff, v10;
	v10 =	vmul.f32 v13, v4;
	v13 =	vmul.f32 $2.000000030e-01, v9  }
0x340: {  	v21 =	vld [tilespmem:s25+$0xFFFFFFC0];
	v16 =	vadd.f32 v25, v30  }
0x341: {  	v15 =	vld [tilespmem:s20+$0xFFFFFFC0];
	vm8 =	vgt.f32 v9, $0.0e+00;
	v20 =	vadd.f32 v20, v29;
	v14 =	vadd.f32 v14, v31  }
0x342: {  	(xrf2) =	vadd.scan.msk.f32 $0xffff, v10;
	v9 =	vsel vm8, v9, v13;
	v10 =	vmul.f32 $2.000000030e-01, v16  }
0x343: {  	vm8 =	vgt.f32 v16, $0.0e+00;
	v25 =	vmul.f32 $2.000000030e-01, v20;
	v27 =	vmul.f32 $2.000000030e-01, v14;
	v13, _, _ =	vpop (xrf2)  }
0x344: {  	v10 =	vsel vm8, v16, v10;
	vm8 =	vgt.f32 v20, $0.0e+00;
	v26, _, _ =	vpop (xrf2)  }
0x345: {  	v9 =	vmul.f32 v9, v1;
	v20 =	vsel vm8, v20, v25;
	v16, _, _ =	vpop (xrf2)  }
0x346: {  	v25 =	vadd.f32 v21, v15;
	vm8 =	vgt.f32 v14, $0.0e+00;
	v10 =	vmul.f32 v10, v2;
	v21, _, _ =	vpop (xrf2)  }
0x347: {  	v13 =	vperm.xlane v13, v0;
	v20 =	vmul.f32 v20, v3;
	v14 =	vsel vm8, v14, v27;
	(xrf2) =	vadd.scan.msk.f32 $0xffff, v9;
	v27, _, _ =	vpop (xrf2)  }
0x348: {  	v26 =	vperm.xlane v26, v0;
	v28 =	vmul.f32 $2.000000030e-01, v25;
	v53, _, _ =	vpop (xrf2)  }
0x349: {  	v14 =	vmul.f32 v14, v4;
	v55 =	vperm.xlane v16, v0;
	v54, _, _ =	vpop (xrf2)  }
0x34a: {  	v13 =	vmul.f32 $1.442695020e+00, v13;
	v9 =	vperm.xlane v54, v0  }
0x34b: {  	v59 =	vld [tilespmem:s25+$0xFFFFFFF0];
	v56 =	vperm.xlane v21, v0;
	(xrf2) =	vadd.scan.msk.f32 $0xffff, v10;
	v10 =	vperm.xlane v53, v0  }
0x34c: {  	v16 =	vld [tilespmem:s20+$0xFFFFFFD0];
	v21 =	vperm.xlane v27, v0;
	(xrf2) =	vadd.scan.msk.f32 $0xffff, v20;
	v20, _, _ =	vpop (xrf2);
	v9 =	vmul.f32 $1.442695020e+00, v9  }
0x34d: {  	v27 =	vld [tilespmem:s25+$0xFFFFFFD0];
	v10 =	vmul.f32 $1.442695020e+00, v10;
	v57 =	vperm.xlane v20, v0  }
0x34e: {  	v58 =	vmul.f32 $1.442695020e+00, v21;
	v20 =	vld [tilespmem:s20+$0xFFFFFFE0];
	(erf) = vpow2.f32 v9  }
0x34f: {  	v9 =	vld [tilespmem:s25+$0xFFFFFFE0];
	v35 =	vmul.f32 $1.442695020e+00, v57;
	(erf) = vpow2.f32 v10  }
0x350: {  	v21 =	vld [tilespmem:s20+$0xFFFFFFF0];
	v10 =	vmul.f32 $1.442695020e+00, v56;
	(erf) = vpow2.f32 v58  }
0x351: {  	v34 =	vmul.f32 $1.442695020e+00, v55;
	v61, _, _ =	vpop (xrf2);
	(erf) = vpow2.f32 v35  }
0x352: {  	v27 =	vadd.f32 v27, v16;
	v53 =	vperm.xlane v61, v0;
	(erf) = vpow2.f32 v10  }
0x353: {  	vm8 =	vgt.f32 v25, $0.0e+00;
	v10 =	vmul.f32 $1.442695020e+00, v26;
	(erf) = vpow2.f32 v34  }
0x354: {  	(xrf2) =	vadd.scan.msk.f32 $0xffff, v14;
	v26 =	vmul.f32 $2.000000030e-01, v27;
	v60 =	vadd.f32 v9, v20;
	(erf) = vpow2.f32 v13  }
0x355: {  	s16 =	simm.s32 $0x3E70;
	v13 =	vsel vm8, v25, v28;
	vm8 =	vgt.f32 v27, $0.0e+00;
	v28 =	vadd.f32 v59, v21  }
0x356: {  	v63 =	vld [tilespmem:s16+$0xFFFFFF80];
	v25, _, _ =	vpop (xrf2);
	(erf) = vpow2.f32 v10;
	v10 =	vmul.f32 $2.000000030e-01, v60;
	v14 =	vsel vm8, v27, v26  }
0x357: {  	s26 =	simm.s32 $0x1670;
	v57 =	vld [tilespmem:s16+$0x70];
	v41 =	vmul.f32 v13, v5;
	vm8 =	vgt.f32 v60, $0.0e+00;
	v25 =	vperm.xlane v25, v0  }
0x358: {  	v9 =	vld [tilespmem:s26+$0x60];
	v26, _, _ =	vpop (xrf2);
	v43 =	vmul.f32 v14, v6;
	v13 =	vmul.f32 $2.000000030e-01, v28;
	v10 =	vsel vm8, v60, v10  }
0x359: {  	v27 =	vld [tilespmem:s16+$0x60];
	v62 =	vpop (erf);
	vm8 =	vgt.f32 v28, $0.0e+00;
	v26 =	vperm.xlane v26, v0;
	v25 =	vmul.f32 $1.442695020e+00, v25  }
0x35a: {  	v14 =	vld [tilespmem:s26+$0x70];
	v54 =	vpop (erf);
	v55 =	vmul.f32 v10, v7;
	v13 =	vsel vm8, v28, v13;
	v28 =	vmul.f32 $1.442695020e+00, v53  }
0x35b: {  	v10 =	vld [tilespmem:s26+$0xFFFFFF80];
	v39 =	vmul.f32 v62, v11;
	v56 =	vpop (erf);
	v48 =	vmul.f32 v13, v8  }
0x35c: {  	(xrf2) =	vadd.scan.msk.f32 $0xffff, v41;
	v11 =	vld [tilespmem:s26+$0x40];
	v26 =	vmul.f32 $1.442695020e+00, v26;
	v40 =	vmul.f32 v54, v23;
	v58 =	vpop (erf)  }
0x35d: {  	v13 =	vld [tilespmem:s26+$0x50];
	(erf) = vpow2.f32 v28;
	v38 =	vmul.f32 v56, v18;
	v49 =	vpop (erf)  }
0x35e: {  	v59 =	vnsel vm0, $0x0, v62;
	v28 =	vld [tilespmem:s16+$0x50];
	(erf) = vpow2.f32 v25;
	v35 =	vmul.f32 v58, v24;
	v24, _, _ =	vpop (xrf2)  }
0x35f: {  	v60 =	vsel vm1, v59, v54;
	v23 =	vld [tilespmem:s16+$0x40];
	v50 =	vpop (erf);
	(erf) = vpow2.f32 v26;
	v24 =	vperm.xlane v24, v0  }
0x360: {  	v26 =	vsel vm2, v60, v56;
	v37 =	vmul.f32 v49, v22;
	v22 =	vld [tilespmem:s26+$0x10];
	v25 =	vpop (erf);
	v34 =	vmul.f32 v50, v17  }
0x361: {  	v17 =	vadd.f32 v57, v14;
	v61 =	vsel vm3, v26, v58;
	v57 =	vld [tilespmem:s16+$0x10];
	v58 =	vadd.f32 v63, v10;
	v36 =	vpop (erf)  }
0x362: {  	v18 =	vld [tilespmem:s26+$0x20];
	v33 =	vmul.f32 v25, v12;
	v42 =	vmul.f32 v36, v19;
	v19 =	vadd.f32 v27, v9  }
0x363: {  	v24 =	vmul.f32 $1.442695020e+00, v24;
	v27 =	vld [tilespmem:s16+$0x20];
	v51 =	vmul.f32 $2.000000030e-01, v17;
	v28 =	vadd.f32 v28, v13  }
0x364: {  	v23 =	vadd.f32 v23, v11;
	v60 =	vmul.f32 $2.000000030e-01, v58;
	v12 =	vmul.f32 $2.000000030e-01, v19  }
0x365: {  	v26 =	vld [tilespmem:s26+$0x0];
	(erf) = vpow2.f32 v24;
	vm8 =	vgt.f32 v19, $0.0e+00;
	v62 =	vmul.f32 $2.000000030e-01, v28  }
0x366: {  	v59, _, _ =	vpop (xrf2);
	v54 =	vadd.f32 v57, v22;
	v12 =	vsel vm8, v19, v12;
	vm8 =	vgt.f32 v17, $0.0e+00;
	v19 =	vld [tilespmem:s16+$0x0]  }
0x367: {  	v44 =	vperm.xlane v59, v0;
	v17 =	vsel vm8, v17, v51;
	v63 =	vmul.f32 v12, v7  }
0x368: {  	(xrf2) =	vadd.scan.msk.f32 $0xffff, v43;
	vm8 =	vgt.f32 v28, $0.0e+00;
	v27 =	vadd.f32 v27, v18;
	v47 =	vmul.f32 $2.000000030e-01, v54  }
0x369: {  	(xrf2) =	vadd.scan.msk.f32 $0xffff, v55;
	v55 =	vld [tilespmem:s16+$0xFFFFFF90];
	v51 =	vmul.f32 v17, v8;
	v12 =	vsel vm8, v28, v62;
	v17 =	vmul.f32 $2.000000030e-01, v23  }
0x36a: {  	(xrf2) =	vadd.scan.msk.f32 $0xffff, v48;
	v57 =	vld [tilespmem:s16+$0xFFFFFFA0];
	v44 =	vmul.f32 $1.442695020e+00, v44;
	vm8 =	vgt.f32 v23, $0.0e+00;
	v28 =	vmul.f32 v12, v6  }
0x36b: {  	v12 =	vld [tilespmem:s26+$0xFFFFFF90];
	v17 =	vsel vm8, v23, v17;
	v23 =	vmul.f32 $2.000000030e-01, v27;
	v19 =	vadd.f32 v19, v26  }
0x36c: {  	(xrf2) =	vadd.scan.msk.f32 $0xffff, v63;
	(erf) = vpow2.f32 v44;
	vm8 =	vgt.f32 v27, $0.0e+00;
	v56 =	vmul.f32 v17, v5;
	v17 =	vld [tilespmem:s26+$0xFFFFFFA0]  }
0x36d: {  	(xrf2) =	vadd.scan.msk.f32 $0xffff, v51;
	v23 =	vsel vm8, v27, v23;
	vm8 =	vgt.f32 v54, $0.0e+00;
	v27 =	vmul.f32 $2.000000030e-01, v19  }
0x36e: {  	(xrf2) =	vadd.scan.msk.f32 $0xffff, v28;
	v28 =	vld [tilespmem:s26+$0x30];
	v23 =	vmul.f32 v23, v3;
	v43 =	vsel vm8, v54, v47;
	vm8 =	vgt.f32 v19, $0.0e+00  }
0x36f: {  	(xrf2) =	vadd.scan.msk.f32 $0xffff, v56;
	v43 =	vmul.f32 v43, v2;
	v19 =	vsel vm8, v19, v27;
	v27 =	vsel vm4, v61, v49;
	v61 =	vld [tilespmem:s16+$0x30]  }
0x370: {  	v45 =	vadd.f32 v55, v12;
	(xrf2) =	vadd.scan.msk.f32 $0xffff, v23;
	vm8 =	vgt.f32 v58, $0.0e+00;
	v23 =	vmul.f32 v19, v1  }
0x371: {  	v63 =	vld [tilespmem:s16+$0xFFFFFFB0];
	(xrf2) =	vadd.scan.msk.f32 $0xffff, v43;
	v24 =	vsel vm8, v58, v60;
	v27 =	vsel vm5, v27, v50;
	v48 =	vadd.f32 v57, v17  }
0x372: {  	vm8 =	vgt.f32 v45, $0.0e+00;
	v60 =	vld [tilespmem:s16+$0xFFFFFFC0];
	v41 =	vmul.f32 v24, v1;
	v24 =	vmul.f32 $2.000000030e-01, v45;
	v19, _, _ =	vpop (xrf2);
	(xrf2) =	vadd.scan.msk.f32 $0xffff, v23  }
0x373: {  	v52 =	vsel vm6, v27, v25;
	v25 =	vmul.f32 $2.000000030e-01, v48;
	v62 =	vperm.xlane v19, v0;
	v19 =	vld [tilespmem:s26+$0xFFFFFFB0];
	v58, _, _ =	vpop (xrf2)  }
0x374: {  	v23 =	vld [tilespmem:s26+$0xFFFFFFC0];
	v24 =	vsel vm8, v45, v24;
	v59, _, _ =	vpop (xrf2);
	v49 =	vperm.xlane v58, v0;
	v47 =	vadd.f32 v61, v28  }
0x375: {  	v55 =	vld [tilespmem:s16+$0xFFFFFFD0];
	vm8 =	vgt.f32 v48, $0.0e+00;
	v53 =	vmul.f32 v24, v2;
	v50 =	vperm.xlane v59, v0  }
0x376: {  	v24 =	vld [tilespmem:s26+$0xFFFFFFD0];
	v25 =	vsel vm8, v48, v25;
	v51, _, _ =	vpop (xrf2);
	v43 =	vmul.f32 $1.442695020e+00, v62;
	v27 =	vmul.f32 $2.000000030e-01, v47  }
0x377: {  	v48 =	vmul.f32 v25, v3;
	v54, _, _ =	vpop (xrf2);
	vm8 =	vgt.f32 v47, $0.0e+00;
	v49 =	vmul.f32 $1.442695020e+00, v49  }
0x378: {  	v58 =	vld [tilespmem:s16+$0xFFFFFFE0];
	v56, _, _ =	vpop (xrf2);
	(erf) = vpow2.f32 v43;
	v46 =	vadd.f32 v63, v19;
	v27 =	vsel vm8, v47, v27  }
0x379: {  	v25 =	vld [tilespmem:s26+$0xFFFFFFE0];
	v44 =	vadd.f32 v60, v23;
	v50 =	vmul.f32 $1.442695020e+00, v50;
	v47, _, _ =	vpop (xrf2);
	v45 =	vmul.f32 v27, v4  }
0x37a: {  	(erf) = vpow2.f32 v49;
	v57, _, _ =	vpop (xrf2);
	v59 =	vmul.f32 $2.000000030e-01, v46  }
0x37b: {  	v61 =	vmul.f32 $2.000000030e-01, v44;
	v55 =	vadd.f32 v55, v24;
	vm8 =	vgt.f32 v46, $0.0e+00;
	v60, _, _ =	vpop (xrf2);
	(xrf2) =	vadd.scan.msk.f32 $0xffff, v45  }
0x37c: {  	v27 =	vld [tilespmem:s26+$0xFFFFFFF0];
	(erf) = vpow2.f32 v50;
	v62, _, _ =	vpop (xrf2);
	v46 =	vsel vm8, v46, v59;
	vm8 =	vgt.f32 v44, $0.0e+00  }
0x37d: {  	v63 =	vmul.f32 $2.000000030e-01, v55;
	v59 =	vld [tilespmem:s16+$0xFFFFFFF0];
	v43 =	vperm.xlane v62, v0;
	v44 =	vsel vm8, v44, v61  }
0x37e: {  	v45 =	vpop (erf);
	v46 =	vmul.f32 v46, v4;
	v61 =	vadd.f32 v58, v25;
	vm8 =	vgt.f32 v55, $0.0e+00  }
0x37f: {  	v49 =	vsel vm8, v55, v63;
	v32 =	vmul.f32 v45, v32;
	v63 =	vperm.xlane v60, v0  }
0x380: {  	v43 =	vmul.f32 $1.442695020e+00, v43;
	v62 =	vmul.f32 $2.000000030e-01, v61  }
0x381: {  	(xrf2) =	vadd.scan.msk.f32 $0xffff, v41;
	vm8 =	vgt.f32 v61, $0.0e+00;
	v41 =	vmul.f32 v49, v6;
	v60 =	vmul.f32 $1.442695020e+00, v63  }
0x382: {  	(erf) = vpow2.f32 v43;
	v55 =	vadd.f32 v59, v27;
	v59 =	vmul.f32 v44, v5  }
0x383: {  	(xrf2) =	vadd.scan.msk.f32 $0xffff, v53;
	v43 =	vsel vm8, v61, v62;
	v62 =	vperm.xlane v57, v0;
	v57 =	vperm.xlane v54, v0  }
0x384: {  	(xrf2) =	vadd.scan.msk.f32 $0xffff, v48;
	v48 =	vpop (erf);
	v61 =	vsel vm7, v52, v36;
	v36 =	vmul.f32 v43, v7;
	v43 =	vperm.xlane v51, v0  }
0x385: {  	s20 =	simm.s32 $0x7B80;
	(erf) = vpow2.f32 v60;
	v60 =	vperm.xlane v47, v0;
	v63, _, _ =	vpop (xrf2)  }
0x386: {  	s19 =	simm.s32 $0x6570;
	v50 =	vpop (erf);
	[tilespmem:s20+$0x0] =	vst v61;
	v44 =	vmul.f32 $2.000000030e-01, v55;
	v49 =	vperm.xlane v63, v0  }
0x387: {  	v45 =	vnsel vm0, $0x0, v45;
	v53 =	vpop (erf);
	[tilespmem:s19+$0x70] =	vst v42;
	v61 =	vmul.f32 $1.442695020e+00, v62;
	v62 =	vperm.xlane v56, v0  }
0x388: {  	v45 =	vsel vm1, v45, v48;
	[tilespmem:s19+$0x0] =	vst v39;
	v39 =	vpop (erf);
	v54 =	vmul.f32 $1.442695020e+00, v57;
	v49 =	vmul.f32 $1.442695020e+00, v49  }
0x389: {  	v58 =	vsel vm2, v45, v50;
	[tilespmem:s19+$0x10] =	vst v40;
	v40 =	vpop (erf);
	v45 =	vmul.f32 $1.442695020e+00, v60;
	(erf) = vpow2.f32 v61  }
0x38a: {  	v42 =	vsel vm3, v58, v53;
	[tilespmem:s19+$0x20] =	vst v38;
	v51 =	vmul.f32 $1.442695020e+00, v62;
	v38 =	vpop (erf);
	(erf) = vpow2.f32 v49  }
0x38b: {  	vm8 =	vgt.f32 v55, $0.0e+00;
	[tilespmem:s19+$0x30] =	vst v35;
	v43 =	vmul.f32 $1.442695020e+00, v43;
	v63, _, _ =	vpop (xrf2);
	(erf) = vpow2.f32 v45  }
0x38c: {  	[tilespmem:s19+$0x40] =	vst v37;
	v42 =	vsel vm4, v42, v39;
	v62 =	vmul.f32 v48, v30;
	v37 =	vpop (erf);
	(erf) = vpow2.f32 v51  }
0x38d: {  	[tilespmem:s19+$0x50] =	vst v34;
	v42 =	vsel vm5, v42, v40;
	v56, _, _ =	vpop (xrf2);
	v58 =	vperm.xlane v63, v0;
	(erf) = vpow2.f32 v43  }
0x38e: {  	(xrf2) =	vadd.scan.msk.f32 $0xffff, v46;
	v60, _, _ =	vpop (xrf2);
	v49 =	vsel vm8, v55, v44;
	v55 =	vsel vm6, v42, v38;
	(erf) = vpow2.f32 v54  }
0x38f: {  	[tilespmem:s19+$0x60] =	vst v33;
	v61 =	vperm.xlane v56, v0;
	v35 =	vperm.xlane v60, v0;
	v57 =	vsel vm7, v55, v37  }
0x390: {  	(xrf2) =	vadd.scan.msk.f32 $0xffff, v59;
	v46 =	vmul.f32 $1.442695020e+00, v58;
	v34 =	vpop (erf);
	v42 =	vmul.f32 v49, v8;
	[tilespmem:s20+$0xFFFFFFF0] =	vst v57  }
0x391: {  	v45 =	vmul.f32 $1.442695020e+00, v61;
	v44 =	vmul.f32 $1.442695020e+00, v35;
	v63 =	vnsel vm0, $0x0, v34;
	v30 =	vpop (erf);
	[tilespmem:s19+$0xFFFFFF80] =	vst v32  }
0x392: {  	s12 =	simm.s32 $0x1770;
	s9 =	simm.s32 $0x2;
	s25 =	simm.s32 $0x6570;
	v47 =	vsel vm1, v63, v30;
	[tilespmem:s19+$0xFFFFFF90] =	vst v62;
	v32 =	vmul.f32 v50, v29;
	v29 =	vmul.f32 v53, v31;
	v43 =	vpop (erf)  }
.LBB2_9:
0x393: {  	v31 =	vld [tilespmem:s12+$0x60];
	v33 =	vsel vm2, v47, v43;
	s16 =	sadd.s32 $0x100, s16;
	(erf) = vpow2.f32 v46;
	v35 =	vpop (erf);
	v15 =	vmul.f32 v39, v15  }
0x394: {  	v16 =	vmul.f32 v40, v16;
	v39 =	vld [tilespmem:s16+$0x60];
	v33 =	vsel vm3, v33, v35;
	(erf) = vpow2.f32 v45;
	(xrf2) =	vadd.scan.msk.f32 $0xffff, v41;
	v41 =	vpop (erf)  }
0x395: {  	v20 =	vmul.f32 v38, v20;
	v21 =	vmul.f32 v37, v21;
	v40 =	vld [tilespmem:s16+$0xFFFFFF80];
	v33 =	vsel vm4, v33, v41;
	v45 =	vpop (erf);
	[tilespmem:s19+$0xFFFFFFA0] =	vst v32  }
0x396: {  	v26 =	vmul.f32 v34, v26;
	v32 =	vld [tilespmem:s12+$0x70];
	v33 =	vsel vm5, v33, v45;
	(erf) = vpow2.f32 v44;
	v37 =	vpop (erf);
	[tilespmem:s19+$0xFFFFFFB0] =	vst v29  }
0x397: {  	v22 =	vmul.f32 v30, v22;
	v38 =	vld [tilespmem:s16+$0x70];
	v29 =	vsel vm6, v33, v37;
	v33 =	vmul.f32 v43, v18;
	(xrf2) =	vadd.scan.msk.f32 $0xffff, v36;
	v18 =	vpop (erf)  }
0x398: {  	s20 =	sadd.s32 $0x20, s20;
	v28 =	vmul.f32 v35, v28;
	v34 =	vld [tilespmem:s12+$0xFFFFFF80];
	v29 =	vsel vm7, v29, v18;
	v36 =	vmul.f32 v18, v14;
	v18, _, _ =	vpop (xrf2);
	[tilespmem:s19+$0xFFFFFFC0] =	vst v15  }
0x399: {  	v35 =	vmul.f32 v41, v11;
	s19 =	sadd.s32 $0x100, s19;
	v15 =	vld [tilespmem:s12+$0x50];
	v30 =	vadd.f32 v39, v31;
	v18 =	vperm.xlane v18, v0;
	[tilespmem:s20+$0x0] =	vst v29  }
0x39a: {  	v41 =	vmul.f32 v45, v13;
	v43 =	vmul.f32 v37, v9;
	v9 =	vmovc v31;
	v39 =	vld [tilespmem:s16+$0x50];
	[tilespmem:s19+$0x70] =	vst v36;
	(xrf2) =	vadd.scan.msk.f32 $0xffff, v42  }
0x39b: {  	v29 =	vld [tilespmem:s12+$0xFFFFFF90];
	v13 =	vmul.f32 $2.000000030e-01, v30;
	v18 =	vmul.f32 $1.442695020e+00, v18;
	v31, _, _ =	vpop (xrf2);
	[tilespmem:s25+$0xFFFFFFD0] =	vst v16;
	v14 =	vmov v32  }
0x39c: {  	vm8 =	vgt.f32 v30, $0.0e+00;
	v11 =	vld [tilespmem:s12+$0x40];
	v16 =	vadd.f32 v38, v14;
	v38 =	vperm.xlane v31, v0;
	v36 =	vpop (erf);
	[tilespmem:s25+$0xFFFFFFE0] =	vst v20  }
0x39d: {  	v20 =	vadd.f32 v40, v34;
	v32 =	vld [tilespmem:s16+$0x40];
	v13 =	vsel vm8, v30, v13;
	v30 =	vpop (erf);
	(erf) = vpow2.f32 v18;
	[tilespmem:s25+$0xFFFFFFF0] =	vst v21;
	s25 =	smov.u32 s19  }
0x39e: {  	v40 =	vnsel vm0, $0x0, v36;
	v21 =	vld [tilespmem:s16+$0xFFFFFF90];
	v46 =	vmul.f32 v13, v7;
	v37 =	vmul.f32 $2.000000030e-01, v16;
	[tilespmem:s19+$0x0] =	vst v26;
	v26, _, _ =	vpop (xrf2)  }
0x39f: {  	vm8 =	vgt.f32 v16, $0.0e+00;
	v47 =	vmul.f32 $2.000000030e-01, v20;
	v18 =	vld [tilespmem:s12+$0x20];
	v39 =	vadd.f32 v39, v15;
	[tilespmem:s19+$0x10] =	vst v22;
	v31 =	vpop (erf)  }
0x3a0: {  	vm9 =	vgt.f32 v20, $0.0e+00;
	v45 =	vperm.xlane v26, v0;
	v44 =	vld [tilespmem:s16+$0x20];
	v16 =	vsel vm8, v16, v37;
	(xrf2) =	vadd.scan.msk.f32 $0xffff, v46;
	v13 =	vmovc v15  }
0x3a1: {  	v15 =	vsel vm9, v20, v47;
	v20 =	vld [tilespmem:s12+$0xFFFFFFA0];
	v26 =	vmul.f32 $2.000000030e-01, v39;
	v16 =	vmul.f32 v16, v8;
	[tilespmem:s19+$0x20] =	vst v33;
	v42, _, _ =	vpop (xrf2)  }
0x3a2: {  	vm8 =	vgt.f32 v39, $0.0e+00;
	v37 =	vmul.f32 v15, v1;
	v22 =	vld [tilespmem:s12+$0x10];
	v46 =	vadd.f32 v32, v11;
	[tilespmem:s19+$0x30] =	vst v28;
	v32 =	vmovc v17  }
0x3a3: {  	v38 =	vmul.f32 $1.442695020e+00, v38;
	v33 =	vmovc v19;
	v17 =	vadd.f32 v21, v29;
	v21 =	vld [tilespmem:s16+$0x10];
	v49 =	vsel vm8, v39, v26;
	(xrf2) =	vadd.scan.msk.f32 $0xffff, v16  }
0x3a4: {  	v40 =	vsel vm1, v40, v30;
	v39 =	vld [tilespmem:s16+$0xFFFFFFA0];
	v19 =	vmul.f32 $2.000000030e-01, v46;
	v28 =	vmul.f32 v49, v6;
	[tilespmem:s19+$0x40] =	vst v35;
	v47, _, _ =	vpop (xrf2)  }
0x3a5: {  	vm8 =	vgt.f32 v46, $0.0e+00;
	v15 =	vmovc v23;
	v48 =	vmul.f32 $2.000000030e-01, v17;
	v26 =	vld [tilespmem:s12+$0x0];
	v44 =	vadd.f32 v44, v18;
	[tilespmem:s19+$0x50] =	vst v41;
	v16 =	vmovc v24  }
0x3a6: {  	vm9 =	vgt.f32 v17, $0.0e+00;
	v41 =	vperm.xlane v42, v0;
	v24 =	vld [tilespmem:s16+$0x0];
	v23 =	vsel vm8, v46, v19;
	(xrf2) =	vadd.scan.msk.f32 $0xffff, v28;
	v35 =	vpop (erf)  }
0x3a7: {  	s9 =	sadd.s32 $0x2, s9;
	v28 =	vsel vm9, v17, v48;
	v19 =	vld [tilespmem:s12+$0xFFFFFFB0];
	v42 =	vmul.f32 $2.000000030e-01, v44;
	v23 =	vmul.f32 v23, v5;
	[tilespmem:s19+$0x60] =	vst v43;
	v17 =	vmovc v20  }
0x3a8: {  	p0 =	slt.u32 s9, $0x26;
	vm8 =	vgt.f32 v44, $0.0e+00;
	v20 =	vmovc v25;
	v43 =	vmul.f32 v28, v2;
	v46 =	vadd.f32 v21, v22;
	v28 =	vld [tilespmem:s12+$0x30];
	v21 =	vmovc v27  }
0x3a9: {  	v25 =	vadd.f32 v39, v17;
	v27 =	vsel vm8, v44, v42;
	v39 =	vld [tilespmem:s16+$0x30];
	(xrf2) =	vadd.scan.msk.f32 $0xffff, v23;
	v42 =	vperm.xlane v47, v0  }
0x3aa: {  	v40 =	vsel vm2, v40, v31;
	v44 =	vld [tilespmem:s16+$0xFFFFFFB0];
	v52 =	vmul.f32 $2.000000030e-01, v46;
	v27 =	vmul.f32 v27, v3;
	v48, _, _ =	vpop (xrf2)  }
0x3ab: {  	vm8 =	vgt.f32 v46, $0.0e+00;
	v49 =	vmul.f32 $2.000000030e-01, v25;
	v23 =	vld [tilespmem:s12+$0xFFFFFFC0];
	v50 =	vadd.f32 v24, v26  }
0x3ac: {  	v45 =	vmul.f32 $1.442695020e+00, v45;
	vm9 =	vgt.f32 v25, $0.0e+00;
	v51 =	vld [tilespmem:s16+$0xFFFFFFC0];
	v46 =	vsel vm8, v46, v52;
	(xrf2) =	vadd.scan.msk.f32 $0xffff, v27  }
0x3ad: {  	v25 =	vsel vm9, v25, v49;
	v24 =	vld [tilespmem:s12+$0xFFFFFFD0];
	v27 =	vmul.f32 $2.000000030e-01, v50;
	v46 =	vmul.f32 v46, v2;
	v47, _, _ =	vpop (xrf2)  }
0x3ae: {  	vm8 =	vgt.f32 v50, $0.0e+00;
	v49 =	vmul.f32 v25, v3;
	v52 =	vld [tilespmem:s16+$0xFFFFFFD0];
	v39 =	vadd.f32 v39, v28  }
0x3af: {  	v44 =	vadd.f32 v44, v19;
	v25 =	vld [tilespmem:s12+$0xFFFFFFE0];
	v27 =	vsel vm8, v50, v27;
	(xrf2) =	vadd.scan.msk.f32 $0xffff, v46;
	(erf) = vpow2.f32 v38  }
0x3b0: {  	v40 =	vsel vm3, v40, v35;
	v38 =	vld [tilespmem:s16+$0xFFFFFFE0];
	v46 =	vmul.f32 v27, v1;
	v50 =	vmul.f32 $2.000000030e-01, v39;
	v53, _, _ =	vpop (xrf2)  }
0x3b1: {  	vm8 =	vgt.f32 v39, $0.0e+00;
	v54 =	vmul.f32 $2.000000030e-01, v44;
	v51 =	vadd.f32 v51, v23;
	v27 =	vld [tilespmem:s12+$0xFFFFFFF0]  }
0x3b2: {  	vm9 =	vgt.f32 v44, $0.0e+00;
	v55 =	vld [tilespmem:s16+$0xFFFFFFF0];
	v39 =	vsel vm8, v39, v50;
	(xrf2) =	vadd.scan.msk.f32 $0xffff, v46;
	v46 =	vmul.f32 $1.442695020e+00, v41  }
0x3b3: {  	v41 =	vmul.f32 $2.000000030e-01, v51;
	v50 =	vadd.f32 v52, v24;
	v39 =	vmul.f32 v39, v4;
	v52, _, _ =	vpop (xrf2)  }
0x3b4: {  	v42 =	vmul.f32 $1.442695020e+00, v42;
	v44 =	vsel vm9, v44, v54;
	vm8 =	vgt.f32 v51, $0.0e+00  }
0x3b5: {  	v44 =	vmul.f32 v44, v4;
	v54 =	vmul.f32 $2.000000030e-01, v50;
	v38 =	vadd.f32 v38, v25;
	(xrf2) =	vadd.scan.msk.f32 $0xffff, v39  }
0x3b6: {  	v56 =	vmul.f32 v36, v10;
	v41 =	vsel vm8, v51, v41;
	vm8 =	vgt.f32 v50, $0.0e+00;
	v51, _, _ =	vpop (xrf2)  }
0x3b7: {  	v10 =	vmovc v34;
	v57 =	vmul.f32 v41, v5;
	v36 =	vmul.f32 $2.000000030e-01, v38;
	v55 =	vadd.f32 v55, v27  }
0x3b8: {  	v34 =	vsel vm8, v50, v54;
	vm8 =	vgt.f32 v38, $0.0e+00;
	(xrf2) =	vadd.scan.msk.f32 $0xffff, v37;
	v39 =	vpop (erf);
	(erf) = vpow2.f32 v45  }
0x3b9: {  	v41 =	vmul.f32 v34, v6;
	vm9 =	vgt.f32 v55, $0.0e+00;
	v34 =	vmul.f32 $2.000000030e-01, v55;
	v37, _, _ =	vpop (xrf2)  }
0x3ba: {  	v36 =	vsel vm8, v38, v36;
	v38 =	vsel vm4, v40, v39;
	(erf) = vpow2.f32 v46  }
0x3bb: {  	v36 =	vmul.f32 v36, v7;
	v34 =	vsel vm9, v55, v34;
	(xrf2) =	vadd.scan.msk.f32 $0xffff, v43;
	(erf) = vpow2.f32 v42  }
0x3bc: {  	v42 =	vperm.xlane v48, v0;
	v43 =	vperm.xlane v47, v0;
	v40, _, _ =	vpop (xrf2)  }
0x3bd: {  	v45 =	vperm.xlane v53, v0;
	v40 =	vperm.xlane v40, v0  }
0x3be: {  	v37 =	vperm.xlane v37, v0;
	v46 =	vperm.xlane v52, v0;
	(xrf2) =	vadd.scan.msk.f32 $0xffff, v49  }
0x3bf: {  	v47 =	vperm.xlane v51, v0;
	v50 =	vmul.f32 $1.442695020e+00, v40;
	v48, _, _ =	vpop (xrf2)  }
0x3c0: {  	v37 =	vmul.f32 $1.442695020e+00, v37;
	v48 =	vperm.xlane v48, v0  }
0x3c1: {  	v47 =	vmul.f32 $1.442695020e+00, v47;
	(erf) = vpow2.f32 v50;
	v40 =	vpop (erf)  }
0x3c2: {  	v48 =	vmul.f32 $1.442695020e+00, v48;
	v49, _, _ =	vpop (xrf2);
	(erf) = vpow2.f32 v37;
	v50 =	vsel vm5, v38, v40  }
0x3c3: {  	v46 =	vmul.f32 $1.442695020e+00, v46;
	(erf) = vpow2.f32 v47;
	v38 =	vpop (erf)  }
0x3c4: {  	v45 =	vmul.f32 $1.442695020e+00, v45;
	(erf) = vpow2.f32 v48;
	v47 =	vsel vm6, v50, v38;
	v37 =	vpop (erf)  }
0x3c5: {  	v48 =	vmul.f32 $1.442695020e+00, v42;
	v50, _, _ =	vpop (xrf2);
	(erf) = vpow2.f32 v46;
	v42 =	vsel vm7, v47, v37  }
0x3c6: {  	v43 =	vmul.f32 $1.442695020e+00, v43;
	(erf) = vpow2.f32 v45;
	[tilespmem:s20+$0xFFFFFFF0] =	vst v42  }
0x3c7: {  	v42 =	vmul.f32 v34, v8;
	(erf) = vpow2.f32 v48;
	[tilespmem:s19+$0xFFFFFF80] =	vst v56  }
.Ltmp3:
0x3c8: {  	v47 =	vperm.xlane v49, v0;
	v45, _, _ =	vpop (xrf2);
	(xrf2) =	vadd.scan.msk.f32 $0xffff, v44;
	(erf) = vpow2.f32 v43;
	(pc) =	sbr.rel @p0 .LBB2_9-.Ltmp3, $4  }
0x3c9: {  	v49 =	vperm.xlane v50, v0;
	v44 =	vperm.xlane v45, v0  }
0x3ca: {  	v46 =	vmul.f32 $1.442695020e+00, v47;
	v48 =	vmul.f32 v30, v12;
	v12 =	vmov v29;
	v34 =	vpop (erf)  }
0x3cb: {  	v45 =	vmul.f32 $1.442695020e+00, v49;
	v44 =	vmul.f32 $1.442695020e+00, v44;
	v29 =	vnsel vm0, $0x0, v34;
	(xrf2) =	vadd.scan.msk.f32 $0xffff, v57;
	v30 =	vpop (erf)  }
0x3cc: {  	v32 =	vmul.f32 v31, v32;
	s12 =	sadd.s32 $0x100, s12;
	v47 =	vsel vm1, v29, v30;
	v43 =	vpop (erf);
	[tilespmem:s19+$0xFFFFFF90] =	vst v48;
	v29 =	vmul.f32 v35, v33  }
0x3cd: {  	(xrf2) =	vadd.scan.msk.f32 $0xffff, v41  }
0x3ce: {  	(xrf2) =	vadd.scan.msk.f32 $0xffff, v36  }
0x3cf: {  	(xrf2) =	vadd.scan.msk.f32 $0xffff, v42  }
0x3d0: {  	v33 =	vpop (erf)  }
0x3d1: {  	v35 =	vpop (erf)  }
0x3d2: {  	v36 =	vpop (erf)  }
0x3d3: {  	(erf) = vpow2.f32 v46;
	v31, _, _ =	vpop (xrf2)  }
0x3d4: {  	v15 =	vmul.f32 v39, v15;
	v41 =	vpop (erf);
	v31 =	vperm.xlane v31, v0  }
0x3d5: {  	v16 =	vmul.f32 v40, v16;
	v20 =	vmul.f32 v38, v20;
	v55 =	vpop (erf)  }
0x3d6: {  	(erf) = vpow2.f32 v45;
	v31 =	vmul.f32 $1.442695020e+00, v31;
	v56, _, _ =	vpop (xrf2)  }
0x3d7: {  	(erf) = vpow2.f32 v44;
	v42 =	vperm.xlane v56, v0;
	v58, _, _ =	vpop (xrf2)  }
0x3d8: {  	(erf) = vpow2.f32 v31;
	v59 =	vperm.xlane v58, v0;
	v60, _, _ =	vpop (xrf2)  }
0x3d9: {  	v42 =	vmul.f32 $1.442695020e+00, v42;
	v61, _, _ =	vpop (xrf2);
	v45 =	vperm.xlane v60, v0  }
0x3da: {  	v57 =	vsel vm2, v47, v43;
	[tilespmem:s19+$0xFFFFFFA0] =	vst v32;
	v63 =	vperm.xlane v61, v0;
	v31 =	vmul.f32 $1.442695020e+00, v59  }
0x3db: {  	[tilespmem:s19+$0xFFFFFFB0] =	vst v29;
	v44 =	vsel vm3, v57, v33;
	(erf) = vpow2.f32 v42;
	v49 =	vmul.f32 $1.442695020e+00, v45  }
0x3dc: {  	[tilespmem:s19+$0xFFFFFFC0] =	vst v15;
	v44 =	vsel vm4, v44, v35;
	v50 =	vmul.f32 $1.442695020e+00, v63;
	(erf) = vpow2.f32 v31  }
0x3dd: {  	v51 =	vmul.f32 v37, v21;
	[tilespmem:s25+$0xFFFFFFD0] =	vst v16;
	v62 =	vsel vm5, v44, v36;
	(erf) = vpow2.f32 v49  }
0x3de: {  	[tilespmem:s25+$0xFFFFFFE0] =	vst v20;
	v48 =	vsel vm6, v62, v41;
	(erf) = vpow2.f32 v50  }
0x3df: {  	s9 =	sadd.s32 $0x20, s20;
	[tilespmem:s25+$0xFFFFFFF0] =	vst v51;
	v14 =	vmul.f32 v55, v14;
	v29 =	vsel vm7, v48, v55  }
0x3e0: {  	s12 =	sadd.s32 $0x100, s19;
	v53 =	vmul.f32 v34, v26;
	[tilespmem:s9+$0x0] =	vst v29;
	v52 =	vpop (erf)  }
0x3e1: {  	v55 =	vmul.f32 v30, v22;
	[tilespmem:s12+$0x70] =	vst v14;
	v54 =	vpop (erf);
	v56 =	vnsel vm0, $0x0, v52  }
0x3e2: {  	v18 =	vmul.f32 v43, v18;
	[tilespmem:s12+$0x0] =	vst v53;
	v14 =	vsel vm1, v56, v54;
	v57 =	vpop (erf)  }
0x3e3: {  	v11 =	vmul.f32 v35, v11;
	[tilespmem:s12+$0x10] =	vst v55;
	v14 =	vsel vm2, v14, v57;
	v59 =	vpop (erf)  }
0x3e4: {  	v13 =	vmul.f32 v36, v13;
	[tilespmem:s12+$0x20] =	vst v18;
	v14 =	vsel vm3, v14, v59;
	v60 =	vpop (erf)  }
0x3e5: {  	v9 =	vmul.f32 v41, v9;
	[tilespmem:s12+$0x40] =	vst v11;
	v14 =	vsel vm4, v14, v60;
	v61 =	vpop (erf)  }
0x3e6: {  	[tilespmem:s12+$0x50] =	vst v13;
	v58 =	vmul.f32 v33, v28;
	v11 =	vsel vm5, v14, v61;
	v62 =	vpop (erf)  }
0x3e7: {  	[tilespmem:s12+$0x60] =	vst v9;
	v11 =	vsel vm6, v11, v62;
	v63 =	vpop (erf)  }
0x3e8: {  	v9 =	vmul.f32 v52, v10;
	[tilespmem:s12+$0x30] =	vst v58;
	v10 =	vsel vm7, v11, v63  }
0x3e9: {  	v11 =	vmul.f32 v60, v23;
	[tilespmem:s9+$0xFFFFFFF0] =	vst v10  }
0x3ea: {  	v10 =	vmul.f32 v54, v12;
	[tilespmem:s12+$0xFFFFFF80] =	vst v9  }
0x3eb: {  	v9 =	vmul.f32 v57, v17;
	[tilespmem:s12+$0xFFFFFFC0] =	vst v11  }
0x3ec: {  	v11 =	vmul.f32 v63, v27;
	[tilespmem:s12+$0xFFFFFF90] =	vst v10  }
0x3ed: {  	v10 =	vmul.f32 v59, v19;
	[tilespmem:s12+$0xFFFFFFA0] =	vst v9  }
0x3ee: {  	v9 =	vmul.f32 v61, v24;
	[tilespmem:s12+$0xFFFFFFF0] =	vst v11  }
0x3ef: {  	[tilespmem:s12+$0xFFFFFFB0] =	vst v10;
	v10 =	vmul.f32 v62, v25  }
0x3f0: {  	[tilespmem:s12+$0xFFFFFFD0] =	vst v9  }
0x3f1: {  	s15 =	sadd.s32 $0x1, s15;
	[tilespmem:s12+$0xFFFFFFE0] =	vst v10  }
0x3f2: {  	p0 =	sne.s32 s15, $0x7C;
	_ =	swait.ge [sflag:s30], $0x28  }
.Ltmp4:
0x3f3: {  	[sflag:s30] =	ssyncset.done $0x0;
	(pc) =	sbr.rel @p0 .LBB2_6-.Ltmp4, $4  }
0x3f4: {  	s25 =	simm.s32 $0x64F0;
	[sflag:s30] =	ssyncadd.s32 $0xFFFFFFD8  }
0x3f5: {  	[spmem:s2] =	stream.indirect.scatter.add.f32 [tilespmem:s25], [sflag:$0x6], $0x80, s29, s0, $0xb8;
	[tilespmem:$0x1E670] =	vst v63  }
0x3f6: {  	s26 =	simm.s32 $0x7B70  }
0x3f7: {  	[spmem:s3] =	stream.indirect.scatter.add.f32 [tilespmem:s26], [sflag:$0x6], $0x10, s29, s0, $0xb8;
	[tilespmem:$0x1E670] =	vst v63  }
0x3f8: {  	_ =	swait.ge [sflag:s18], $0x28  }
0x3f9: {  	[sflag:s18] =	ssyncset.done $0x0  }
0x3fa: {  	[sflag:s18] =	ssyncadd.s32 $0xFFFFFFD8  }
0x3fb: {  	_ =	swait.ge [sflag:s18], $0x28  }
0x3fc: {  	[sflag:s18] =	ssyncset.done $0x0  }
0x3fd: {  	s9 =	simm.s32 $0x14F0;
	[sflag:s18] =	ssyncadd.s32 $0xFFFFFFD8  }
0x3fe: {  	[tilespmem:s9], [sflag:$0x4] =	stream.indirect.gather [hbm4b:s1+s0], $0x80, s0, s0, $0xb8;
	[tilespmem:$0x1E670] =	vst v63  }
0x3ff: {  	s19 =	simm.s32 $0x3CF0  }
0x400: {  	[tilespmem:s19], [sflag:$0x4] =	stream.indirect.gather [hbm4b:s6+s0], $0x80, s4, s0, $0xb8;
	[tilespmem:$0x1E670] =	vst v63  }
0x401: {  	_ =	swait.ge [sflag:s22], $0x1400  }
0x402: {  	[sflag:s22] =	ssyncset.done $0x0  }
0x403: {  	[sflag:s22] =	ssyncadd.s32 $0xFFFFEC00  }
0x404: {  	_ =	swait.ge [sflag:s22], $0x1400  }
0x405: {  	[sflag:s22] =	ssyncset.done $0x0  }
0x406: {  	[sflag:s22] =	ssyncadd.s32 $0xFFFFEC00  }
0x407: {  	_ =	swait.ge [sflag:s14], $0x1400  }
0x408: {  	[sflag:s14] =	ssyncset.done $0x0  }
0x409: {  	[sflag:s14] =	ssyncadd.s32 $0xFFFFEC00  }
0x40a: {  	_ =	swait.ge [sflag:s14], $0x280  }
0x40b: {  	[sflag:s14] =	ssyncset.done $0x0  }
0x40c: {  	s12 =	simm.s32 $0x170;
	s20 =	rddreg [dreg:$0x16];
	[sflag:s14] =	ssyncadd.s32 $0xFFFFFD80  }
0x40d: {  	[tilespmem:s23], [sflag:$0x7] =	stream.linear.gather [hbm4b:s20+s5], $0x28, $0x38;
	[tilespmem:$0x1E670] =	vst v63  }
0x40e: {  	s25 =	simm.s32 $0x2970;
	v12 =	vld [tilespmem:s12+$0x60]  }
0x40f: {  	v9 =	vld [tilespmem:s25+$0x60]  }
0x410: {  	v19 =	vld [tilespmem:s12+$0x70]  }
0x411: {  	v10 =	vld [tilespmem:s25+$0x70]  }
0x412: {  	v17 =	vld [tilespmem:s12+$0x50]  }
0x413: {  	v11 =	vld [tilespmem:s25+$0x50]  }
0x414: {  	v22 =	vld [tilespmem:s12+$0x40]  }
0x415: {  	v13 =	vld [tilespmem:s25+$0x40]  }
0x416: {  	v18 =	vld [tilespmem:s12+$0x20]  }
0x417: {  	v14 =	vld [tilespmem:s25+$0x20]  }
0x418: {  	v23 =	vld [tilespmem:s12+$0x10]  }
0x419: {  	v20 =	vld [tilespmem:s25+$0x10];
	v9 =	vadd.f32 v9, v12;
	_ =	sdelay $0x1  }
0x41a: {  	v10 =	vadd.f32 v10, v19;
	v15 =	vmul.f32 $2.000000030e-01, v9  }
0x41b: {  	v25 =	vld [tilespmem:s25+$0x0];
	v16 =	vadd.f32 v11, v17;
	v13 =	vadd.f32 v13, v22;
	vm8 =	vgt.f32 v9, $0.0e+00  }
0x41c: {  	v11 =	vld [tilespmem:s12+$0x0];
	v14 =	vadd.f32 v14, v18;
	v9 =	vsel vm8, v9, v15;
	v15 =	vmul.f32 $2.000000030e-01, v10  }
0x41d: {  	v24 =	vld [tilespmem:s12+$0x30];
	v20 =	vadd.f32 v20, v23;
	v21 =	vmul.f32 $2.000000030e-01, v16;
	vm8 =	vgt.f32 v10, $0.0e+00  }
0x41e: {  	v26 =	vld [tilespmem:s25+$0xFFFFFF80];
	v27 =	vmul.f32 $2.000000030e-01, v14;
	v10 =	vsel vm8, v10, v15;
	vm8 =	vgt.f32 v16, $0.0e+00  }
0x41f: {  	v9 =	vmul.f32 v9, v7;
	v15 =	vsel vm8, v16, v21;
	v16 =	vmul.f32 $2.000000030e-01, v13;
	v21 =	vld [tilespmem:s25+$0x30]  }
0x420: {  	v32 =	vld [tilespmem:s12+$0xFFFFFF80];
	v10 =	vmul.f32 v10, v8;
	vm8 =	vgt.f32 v13, $0.0e+00;
	v15 =	vmul.f32 v15, v6  }
0x421: {  	v30 =	vld [tilespmem:s12+$0xFFFFFF90];
	v13 =	vsel vm8, v13, v16;
	vm8 =	vgt.f32 v14, $0.0e+00;
	v16 =	vadd.f32 v25, v11  }
0x422: {  	v29 =	vld [tilespmem:s12+$0xFFFFFFA0];
	(xrf2) =	vadd.scan.msk.f32 $0xffff, v9;
	v9 =	vmul.f32 v13, v5;
	v13 =	vsel vm8, v14, v27;
	v14 =	vmul.f32 $2.000000030e-01, v20  }
0x423: {  	v31 =	vld [tilespmem:s12+$0xFFFFFFB0];
	(xrf2) =	vadd.scan.msk.f32 $0xffff, v10;
	vm8 =	vgt.f32 v20, $0.0e+00;
	v10 =	vmul.f32 v13, v3;
	v13 =	vmul.f32 $2.000000030e-01, v16  }
0x424: {  	v25 =	vld [tilespmem:s25+$0xFFFFFF90];
	(xrf2) =	vadd.scan.msk.f32 $0xffff, v15;
	v14 =	vsel vm8, v20, v14;
	vm8 =	vgt.f32 v16, $0.0e+00;
	v15 =	vadd.f32 v21, v24  }
0x425: {  	v20 =	vld [tilespmem:s25+$0xFFFFFFA0];
	(xrf2) =	vadd.scan.msk.f32 $0xffff, v9;
	v9 =	vmul.f32 v14, v2;
	v13 =	vsel vm8, v16, v13  }
0x426: {  	(xrf2) =	vadd.scan.msk.f32 $0xffff, v10;
	v14 =	vld [tilespmem:s25+$0xFFFFFFB0];
	v10 =	vmul.f32 v13, v1;
	v13 =	vmul.f32 $2.000000030e-01, v15  }
0x427: {  	vm8 =	vgt.f32 v15, $0.0e+00;
	(xrf2) =	vadd.scan.msk.f32 $0xffff, v9;
	v9 =	vadd.f32 v26, v32  }
0x428: {  	v13 =	vsel vm8, v15, v13  }
0x429: {  	(xrf2) =	vadd.scan.msk.f32 $0xffff, v10;
	v10 =	vmul.f32 v13, v4;
	v13 =	vmul.f32 $2.000000030e-01, v9  }
0x42a: {  	v21 =	vld [tilespmem:s25+$0xFFFFFFC0];
	v16 =	vadd.f32 v25, v30  }
0x42b: {  	v15 =	vld [tilespmem:s12+$0xFFFFFFC0];
	vm8 =	vgt.f32 v9, $0.0e+00;
	v20 =	vadd.f32 v20, v29;
	v14 =	vadd.f32 v14, v31  }
0x42c: {  	(xrf2) =	vadd.scan.msk.f32 $0xffff, v10;
	v9 =	vsel vm8, v9, v13;
	v10 =	vmul.f32 $2.000000030e-01, v16  }
0x42d: {  	vm8 =	vgt.f32 v16, $0.0e+00;
	v25 =	vmul.f32 $2.000000030e-01, v20;
	v27 =	vmul.f32 $2.000000030e-01, v14;
	v13, _, _ =	vpop (xrf2)  }
0x42e: {  	v10 =	vsel vm8, v16, v10;
	vm8 =	vgt.f32 v20, $0.0e+00;
	v26, _, _ =	vpop (xrf2)  }
0x42f: {  	v9 =	vmul.f32 v9, v1;
	v20 =	vsel vm8, v20, v25;
	v16, _, _ =	vpop (xrf2)  }
0x430: {  	v25 =	vadd.f32 v21, v15;
	vm8 =	vgt.f32 v14, $0.0e+00;
	v10 =	vmul.f32 v10, v2;
	v21, _, _ =	vpop (xrf2)  }
0x431: {  	v13 =	vperm.xlane v13, v0;
	v20 =	vmul.f32 v20, v3;
	v14 =	vsel vm8, v14, v27;
	v27, _, _ =	vpop (xrf2)  }
0x432: {  	v26 =	vperm.xlane v26, v0;
	v28 =	vmul.f32 $2.000000030e-01, v25;
	v33, _, _ =	vpop (xrf2)  }
0x433: {  	v14 =	vmul.f32 v14, v4;
	v51 =	vperm.xlane v16, v0;
	(xrf2) =	vadd.scan.msk.f32 $0xffff, v9;
	v34, _, _ =	vpop (xrf2)  }
0x434: {  	v13 =	vmul.f32 $1.442695020e+00, v13;
	v9 =	vperm.xlane v34, v0  }
0x435: {  	v16 =	vld [tilespmem:s12+$0xFFFFFFD0];
	v52 =	vperm.xlane v21, v0;
	(xrf2) =	vadd.scan.msk.f32 $0xffff, v10;
	v10 =	vperm.xlane v33, v0  }
0x436: {  	v21 =	vperm.xlane v27, v0;
	v27 =	vld [tilespmem:s25+$0xFFFFFFD0];
	(xrf2) =	vadd.scan.msk.f32 $0xffff, v20;
	v20, _, _ =	vpop (xrf2);
	v9 =	vmul.f32 $1.442695020e+00, v9  }
0x437: {  	v53 =	vld [tilespmem:s25+$0xFFFFFFF0];
	v10 =	vmul.f32 $1.442695020e+00, v10;
	v35 =	vperm.xlane v20, v0  }
0x438: {  	v36 =	vmul.f32 $1.442695020e+00, v21;
	v20 =	vld [tilespmem:s12+$0xFFFFFFE0];
	(erf) = vpow2.f32 v9  }
0x439: {  	v9 =	vld [tilespmem:s25+$0xFFFFFFE0];
	v35 =	vmul.f32 $1.442695020e+00, v35;
	(erf) = vpow2.f32 v10  }
0x43a: {  	v21 =	vld [tilespmem:s12+$0xFFFFFFF0];
	v10 =	vmul.f32 $1.442695020e+00, v52;
	(erf) = vpow2.f32 v36  }
0x43b: {  	v34 =	vmul.f32 $1.442695020e+00, v51;
	v27 =	vadd.f32 v27, v16;
	(erf) = vpow2.f32 v35  }
0x43c: {  	(erf) = vpow2.f32 v10;
	v10 =	vmul.f32 $1.442695020e+00, v26  }
0x43d: {  	vm8 =	vgt.f32 v25, $0.0e+00;
	v55, _, _ =	vpop (xrf2);
	v26 =	vmul.f32 $2.000000030e-01, v27;
	(erf) = vpow2.f32 v34  }
0x43e: {  	s15 =	simm.s32 $0x2A70;
	(xrf2) =	vadd.scan.msk.f32 $0xffff, v14;
	v57 =	vperm.xlane v55, v0;
	v54 =	vadd.f32 v9, v20;
	(erf) = vpow2.f32 v13  }
0x43f: {  	v44 =	vld [tilespmem:s15+$0xFFFFFF80];
	v13 =	vsel vm8, v25, v28;
	vm8 =	vgt.f32 v27, $0.0e+00;
	v28 =	vadd.f32 v53, v21  }
0x440: {  	s26 =	simm.s32 $0x270;
	v46 =	vld [tilespmem:s15+$0x70];
	v25, _, _ =	vpop (xrf2);
	(erf) = vpow2.f32 v10;
	v10 =	vmul.f32 $2.000000030e-01, v54;
	v14 =	vsel vm8, v27, v26  }
0x441: {  	v9 =	vld [tilespmem:s26+$0x60];
	v41 =	vmul.f32 v13, v5;
	vm8 =	vgt.f32 v54, $0.0e+00;
	v25 =	vperm.xlane v25, v0  }
0x442: {  	v27 =	vld [tilespmem:s15+$0x60];
	v26, _, _ =	vpop (xrf2);
	v43 =	vmul.f32 v14, v6;
	v13 =	vmul.f32 $2.000000030e-01, v28;
	v10 =	vsel vm8, v54, v10  }
0x443: {  	v14 =	vld [tilespmem:s26+$0x70];
	v56 =	vpop (erf);
	vm8 =	vgt.f32 v28, $0.0e+00;
	v26 =	vperm.xlane v26, v0;
	v25 =	vmul.f32 $1.442695020e+00, v25  }
0x444: {  	v58 =	vpop (erf);
	v45 =	vmul.f32 v10, v7;
	v13 =	vsel vm8, v28, v13;
	v28 =	vmul.f32 $1.442695020e+00, v57;
	v10 =	vld [tilespmem:s26+$0xFFFFFF80]  }
0x445: {  	v39 =	vmul.f32 v56, v11;
	v11 =	vld [tilespmem:s26+$0x40];
	v37 =	vpop (erf);
	v48 =	vmul.f32 v13, v8  }
0x446: {  	(xrf2) =	vadd.scan.msk.f32 $0xffff, v41;
	v57 =	vld [tilespmem:s15+$0x10];
	v26 =	vmul.f32 $1.442695020e+00, v26;
	v40 =	vmul.f32 v58, v23;
	v47 =	vpop (erf)  }
0x447: {  	v13 =	vld [tilespmem:s26+$0x50];
	(erf) = vpow2.f32 v28;
	v38 =	vmul.f32 v37, v18;
	v49 =	vpop (erf)  }
0x448: {  	v59 =	vnsel vm0, $0x0, v56;
	v23 =	vld [tilespmem:s15+$0x40];
	(erf) = vpow2.f32 v25;
	v35 =	vmul.f32 v47, v24;
	v24, _, _ =	vpop (xrf2)  }
0x449: {  	v60 =	vsel vm1, v59, v58;
	v28 =	vld [tilespmem:s15+$0x50];
	v50 =	vpop (erf);
	(erf) = vpow2.f32 v26;
	v24 =	vperm.xlane v24, v0  }
0x44a: {  	v26 =	vsel vm2, v60, v37;
	v37 =	vmul.f32 v49, v22;
	v22 =	vld [tilespmem:s26+$0x10];
	v25 =	vpop (erf);
	v34 =	vmul.f32 v50, v17  }
0x44b: {  	v17 =	vadd.f32 v46, v14;
	v61 =	vsel vm3, v26, v47;
	v58 =	vadd.f32 v44, v10;
	v36 =	vpop (erf)  }
0x44c: {  	v18 =	vld [tilespmem:s26+$0x20];
	v33 =	vmul.f32 v25, v12;
	v42 =	vmul.f32 v36, v19;
	v19 =	vadd.f32 v27, v9  }
0x44d: {  	v23 =	vadd.f32 v23, v11;
	v24 =	vmul.f32 $1.442695020e+00, v24;
	v27 =	vld [tilespmem:s15+$0x20];
	v51 =	vmul.f32 $2.000000030e-01, v17  }
0x44e: {  	v28 =	vadd.f32 v28, v13;
	v60 =	vmul.f32 $2.000000030e-01, v58;
	v12 =	vmul.f32 $2.000000030e-01, v19  }
0x44f: {  	v26 =	vld [tilespmem:s26+$0x0];
	(erf) = vpow2.f32 v24;
	vm8 =	vgt.f32 v19, $0.0e+00;
	v54 =	vadd.f32 v57, v22  }
0x450: {  	v62 =	vmul.f32 $2.000000030e-01, v28;
	v59, _, _ =	vpop (xrf2);
	v12 =	vsel vm8, v19, v12;
	vm8 =	vgt.f32 v17, $0.0e+00;
	v19 =	vld [tilespmem:s15+$0x0]  }
0x451: {  	v44 =	vperm.xlane v59, v0;
	v47 =	vmul.f32 $2.000000030e-01, v54;
	v17 =	vsel vm8, v17, v51  }
0x452: {  	(xrf2) =	vadd.scan.msk.f32 $0xffff, v43;
	v63 =	vmul.f32 v12, v7;
	vm8 =	vgt.f32 v28, $0.0e+00;
	v27 =	vadd.f32 v27, v18  }
0x453: {  	v55 =	vld [tilespmem:s15+$0xFFFFFF90];
	(xrf2) =	vadd.scan.msk.f32 $0xffff, v45;
	v51 =	vmul.f32 v17, v8;
	v12 =	vsel vm8, v28, v62;
	v17 =	vmul.f32 $2.000000030e-01, v23  }
0x454: {  	(xrf2) =	vadd.scan.msk.f32 $0xffff, v48;
	v57 =	vld [tilespmem:s15+$0xFFFFFFA0];
	v44 =	vmul.f32 $1.442695020e+00, v44;
	vm8 =	vgt.f32 v23, $0.0e+00;
	v28 =	vmul.f32 v12, v6  }
0x455: {  	v12 =	vld [tilespmem:s26+$0xFFFFFF90];
	v17 =	vsel vm8, v23, v17;
	v23 =	vmul.f32 $2.000000030e-01, v27;
	v19 =	vadd.f32 v19, v26  }
0x456: {  	(xrf2) =	vadd.scan.msk.f32 $0xffff, v63;
	(erf) = vpow2.f32 v44;
	vm8 =	vgt.f32 v27, $0.0e+00;
	v56 =	vmul.f32 v17, v5;
	v17 =	vld [tilespmem:s26+$0xFFFFFFA0]  }
0x457: {  	(xrf2) =	vadd.scan.msk.f32 $0xffff, v51;
	v23 =	vsel vm8, v27, v23;
	vm8 =	vgt.f32 v54, $0.0e+00;
	v27 =	vmul.f32 $2.000000030e-01, v19  }
0x458: {  	(xrf2) =	vadd.scan.msk.f32 $0xffff, v28;
	v28 =	vld [tilespmem:s26+$0x30];
	v23 =	vmul.f32 v23, v3;
	v43 =	vsel vm8, v54, v47;
	vm8 =	vgt.f32 v19, $0.0e+00  }
0x459: {  	(xrf2) =	vadd.scan.msk.f32 $0xffff, v56;
	v43 =	vmul.f32 v43, v2;
	v19 =	vsel vm8, v19, v27;
	v27 =	vsel vm4, v61, v49;
	v61 =	vld [tilespmem:s15+$0x30]  }
0x45a: {  	v45 =	vadd.f32 v55, v12;
	(xrf2) =	vadd.scan.msk.f32 $0xffff, v23;
	vm8 =	vgt.f32 v58, $0.0e+00;
	v23 =	vmul.f32 v19, v1  }
0x45b: {  	v63 =	vld [tilespmem:s15+$0xFFFFFFB0];
	(xrf2) =	vadd.scan.msk.f32 $0xffff, v43;
	v24 =	vsel vm8, v58, v60;
	v27 =	vsel vm5, v27, v50;
	v48 =	vadd.f32 v57, v17  }
0x45c: {  	vm8 =	vgt.f32 v45, $0.0e+00;
	v60 =	vld [tilespmem:s15+$0xFFFFFFC0];
	v41 =	vmul.f32 v24, v1;
	v24 =	vmul.f32 $2.000000030e-01, v45;
	v19, _, _ =	vpop (xrf2);
	(xrf2) =	vadd.scan.msk.f32 $0xffff, v23  }
0x45d: {  	v52 =	vsel vm6, v27, v25;
	v25 =	vmul.f32 $2.000000030e-01, v48;
	v62 =	vperm.xlane v19, v0;
	v19 =	vld [tilespmem:s26+$0xFFFFFFB0];
	v58, _, _ =	vpop (xrf2)  }
0x45e: {  	v23 =	vld [tilespmem:s26+$0xFFFFFFC0];
	v24 =	vsel vm8, v45, v24;
	v59, _, _ =	vpop (xrf2);
	v49 =	vperm.xlane v58, v0;
	v47 =	vadd.f32 v61, v28  }
0x45f: {  	v55 =	vld [tilespmem:s15+$0xFFFFFFD0];
	vm8 =	vgt.f32 v48, $0.0e+00;
	v53 =	vmul.f32 v24, v2;
	v50 =	vperm.xlane v59, v0  }
0x460: {  	v24 =	vld [tilespmem:s26+$0xFFFFFFD0];
	v25 =	vsel vm8, v48, v25;
	v51, _, _ =	vpop (xrf2);
	v43 =	vmul.f32 $1.442695020e+00, v62;
	v27 =	vmul.f32 $2.000000030e-01, v47  }
0x461: {  	v48 =	vmul.f32 v25, v3;
	v54, _, _ =	vpop (xrf2);
	vm8 =	vgt.f32 v47, $0.0e+00;
	v49 =	vmul.f32 $1.442695020e+00, v49  }
0x462: {  	v58 =	vld [tilespmem:s15+$0xFFFFFFE0];
	v56, _, _ =	vpop (xrf2);
	(erf) = vpow2.f32 v43;
	v46 =	vadd.f32 v63, v19;
	v27 =	vsel vm8, v47, v27  }
0x463: {  	v25 =	vld [tilespmem:s26+$0xFFFFFFE0];
	v44 =	vadd.f32 v60, v23;
	v50 =	vmul.f32 $1.442695020e+00, v50;
	v47, _, _ =	vpop (xrf2);
	v45 =	vmul.f32 v27, v4  }
0x464: {  	(erf) = vpow2.f32 v49;
	v57, _, _ =	vpop (xrf2);
	v59 =	vmul.f32 $2.000000030e-01, v46  }
0x465: {  	v61 =	vmul.f32 $2.000000030e-01, v44;
	v55 =	vadd.f32 v55, v24;
	vm8 =	vgt.f32 v46, $0.0e+00;
	v60, _, _ =	vpop (xrf2);
	(xrf2) =	vadd.scan.msk.f32 $0xffff, v45  }
0x466: {  	v27 =	vld [tilespmem:s26+$0xFFFFFFF0];
	(erf) = vpow2.f32 v50;
	v62, _, _ =	vpop (xrf2);
	v46 =	vsel vm8, v46, v59;
	vm8 =	vgt.f32 v44, $0.0e+00  }
0x467: {  	v63 =	vmul.f32 $2.000000030e-01, v55;
	v59 =	vld [tilespmem:s15+$0xFFFFFFF0];
	v43 =	vperm.xlane v62, v0;
	v44 =	vsel vm8, v44, v61  }
0x468: {  	v45 =	vpop (erf);
	v46 =	vmul.f32 v46, v4;
	v61 =	vadd.f32 v58, v25;
	vm8 =	vgt.f32 v55, $0.0e+00  }
0x469: {  	v49 =	vsel vm8, v55, v63;
	v32 =	vmul.f32 v45, v32;
	v63 =	vperm.xlane v60, v0  }
0x46a: {  	v43 =	vmul.f32 $1.442695020e+00, v43;
	v62 =	vmul.f32 $2.000000030e-01, v61  }
0x46b: {  	(xrf2) =	vadd.scan.msk.f32 $0xffff, v41;
	vm8 =	vgt.f32 v61, $0.0e+00;
	v41 =	vmul.f32 v49, v6;
	v60 =	vmul.f32 $1.442695020e+00, v63  }
0x46c: {  	(erf) = vpow2.f32 v43;
	v55 =	vadd.f32 v59, v27;
	v59 =	vmul.f32 v44, v5  }
0x46d: {  	(xrf2) =	vadd.scan.msk.f32 $0xffff, v53;
	v43 =	vsel vm8, v61, v62;
	v62 =	vperm.xlane v57, v0;
	v57 =	vperm.xlane v54, v0  }
0x46e: {  	(xrf2) =	vadd.scan.msk.f32 $0xffff, v48;
	v48 =	vpop (erf);
	v61 =	vsel vm7, v52, v36;
	v36 =	vmul.f32 v43, v7;
	v43 =	vperm.xlane v51, v0  }
0x46f: {  	s19 =	simm.s32 $0x7900;
	(erf) = vpow2.f32 v60;
	v60 =	vperm.xlane v47, v0;
	v63, _, _ =	vpop (xrf2)  }
0x470: {  	s16 =	simm.s32 $0x5170;
	v50 =	vpop (erf);
	[tilespmem:s19+$0x0] =	vst v61;
	v44 =	vmul.f32 $2.000000030e-01, v55;
	v49 =	vperm.xlane v63, v0  }
0x471: {  	v45 =	vnsel vm0, $0x0, v45;
	v53 =	vpop (erf);
	[tilespmem:s16+$0x70] =	vst v42;
	v61 =	vmul.f32 $1.442695020e+00, v62;
	v62 =	vperm.xlane v56, v0  }
0x472: {  	v45 =	vsel vm1, v45, v48;
	[tilespmem:s16+$0x0] =	vst v39;
	v39 =	vpop (erf);
	v54 =	vmul.f32 $1.442695020e+00, v57;
	v49 =	vmul.f32 $1.442695020e+00, v49  }
0x473: {  	v58 =	vsel vm2, v45, v50;
	[tilespmem:s16+$0x10] =	vst v40;
	v40 =	vpop (erf);
	v45 =	vmul.f32 $1.442695020e+00, v60;
	(erf) = vpow2.f32 v61  }
0x474: {  	v42 =	vsel vm3, v58, v53;
	[tilespmem:s16+$0x20] =	vst v38;
	v51 =	vmul.f32 $1.442695020e+00, v62;
	v38 =	vpop (erf);
	(erf) = vpow2.f32 v49  }
0x475: {  	vm8 =	vgt.f32 v55, $0.0e+00;
	[tilespmem:s16+$0x30] =	vst v35;
	v43 =	vmul.f32 $1.442695020e+00, v43;
	v63, _, _ =	vpop (xrf2);
	(erf) = vpow2.f32 v45  }
0x476: {  	[tilespmem:s16+$0x40] =	vst v37;
	v42 =	vsel vm4, v42, v39;
	v62 =	vmul.f32 v48, v30;
	v37 =	vpop (erf);
	(erf) = vpow2.f32 v51  }
0x477: {  	[tilespmem:s16+$0x50] =	vst v34;
	v42 =	vsel vm5, v42, v40;
	v56, _, _ =	vpop (xrf2);
	v58 =	vperm.xlane v63, v0;
	(erf) = vpow2.f32 v43  }
0x478: {  	(xrf2) =	vadd.scan.msk.f32 $0xffff, v46;
	v60, _, _ =	vpop (xrf2);
	v49 =	vsel vm8, v55, v44;
	v55 =	vsel vm6, v42, v38;
	(erf) = vpow2.f32 v54  }
0x479: {  	[tilespmem:s16+$0x60] =	vst v33;
	v61 =	vperm.xlane v56, v0;
	v35 =	vperm.xlane v60, v0;
	v57 =	vsel vm7, v55, v37  }
0x47a: {  	(xrf2) =	vadd.scan.msk.f32 $0xffff, v59;
	v46 =	vmul.f32 $1.442695020e+00, v58;
	v34 =	vpop (erf);
	v42 =	vmul.f32 v49, v8;
	[tilespmem:s19+$0xFFFFFFF0] =	vst v57  }
0x47b: {  	v45 =	vmul.f32 $1.442695020e+00, v61;
	v44 =	vmul.f32 $1.442695020e+00, v35;
	v63 =	vnsel vm0, $0x0, v34;
	v30 =	vpop (erf);
	[tilespmem:s16+$0xFFFFFF80] =	vst v32  }
0x47c: {  	s9 =	simm.s32 $0x2;
	s20 =	simm.s32 $0x5170;
	s12 =	simm.s32 $0x370;
	v47 =	vsel vm1, v63, v30;
	[tilespmem:s16+$0xFFFFFF90] =	vst v62;
	v32 =	vmul.f32 v50, v29;
	v29 =	vmul.f32 v53, v31;
	v43 =	vpop (erf)  }
.LBB2_12:
0x47d: {  	v31 =	vld [tilespmem:s12+$0x60];
	v33 =	vsel vm2, v47, v43;
	s15 =	sadd.s32 $0x100, s15;
	(erf) = vpow2.f32 v46;
	v35 =	vpop (erf);
	v15 =	vmul.f32 v39, v15  }
0x47e: {  	v16 =	vmul.f32 v40, v16;
	v39 =	vld [tilespmem:s15+$0x60];
	v33 =	vsel vm3, v33, v35;
	(erf) = vpow2.f32 v45;
	(xrf2) =	vadd.scan.msk.f32 $0xffff, v41;
	v41 =	vpop (erf)  }
0x47f: {  	v20 =	vmul.f32 v38, v20;
	v21 =	vmul.f32 v37, v21;
	v40 =	vld [tilespmem:s15+$0xFFFFFF80];
	v33 =	vsel vm4, v33, v41;
	v45 =	vpop (erf);
	[tilespmem:s16+$0xFFFFFFA0] =	vst v32  }
0x480: {  	v26 =	vmul.f32 v34, v26;
	v32 =	vld [tilespmem:s12+$0x70];
	v33 =	vsel vm5, v33, v45;
	(erf) = vpow2.f32 v44;
	v37 =	vpop (erf);
	[tilespmem:s16+$0xFFFFFFB0] =	vst v29  }
0x481: {  	v22 =	vmul.f32 v30, v22;
	v38 =	vld [tilespmem:s15+$0x70];
	v29 =	vsel vm6, v33, v37;
	v33 =	vmul.f32 v43, v18;
	(xrf2) =	vadd.scan.msk.f32 $0xffff, v36;
	v18 =	vpop (erf)  }
0x482: {  	s19 =	sadd.s32 $0x20, s19;
	v28 =	vmul.f32 v35, v28;
	v34 =	vld [tilespmem:s12+$0xFFFFFF80];
	v29 =	vsel vm7, v29, v18;
	v36 =	vmul.f32 v18, v14;
	v18, _, _ =	vpop (xrf2);
	[tilespmem:s16+$0xFFFFFFC0] =	vst v15  }
0x483: {  	v35 =	vmul.f32 v41, v11;
	s16 =	sadd.s32 $0x100, s16;
	v15 =	vld [tilespmem:s12+$0x50];
	v30 =	vadd.f32 v39, v31;
	v18 =	vperm.xlane v18, v0;
	[tilespmem:s19+$0x0] =	vst v29  }
0x484: {  	v41 =	vmul.f32 v45, v13;
	v43 =	vmul.f32 v37, v9;
	v9 =	vmovc v31;
	v39 =	vld [tilespmem:s15+$0x50];
	[tilespmem:s16+$0x70] =	vst v36;
	(xrf2) =	vadd.scan.msk.f32 $0xffff, v42  }
0x485: {  	v29 =	vld [tilespmem:s12+$0xFFFFFF90];
	v13 =	vmul.f32 $2.000000030e-01, v30;
	v18 =	vmul.f32 $1.442695020e+00, v18;
	v31, _, _ =	vpop (xrf2);
	[tilespmem:s20+$0xFFFFFFD0] =	vst v16;
	v14 =	vmov v32  }
0x486: {  	vm8 =	vgt.f32 v30, $0.0e+00;
	v11 =	vld [tilespmem:s12+$0x40];
	v16 =	vadd.f32 v38, v14;
	v38 =	vperm.xlane v31, v0;
	v36 =	vpop (erf);
	[tilespmem:s20+$0xFFFFFFE0] =	vst v20  }
0x487: {  	v20 =	vadd.f32 v40, v34;
	v32 =	vld [tilespmem:s15+$0x40];
	v13 =	vsel vm8, v30, v13;
	v30 =	vpop (erf);
	(erf) = vpow2.f32 v18;
	[tilespmem:s20+$0xFFFFFFF0] =	vst v21;
	s20 =	smov.u32 s16  }
0x488: {  	v40 =	vnsel vm0, $0x0, v36;
	v21 =	vld [tilespmem:s15+$0xFFFFFF90];
	v46 =	vmul.f32 v13, v7;
	v37 =	vmul.f32 $2.000000030e-01, v16;
	[tilespmem:s16+$0x0] =	vst v26;
	v26, _, _ =	vpop (xrf2)  }
0x489: {  	vm8 =	vgt.f32 v16, $0.0e+00;
	v47 =	vmul.f32 $2.000000030e-01, v20;
	v18 =	vld [tilespmem:s12+$0x20];
	v39 =	vadd.f32 v39, v15;
	[tilespmem:s16+$0x10] =	vst v22;
	v31 =	vpop (erf)  }
0x48a: {  	vm9 =	vgt.f32 v20, $0.0e+00;
	v45 =	vperm.xlane v26, v0;
	v44 =	vld [tilespmem:s15+$0x20];
	v16 =	vsel vm8, v16, v37;
	(xrf2) =	vadd.scan.msk.f32 $0xffff, v46;
	v13 =	vmovc v15  }
0x48b: {  	v15 =	vsel vm9, v20, v47;
	v20 =	vld [tilespmem:s12+$0xFFFFFFA0];
	v26 =	vmul.f32 $2.000000030e-01, v39;
	v16 =	vmul.f32 v16, v8;
	[tilespmem:s16+$0x20] =	vst v33;
	v42, _, _ =	vpop (xrf2)  }
0x48c: {  	vm8 =	vgt.f32 v39, $0.0e+00;
	v37 =	vmul.f32 v15, v1;
	v22 =	vld [tilespmem:s12+$0x10];
	v46 =	vadd.f32 v32, v11;
	[tilespmem:s16+$0x30] =	vst v28;
	v32 =	vmovc v17  }
0x48d: {  	v38 =	vmul.f32 $1.442695020e+00, v38;
	v33 =	vmovc v19;
	v17 =	vadd.f32 v21, v29;
	v21 =	vld [tilespmem:s15+$0x10];
	v49 =	vsel vm8, v39, v26;
	(xrf2) =	vadd.scan.msk.f32 $0xffff, v16  }
0x48e: {  	v40 =	vsel vm1, v40, v30;
	v39 =	vld [tilespmem:s15+$0xFFFFFFA0];
	v19 =	vmul.f32 $2.000000030e-01, v46;
	v28 =	vmul.f32 v49, v6;
	[tilespmem:s16+$0x40] =	vst v35;
	v47, _, _ =	vpop (xrf2)  }
0x48f: {  	vm8 =	vgt.f32 v46, $0.0e+00;
	v15 =	vmovc v23;
	v48 =	vmul.f32 $2.000000030e-01, v17;
	v26 =	vld [tilespmem:s12+$0x0];
	v44 =	vadd.f32 v44, v18;
	[tilespmem:s16+$0x50] =	vst v41;
	v16 =	vmovc v24  }
0x490: {  	vm9 =	vgt.f32 v17, $0.0e+00;
	v41 =	vperm.xlane v42, v0;
	v24 =	vld [tilespmem:s15+$0x0];
	v23 =	vsel vm8, v46, v19;
	(xrf2) =	vadd.scan.msk.f32 $0xffff, v28;
	v35 =	vpop (erf)  }
0x491: {  	s9 =	sadd.s32 $0x2, s9;
	v28 =	vsel vm9, v17, v48;
	v19 =	vld [tilespmem:s12+$0xFFFFFFB0];
	v42 =	vmul.f32 $2.000000030e-01, v44;
	v23 =	vmul.f32 v23, v5;
	[tilespmem:s16+$0x60] =	vst v43;
	v17 =	vmovc v20  }
0x492: {  	p0 =	slt.u32 s9, $0x26;
	vm8 =	vgt.f32 v44, $0.0e+00;
	v20 =	vmovc v25;
	v43 =	vmul.f32 v28, v2;
	v46 =	vadd.f32 v21, v22;
	v28 =	vld [tilespmem:s12+$0x30];
	v21 =	vmovc v27  }
0x493: {  	v25 =	vadd.f32 v39, v17;
	v27 =	vsel vm8, v44, v42;
	v39 =	vld [tilespmem:s15+$0x30];
	(xrf2) =	vadd.scan.msk.f32 $0xffff, v23;
	v42 =	vperm.xlane v47, v0  }
0x494: {  	v40 =	vsel vm2, v40, v31;
	v44 =	vld [tilespmem:s15+$0xFFFFFFB0];
	v52 =	vmul.f32 $2.000000030e-01, v46;
	v27 =	vmul.f32 v27, v3;
	v48, _, _ =	vpop (xrf2)  }
0x495: {  	vm8 =	vgt.f32 v46, $0.0e+00;
	v49 =	vmul.f32 $2.000000030e-01, v25;
	v23 =	vld [tilespmem:s12+$0xFFFFFFC0];
	v50 =	vadd.f32 v24, v26  }
0x496: {  	v45 =	vmul.f32 $1.442695020e+00, v45;
	vm9 =	vgt.f32 v25, $0.0e+00;
	v51 =	vld [tilespmem:s15+$0xFFFFFFC0];
	v46 =	vsel vm8, v46, v52;
	(xrf2) =	vadd.scan.msk.f32 $0xffff, v27  }
0x497: {  	v25 =	vsel vm9, v25, v49;
	v24 =	vld [tilespmem:s12+$0xFFFFFFD0];
	v27 =	vmul.f32 $2.000000030e-01, v50;
	v46 =	vmul.f32 v46, v2;
	v47, _, _ =	vpop (xrf2)  }
0x498: {  	vm8 =	vgt.f32 v50, $0.0e+00;
	v49 =	vmul.f32 v25, v3;
	v52 =	vld [tilespmem:s15+$0xFFFFFFD0];
	v39 =	vadd.f32 v39, v28  }
0x499: {  	v44 =	vadd.f32 v44, v19;
	v25 =	vld [tilespmem:s12+$0xFFFFFFE0];
	v27 =	vsel vm8, v50, v27;
	(xrf2) =	vadd.scan.msk.f32 $0xffff, v46;
	(erf) = vpow2.f32 v38  }
0x49a: {  	v40 =	vsel vm3, v40, v35;
	v38 =	vld [tilespmem:s15+$0xFFFFFFE0];
	v46 =	vmul.f32 v27, v1;
	v50 =	vmul.f32 $2.000000030e-01, v39;
	v53, _, _ =	vpop (xrf2)  }
0x49b: {  	vm8 =	vgt.f32 v39, $0.0e+00;
	v54 =	vmul.f32 $2.000000030e-01, v44;
	v51 =	vadd.f32 v51, v23;
	v27 =	vld [tilespmem:s12+$0xFFFFFFF0]  }
0x49c: {  	vm9 =	vgt.f32 v44, $0.0e+00;
	v55 =	vld [tilespmem:s15+$0xFFFFFFF0];
	v39 =	vsel vm8, v39, v50;
	(xrf2) =	vadd.scan.msk.f32 $0xffff, v46;
	v46 =	vmul.f32 $1.442695020e+00, v41  }
0x49d: {  	v41 =	vmul.f32 $2.000000030e-01, v51;
	v50 =	vadd.f32 v52, v24;
	v39 =	vmul.f32 v39, v4;
	v52, _, _ =	vpop (xrf2)  }
0x49e: {  	v42 =	vmul.f32 $1.442695020e+00, v42;
	v44 =	vsel vm9, v44, v54;
	vm8 =	vgt.f32 v51, $0.0e+00  }
0x49f: {  	v44 =	vmul.f32 v44, v4;
	v54 =	vmul.f32 $2.000000030e-01, v50;
	v38 =	vadd.f32 v38, v25;
	(xrf2) =	vadd.scan.msk.f32 $0xffff, v39  }
0x4a0: {  	v56 =	vmul.f32 v36, v10;
	v41 =	vsel vm8, v51, v41;
	vm8 =	vgt.f32 v50, $0.0e+00;
	v51, _, _ =	vpop (xrf2)  }
0x4a1: {  	v10 =	vmovc v34;
	v57 =	vmul.f32 v41, v5;
	v36 =	vmul.f32 $2.000000030e-01, v38;
	v55 =	vadd.f32 v55, v27  }
0x4a2: {  	v34 =	vsel vm8, v50, v54;
	vm8 =	vgt.f32 v38, $0.0e+00;
	(xrf2) =	vadd.scan.msk.f32 $0xffff, v37;
	v39 =	vpop (erf);
	(erf) = vpow2.f32 v45  }
0x4a3: {  	v41 =	vmul.f32 v34, v6;
	vm9 =	vgt.f32 v55, $0.0e+00;
	v34 =	vmul.f32 $2.000000030e-01, v55;
	v37, _, _ =	vpop (xrf2)  }
0x4a4: {  	v36 =	vsel vm8, v38, v36;
	v38 =	vsel vm4, v40, v39;
	(erf) = vpow2.f32 v46  }
0x4a5: {  	v36 =	vmul.f32 v36, v7;
	v34 =	vsel vm9, v55, v34;
	(xrf2) =	vadd.scan.msk.f32 $0xffff, v43;
	(erf) = vpow2.f32 v42  }
0x4a6: {  	v42 =	vperm.xlane v48, v0;
	v43 =	vperm.xlane v47, v0;
	v40, _, _ =	vpop (xrf2)  }
0x4a7: {  	v45 =	vperm.xlane v53, v0;
	v40 =	vperm.xlane v40, v0  }
0x4a8: {  	v37 =	vperm.xlane v37, v0;
	v46 =	vperm.xlane v52, v0;
	(xrf2) =	vadd.scan.msk.f32 $0xffff, v49  }
0x4a9: {  	v47 =	vperm.xlane v51, v0;
	v50 =	vmul.f32 $1.442695020e+00, v40;
	v48, _, _ =	vpop (xrf2)  }
0x4aa: {  	v37 =	vmul.f32 $1.442695020e+00, v37;
	v48 =	vperm.xlane v48, v0  }
0x4ab: {  	v47 =	vmul.f32 $1.442695020e+00, v47;
	(erf) = vpow2.f32 v50;
	v40 =	vpop (erf)  }
0x4ac: {  	v48 =	vmul.f32 $1.442695020e+00, v48;
	v49, _, _ =	vpop (xrf2);
	(erf) = vpow2.f32 v37;
	v50 =	vsel vm5, v38, v40  }
0x4ad: {  	v46 =	vmul.f32 $1.442695020e+00, v46;
	(erf) = vpow2.f32 v47;
	v38 =	vpop (erf)  }
0x4ae: {  	v45 =	vmul.f32 $1.442695020e+00, v45;
	(erf) = vpow2.f32 v48;
	v47 =	vsel vm6, v50, v38;
	v37 =	vpop (erf)  }
0x4af: {  	v48 =	vmul.f32 $1.442695020e+00, v42;
	v50, _, _ =	vpop (xrf2);
	(erf) = vpow2.f32 v46;
	v42 =	vsel vm7, v47, v37  }
0x4b0: {  	v43 =	vmul.f32 $1.442695020e+00, v43;
	(erf) = vpow2.f32 v45;
	[tilespmem:s19+$0xFFFFFFF0] =	vst v42  }
0x4b1: {  	v42 =	vmul.f32 v34, v8;
	(erf) = vpow2.f32 v48;
	[tilespmem:s16+$0xFFFFFF80] =	vst v56  }
.Ltmp5:
0x4b2: {  	v47 =	vperm.xlane v49, v0;
	v45, _, _ =	vpop (xrf2);
	(xrf2) =	vadd.scan.msk.f32 $0xffff, v44;
	(erf) = vpow2.f32 v43;
	(pc) =	sbr.rel @p0 .LBB2_12-.Ltmp5, $4  }
0x4b3: {  	v49 =	vperm.xlane v50, v0;
	v44 =	vperm.xlane v45, v0  }
0x4b4: {  	v46 =	vmul.f32 $1.442695020e+00, v47;
	v48 =	vmul.f32 v30, v12;
	v12 =	vmov v29;
	v34 =	vpop (erf)  }
0x4b5: {  	v45 =	vmul.f32 $1.442695020e+00, v49;
	v44 =	vmul.f32 $1.442695020e+00, v44;
	v29 =	vnsel vm0, $0x0, v34;
	(xrf2) =	vadd.scan.msk.f32 $0xffff, v57;
	v30 =	vpop (erf)  }
0x4b6: {  	v32 =	vmul.f32 v31, v32;
	s12 =	sadd.s32 $0x100, s12;
	v47 =	vsel vm1, v29, v30;
	v43 =	vpop (erf);
	[tilespmem:s16+$0xFFFFFF90] =	vst v48;
	v29 =	vmul.f32 v35, v33  }
0x4b7: {  	(xrf2) =	vadd.scan.msk.f32 $0xffff, v41  }
0x4b8: {  	(xrf2) =	vadd.scan.msk.f32 $0xffff, v36  }
0x4b9: {  	(xrf2) =	vadd.scan.msk.f32 $0xffff, v42;
	_ =	sdelay $0x1  }
0x4ba: {  	v31 =	vpop (erf)  }
0x4bb: {  	v33 =	vpop (erf)  }
0x4bc: {  	v15 =	vmul.f32 v39, v15;
	v57, _, _ =	vpop (xrf2)  }
0x4bd: {  	v16 =	vmul.f32 v40, v16;
	v35 =	vpop (erf);
	v36 =	vperm.xlane v57, v0  }
0x4be: {  	v20 =	vmul.f32 v38, v20;
	(erf) = vpow2.f32 v46;
	v58 =	vpop (erf)  }
0x4bf: {  	(erf) = vpow2.f32 v45;
	v36 =	vmul.f32 $1.442695020e+00, v36;
	v60, _, _ =	vpop (xrf2)  }
0x4c0: {  	(erf) = vpow2.f32 v44;
	v42 =	vperm.xlane v60, v0;
	v62, _, _ =	vpop (xrf2)  }
0x4c1: {  	v61 =	vsel vm2, v47, v43;
	(erf) = vpow2.f32 v36;
	v63 =	vperm.xlane v62, v0;
	v48, _, _ =	vpop (xrf2)  }
0x4c2: {  	v44 =	vsel vm3, v61, v31;
	v42 =	vmul.f32 $1.442695020e+00, v42;
	v49, _, _ =	vpop (xrf2);
	v45 =	vperm.xlane v48, v0  }
0x4c3: {  	[tilespmem:s16+$0xFFFFFFA0] =	vst v32;
	v44 =	vsel vm4, v44, v33;
	v51 =	vperm.xlane v49, v0;
	v36 =	vmul.f32 $1.442695020e+00, v63  }
0x4c4: {  	[tilespmem:s16+$0xFFFFFFB0] =	vst v29;
	v50 =	vsel vm5, v44, v35;
	(erf) = vpow2.f32 v42;
	v52 =	vmul.f32 $1.442695020e+00, v45  }
0x4c5: {  	[tilespmem:s16+$0xFFFFFFC0] =	vst v15;
	v59 =	vpop (erf);
	v29 =	vsel vm6, v50, v58;
	v15 =	vmul.f32 $1.442695020e+00, v51;
	(erf) = vpow2.f32 v36  }
0x4c6: {  	s9 =	sadd.s32 $0x20, s19;
	[tilespmem:s20+$0xFFFFFFE0] =	vst v20;
	v14 =	vmul.f32 v59, v14;
	v29 =	vsel vm7, v29, v59;
	(erf) = vpow2.f32 v52  }
0x4c7: {  	s12 =	sadd.s32 $0x100, s16;
	[tilespmem:s9+$0x0] =	vst v29;
	(erf) = vpow2.f32 v15;
	v15 =	vmul.f32 v34, v26  }
0x4c8: {  	v20 =	vmul.f32 v30, v22;
	[tilespmem:s12+$0x70] =	vst v14;
	v14 =	vmul.f32 v37, v21  }
0x4c9: {  	v18 =	vmul.f32 v43, v18;
	[tilespmem:s20+$0xFFFFFFD0] =	vst v16;
	v16 =	vpop (erf)  }
0x4ca: {  	v21 =	vpop (erf);
	[tilespmem:s20+$0xFFFFFFF0] =	vst v14;
	v14 =	vnsel vm0, $0x0, v16  }
0x4cb: {  	v14 =	vsel vm1, v14, v21;
	[tilespmem:s12+$0x0] =	vst v15;
	v15 =	vpop (erf)  }
0x4cc: {  	v22 =	vmul.f32 v31, v28;
	[tilespmem:s12+$0x10] =	vst v20;
	v20 =	vpop (erf);
	v14 =	vsel vm2, v14, v15  }
0x4cd: {  	[tilespmem:s12+$0x20] =	vst v18;
	v14 =	vsel vm3, v14, v20;
	v18 =	vpop (erf)  }
0x4ce: {  	v13 =	vmul.f32 v35, v13;
	v14 =	vsel vm4, v14, v18  }
0x4cf: {  	v11 =	vmul.f32 v33, v11  }
0x4d0: {  	[tilespmem:s12+$0x30] =	vst v22;
	v22 =	vpop (erf)  }
0x4d1: {  	v9 =	vmul.f32 v58, v9;
	[tilespmem:s12+$0x40] =	vst v11;
	v11 =	vsel vm5, v14, v22;
	v14 =	vpop (erf)  }
0x4d2: {  	[tilespmem:s12+$0x50] =	vst v13;
	v11 =	vsel vm6, v11, v14;
	v13 =	vpop (erf)  }
0x4d3: {  	[tilespmem:s12+$0x60] =	vst v9;
	v9 =	vmul.f32 v16, v10;
	v10 =	vsel vm7, v11, v13  }
0x4d4: {  	v11 =	vmul.f32 v18, v23;
	[tilespmem:s9+$0xFFFFFFF0] =	vst v10  }
0x4d5: {  	v10 =	vmul.f32 v21, v12;
	[tilespmem:s12+$0xFFFFFF80] =	vst v9  }
0x4d6: {  	v9 =	vmul.f32 v15, v17;
	[tilespmem:s12+$0xFFFFFFC0] =	vst v11  }
0x4d7: {  	v11 =	vmul.f32 v13, v27;
	[tilespmem:s12+$0xFFFFFF90] =	vst v10  }
0x4d8: {  	v10 =	vmul.f32 v20, v19;
	[tilespmem:s12+$0xFFFFFFA0] =	vst v9  }
0x4d9: {  	v9 =	vmul.f32 v22, v24;
	[tilespmem:s12+$0xFFFFFFF0] =	vst v11  }
0x4da: {  	[tilespmem:s12+$0xFFFFFFB0] =	vst v10;
	v10 =	vmul.f32 v14, v25  }
0x4db: {  	[tilespmem:s12+$0xFFFFFFD0] =	vst v9  }
0x4dc: {  	[tilespmem:s12+$0xFFFFFFE0] =	vst v10  }
0x4dd: {  	_ =	swait.ge [sflag:s24], $0x28  }
0x4de: {  	[sflag:s24] =	ssyncset.done $0x0  }
0x4df: {  	s15 =	simm.s32 $0x50F0;
	[sflag:s24] =	ssyncadd.s32 $0xFFFFFFD8  }
0x4e0: {  	[spmem:s2] =	stream.indirect.scatter.add.f32 [tilespmem:s15], [sflag:$0x5], $0x80, s23, s0, $0xb8;
	[tilespmem:$0x1E670] =	vst v63  }
0x4e1: {  	s16 =	simm.s32 $0x78F0  }
0x4e2: {  	[spmem:s3] =	stream.indirect.scatter.add.f32 [tilespmem:s16], [sflag:$0x5], $0x10, s23, s0, $0xb8;
	[tilespmem:$0x1E670] =	vst v63  }
0x4e3: {  	_ =	swait.ge [sflag:s28], $0x1400  }
0x4e4: {  	[sflag:s28] =	ssyncset.done $0x0  }
0x4e5: {  	[sflag:s28] =	ssyncadd.s32 $0xFFFFEC00  }
0x4e6: {  	_ =	swait.ge [sflag:s28], $0x1400  }
0x4e7: {  	[sflag:s28] =	ssyncset.done $0x0  }
0x4e8: {  	[sflag:s28] =	ssyncadd.s32 $0xFFFFEC00  }
0x4e9: {  	_ =	swait.ge [sflag:s8], $0x1400  }
0x4ea: {  	[sflag:s8] =	ssyncset.done $0x0  }
0x4eb: {  	[sflag:s8] =	ssyncadd.s32 $0xFFFFEC00  }
0x4ec: {  	_ =	swait.ge [sflag:s8], $0x280  }
0x4ed: {  	[sflag:s8] =	ssyncset.done $0x0  }
0x4ee: {  	s20 =	simm.s32 $0x1570;
	s19 =	rddreg [dreg:$0x11];
	[sflag:s8] =	ssyncadd.s32 $0xFFFFFD80  }
0x4ef: {  	[tilespmem:s29], [sflag:$0x8] =	stream.linear.gather [hbm4b:s19+s5], $0x28, $0x38;
	[tilespmem:$0x1E670] =	vst v63  }
0x4f0: {  	s25 =	simm.s32 $0x3D70;
	v12 =	vld [tilespmem:s20+$0x60]  }
0x4f1: {  	v9 =	vld [tilespmem:s25+$0x60]  }
0x4f2: {  	v19 =	vld [tilespmem:s20+$0x70]  }
0x4f3: {  	v10 =	vld [tilespmem:s25+$0x70]  }
0x4f4: {  	v17 =	vld [tilespmem:s20+$0x50]  }
0x4f5: {  	v11 =	vld [tilespmem:s25+$0x50]  }
0x4f6: {  	v22 =	vld [tilespmem:s20+$0x40]  }
0x4f7: {  	v13 =	vld [tilespmem:s25+$0x40]  }
0x4f8: {  	v18 =	vld [tilespmem:s20+$0x20]  }
0x4f9: {  	v14 =	vld [tilespmem:s25+$0x20]  }
0x4fa: {  	v23 =	vld [tilespmem:s20+$0x10]  }
0x4fb: {  	v20 =	vld [tilespmem:s25+$0x10];
	v9 =	vadd.f32 v9, v12;
	_ =	sdelay $0x1  }
0x4fc: {  	v10 =	vadd.f32 v10, v19;
	v15 =	vmul.f32 $2.000000030e-01, v9  }
0x4fd: {  	v25 =	vld [tilespmem:s25+$0x0];
	v16 =	vadd.f32 v11, v17;
	v13 =	vadd.f32 v13, v22;
	vm8 =	vgt.f32 v9, $0.0e+00  }
0x4fe: {  	v11 =	vld [tilespmem:s20+$0x0];
	v14 =	vadd.f32 v14, v18;
	v9 =	vsel vm8, v9, v15;
	v15 =	vmul.f32 $2.000000030e-01, v10  }
0x4ff: {  	v24 =	vld [tilespmem:s20+$0x30];
	v20 =	vadd.f32 v20, v23;
	v21 =	vmul.f32 $2.000000030e-01, v16;
	vm8 =	vgt.f32 v10, $0.0e+00  }
0x500: {  	v26 =	vld [tilespmem:s25+$0xFFFFFF80];
	v27 =	vmul.f32 $2.000000030e-01, v14;
	v10 =	vsel vm8, v10, v15;
	vm8 =	vgt.f32 v16, $0.0e+00  }
0x501: {  	v9 =	vmul.f32 v9, v7;
	v15 =	vsel vm8, v16, v21;
	v16 =	vmul.f32 $2.000000030e-01, v13;
	v21 =	vld [tilespmem:s25+$0x30]  }
0x502: {  	v32 =	vld [tilespmem:s20+$0xFFFFFF80];
	v10 =	vmul.f32 v10, v8;
	vm8 =	vgt.f32 v13, $0.0e+00;
	v15 =	vmul.f32 v15, v6  }
0x503: {  	v30 =	vld [tilespmem:s20+$0xFFFFFF90];
	v13 =	vsel vm8, v13, v16;
	vm8 =	vgt.f32 v14, $0.0e+00;
	v16 =	vadd.f32 v25, v11  }
0x504: {  	v29 =	vld [tilespmem:s20+$0xFFFFFFA0];
	(xrf2) =	vadd.scan.msk.f32 $0xffff, v9;
	v9 =	vmul.f32 v13, v5;
	v13 =	vsel vm8, v14, v27;
	v14 =	vmul.f32 $2.000000030e-01, v20  }
0x505: {  	v31 =	vld [tilespmem:s20+$0xFFFFFFB0];
	(xrf2) =	vadd.scan.msk.f32 $0xffff, v10;
	vm8 =	vgt.f32 v20, $0.0e+00;
	v10 =	vmul.f32 v13, v3;
	v13 =	vmul.f32 $2.000000030e-01, v16  }
0x506: {  	v25 =	vld [tilespmem:s25+$0xFFFFFF90];
	(xrf2) =	vadd.scan.msk.f32 $0xffff, v15;
	v14 =	vsel vm8, v20, v14;
	vm8 =	vgt.f32 v16, $0.0e+00;
	v15 =	vadd.f32 v21, v24  }
0x507: {  	v20 =	vld [tilespmem:s25+$0xFFFFFFA0];
	(xrf2) =	vadd.scan.msk.f32 $0xffff, v9;
	v9 =	vmul.f32 v14, v2;
	v13 =	vsel vm8, v16, v13  }
0x508: {  	(xrf2) =	vadd.scan.msk.f32 $0xffff, v10;
	v14 =	vld [tilespmem:s25+$0xFFFFFFB0];
	v10 =	vmul.f32 v13, v1;
	v13 =	vmul.f32 $2.000000030e-01, v15  }
0x509: {  	vm8 =	vgt.f32 v15, $0.0e+00;
	(xrf2) =	vadd.scan.msk.f32 $0xffff, v9;
	v9 =	vadd.f32 v26, v32  }
0x50a: {  	v13 =	vsel vm8, v15, v13  }
0x50b: {  	(xrf2) =	vadd.scan.msk.f32 $0xffff, v10;
	v10 =	vmul.f32 v13, v4;
	v13 =	vmul.f32 $2.000000030e-01, v9  }
0x50c: {  	v21 =	vld [tilespmem:s25+$0xFFFFFFC0];
	v16 =	vadd.f32 v25, v30  }
0x50d: {  	v15 =	vld [tilespmem:s20+$0xFFFFFFC0];
	vm8 =	vgt.f32 v9, $0.0e+00;
	v20 =	vadd.f32 v20, v29;
	v14 =	vadd.f32 v14, v31  }
0x50e: {  	(xrf2) =	vadd.scan.msk.f32 $0xffff, v10;
	v9 =	vsel vm8, v9, v13;
	v10 =	vmul.f32 $2.000000030e-01, v16  }
0x50f: {  	vm8 =	vgt.f32 v16, $0.0e+00;
	v25 =	vmul.f32 $2.000000030e-01, v20;
	v27 =	vmul.f32 $2.000000030e-01, v14;
	v13, _, _ =	vpop (xrf2)  }
0x510: {  	v10 =	vsel vm8, v16, v10;
	vm8 =	vgt.f32 v20, $0.0e+00;
	v26, _, _ =	vpop (xrf2)  }
0x511: {  	v9 =	vmul.f32 v9, v1;
	v20 =	vsel vm8, v20, v25;
	v16, _, _ =	vpop (xrf2)  }
0x512: {  	v25 =	vadd.f32 v21, v15;
	vm8 =	vgt.f32 v14, $0.0e+00;
	v10 =	vmul.f32 v10, v2;
	v21, _, _ =	vpop (xrf2)  }
0x513: {  	v13 =	vperm.xlane v13, v0;
	v20 =	vmul.f32 v20, v3;
	v14 =	vsel vm8, v14, v27;
	(xrf2) =	vadd.scan.msk.f32 $0xffff, v9;
	v27, _, _ =	vpop (xrf2)  }
0x514: {  	v26 =	vperm.xlane v26, v0;
	v28 =	vmul.f32 $2.000000030e-01, v25;
	v53, _, _ =	vpop (xrf2)  }
0x515: {  	v14 =	vmul.f32 v14, v4;
	v55 =	vperm.xlane v16, v0;
	v54, _, _ =	vpop (xrf2)  }
0x516: {  	v13 =	vmul.f32 $1.442695020e+00, v13;
	v9 =	vperm.xlane v54, v0  }
0x517: {  	v59 =	vld [tilespmem:s25+$0xFFFFFFF0];
	v56 =	vperm.xlane v21, v0;
	(xrf2) =	vadd.scan.msk.f32 $0xffff, v10;
	v10 =	vperm.xlane v53, v0  }
0x518: {  	v16 =	vld [tilespmem:s20+$0xFFFFFFD0];
	v21 =	vperm.xlane v27, v0;
	(xrf2) =	vadd.scan.msk.f32 $0xffff, v20;
	v20, _, _ =	vpop (xrf2);
	v9 =	vmul.f32 $1.442695020e+00, v9  }
0x519: {  	v27 =	vld [tilespmem:s25+$0xFFFFFFD0];
	v10 =	vmul.f32 $1.442695020e+00, v10;
	v57 =	vperm.xlane v20, v0  }
0x51a: {  	v58 =	vmul.f32 $1.442695020e+00, v21;
	v20 =	vld [tilespmem:s20+$0xFFFFFFE0];
	(erf) = vpow2.f32 v9  }
0x51b: {  	v9 =	vld [tilespmem:s25+$0xFFFFFFE0];
	v35 =	vmul.f32 $1.442695020e+00, v57;
	(erf) = vpow2.f32 v10  }
0x51c: {  	v21 =	vld [tilespmem:s20+$0xFFFFFFF0];
	v10 =	vmul.f32 $1.442695020e+00, v56;
	(erf) = vpow2.f32 v58  }
0x51d: {  	v34 =	vmul.f32 $1.442695020e+00, v55;
	v61, _, _ =	vpop (xrf2);
	(erf) = vpow2.f32 v35  }
0x51e: {  	v27 =	vadd.f32 v27, v16;
	v53 =	vperm.xlane v61, v0;
	(erf) = vpow2.f32 v10  }
0x51f: {  	vm8 =	vgt.f32 v25, $0.0e+00;
	v10 =	vmul.f32 $1.442695020e+00, v26;
	(erf) = vpow2.f32 v34  }
0x520: {  	(xrf2) =	vadd.scan.msk.f32 $0xffff, v14;
	v26 =	vmul.f32 $2.000000030e-01, v27;
	v60 =	vadd.f32 v9, v20;
	(erf) = vpow2.f32 v13  }
0x521: {  	s15 =	simm.s32 $0x3E70;
	v13 =	vsel vm8, v25, v28;
	vm8 =	vgt.f32 v27, $0.0e+00;
	v28 =	vadd.f32 v59, v21  }
0x522: {  	v63 =	vld [tilespmem:s15+$0xFFFFFF80];
	v25, _, _ =	vpop (xrf2);
	(erf) = vpow2.f32 v10;
	v10 =	vmul.f32 $2.000000030e-01, v60;
	v14 =	vsel vm8, v27, v26  }
0x523: {  	s26 =	simm.s32 $0x1670;
	v57 =	vld [tilespmem:s15+$0x70];
	v41 =	vmul.f32 v13, v5;
	vm8 =	vgt.f32 v60, $0.0e+00;
	v25 =	vperm.xlane v25, v0  }
0x524: {  	v9 =	vld [tilespmem:s26+$0x60];
	v26, _, _ =	vpop (xrf2);
	v43 =	vmul.f32 v14, v6;
	v13 =	vmul.f32 $2.000000030e-01, v28;
	v10 =	vsel vm8, v60, v10  }
0x525: {  	v27 =	vld [tilespmem:s15+$0x60];
	v62 =	vpop (erf);
	vm8 =	vgt.f32 v28, $0.0e+00;
	v26 =	vperm.xlane v26, v0;
	v25 =	vmul.f32 $1.442695020e+00, v25  }
0x526: {  	v14 =	vld [tilespmem:s26+$0x70];
	v54 =	vpop (erf);
	v55 =	vmul.f32 v10, v7;
	v13 =	vsel vm8, v28, v13;
	v28 =	vmul.f32 $1.442695020e+00, v53  }
0x527: {  	v10 =	vld [tilespmem:s26+$0xFFFFFF80];
	v39 =	vmul.f32 v62, v11;
	v56 =	vpop (erf);
	v48 =	vmul.f32 v13, v8  }
0x528: {  	(xrf2) =	vadd.scan.msk.f32 $0xffff, v41;
	v11 =	vld [tilespmem:s26+$0x40];
	v26 =	vmul.f32 $1.442695020e+00, v26;
	v40 =	vmul.f32 v54, v23;
	v58 =	vpop (erf)  }
0x529: {  	v13 =	vld [tilespmem:s26+$0x50];
	(erf) = vpow2.f32 v28;
	v38 =	vmul.f32 v56, v18;
	v49 =	vpop (erf)  }
0x52a: {  	v59 =	vnsel vm0, $0x0, v62;
	v28 =	vld [tilespmem:s15+$0x50];
	(erf) = vpow2.f32 v25;
	v35 =	vmul.f32 v58, v24;
	v24, _, _ =	vpop (xrf2)  }
0x52b: {  	v60 =	vsel vm1, v59, v54;
	v23 =	vld [tilespmem:s15+$0x40];
	v50 =	vpop (erf);
	(erf) = vpow2.f32 v26;
	v24 =	vperm.xlane v24, v0  }
0x52c: {  	v26 =	vsel vm2, v60, v56;
	v37 =	vmul.f32 v49, v22;
	v22 =	vld [tilespmem:s26+$0x10];
	v25 =	vpop (erf);
	v34 =	vmul.f32 v50, v17  }
0x52d: {  	v17 =	vadd.f32 v57, v14;
	v61 =	vsel vm3, v26, v58;
	v57 =	vld [tilespmem:s15+$0x10];
	v58 =	vadd.f32 v63, v10;
	v36 =	vpop (erf)  }
0x52e: {  	v18 =	vld [tilespmem:s26+$0x20];
	v33 =	vmul.f32 v25, v12;
	v42 =	vmul.f32 v36, v19;
	v19 =	vadd.f32 v27, v9  }
0x52f: {  	v24 =	vmul.f32 $1.442695020e+00, v24;
	v27 =	vld [tilespmem:s15+$0x20];
	v51 =	vmul.f32 $2.000000030e-01, v17;
	v28 =	vadd.f32 v28, v13  }
0x530: {  	v23 =	vadd.f32 v23, v11;
	v60 =	vmul.f32 $2.000000030e-01, v58;
	v12 =	vmul.f32 $2.000000030e-01, v19  }
0x531: {  	v26 =	vld [tilespmem:s26+$0x0];
	(erf) = vpow2.f32 v24;
	vm8 =	vgt.f32 v19, $0.0e+00;
	v62 =	vmul.f32 $2.000000030e-01, v28  }
0x532: {  	v59, _, _ =	vpop (xrf2);
	v54 =	vadd.f32 v57, v22;
	v12 =	vsel vm8, v19, v12;
	vm8 =	vgt.f32 v17, $0.0e+00;
	v19 =	vld [tilespmem:s15+$0x0]  }
0x533: {  	v44 =	vperm.xlane v59, v0;
	v17 =	vsel vm8, v17, v51;
	v63 =	vmul.f32 v12, v7  }
0x534: {  	(xrf2) =	vadd.scan.msk.f32 $0xffff, v43;
	vm8 =	vgt.f32 v28, $0.0e+00;
	v27 =	vadd.f32 v27, v18;
	v47 =	vmul.f32 $2.000000030e-01, v54  }
0x535: {  	(xrf2) =	vadd.scan.msk.f32 $0xffff, v55;
	v55 =	vld [tilespmem:s15+$0xFFFFFF90];
	v51 =	vmul.f32 v17, v8;
	v12 =	vsel vm8, v28, v62;
	v17 =	vmul.f32 $2.000000030e-01, v23  }
0x536: {  	(xrf2) =	vadd.scan.msk.f32 $0xffff, v48;
	v57 =	vld [tilespmem:s15+$0xFFFFFFA0];
	v44 =	vmul.f32 $1.442695020e+00, v44;
	vm8 =	vgt.f32 v23, $0.0e+00;
	v28 =	vmul.f32 v12, v6  }
0x537: {  	v12 =	vld [tilespmem:s26+$0xFFFFFF90];
	v17 =	vsel vm8, v23, v17;
	v23 =	vmul.f32 $2.000000030e-01, v27;
	v19 =	vadd.f32 v19, v26  }
0x538: {  	(xrf2) =	vadd.scan.msk.f32 $0xffff, v63;
	(erf) = vpow2.f32 v44;
	vm8 =	vgt.f32 v27, $0.0e+00;
	v56 =	vmul.f32 v17, v5;
	v17 =	vld [tilespmem:s26+$0xFFFFFFA0]  }
0x539: {  	(xrf2) =	vadd.scan.msk.f32 $0xffff, v51;
	v23 =	vsel vm8, v27, v23;
	vm8 =	vgt.f32 v54, $0.0e+00;
	v27 =	vmul.f32 $2.000000030e-01, v19  }
0x53a: {  	(xrf2) =	vadd.scan.msk.f32 $0xffff, v28;
	v28 =	vld [tilespmem:s26+$0x30];
	v23 =	vmul.f32 v23, v3;
	v43 =	vsel vm8, v54, v47;
	vm8 =	vgt.f32 v19, $0.0e+00  }
0x53b: {  	(xrf2) =	vadd.scan.msk.f32 $0xffff, v56;
	v43 =	vmul.f32 v43, v2;
	v19 =	vsel vm8, v19, v27;
	v27 =	vsel vm4, v61, v49;
	v61 =	vld [tilespmem:s15+$0x30]  }
0x53c: {  	v45 =	vadd.f32 v55, v12;
	(xrf2) =	vadd.scan.msk.f32 $0xffff, v23;
	vm8 =	vgt.f32 v58, $0.0e+00;
	v23 =	vmul.f32 v19, v1  }
0x53d: {  	v63 =	vld [tilespmem:s15+$0xFFFFFFB0];
	(xrf2) =	vadd.scan.msk.f32 $0xffff, v43;
	v24 =	vsel vm8, v58, v60;
	v27 =	vsel vm5, v27, v50;
	v48 =	vadd.f32 v57, v17  }
0x53e: {  	vm8 =	vgt.f32 v45, $0.0e+00;
	v60 =	vld [tilespmem:s15+$0xFFFFFFC0];
	v41 =	vmul.f32 v24, v1;
	v24 =	vmul.f32 $2.000000030e-01, v45;
	v19, _, _ =	vpop (xrf2);
	(xrf2) =	vadd.scan.msk.f32 $0xffff, v23  }
0x53f: {  	v52 =	vsel vm6, v27, v25;
	v25 =	vmul.f32 $2.000000030e-01, v48;
	v62 =	vperm.xlane v19, v0;
	v19 =	vld [tilespmem:s26+$0xFFFFFFB0];
	v58, _, _ =	vpop (xrf2)  }
0x540: {  	v23 =	vld [tilespmem:s26+$0xFFFFFFC0];
	v24 =	vsel vm8, v45, v24;
	v59, _, _ =	vpop (xrf2);
	v49 =	vperm.xlane v58, v0;
	v47 =	vadd.f32 v61, v28  }
0x541: {  	v55 =	vld [tilespmem:s15+$0xFFFFFFD0];
	vm8 =	vgt.f32 v48, $0.0e+00;
	v53 =	vmul.f32 v24, v2;
	v50 =	vperm.xlane v59, v0  }
0x542: {  	v24 =	vld [tilespmem:s26+$0xFFFFFFD0];
	v25 =	vsel vm8, v48, v25;
	v51, _, _ =	vpop (xrf2);
	v43 =	vmul.f32 $1.442695020e+00, v62;
	v27 =	vmul.f32 $2.000000030e-01, v47  }
0x543: {  	v48 =	vmul.f32 v25, v3;
	v54, _, _ =	vpop (xrf2);
	vm8 =	vgt.f32 v47, $0.0e+00;
	v49 =	vmul.f32 $1.442695020e+00, v49  }
0x544: {  	v58 =	vld [tilespmem:s15+$0xFFFFFFE0];
	v56, _, _ =	vpop (xrf2);
	(erf) = vpow2.f32 v43;
	v46 =	vadd.f32 v63, v19;
	v27 =	vsel vm8, v47, v27  }
0x545: {  	v25 =	vld [tilespmem:s26+$0xFFFFFFE0];
	v44 =	vadd.f32 v60, v23;
	v50 =	vmul.f32 $1.442695020e+00, v50;
	v47, _, _ =	vpop (xrf2);
	v45 =	vmul.f32 v27, v4  }
0x546: {  	(erf) = vpow2.f32 v49;
	v57, _, _ =	vpop (xrf2);
	v59 =	vmul.f32 $2.000000030e-01, v46  }
0x547: {  	v61 =	vmul.f32 $2.000000030e-01, v44;
	v55 =	vadd.f32 v55, v24;
	vm8 =	vgt.f32 v46, $0.0e+00;
	v60, _, _ =	vpop (xrf2);
	(xrf2) =	vadd.scan.msk.f32 $0xffff, v45  }
0x548: {  	v27 =	vld [tilespmem:s26+$0xFFFFFFF0];
	(erf) = vpow2.f32 v50;
	v62, _, _ =	vpop (xrf2);
	v46 =	vsel vm8, v46, v59;
	vm8 =	vgt.f32 v44, $0.0e+00  }
0x549: {  	v63 =	vmul.f32 $2.000000030e-01, v55;
	v59 =	vld [tilespmem:s15+$0xFFFFFFF0];
	v43 =	vperm.xlane v62, v0;
	v44 =	vsel vm8, v44, v61  }
0x54a: {  	v45 =	vpop (erf);
	v46 =	vmul.f32 v46, v4;
	v61 =	vadd.f32 v58, v25;
	vm8 =	vgt.f32 v55, $0.0e+00  }
0x54b: {  	v49 =	vsel vm8, v55, v63;
	v32 =	vmul.f32 v45, v32;
	v63 =	vperm.xlane v60, v0  }
0x54c: {  	v43 =	vmul.f32 $1.442695020e+00, v43;
	v62 =	vmul.f32 $2.000000030e-01, v61  }
0x54d: {  	(xrf2) =	vadd.scan.msk.f32 $0xffff, v41;
	vm8 =	vgt.f32 v61, $0.0e+00;
	v41 =	vmul.f32 v49, v6;
	v60 =	vmul.f32 $1.442695020e+00, v63  }
0x54e: {  	(erf) = vpow2.f32 v43;
	v55 =	vadd.f32 v59, v27;
	v59 =	vmul.f32 v44, v5  }
0x54f: {  	(xrf2) =	vadd.scan.msk.f32 $0xffff, v53;
	v43 =	vsel vm8, v61, v62;
	v62 =	vperm.xlane v57, v0;
	v57 =	vperm.xlane v54, v0  }
0x550: {  	s19 =	simm.s32 $0x7B80;
	(xrf2) =	vadd.scan.msk.f32 $0xffff, v48;
	v48 =	vpop (erf);
	v61 =	vsel vm7, v52, v36;
	v36 =	vmul.f32 v43, v7;
	v43 =	vperm.xlane v51, v0  }
0x551: {  	s16 =	simm.s32 $0x6570;
	(erf) = vpow2.f32 v60;
	[tilespmem:s19+$0x0] =	vst v61;
	v60 =	vperm.xlane v47, v0;
	v63, _, _ =	vpop (xrf2)  }
0x552: {  	v45 =	vnsel vm0, $0x0, v45;
	v50 =	vpop (erf);
	v44 =	vmul.f32 $2.000000030e-01, v55;
	[tilespmem:s16+$0x70] =	vst v42;
	v49 =	vperm.xlane v63, v0  }
0x553: {  	v45 =	vsel vm1, v45, v48;
	v53 =	vpop (erf);
	v61 =	vmul.f32 $1.442695020e+00, v62;
	[tilespmem:s16+$0x0] =	vst v39;
	v62 =	vperm.xlane v56, v0  }
0x554: {  	v58 =	vsel vm2, v45, v50;
	v39 =	vpop (erf);
	[tilespmem:s16+$0x10] =	vst v40;
	v54 =	vmul.f32 $1.442695020e+00, v57;
	v49 =	vmul.f32 $1.442695020e+00, v49  }
0x555: {  	v42 =	vsel vm3, v58, v53;
	[tilespmem:s16+$0x20] =	vst v38;
	v40 =	vpop (erf);
	v45 =	vmul.f32 $1.442695020e+00, v60;
	(erf) = vpow2.f32 v61  }
0x556: {  	vm8 =	vgt.f32 v55, $0.0e+00;
	[tilespmem:s16+$0x30] =	vst v35;
	v51 =	vmul.f32 $1.442695020e+00, v62;
	v38 =	vpop (erf);
	(erf) = vpow2.f32 v49  }
0x557: {  	[tilespmem:s16+$0x40] =	vst v37;
	v42 =	vsel vm4, v42, v39;
	v43 =	vmul.f32 $1.442695020e+00, v43;
	v63, _, _ =	vpop (xrf2);
	(erf) = vpow2.f32 v45  }
0x558: {  	[tilespmem:s16+$0x50] =	vst v34;
	v42 =	vsel vm5, v42, v40;
	v62 =	vmul.f32 v48, v30;
	v37 =	vpop (erf);
	(erf) = vpow2.f32 v51  }
0x559: {  	[tilespmem:s16+$0x60] =	vst v33;
	v56, _, _ =	vpop (xrf2);
	v49 =	vsel vm8, v55, v44;
	v55 =	vsel vm6, v42, v38;
	(erf) = vpow2.f32 v43  }
0x55a: {  	(xrf2) =	vadd.scan.msk.f32 $0xffff, v46;
	v58 =	vperm.xlane v63, v0;
	v60, _, _ =	vpop (xrf2);
	v57 =	vsel vm7, v55, v37;
	(erf) = vpow2.f32 v54  }
0x55b: {  	v61 =	vperm.xlane v56, v0;
	v35 =	vperm.xlane v60, v0;
	[tilespmem:s19+$0xFFFFFFF0] =	vst v57  }
0x55c: {  	(xrf2) =	vadd.scan.msk.f32 $0xffff, v59;
	v46 =	vmul.f32 $1.442695020e+00, v58;
	v34 =	vpop (erf);
	v42 =	vmul.f32 v49, v8;
	[tilespmem:s16+$0xFFFFFF80] =	vst v32  }
0x55d: {  	s9 =	simm.s32 $0x2;
	v45 =	vmul.f32 $1.442695020e+00, v61;
	v44 =	vmul.f32 $1.442695020e+00, v35;
	v63 =	vnsel vm0, $0x0, v34;
	v30 =	vpop (erf);
	[tilespmem:s16+$0xFFFFFF90] =	vst v62  }
0x55e: {  	s12 =	simm.s32 $0x1770;
	s20 =	simm.s32 $0x6570;
	v47 =	vsel vm1, v63, v30;
	v32 =	vmul.f32 v50, v29;
	v29 =	vmul.f32 v53, v31;
	v43 =	vpop (erf);
	s26 =	rddreg [dreg:$0x9]  }
.LBB2_14:
0x55f: {  	v31 =	vld [tilespmem:s12+$0x60];
	v33 =	vsel vm2, v47, v43;
	s15 =	sadd.s32 $0x100, s15;
	(erf) = vpow2.f32 v46;
	v35 =	vpop (erf);
	v15 =	vmul.f32 v39, v15  }
0x560: {  	v16 =	vmul.f32 v40, v16;
	v39 =	vld [tilespmem:s15+$0x60];
	v33 =	vsel vm3, v33, v35;
	(erf) = vpow2.f32 v45;
	(xrf2) =	vadd.scan.msk.f32 $0xffff, v41;
	v41 =	vpop (erf)  }
0x561: {  	v20 =	vmul.f32 v38, v20;
	v21 =	vmul.f32 v37, v21;
	v40 =	vld [tilespmem:s15+$0xFFFFFF80];
	v33 =	vsel vm4, v33, v41;
	v45 =	vpop (erf);
	[tilespmem:s16+$0xFFFFFFA0] =	vst v32  }
0x562: {  	v26 =	vmul.f32 v34, v26;
	v32 =	vld [tilespmem:s12+$0x70];
	v33 =	vsel vm5, v33, v45;
	(erf) = vpow2.f32 v44;
	v37 =	vpop (erf);
	[tilespmem:s16+$0xFFFFFFB0] =	vst v29  }
0x563: {  	v22 =	vmul.f32 v30, v22;
	v38 =	vld [tilespmem:s15+$0x70];
	v29 =	vsel vm6, v33, v37;
	v33 =	vmul.f32 v43, v18;
	(xrf2) =	vadd.scan.msk.f32 $0xffff, v36;
	v18 =	vpop (erf)  }
0x564: {  	s19 =	sadd.s32 $0x20, s19;
	v28 =	vmul.f32 v35, v28;
	v34 =	vld [tilespmem:s12+$0xFFFFFF80];
	v29 =	vsel vm7, v29, v18;
	v36 =	vmul.f32 v18, v14;
	v18, _, _ =	vpop (xrf2);
	[tilespmem:s16+$0xFFFFFFC0] =	vst v15  }
0x565: {  	v35 =	vmul.f32 v41, v11;
	s16 =	sadd.s32 $0x100, s16;
	v15 =	vld [tilespmem:s12+$0x50];
	v30 =	vadd.f32 v39, v31;
	v18 =	vperm.xlane v18, v0;
	[tilespmem:s19+$0x0] =	vst v29  }
0x566: {  	v41 =	vmul.f32 v45, v13;
	v43 =	vmul.f32 v37, v9;
	v9 =	vmovc v31;
	v39 =	vld [tilespmem:s15+$0x50];
	[tilespmem:s16+$0x70] =	vst v36;
	(xrf2) =	vadd.scan.msk.f32 $0xffff, v42  }
0x567: {  	v29 =	vld [tilespmem:s12+$0xFFFFFF90];
	v13 =	vmul.f32 $2.000000030e-01, v30;
	v18 =	vmul.f32 $1.442695020e+00, v18;
	v31, _, _ =	vpop (xrf2);
	[tilespmem:s20+$0xFFFFFFD0] =	vst v16;
	v14 =	vmov v32  }
0x568: {  	vm8 =	vgt.f32 v30, $0.0e+00;
	v11 =	vld [tilespmem:s12+$0x40];
	v16 =	vadd.f32 v38, v14;
	v38 =	vperm.xlane v31, v0;
	v36 =	vpop (erf);
	[tilespmem:s20+$0xFFFFFFE0] =	vst v20  }
0x569: {  	v20 =	vadd.f32 v40, v34;
	v32 =	vld [tilespmem:s15+$0x40];
	v13 =	vsel vm8, v30, v13;
	v30 =	vpop (erf);
	(erf) = vpow2.f32 v18;
	[tilespmem:s20+$0xFFFFFFF0] =	vst v21;
	s20 =	smov.u32 s16  }
0x56a: {  	v40 =	vnsel vm0, $0x0, v36;
	v21 =	vld [tilespmem:s15+$0xFFFFFF90];
	v46 =	vmul.f32 v13, v7;
	v37 =	vmul.f32 $2.000000030e-01, v16;
	[tilespmem:s16+$0x0] =	vst v26;
	v26, _, _ =	vpop (xrf2)  }
0x56b: {  	vm8 =	vgt.f32 v16, $0.0e+00;
	v47 =	vmul.f32 $2.000000030e-01, v20;
	v18 =	vld [tilespmem:s12+$0x20];
	v39 =	vadd.f32 v39, v15;
	[tilespmem:s16+$0x10] =	vst v22;
	v31 =	vpop (erf)  }
0x56c: {  	vm9 =	vgt.f32 v20, $0.0e+00;
	v45 =	vperm.xlane v26, v0;
	v44 =	vld [tilespmem:s15+$0x20];
	v16 =	vsel vm8, v16, v37;
	(xrf2) =	vadd.scan.msk.f32 $0xffff, v46;
	v13 =	vmovc v15  }
0x56d: {  	v15 =	vsel vm9, v20, v47;
	v20 =	vld [tilespmem:s12+$0xFFFFFFA0];
	v26 =	vmul.f32 $2.000000030e-01, v39;
	v16 =	vmul.f32 v16, v8;
	[tilespmem:s16+$0x20] =	vst v33;
	v42, _, _ =	vpop (xrf2)  }
0x56e: {  	vm8 =	vgt.f32 v39, $0.0e+00;
	v37 =	vmul.f32 v15, v1;
	v22 =	vld [tilespmem:s12+$0x10];
	v46 =	vadd.f32 v32, v11;
	[tilespmem:s16+$0x30] =	vst v28;
	v32 =	vmovc v17  }
0x56f: {  	v38 =	vmul.f32 $1.442695020e+00, v38;
	v33 =	vmovc v19;
	v17 =	vadd.f32 v21, v29;
	v21 =	vld [tilespmem:s15+$0x10];
	v49 =	vsel vm8, v39, v26;
	(xrf2) =	vadd.scan.msk.f32 $0xffff, v16  }
0x570: {  	v40 =	vsel vm1, v40, v30;
	v39 =	vld [tilespmem:s15+$0xFFFFFFA0];
	v19 =	vmul.f32 $2.000000030e-01, v46;
	v28 =	vmul.f32 v49, v6;
	[tilespmem:s16+$0x40] =	vst v35;
	v47, _, _ =	vpop (xrf2)  }
0x571: {  	vm8 =	vgt.f32 v46, $0.0e+00;
	v15 =	vmovc v23;
	v48 =	vmul.f32 $2.000000030e-01, v17;
	v26 =	vld [tilespmem:s12+$0x0];
	v44 =	vadd.f32 v44, v18;
	[tilespmem:s16+$0x50] =	vst v41;
	v16 =	vmovc v24  }
0x572: {  	vm9 =	vgt.f32 v17, $0.0e+00;
	v41 =	vperm.xlane v42, v0;
	v24 =	vld [tilespmem:s15+$0x0];
	v23 =	vsel vm8, v46, v19;
	(xrf2) =	vadd.scan.msk.f32 $0xffff, v28;
	v35 =	vpop (erf)  }
0x573: {  	s9 =	sadd.s32 $0x2, s9;
	v28 =	vsel vm9, v17, v48;
	v19 =	vld [tilespmem:s12+$0xFFFFFFB0];
	v42 =	vmul.f32 $2.000000030e-01, v44;
	v23 =	vmul.f32 v23, v5;
	[tilespmem:s16+$0x60] =	vst v43;
	v17 =	vmovc v20  }
0x574: {  	p0 =	slt.u32 s9, $0x26;
	vm8 =	vgt.f32 v44, $0.0e+00;
	v20 =	vmovc v25;
	v43 =	vmul.f32 v28, v2;
	v46 =	vadd.f32 v21, v22;
	v28 =	vld [tilespmem:s12+$0x30];
	v21 =	vmovc v27  }
0x575: {  	v25 =	vadd.f32 v39, v17;
	v27 =	vsel vm8, v44, v42;
	v39 =	vld [tilespmem:s15+$0x30];
	(xrf2) =	vadd.scan.msk.f32 $0xffff, v23;
	v42 =	vperm.xlane v47, v0  }
0x576: {  	v40 =	vsel vm2, v40, v31;
	v44 =	vld [tilespmem:s15+$0xFFFFFFB0];
	v52 =	vmul.f32 $2.000000030e-01, v46;
	v27 =	vmul.f32 v27, v3;
	v48, _, _ =	vpop (xrf2)  }
0x577: {  	vm8 =	vgt.f32 v46, $0.0e+00;
	v49 =	vmul.f32 $2.000000030e-01, v25;
	v23 =	vld [tilespmem:s12+$0xFFFFFFC0];
	v50 =	vadd.f32 v24, v26  }
0x578: {  	v45 =	vmul.f32 $1.442695020e+00, v45;
	vm9 =	vgt.f32 v25, $0.0e+00;
	v51 =	vld [tilespmem:s15+$0xFFFFFFC0];
	v46 =	vsel vm8, v46, v52;
	(xrf2) =	vadd.scan.msk.f32 $0xffff, v27  }
0x579: {  	v25 =	vsel vm9, v25, v49;
	v24 =	vld [tilespmem:s12+$0xFFFFFFD0];
	v27 =	vmul.f32 $2.000000030e-01, v50;
	v46 =	vmul.f32 v46, v2;
	v47, _, _ =	vpop (xrf2)  }
0x57a: {  	vm8 =	vgt.f32 v50, $0.0e+00;
	v49 =	vmul.f32 v25, v3;
	v52 =	vld [tilespmem:s15+$0xFFFFFFD0];
	v39 =	vadd.f32 v39, v28  }
0x57b: {  	v44 =	vadd.f32 v44, v19;
	v25 =	vld [tilespmem:s12+$0xFFFFFFE0];
	v27 =	vsel vm8, v50, v27;
	(xrf2) =	vadd.scan.msk.f32 $0xffff, v46;
	(erf) = vpow2.f32 v38  }
0x57c: {  	v40 =	vsel vm3, v40, v35;
	v38 =	vld [tilespmem:s15+$0xFFFFFFE0];
	v46 =	vmul.f32 v27, v1;
	v50 =	vmul.f32 $2.000000030e-01, v39;
	v53, _, _ =	vpop (xrf2)  }
0x57d: {  	vm8 =	vgt.f32 v39, $0.0e+00;
	v54 =	vmul.f32 $2.000000030e-01, v44;
	v51 =	vadd.f32 v51, v23;
	v27 =	vld [tilespmem:s12+$0xFFFFFFF0]  }
0x57e: {  	vm9 =	vgt.f32 v44, $0.0e+00;
	v55 =	vld [tilespmem:s15+$0xFFFFFFF0];
	v39 =	vsel vm8, v39, v50;
	(xrf2) =	vadd.scan.msk.f32 $0xffff, v46;
	v46 =	vmul.f32 $1.442695020e+00, v41  }
0x57f: {  	v41 =	vmul.f32 $2.000000030e-01, v51;
	v50 =	vadd.f32 v52, v24;
	v39 =	vmul.f32 v39, v4;
	v52, _, _ =	vpop (xrf2)  }
0x580: {  	v42 =	vmul.f32 $1.442695020e+00, v42;
	v44 =	vsel vm9, v44, v54;
	vm8 =	vgt.f32 v51, $0.0e+00  }
0x581: {  	v44 =	vmul.f32 v44, v4;
	v54 =	vmul.f32 $2.000000030e-01, v50;
	v38 =	vadd.f32 v38, v25;
	(xrf2) =	vadd.scan.msk.f32 $0xffff, v39  }
0x582: {  	v56 =	vmul.f32 v36, v10;
	v41 =	vsel vm8, v51, v41;
	vm8 =	vgt.f32 v50, $0.0e+00;
	v51, _, _ =	vpop (xrf2)  }
0x583: {  	v10 =	vmovc v34;
	v57 =	vmul.f32 v41, v5;
	v36 =	vmul.f32 $2.000000030e-01, v38;
	v55 =	vadd.f32 v55, v27  }
0x584: {  	v34 =	vsel vm8, v50, v54;
	vm8 =	vgt.f32 v38, $0.0e+00;
	(xrf2) =	vadd.scan.msk.f32 $0xffff, v37;
	v39 =	vpop (erf);
	(erf) = vpow2.f32 v45  }
0x585: {  	v41 =	vmul.f32 v34, v6;
	vm9 =	vgt.f32 v55, $0.0e+00;
	v34 =	vmul.f32 $2.000000030e-01, v55;
	v37, _, _ =	vpop (xrf2)  }
0x586: {  	v36 =	vsel vm8, v38, v36;
	v38 =	vsel vm4, v40, v39;
	(erf) = vpow2.f32 v46  }
0x587: {  	v36 =	vmul.f32 v36, v7;
	v34 =	vsel vm9, v55, v34;
	(xrf2) =	vadd.scan.msk.f32 $0xffff, v43;
	(erf) = vpow2.f32 v42  }
0x588: {  	v42 =	vperm.xlane v48, v0;
	v43 =	vperm.xlane v47, v0;
	v40, _, _ =	vpop (xrf2)  }
0x589: {  	v45 =	vperm.xlane v53, v0;
	v40 =	vperm.xlane v40, v0  }
0x58a: {  	v37 =	vperm.xlane v37, v0;
	v46 =	vperm.xlane v52, v0;
	(xrf2) =	vadd.scan.msk.f32 $0xffff, v49  }
0x58b: {  	v47 =	vperm.xlane v51, v0;
	v50 =	vmul.f32 $1.442695020e+00, v40;
	v48, _, _ =	vpop (xrf2)  }
0x58c: {  	v37 =	vmul.f32 $1.442695020e+00, v37;
	v48 =	vperm.xlane v48, v0  }
0x58d: {  	v47 =	vmul.f32 $1.442695020e+00, v47;
	(erf) = vpow2.f32 v50;
	v40 =	vpop (erf)  }
0x58e: {  	v48 =	vmul.f32 $1.442695020e+00, v48;
	v49, _, _ =	vpop (xrf2);
	(erf) = vpow2.f32 v37;
	v50 =	vsel vm5, v38, v40  }
0x58f: {  	v46 =	vmul.f32 $1.442695020e+00, v46;
	(erf) = vpow2.f32 v47;
	v38 =	vpop (erf)  }
0x590: {  	v45 =	vmul.f32 $1.442695020e+00, v45;
	(erf) = vpow2.f32 v48;
	v47 =	vsel vm6, v50, v38;
	v37 =	vpop (erf)  }
0x591: {  	v48 =	vmul.f32 $1.442695020e+00, v42;
	v50, _, _ =	vpop (xrf2);
	(erf) = vpow2.f32 v46;
	v42 =	vsel vm7, v47, v37  }
0x592: {  	v43 =	vmul.f32 $1.442695020e+00, v43;
	(erf) = vpow2.f32 v45;
	[tilespmem:s19+$0xFFFFFFF0] =	vst v42  }
0x593: {  	v42 =	vmul.f32 v34, v8;
	(erf) = vpow2.f32 v48;
	[tilespmem:s16+$0xFFFFFF80] =	vst v56  }
.Ltmp6:
0x594: {  	v47 =	vperm.xlane v49, v0;
	v45, _, _ =	vpop (xrf2);
	(xrf2) =	vadd.scan.msk.f32 $0xffff, v44;
	(erf) = vpow2.f32 v43;
	(pc) =	sbr.rel @p0 .LBB2_14-.Ltmp6, $4  }
0x595: {  	v49 =	vperm.xlane v50, v0;
	v44 =	vperm.xlane v45, v0  }
0x596: {  	v46 =	vmul.f32 $1.442695020e+00, v47;
	v48 =	vmul.f32 v30, v12;
	v12 =	vmov v29;
	v34 =	vpop (erf)  }
0x597: {  	v45 =	vmul.f32 $1.442695020e+00, v49;
	v44 =	vmul.f32 $1.442695020e+00, v44;
	v29 =	vnsel vm0, $0x0, v34;
	(xrf2) =	vadd.scan.msk.f32 $0xffff, v57;
	v30 =	vpop (erf)  }
0x598: {  	v32 =	vmul.f32 v31, v32;
	s12 =	sadd.s32 $0x100, s12;
	v47 =	vsel vm1, v29, v30;
	v43 =	vpop (erf);
	[tilespmem:s16+$0xFFFFFF90] =	vst v48;
	v29 =	vmul.f32 v35, v33  }
0x599: {  	(xrf2) =	vadd.scan.msk.f32 $0xffff, v41  }
0x59a: {  	(xrf2) =	vadd.scan.msk.f32 $0xffff, v36  }
0x59b: {  	(xrf2) =	vadd.scan.msk.f32 $0xffff, v42  }
0x59c: {  	v2 =	vpop (erf)  }
0x59d: {  	v3 =	vpop (erf)  }
0x59e: {  	v4 =	vpop (erf)  }
0x59f: {  	v1, _, _ =	vpop (xrf2)  }
0x5a0: {  	(erf) = vpow2.f32 v46;
	v5 =	vpop (erf);
	v1 =	vperm.xlane v1, v0  }
0x5a1: {  	v6 =	vmul.f32 v39, v15;
	v51 =	vmul.f32 v38, v20;
	v7 =	vpop (erf)  }
0x5a2: {  	(erf) = vpow2.f32 v45;
	v1 =	vmul.f32 $1.442695020e+00, v1;
	v8, _, _ =	vpop (xrf2)  }
0x5a3: {  	(erf) = vpow2.f32 v44;
	v8 =	vperm.xlane v8, v0;
	v31, _, _ =	vpop (xrf2)  }
0x5a4: {  	v46 =	vsel vm2, v47, v43;
	v52 =	vmul.f32 v37, v21;
	(erf) = vpow2.f32 v1;
	v47, _, _ =	vpop (xrf2)  }
0x5a5: {  	v1 =	vperm.xlane v31, v0;
	v8 =	vmul.f32 $1.442695020e+00, v8;
	v33, _, _ =	vpop (xrf2)  }
0x5a6: {  	v31 =	vperm.xlane v47, v0;
	v48 =	vperm.xlane v33, v0  }
0x5a7: {  	v15 =	vsel vm3, v46, v2;
	[tilespmem:s16+$0xFFFFFFA0] =	vst v32;
	v1 =	vmul.f32 $1.442695020e+00, v1;
	(erf) = vpow2.f32 v8  }
0x5a8: {  	[tilespmem:s16+$0xFFFFFFB0] =	vst v29;
	v15 =	vsel vm4, v15, v3;
	v49 =	vmul.f32 $1.442695020e+00, v31;
	v50 =	vmul.f32 $1.442695020e+00, v48  }
0x5a9: {  	[tilespmem:s16+$0xFFFFFFC0] =	vst v6;
	v15 =	vsel vm5, v15, v4;
	(erf) = vpow2.f32 v1;
	v1 =	vmul.f32 v40, v16  }
0x5aa: {  	[tilespmem:s20+$0xFFFFFFE0] =	vst v51;
	v15 =	vsel vm6, v15, v5;
	(erf) = vpow2.f32 v49  }
0x5ab: {  	s9 =	sadd.s32 $0x20, s19;
	[tilespmem:s20+$0xFFFFFFF0] =	vst v52;
	v14 =	vmul.f32 v7, v14;
	v7 =	vsel vm7, v15, v7;
	(erf) = vpow2.f32 v50  }
0x5ac: {  	[tilespmem:s9+$0x0] =	vst v7  }
0x5ad: {  	s12 =	sadd.s32 $0x100, s16;
	v53 =	vmul.f32 v34, v26;
	[tilespmem:s20+$0xFFFFFFD0] =	vst v1;
	v1 =	vpop (erf)  }
0x5ae: {  	v55 =	vmul.f32 v30, v22;
	[tilespmem:s12+$0x70] =	vst v14;
	v54 =	vpop (erf);
	v56 =	vnsel vm0, $0x0, v1  }
0x5af: {  	v57 =	vmul.f32 v43, v18;
	v3 =	vmul.f32 v3, v11;
	[tilespmem:s12+$0x0] =	vst v53;
	v58 =	vpop (erf);
	v6 =	vsel vm1, v56, v54  }
0x5b0: {  	v2 =	vmul.f32 v2, v28;
	[tilespmem:s12+$0x10] =	vst v55;
	v59 =	vpop (erf);
	v6 =	vsel vm2, v6, v58  }
0x5b1: {  	[tilespmem:s12+$0x20] =	vst v57;
	v6 =	vsel vm3, v6, v59;
	v60 =	vpop (erf)  }
0x5b2: {  	v4 =	vmul.f32 v4, v13;
	[tilespmem:s12+$0x30] =	vst v2;
	v2 =	vsel vm4, v6, v60;
	v61 =	vpop (erf)  }
0x5b3: {  	v5 =	vmul.f32 v5, v9;
	[tilespmem:s12+$0x40] =	vst v3;
	v2 =	vsel vm5, v2, v61;
	v3 =	vpop (erf)  }
0x5b4: {  	[tilespmem:s12+$0x50] =	vst v4;
	v2 =	vsel vm6, v2, v3;
	v62 =	vpop (erf)  }
0x5b5: {  	[tilespmem:s12+$0x60] =	vst v5;
	v1 =	vmul.f32 v1, v10;
	v2 =	vsel vm7, v2, v62  }
0x5b6: {  	v63 =	vmul.f32 v60, v23;
	[tilespmem:s9+$0xFFFFFFF0] =	vst v2  }
0x5b7: {  	v2 =	vmul.f32 v54, v12;
	[tilespmem:s12+$0xFFFFFF80] =	vst v1  }
0x5b8: {  	v1 =	vmul.f32 v58, v17;
	[tilespmem:s12+$0xFFFFFFC0] =	vst v63  }
0x5b9: {  	[tilespmem:s12+$0xFFFFFF90] =	vst v2;
	v2 =	vmul.f32 v59, v19  }
0x5ba: {  	[tilespmem:s12+$0xFFFFFFA0] =	vst v1;
	v1 =	vmul.f32 v61, v24  }
0x5bb: {  	[tilespmem:s12+$0xFFFFFFB0] =	vst v2;
	v2 =	vmul.f32 v3, v25  }
0x5bc: {  	v3 =	vmul.f32 v62, v27;
	[tilespmem:s12+$0xFFFFFFD0] =	vst v1  }
0x5bd: {  	[tilespmem:s12+$0xFFFFFFE0] =	vst v2  }
0x5be: {  	[tilespmem:s12+$0xFFFFFFF0] =	vst v3  }
0x5bf: {  	_ =	swait.ge [sflag:s30], $0x28  }
0x5c0: {  	[sflag:s30] =	ssyncset.done $0x0  }
0x5c1: {  	s16 =	simm.s32 $0x64F0;
	[sflag:s30] =	ssyncadd.s32 $0xFFFFFFD8  }
0x5c2: {  	[spmem:s2] =	stream.indirect.scatter.add.f32 [tilespmem:s16], [sflag:$0x6], $0x80, s29, s0, $0xb8;
	[tilespmem:$0x1E670] =	vst v63  }
0x5c3: {  	s19 =	simm.s32 $0x7B70  }
0x5c4: {  	[spmem:s3] =	stream.indirect.scatter.add.f32 [tilespmem:s19], [sflag:$0x6], $0x10, s29, s0, $0xb8;
	[tilespmem:$0x1E670] =	vst v63  }
0x5c5: {  	_ =	swait.ge [sflag:s14], $0x1400  }
0x5c6: {  	[sflag:s14] =	ssyncset.done $0x0  }
0x5c7: {  	[sflag:s14] =	ssyncadd.s32 $0xFFFFEC00  }
0x5c8: {  	_ =	swait.ge [sflag:s14], $0x280  }
0x5c9: {  	[sflag:s14] =	ssyncset.done $0x0  }
0x5ca: {  	[sflag:s14] =	ssyncadd.s32 $0xFFFFFD80  }
0x5cb: {  	_ =	swait.ge [sflag:s8], $0x1400  }
0x5cc: {  	[sflag:s8] =	ssyncset.done $0x0  }
0x5cd: {  	[sflag:s8] =	ssyncadd.s32 $0xFFFFEC00  }
0x5ce: {  	_ =	swait.ge [sflag:s8], $0x280  }
0x5cf: {  	[sflag:s8] =	ssyncset.done $0x0  }
0x5d0: {  	[sflag:s8] =	ssyncadd.s32 $0xFFFFFD80  }
0x5d1: {  	[bflag:$0x0] =	sbarrier.arrive $0xFFFF  }
0x5d2: {  	s20 =	rddreg [dreg:$0x12]  }
0x5d3: {  	s25 =	rddreg [dreg:$0x18]  }
0x5d4: {  	s16 =	simm.s32 $0x9;
	s15 =	rddreg [dreg:$0x19]  }
0x5d5: {  	[hbm:s20], [sflag:s25] =	dma.local [spmem:s15], $0x2800  }
0x5d6: {  	_ =	swait.ge [sflag:s16], $0x2800  }
0x5d7: {  	[sflag:s16] =	ssyncset.done $0x0;
	s15 =	rddreg [dreg:$0x13]  }
0x5d8: {  	s19 =	rddreg [dreg:$0x1a];
	[sflag:s16] =	ssyncadd.s32 $0xFFFFD800  }
0x5d9: {  	[hbm:s15], [sflag:s25] =	dma.local [spmem:s19], $0x500  }
0x5da: {  	_ =	swait.ge [sflag:s16], $0x500  }
0x5db: {  	s20 =	rddreg [dreg:$0x17]  }
0x5dc: {  	s25 =	rddreg [dreg:$0x14];
	s12 =	sadd.s32 $0x1, s20  }
0x5dd: {  	p0 =	sne.s32 s12, s25  }
.Ltmp7:
0x5de: {  	_ = 	snop;
	(pc) =	sbr.rel @p0 .LBB2_1-.Ltmp7, $3  }
0x5df: {  	_ =	sdelay $0x1  }
0x5e0: {  	[sflag:s16] =	ssyncset.done $0x0  }
0x5e1: {  	[sflag:s16] =	ssyncadd.s32 $0xFFFFFB00  }
0x5e2: {  	_ =	sfence.sel $0x180000  }
0x5e3: {  	[bflag:$0x0] =	sbarrier.arrive $0xFFFF  }
0x5e4: {  	_ =	strace $0x90000047  }
0x5e5: {  	s0 =	stileid.u32;
	[bflag:$0x2] =	sbarrier.arrive $0xFFFF  }
0x5e6: {  	p0 =	sne.s32 s0, $0x0;
	s0 =	rddreg [dreg:$0x4]  }
0x5e7: {  	s0 =	sadd.s32 @!p0 $0x100000, s0  }
0x5e8: {  	[sflag:s0] =	ssyncadd.tile.s32 @!p0 $0x1;
	_ =	shalt  }
.Lfunc_end2:
_tile_overlayer_lowered:
.L_overlay_start_2:
0x5e9: {  	(tag) =	ssettag $0x2  }
0x5ea: {  	s0 =	rddreg [dreg:$0x0];
	s2 =	stileid.u32  }
0x5eb: {  	s1 =	rddreg [dreg:$0x1];
	p0 =	sne.s32 s2, $0x0  }
0x5ec: {  	s3 =	rddreg [dreg:$0x2];
	[bflag:$0x3] =	sbarrier.arrive $0xFFFF;
	s2 =	simm.s32 @!p0 $0x1C09  }
0x5ed: {  	[timem:s3], [sflag:s2] =	dma.local @!p0 [hbm:s0], s1  }
0x5ee: {  	s0 =	simm.s32 @!p0 $0x9  }
0x5ef: {  	_ =	swait.ge @!p0 [sflag:s0], s1  }
0x5f0: {  	s1 =	ssub.s32 @!p0 $0x0, s1;
	[sflag:s0] =	ssyncset.done @!p0 $0x0  }
0x5f1: {  	[sflag:s0] =	ssyncadd.s32 @!p0 s1  }
0x5f2: {  	[bflag:$0x3] =	sbarrier.arrive $0xFFFF  }
0x5f3: {  	_ =	shalt  }

</sc_bundles>
